<compile_context>
chip_gen: v7x
topology: tpu7x:2x2x1
jax: 0.10.2.dev20260603
libtpu: 0.0.44.dev20260713+nightly
codegen_flags: <defaults>
</compile_context>

<pallas_src>
import functools

import jax
import jax.numpy as jnp
from jax import lax
from jax.experimental import pallas as pl
from jax.experimental.pallas import tpu as pltpu
from jax.experimental.pallas import tpu_sc as plsc

N = 10000
E = 320000
NFEAT = 128
NHID = 64
NHEADS = 4
LIN = 64
ALPHA = 0.2
EPS = 1e-16

ACCW = 128
TBLW = 128
CHUNK = 64
NC, NS = 2, 16
NW = NC * NS
EPAD = 325632
CHUNKS_PER_TILE = EPAD // (CHUNK * NW)
NPAD = 10112
ROWS_PER_TILE = NPAD // NS



def _proj1_body(x_ref, wc_ref, a_ref, wh_ref, f_ref):
    wh = jnp.dot(x_ref[...], wc_ref[...], preferred_element_type=jnp.float32)
    wh_ref[...] = wh
    f_ref[...] = jnp.dot(wh, a_ref[...], preferred_element_type=jnp.float32)


def _proj1(x, Wcat, A):
    bn = 1000
    grid = N // bn
    return pl.pallas_call(
        _proj1_body,
        grid=(grid,),
        in_specs=[
            pl.BlockSpec((bn, NFEAT), lambda i: (i, 0)),
            pl.BlockSpec((NFEAT, NHEADS * NHID), lambda i: (0, 0)),
            pl.BlockSpec((NHEADS * NHID, 128), lambda i: (0, 0)),
        ],
        out_specs=[
            pl.BlockSpec((bn, NHEADS * NHID), lambda i: (i, 0)),
            pl.BlockSpec((bn, 128), lambda i: (i, 0)),
        ],
        out_shape=[
            jax.ShapeDtypeStruct((N, NHEADS * NHID), jnp.float32),
            jax.ShapeDtypeStruct((N, 128), jnp.float32),
        ],
    )(x, Wcat, A)



def _edge_body(nheads, src_ref, dst_ref, z_ref, whx_refs, fdw_refs, out_ref,
               sidx0, sidx1, didx0, didx1, rows0, rows1, fdr0, fdr1,
               stage, acc, sem0, sem1):
    cid = lax.axis_index("c")
    sid = lax.axis_index("s")
    wid = sid * NC + cid
    SIDX, DIDX = (sidx0, sidx1), (didx0, didx1)
    ROWS, FDR, SEM = (rows0, rows1), (fdr0, fdr1), (sem0, sem1)

    for h in range(nheads):
        whx_hbm = whx_refs[h]
        fdw_hbm = fdw_refs[h]

        def load_and_start(b, k):
            base = (wid + NW * k) * CHUNK
            pltpu.sync_copy(src_ref.at[pl.ds(base, CHUNK)], SIDX[b])
            pltpu.sync_copy(dst_ref.at[pl.ds(base, CHUNK)], DIDX[b])
            pltpu.async_copy(whx_hbm.at[SIDX[b]], ROWS[b], SEM[b])
            pltpu.async_copy(fdw_hbm.at[DIDX[b]], FDR[b], SEM[b])

        def drain(b):
            pltpu.make_async_copy(
                whx_hbm.at[pl.ds(0, CHUNK)], ROWS[b], SEM[b]).wait()
            pltpu.make_async_copy(
                fdw_hbm.at[pl.ds(0, CHUNK)], FDR[b], SEM[b]).wait()

        def compute_scatter(b):
            rows, fdr = ROWS[b], FDR[b]

            def edge(er, _):
                e = rows[er, pl.ds(64, 16)] + fdr[er, pl.ds(0, 16)]
                e = jnp.where(e >= 0.0, e, ALPHA * e)
                ex = jnp.exp(e)
                stage[er, pl.ds(64, 16)] = ex
                for cb in range(4):
                    stage[er, pl.ds(cb * 16, 16)] = (
                        rows[er, pl.ds(cb * 16, 16)] * ex)
                return 0
            lax.fori_loop(0, CHUNK, edge, 0)
            pltpu.sync_copy(stage, acc.at[DIDX[b]], add=True)

        pltpu.sync_copy(z_ref, acc.at[pl.ds(sid * ROWS_PER_TILE, ROWS_PER_TILE)])
        pltpu.sync_copy(z_ref.at[pl.ds(0, CHUNK)], stage)
        plsc.subcore_barrier()

        load_and_start(0, jnp.int32(0))

        def pair_body(g, _):
            for b in range(2):
                k = 2 * g + b
                load_and_start(1 - b, k + 1)
                drain(b)
                compute_scatter(b)
            return 0
        lax.fori_loop(0, (CHUNKS_PER_TILE - 1) // 2, pair_body, 0)
        drain(0)
        compute_scatter(0)

        plsc.subcore_barrier()
        row0 = (h * NC + cid) * NPAD + sid * ROWS_PER_TILE
        pltpu.sync_copy(acc.at[pl.ds(sid * ROWS_PER_TILE, ROWS_PER_TILE)],
                        out_ref.at[pl.ds(row0, ROWS_PER_TILE)])
        plsc.subcore_barrier()


@functools.lru_cache(maxsize=None)
def _make_edge_kernel(nheads):
    mesh = plsc.VectorSubcoreMesh(core_axis_name="c", subcore_axis_name="s")

    def body(*refs):
        src_ref, dst_ref, z_ref = refs[:3]
        whx_refs = refs[3:3 + nheads]
        fdw_refs = refs[3 + nheads:3 + 2 * nheads]
        out_ref = refs[3 + 2 * nheads]
        scratch = refs[4 + 2 * nheads:]
        _edge_body(nheads, src_ref, dst_ref, z_ref, whx_refs, fdw_refs,
                   out_ref, *scratch)

    return pl.kernel(
        body,
        out_type=jax.ShapeDtypeStruct((nheads * 2 * NPAD, ACCW), jnp.float32),
        mesh=mesh,
        scratch_types=[
            pltpu.VMEM((CHUNK,), jnp.int32),
            pltpu.VMEM((CHUNK,), jnp.int32),
            pltpu.VMEM((CHUNK,), jnp.int32),
            pltpu.VMEM((CHUNK,), jnp.int32),
            pltpu.VMEM((CHUNK, TBLW), jnp.float32),
            pltpu.VMEM((CHUNK, TBLW), jnp.float32),
            pltpu.VMEM((CHUNK, TBLW), jnp.float32),
            pltpu.VMEM((CHUNK, TBLW), jnp.float32),
            pltpu.VMEM((CHUNK, ACCW), jnp.float32),
            pltpu.VMEM_SHARED((NPAD, ACCW), jnp.float32),
            pltpu.SemaphoreType.DMA,
            pltpu.SemaphoreType.DMA,
        ],
    )



def _comb1_body(p_ref, w2_ref, a2_ref, wh2_ref, f2_ref):
    cols = []
    for h in range(NHEADS):
        s = p_ref[2 * h] + p_ref[2 * h + 1]
        num = s[:, 0:NHID]
        den = s[:, NHID:NHID + 1]
        v = num / (den + EPS)
        cols.append(jnp.where(v > 0.0, v, jnp.exp(jnp.minimum(v, 0.0)) - 1.0))
    hcat = jnp.concatenate(cols, axis=1)
    wh2 = jnp.dot(hcat, w2_ref[...], preferred_element_type=jnp.float32)
    wh2_ref[...] = wh2
    f2_ref[...] = jnp.dot(wh2, a2_ref[...], preferred_element_type=jnp.float32)


def _comb1(part1, W2, A2):
    bn = ROWS_PER_TILE
    grid = NPAD // bn
    return pl.pallas_call(
        _comb1_body,
        grid=(grid,),
        in_specs=[
            pl.BlockSpec((2 * NHEADS, bn, ACCW), lambda i: (0, i, 0)),
            pl.BlockSpec((NHEADS * NHID, LIN), lambda i: (0, 0)),
            pl.BlockSpec((LIN, 128), lambda i: (0, 0)),
        ],
        out_specs=[
            pl.BlockSpec((bn, LIN), lambda i: (i, 0)),
            pl.BlockSpec((bn, 128), lambda i: (i, 0)),
        ],
        out_shape=[
            jax.ShapeDtypeStruct((NPAD, LIN), jnp.float32),
            jax.ShapeDtypeStruct((NPAD, 128), jnp.float32),
        ],
    )(part1, W2, A2)



def _sig(x):
    return 1.0 / (1.0 + jnp.exp(-x))


def _lstm_body(p_ref, wih_ref, whh_ref, b_ref, wl_ref, bl_ref, out_ref, pre_ref):
    s = p_ref[0] + p_ref[1]
    num = s[:, 0:LIN]
    den = s[:, LIN:LIN + 1]
    v = num / (den + EPS)
    h2 = jnp.where(v > 0.0, v, jnp.exp(jnp.minimum(v, 0.0)) - 1.0)
    pre_ref[...] = (
        jnp.dot(h2, wih_ref[...], preferred_element_type=jnp.float32) + b_ref[...]
    )
    whh = whh_ref[...]

    def step(t, carry):
        hh, cc = carry
        gates = pre_ref[pl.ds(t, 1), :] + jnp.dot(
            hh, whh, preferred_element_type=jnp.float32
        )
        i_g = gates[:, 0:LIN]
        f_g = gates[:, LIN:2 * LIN]
        g_g = gates[:, 2 * LIN:3 * LIN]
        o_g = gates[:, 3 * LIN:4 * LIN]
        cc = _sig(f_g) * cc + _sig(i_g) * jnp.tanh(g_g)
        hh = _sig(o_g) * jnp.tanh(cc)
        return (hh, cc)

    init = (jnp.zeros((1, LIN), jnp.float32), jnp.zeros((1, LIN), jnp.float32))
    hf, _ = lax.fori_loop(0, N, step, init)
    logits = jnp.dot(hf, wl_ref[...], preferred_element_type=jnp.float32) + bl_ref[...]
    mx = jnp.max(logits, axis=1, keepdims=True)
    lse = jnp.log(jnp.sum(jnp.exp(logits - mx), axis=1, keepdims=True)) + mx
    out_ref[...] = logits - lse


def _lstm(part2, Wih, Whh, b_lstm, Wl, bl):
    return pl.pallas_call(
        _lstm_body,
        out_shape=jax.ShapeDtypeStruct((1, Wl.shape[1]), jnp.float32),
        scratch_shapes=[pltpu.VMEM((NPAD, 4 * LIN), jnp.float32)],
    )(part2, Wih, Whh, b_lstm[None, :], Wl, bl[None, :])



def kernel(x, edge_index, W_heads, a_src_heads, a_dst_heads, W2, a2_src, a2_dst,
           Wih, Whh, b_lstm, Wl, bl):
    src = jnp.full((EPAD,), N, jnp.int32).at[:E].set(edge_index[0].astype(jnp.int32))
    dst = jnp.full((EPAD,), N, jnp.int32).at[:E].set(edge_index[1].astype(jnp.int32))

    Wcat = jnp.transpose(W_heads, (1, 0, 2)).reshape(NFEAT, NHEADS * NHID)
    A = jnp.zeros((NHEADS * NHID, 128), jnp.float32)
    for h in range(NHEADS):
        A = A.at[h * NHID:(h + 1) * NHID, h].set(a_src_heads[h])
        A = A.at[h * NHID:(h + 1) * NHID, NHEADS + h].set(a_dst_heads[h])
    A2 = jnp.zeros((LIN, 128), jnp.float32)
    A2 = A2.at[:, 0].set(a2_src)
    A2 = A2.at[:, 1].set(a2_dst)
    zeros_hbm = jnp.zeros((ROWS_PER_TILE, ACCW), jnp.float32)

    wh1, f1 = _proj1(x, Wcat, A)

    whx1, fdw1 = [], []
    for h in range(NHEADS):
        wh_h = jnp.zeros((NPAD, NHID), jnp.float32).at[:N].set(
            wh1[:, h * NHID:(h + 1) * NHID])
        fs_h = jnp.zeros((NPAD,), jnp.float32).at[:N].set(f1[:, h])
        fd_h = jnp.zeros((NPAD,), jnp.float32).at[:N].set(f1[:, NHEADS + h])
        whx1.append(jnp.concatenate(
            [wh_h, jnp.broadcast_to(fs_h[:, None], (NPAD, TBLW - NHID))],
            axis=1))
        fdw1.append(jnp.broadcast_to(fd_h[:, None], (NPAD, TBLW)))

    part1 = _make_edge_kernel(NHEADS)(src, dst, zeros_hbm, *whx1, *fdw1)
    part1 = part1.reshape(2 * NHEADS, NPAD, ACCW)

    wh2, f2 = _comb1(part1, W2, A2)
    whx2 = jnp.concatenate(
        [wh2, jnp.broadcast_to(f2[:, 0:1], (NPAD, TBLW - LIN))], axis=1)
    fdw2 = jnp.broadcast_to(f2[:, 1:2], (NPAD, TBLW))

    part2 = _make_edge_kernel(1)(src, dst, zeros_hbm, whx2, fdw2)
    part2 = part2.reshape(2, NPAD, ACCW)

    return _lstm(part2, Wih, Whh, b_lstm, Wl, bl)

# --- scband reference (transcript-rebuilt; emitter-appended) ---
"""Pipeline reference for scband-gatordered-graph-classification-lstm-graph-pooling-88175678587742 (READ-ONLY COPY).

The authoritative reference and input builder live on the scoring server;
editing this copy changes nothing except your own understanding.
"""

import jax, jax.numpy as jnp
import numpy as np

N = 10000
E = 320000
NFEAT = 128
NHID = 64
NHEADS = 4
LIN = 64
NCLASS = 2
ALPHA = 0.2


def setup_inputs(seed: int = 0):
    key = jax.random.key(seed)
    ks = jax.random.split(key, 14)
    x = jax.random.normal(ks[0], (N, NFEAT), dtype=jnp.float32)
    edge_index = jax.random.randint(ks[1], (2, E), 0, N).astype(jnp.int64)
    s = 0.08
    W_heads = jax.random.normal(ks[2], (NHEADS, NFEAT, NHID), dtype=jnp.float32) * s
    a_src_heads = jax.random.normal(ks[3], (NHEADS, NHID), dtype=jnp.float32) * s
    a_dst_heads = jax.random.normal(ks[4], (NHEADS, NHID), dtype=jnp.float32) * s
    W2 = jax.random.normal(ks[5], (NHID * NHEADS, LIN), dtype=jnp.float32) * s
    a2_src = jax.random.normal(ks[6], (LIN,), dtype=jnp.float32) * s
    a2_dst = jax.random.normal(ks[7], (LIN,), dtype=jnp.float32) * s
    Wih = jax.random.normal(ks[8], (LIN, 4 * LIN), dtype=jnp.float32) * s
    Whh = jax.random.normal(ks[9], (LIN, 4 * LIN), dtype=jnp.float32) * s
    b_lstm = jnp.zeros((4 * LIN,), dtype=jnp.float32)
    Wl = jax.random.normal(ks[10], (LIN, NCLASS), dtype=jnp.float32) * s
    bl = jnp.zeros((NCLASS,), dtype=jnp.float32)
    return {"x": x, "edge_index": edge_index, "W_heads": W_heads,
            "a_src_heads": a_src_heads, "a_dst_heads": a_dst_heads,
            "W2": W2, "a2_src": a2_src, "a2_dst": a2_dst,
            "Wih": Wih, "Whh": Whh, "b_lstm": b_lstm, "Wl": Wl, "bl": bl}


def _gat_layer(h, src, dst, W, a_s, a_d):
    Wh = h @ W                                   # [N, out]
    f_s = Wh @ a_s                               # [N]
    f_d = Wh @ a_d                               # [N]
    e = jax.nn.leaky_relu(f_s[src] + f_d[dst], negative_slope=ALPHA)  # [E]
    m = jax.ops.segment_max(e, dst, num_segments=N)
    m = jax.lax.stop_gradient(jnp.where(jnp.isfinite(m), m, 0.0))
    ex = jnp.exp(e - m[dst])
    denom = jax.ops.segment_sum(ex, dst, num_segments=N)
    coef = ex / (denom[dst] + 1e-16)
    out = jax.ops.segment_sum(coef[:, None] * Wh[src], dst, num_segments=N)
    return out


def reference(x, edge_index, W_heads, a_src_heads, a_dst_heads, W2, a2_src, a2_dst, Wih, Whh, b_lstm, Wl, bl):
    src = edge_index[0]
    dst = edge_index[1]
    # multi-head GAT (concat heads), dropout skipped (eval mode)
    heads = [jax.nn.elu(_gat_layer(x, src, dst, W_heads[i], a_src_heads[i], a_dst_heads[i]))
             for i in range(NHEADS)]
    h = jnp.concatenate(heads, axis=1)           # [N, NHID*NHEADS]
    h = jax.nn.elu(_gat_layer(h, src, dst, W2, a2_src, a2_dst))  # [N, LIN]
    # LSTM graph pooling over the ordered node sequence; final hidden state
    def step(carry, xt):
        hh, cc = carry
        gates = xt @ Wih + hh @ Whh + b_lstm
        i, f, g, o = jnp.split(gates, 4)
        cc = jax.nn.sigmoid(f) * cc + jax.nn.sigmoid(i) * jnp.tanh(g)
        hh = jax.nn.sigmoid(o) * jnp.tanh(cc)
        return (hh, cc), None
    init = (jnp.zeros((LIN,), dtype=h.dtype), jnp.zeros((LIN,), dtype=h.dtype))
    (hf, _), _ = jax.lax.scan(step, init, h)
    logits = hf @ Wl + bl                        # [NCLASS]
    logits = logits[None, :]                     # [1, NCLASS]
    return jax.nn.log_softmax(logits, axis=1)

if __name__ == "__main__":
    import jax
    _d = setup_inputs()
    print(jax.jit(kernel)(*tuple(_d.values())))

</pallas_src>

<mosaic_0001>
#map = affine_map<(d0, d1) -> (0)>
#map1 = affine_map<(d0, d1) -> (0, 0)>
module attributes {stable_mosaic.version = 14 : i64} {
  func.func @body(%arg0: i32, %arg1: i32, %arg2: memref<325632xi32, #tpu.memory_space<hbm>>, %arg3: memref<325632xi32, #tpu.memory_space<hbm>>, %arg4: memref<632x128xf32, #tpu.memory_space<hbm>>, %arg5: memref<10112x128xf32, #tpu.memory_space<hbm>>, %arg6: memref<10112x128xf32, #tpu.memory_space<hbm>>, %arg7: memref<20224x128xf32, #tpu.memory_space<hbm>>, %arg8: memref<64xi32, #tpu.memory_space<vmem>>, %arg9: memref<64xi32, #tpu.memory_space<vmem>>, %arg10: memref<64xi32, #tpu.memory_space<vmem>>, %arg11: memref<64xi32, #tpu.memory_space<vmem>>, %arg12: memref<64x128xf32, #tpu.memory_space<vmem>>, %arg13: memref<64x128xf32, #tpu.memory_space<vmem>>, %arg14: memref<64x128xf32, #tpu.memory_space<vmem>>, %arg15: memref<64x128xf32, #tpu.memory_space<vmem>>, %arg16: memref<64x128xf32, #tpu.memory_space<vmem>>, %arg17: memref<10112x128xf32, #tpu.memory_space<vmem_shared>>, %arg18: memref<!tpu.dma_semaphore, #tpu.memory_space<semaphore_mem>>, %arg19: memref<!tpu.dma_semaphore, #tpu.memory_space<semaphore_mem>>) attributes {dimension_semantics = [#tpu.dimension_semantics<core_parallel>, #tpu.dimension_semantics<subcore_parallel>], iteration_bounds = array<i64: 2, 16>, scalar_prefetch = 0 : i64, scratch_operands = 12 : i64, tpu.core_type = #tpu.core_type<sc_vector_subcore>, window_params = [{transform_indices = #map}, {transform_indices = #map}, {transform_indices = #map1}, {transform_indices = #map1}, {transform_indices = #map1}, {transform_indices = #map1}]} {
    %mul3A = arith.constant 2 : i32
    %mul3A_0 = arith.muli %arg1, %mul3A : i32
    %add3A = arith.addi %mul3A_0, %arg0 : i32
    %mul3A_1 = arith.constant 632 : i32
    %mul3A_2 = arith.muli %arg1, %mul3A_1 : i32
    "tpu.region"() ({
      %run_scoped3A = tpu.sem_alloc : memref<!tpu.dma_semaphore, #tpu.memory_space<semaphore_mem>>
      %dma_start3A_49 = arith.constant 0 : i32
      %dma_start3A_50 = tpu.memref_slice %arg17[%mul3A_2, %dma_start3A_49] : memref<10112x128xf32, #tpu.memory_space<vmem_shared>> -> memref<632x128xf32, #tpu.memory_space<vmem_shared>>
      tpu.enqueue_dma source(%arg4 : memref<632x128xf32, #tpu.memory_space<hbm>>) target(%dma_start3A_50 : memref<632x128xf32, #tpu.memory_space<vmem_shared>>) target_semaphore(%run_scoped3A : memref<!tpu.dma_semaphore, #tpu.memory_space<semaphore_mem>>)
      %dma_wait3A_51 = arith.constant 0 : i32
      %dma_wait3A_52 = tpu.memref_slice %arg17[%mul3A_2, %dma_wait3A_51] : memref<10112x128xf32, #tpu.memory_space<vmem_shared>> -> memref<632x128xf32, #tpu.memory_space<vmem_shared>>
      tpu.wait_dma2 semaphore(%run_scoped3A : memref<!tpu.dma_semaphore, #tpu.memory_space<semaphore_mem>>) src(%arg4 : memref<632x128xf32, #tpu.memory_space<hbm>>) dst(%dma_wait3A_52 : memref<632x128xf32, #tpu.memory_space<vmem_shared>>)
      tpu.yield
    }) : () -> ()
    "tpu.region"() ({
      %run_scoped3A = tpu.sem_alloc : memref<!tpu.dma_semaphore, #tpu.memory_space<semaphore_mem>>
      %dma_start3A_49 = arith.constant 0 : i32
      %dma_start3A_50 = arith.constant 0 : i32
      %dma_start3A_51 = tpu.memref_slice %arg4[%dma_start3A_49, %dma_start3A_50] : memref<632x128xf32, #tpu.memory_space<hbm>> -> memref<64x128xf32, #tpu.memory_space<hbm>>
      %dma_start3A_52 = arith.constant 0 : i32
      %dma_start3A_53 = arith.constant 0 : i32
      %dma_start3A_54 = tpu.memref_slice %arg4[%dma_start3A_52, %dma_start3A_53] : memref<632x128xf32, #tpu.memory_space<hbm>> -> memref<64x128xf32, #tpu.memory_space<hbm>>
      tpu.enqueue_dma source(%dma_start3A_54 : memref<64x128xf32, #tpu.memory_space<hbm>>) target(%arg16 : memref<64x128xf32, #tpu.memory_space<vmem>>) target_semaphore(%run_scoped3A : memref<!tpu.dma_semaphore, #tpu.memory_space<semaphore_mem>>)
      %dma_wait3A_55 = arith.constant 0 : i32
      %dma_wait3A_56 = arith.constant 0 : i32
      %dma_wait3A_57 = tpu.memref_slice %arg4[%dma_wait3A_55, %dma_wait3A_56] : memref<632x128xf32, #tpu.memory_space<hbm>> -> memref<64x128xf32, #tpu.memory_space<hbm>>
      %dma_wait3A_58 = arith.constant 0 : i32
      %dma_wait3A_59 = arith.constant 0 : i32
      %dma_wait3A_60 = tpu.memref_slice %arg4[%dma_wait3A_58, %dma_wait3A_59] : memref<632x128xf32, #tpu.memory_space<hbm>> -> memref<64x128xf32, #tpu.memory_space<hbm>>
      tpu.wait_dma2 semaphore(%run_scoped3A : memref<!tpu.dma_semaphore, #tpu.memory_space<semaphore_mem>>) src(%dma_wait3A_60 : memref<64x128xf32, #tpu.memory_space<hbm>>) dst(%arg16 : memref<64x128xf32, #tpu.memory_space<vmem>>)
      tpu.yield
    }) : () -> ()
    %barrier3A = arith.constant 0 : index
    tpu.barrier barrier_id(%barrier3A)
    %mul3A_3 = arith.constant 32 : i32
    %mul3A_4 = arith.constant 0 : i32
    %mul3A_5 = arith.muli %mul3A_3, %mul3A_4 : i32
    %add3A_6 = arith.addi %add3A, %mul3A_5 : i32
    %mul3A_7 = arith.constant 64 : i32
    %mul3A_8 = arith.muli %add3A_6, %mul3A_7 : i32
    "tpu.region"() ({
      %run_scoped3A = tpu.sem_alloc : memref<!tpu.dma_semaphore, #tpu.memory_space<semaphore_mem>>
      %dma_start3A_49 = tpu.memref_slice %arg2[%mul3A_8] : memref<325632xi32, #tpu.memory_space<hbm>> -> memref<64xi32, #tpu.memory_space<hbm>>
      %dma_start3A_50 = tpu.memref_slice %arg2[%mul3A_8] : memref<325632xi32, #tpu.memory_space<hbm>> -> memref<64xi32, #tpu.memory_space<hbm>>
      tpu.enqueue_dma source(%dma_start3A_50 : memref<64xi32, #tpu.memory_space<hbm>>) target(%arg8 : memref<64xi32, #tpu.memory_space<vmem>>) target_semaphore(%run_scoped3A : memref<!tpu.dma_semaphore, #tpu.memory_space<semaphore_mem>>)
      %dma_wait3A_51 = tpu.memref_slice %arg2[%mul3A_8] : memref<325632xi32, #tpu.memory_space<hbm>> -> memref<64xi32, #tpu.memory_space<hbm>>
      %dma_wait3A_52 = tpu.memref_slice %arg2[%mul3A_8] : memref<325632xi32, #tpu.memory_space<hbm>> -> memref<64xi32, #tpu.memory_space<hbm>>
      tpu.wait_dma2 semaphore(%run_scoped3A : memref<!tpu.dma_semaphore, #tpu.memory_space<semaphore_mem>>) src(%dma_wait3A_52 : memref<64xi32, #tpu.memory_space<hbm>>) dst(%arg8 : memref<64xi32, #tpu.memory_space<vmem>>)
      tpu.yield
    }) : () -> ()
    "tpu.region"() ({
      %run_scoped3A = tpu.sem_alloc : memref<!tpu.dma_semaphore, #tpu.memory_space<semaphore_mem>>
      %dma_start3A_49 = tpu.memref_slice %arg3[%mul3A_8] : memref<325632xi32, #tpu.memory_space<hbm>> -> memref<64xi32, #tpu.memory_space<hbm>>
      %dma_start3A_50 = tpu.memref_slice %arg3[%mul3A_8] : memref<325632xi32, #tpu.memory_space<hbm>> -> memref<64xi32, #tpu.memory_space<hbm>>
      tpu.enqueue_dma source(%dma_start3A_50 : memref<64xi32, #tpu.memory_space<hbm>>) target(%arg10 : memref<64xi32, #tpu.memory_space<vmem>>) target_semaphore(%run_scoped3A : memref<!tpu.dma_semaphore, #tpu.memory_space<semaphore_mem>>)
      %dma_wait3A_51 = tpu.memref_slice %arg3[%mul3A_8] : memref<325632xi32, #tpu.memory_space<hbm>> -> memref<64xi32, #tpu.memory_space<hbm>>
      %dma_wait3A_52 = tpu.memref_slice %arg3[%mul3A_8] : memref<325632xi32, #tpu.memory_space<hbm>> -> memref<64xi32, #tpu.memory_space<hbm>>
      tpu.wait_dma2 semaphore(%run_scoped3A : memref<!tpu.dma_semaphore, #tpu.memory_space<semaphore_mem>>) src(%dma_wait3A_52 : memref<64xi32, #tpu.memory_space<hbm>>) dst(%arg10 : memref<64xi32, #tpu.memory_space<vmem>>)
      tpu.yield
    }) : () -> ()
    %dma_start3A = arith.constant 0 : i32
    %dma_start3A_9 = arith.constant 0 : i32
    %dma_start3A_10 = tpu.memref_slice %arg5[%dma_start3A, %dma_start3A_9] : memref<10112x128xf32, #tpu.memory_space<hbm>> -> memref<10112x128xf32, #tpu.memory_space<hbm>>
    tpu.enqueue_indirect_dma source(%dma_start3A_10 : memref<10112x128xf32, #tpu.memory_space<hbm>>) target(%arg12 : memref<64x128xf32, #tpu.memory_space<vmem>>) offsets(%arg8 : memref<64xi32, #tpu.memory_space<vmem>>) semaphore(%arg18 : memref<!tpu.dma_semaphore, #tpu.memory_space<semaphore_mem>>)
    %dma_start3A_11 = arith.constant 0 : i32
    %dma_start3A_12 = arith.constant 0 : i32
    %dma_start3A_13 = tpu.memref_slice %arg6[%dma_start3A_11, %dma_start3A_12] : memref<10112x128xf32, #tpu.memory_space<hbm>> -> memref<10112x128xf32, #tpu.memory_space<hbm>>
    tpu.enqueue_indirect_dma source(%dma_start3A_13 : memref<10112x128xf32, #tpu.memory_space<hbm>>) target(%arg14 : memref<64x128xf32, #tpu.memory_space<vmem>>) offsets(%arg10 : memref<64xi32, #tpu.memory_space<vmem>>) semaphore(%arg18 : memref<!tpu.dma_semaphore, #tpu.memory_space<semaphore_mem>>)
    %scan3A = arith.constant 0 : i32
    %scan3A_14 = arith.constant 0 : i32
    %scan3A_15 = arith.constant 79 : i32
    %scan3A_16 = arith.addi %scan3A_14, %scan3A_15 : i32
    %scan3A_17 = arith.constant 1 : i32
    %scan3A_18 = scf.for %scan3A_49 = %scan3A_14 to %scan3A_16 step %scan3A_17 iter_args(%scan3A_50 = %scan3A) -> (i32)  : i32 {
      %mul3A_51 = arith.constant 2 : i32
      %mul3A_52 = arith.muli %mul3A_51, %scan3A_49 : i32
      %add3A_53 = arith.constant 0 : i32
      %add3A_54 = arith.addi %mul3A_52, %add3A_53 : i32
      %add3A_55 = arith.constant 1 : i32
      %add3A_56 = arith.addi %add3A_54, %add3A_55 : i32
      %mul3A_57 = arith.constant 32 : i32
      %mul3A_58 = arith.muli %mul3A_57, %add3A_56 : i32
      %add3A_59 = arith.addi %add3A, %mul3A_58 : i32
      %mul3A_60 = arith.constant 64 : i32
      %mul3A_61 = arith.muli %add3A_59, %mul3A_60 : i32
      "tpu.region"() ({
        %run_scoped3A = tpu.sem_alloc : memref<!tpu.dma_semaphore, #tpu.memory_space<semaphore_mem>>
        %dma_start3A_124 = tpu.memref_slice %arg2[%mul3A_61] : memref<325632xi32, #tpu.memory_space<hbm>> -> memref<64xi32, #tpu.memory_space<hbm>>
        %dma_start3A_125 = tpu.memref_slice %arg2[%mul3A_61] : memref<325632xi32, #tpu.memory_space<hbm>> -> memref<64xi32, #tpu.memory_space<hbm>>
        tpu.enqueue_dma source(%dma_start3A_125 : memref<64xi32, #tpu.memory_space<hbm>>) target(%arg9 : memref<64xi32, #tpu.memory_space<vmem>>) target_semaphore(%run_scoped3A : memref<!tpu.dma_semaphore, #tpu.memory_space<semaphore_mem>>)
        %dma_wait3A_126 = tpu.memref_slice %arg2[%mul3A_61] : memref<325632xi32, #tpu.memory_space<hbm>> -> memref<64xi32, #tpu.memory_space<hbm>>
        %dma_wait3A_127 = tpu.memref_slice %arg2[%mul3A_61] : memref<325632xi32, #tpu.memory_space<hbm>> -> memref<64xi32, #tpu.memory_space<hbm>>
        tpu.wait_dma2 semaphore(%run_scoped3A : memref<!tpu.dma_semaphore, #tpu.memory_space<semaphore_mem>>) src(%dma_wait3A_127 : memref<64xi32, #tpu.memory_space<hbm>>) dst(%arg9 : memref<64xi32, #tpu.memory_space<vmem>>)
        tpu.yield
      }) : () -> ()
      "tpu.region"() ({
        %run_scoped3A = tpu.sem_alloc : memref<!tpu.dma_semaphore, #tpu.memory_space<semaphore_mem>>
        %dma_start3A_124 = tpu.memref_slice %arg3[%mul3A_61] : memref<325632xi32, #tpu.memory_space<hbm>> -> memref<64xi32, #tpu.memory_space<hbm>>
        %dma_start3A_125 = tpu.memref_slice %arg3[%mul3A_61] : memref<325632xi32, #tpu.memory_space<hbm>> -> memref<64xi32, #tpu.memory_space<hbm>>
        tpu.enqueue_dma source(%dma_start3A_125 : memref<64xi32, #tpu.memory_space<hbm>>) target(%arg11 : memref<64xi32, #tpu.memory_space<vmem>>) target_semaphore(%run_scoped3A : memref<!tpu.dma_semaphore, #tpu.memory_space<semaphore_mem>>)
        %dma_wait3A_126 = tpu.memref_slice %arg3[%mul3A_61] : memref<325632xi32, #tpu.memory_space<hbm>> -> memref<64xi32, #tpu.memory_space<hbm>>
        %dma_wait3A_127 = tpu.memref_slice %arg3[%mul3A_61] : memref<325632xi32, #tpu.memory_space<hbm>> -> memref<64xi32, #tpu.memory_space<hbm>>
        tpu.wait_dma2 semaphore(%run_scoped3A : memref<!tpu.dma_semaphore, #tpu.memory_space<semaphore_mem>>) src(%dma_wait3A_127 : memref<64xi32, #tpu.memory_space<hbm>>) dst(%arg11 : memref<64xi32, #tpu.memory_space<vmem>>)
        tpu.yield
      }) : () -> ()
      %dma_start3A_62 = arith.constant 0 : i32
      %dma_start3A_63 = arith.constant 0 : i32
      %dma_start3A_64 = tpu.memref_slice %arg5[%dma_start3A_62, %dma_start3A_63] : memref<10112x128xf32, #tpu.memory_space<hbm>> -> memref<10112x128xf32, #tpu.memory_space<hbm>>
      tpu.enqueue_indirect_dma source(%dma_start3A_64 : memref<10112x128xf32, #tpu.memory_space<hbm>>) target(%arg13 : memref<64x128xf32, #tpu.memory_space<vmem>>) offsets(%arg9 : memref<64xi32, #tpu.memory_space<vmem>>) semaphore(%arg19 : memref<!tpu.dma_semaphore, #tpu.memory_space<semaphore_mem>>)
      %dma_start3A_65 = arith.constant 0 : i32
      %dma_start3A_66 = arith.constant 0 : i32
      %dma_start3A_67 = tpu.memref_slice %arg6[%dma_start3A_65, %dma_start3A_66] : memref<10112x128xf32, #tpu.memory_space<hbm>> -> memref<10112x128xf32, #tpu.memory_space<hbm>>
      tpu.enqueue_indirect_dma source(%dma_start3A_67 : memref<10112x128xf32, #tpu.memory_space<hbm>>) target(%arg15 : memref<64x128xf32, #tpu.memory_space<vmem>>) offsets(%arg11 : memref<64xi32, #tpu.memory_space<vmem>>) semaphore(%arg19 : memref<!tpu.dma_semaphore, #tpu.memory_space<semaphore_mem>>)
      %dma_wait3A_68 = arith.constant 0 : i32
      %dma_wait3A_69 = arith.constant 0 : i32
      %dma_wait3A_70 = tpu.memref_slice %arg5[%dma_wait3A_68, %dma_wait3A_69] : memref<10112x128xf32, #tpu.memory_space<hbm>> -> memref<64x128xf32, #tpu.memory_space<hbm>>
      %dma_wait3A_71 = arith.constant 0 : i32
      %dma_wait3A_72 = arith.constant 0 : i32
      %dma_wait3A_73 = tpu.memref_slice %arg5[%dma_wait3A_71, %dma_wait3A_72] : memref<10112x128xf32, #tpu.memory_space<hbm>> -> memref<64x128xf32, #tpu.memory_space<hbm>>
      tpu.wait_dma2 semaphore(%arg18 : memref<!tpu.dma_semaphore, #tpu.memory_space<semaphore_mem>>) src(%dma_wait3A_73 : memref<64x128xf32, #tpu.memory_space<hbm>>) dst(%arg12 : memref<64x128xf32, #tpu.memory_space<vmem>>)
      %dma_wait3A_74 = arith.constant 0 : i32
      %dma_wait3A_75 = arith.constant 0 : i32
      %dma_wait3A_76 = tpu.memref_slice %arg6[%dma_wait3A_74, %dma_wait3A_75] : memref<10112x128xf32, #tpu.memory_space<hbm>> -> memref<64x128xf32, #tpu.memory_space<hbm>>
      %dma_wait3A_77 = arith.constant 0 : i32
      %dma_wait3A_78 = arith.constant 0 : i32
      %dma_wait3A_79 = tpu.memref_slice %arg6[%dma_wait3A_77, %dma_wait3A_78] : memref<10112x128xf32, #tpu.memory_space<hbm>> -> memref<64x128xf32, #tpu.memory_space<hbm>>
      tpu.wait_dma2 semaphore(%arg18 : memref<!tpu.dma_semaphore, #tpu.memory_space<semaphore_mem>>) src(%dma_wait3A_79 : memref<64x128xf32, #tpu.memory_space<hbm>>) dst(%arg14 : memref<64x128xf32, #tpu.memory_space<vmem>>)
      %scan3A_80 = arith.constant 0 : i32
      %scan3A_81 = arith.constant 0 : i32
      %scan3A_82 = arith.constant 64 : i32
      %scan3A_83 = arith.addi %scan3A_81, %scan3A_82 : i32
      %scan3A_84 = arith.constant 1 : i32
      %scan3A_85 = scf.for %scan3A_124 = %scan3A_81 to %scan3A_83 step %scan3A_84 iter_args(%scan3A_125 = %scan3A_80) -> (i32)  : i32 {
        %get3A = arith.index_cast %scan3A_124 : i32 to index
        %get3A_126 = arith.constant 64 : index
        %get3A_127 = tpu.vector_load %arg12[%get3A, %get3A_126] {strides = array<i32>} : memref<64x128xf32, #tpu.memory_space<vmem>>, vector<1x16xf32>,
        %get3A_128 = vector.shape_cast %get3A_127 : vector<1x16xf32> to vector<16xf32>
        %get3A_129 = arith.index_cast %scan3A_124 : i32 to index
        %get3A_130 = arith.constant 0 : index
        %get3A_131 = tpu.vector_load %arg14[%get3A_129, %get3A_130] {strides = array<i32>} : memref<64x128xf32, #tpu.memory_space<vmem>>, vector<1x16xf32>,
        %get3A_132 = vector.shape_cast %get3A_131 : vector<1x16xf32> to vector<16xf32>
        %add3A_133 = arith.addf %get3A_128, %get3A_132 : vector<16xf32>
        %ge3A = arith.constant 0.000000e+00 : f32
        %ge3A_134 = vector.broadcast %ge3A : f32 to vector<16xf32>
        %ge3A_135 = arith.cmpf oge, %add3A_133, %ge3A_134 : vector<16xf32>
        %mul3A_136 = arith.constant 2.000000e-01 : f32
        %mul3A_137 = vector.broadcast %mul3A_136 : f32 to vector<16xf32>
        %mul3A_138 = arith.mulf %mul3A_137, %add3A_133 : vector<16xf32>
        %select_n3A = arith.select %ge3A_135, %add3A_133, %mul3A_138 : vector<16xi1>, vector<16xf32>
        %exp3A = math.exp %select_n3A : vector<16xf32>
        %swap3A = arith.index_cast %scan3A_124 : i32 to index
        %swap3A_139 = arith.constant 64 : index
        %swap3A_140 = tpu.vector_load %arg16[%swap3A, %swap3A_139] {strides = array<i32>} : memref<64x128xf32, #tpu.memory_space<vmem>>, vector<1x16xf32>,
        %swap3A_141 = vector.shape_cast %swap3A_140 : vector<1x16xf32> to vector<16xf32>
        %swap3A_142 = vector.shape_cast %exp3A : vector<16xf32> to vector<1x16xf32>
        tpu.vector_store %arg16[%swap3A, %swap3A_139], %swap3A_142 {strides = array<i32>} : memref<64x128xf32, #tpu.memory_space<vmem>>, vector<1x16xf32>,
        %get3A_143 = arith.index_cast %scan3A_124 : i32 to index
        %get3A_144 = arith.constant 0 : index
        %get3A_145 = tpu.vector_load %arg12[%get3A_143, %get3A_144] {strides = array<i32>} : memref<64x128xf32, #tpu.memory_space<vmem>>, vector<1x16xf32>,
        %get3A_146 = vector.shape_cast %get3A_145 : vector<1x16xf32> to vector<16xf32>
        %mul3A_147 = arith.mulf %get3A_146, %exp3A : vector<16xf32>
        %swap3A_148 = arith.index_cast %scan3A_124 : i32 to index
        %swap3A_149 = arith.constant 0 : index
        %swap3A_150 = tpu.vector_load %arg16[%swap3A_148, %swap3A_149] {strides = array<i32>} : memref<64x128xf32, #tpu.memory_space<vmem>>, vector<1x16xf32>,
        %swap3A_151 = vector.shape_cast %swap3A_150 : vector<1x16xf32> to vector<16xf32>
        %swap3A_152 = vector.shape_cast %mul3A_147 : vector<16xf32> to vector<1x16xf32>
        tpu.vector_store %arg16[%swap3A_148, %swap3A_149], %swap3A_152 {strides = array<i32>} : memref<64x128xf32, #tpu.memory_space<vmem>>, vector<1x16xf32>,
        %get3A_153 = arith.index_cast %scan3A_124 : i32 to index
        %get3A_154 = arith.constant 16 : index
        %get3A_155 = tpu.vector_load %arg12[%get3A_153, %get3A_154] {strides = array<i32>} : memref<64x128xf32, #tpu.memory_space<vmem>>, vector<1x16xf32>,
        %get3A_156 = vector.shape_cast %get3A_155 : vector<1x16xf32> to vector<16xf32>
        %mul3A_157 = arith.mulf %get3A_156, %exp3A : vector<16xf32>
        %swap3A_158 = arith.index_cast %scan3A_124 : i32 to index
        %swap3A_159 = arith.constant 16 : index
        %swap3A_160 = tpu.vector_load %arg16[%swap3A_158, %swap3A_159] {strides = array<i32>} : memref<64x128xf32, #tpu.memory_space<vmem>>, vector<1x16xf32>,
        %swap3A_161 = vector.shape_cast %swap3A_160 : vector<1x16xf32> to vector<16xf32>
        %swap3A_162 = vector.shape_cast %mul3A_157 : vector<16xf32> to vector<1x16xf32>
        tpu.vector_store %arg16[%swap3A_158, %swap3A_159], %swap3A_162 {strides = array<i32>} : memref<64x128xf32, #tpu.memory_space<vmem>>, vector<1x16xf32>,
        %get3A_163 = arith.index_cast %scan3A_124 : i32 to index
        %get3A_164 = arith.constant 32 : index
        %get3A_165 = tpu.vector_load %arg12[%get3A_163, %get3A_164] {strides = array<i32>} : memref<64x128xf32, #tpu.memory_space<vmem>>, vector<1x16xf32>,
        %get3A_166 = vector.shape_cast %get3A_165 : vector<1x16xf32> to vector<16xf32>
        %mul3A_167 = arith.mulf %get3A_166, %exp3A : vector<16xf32>
        %swap3A_168 = arith.index_cast %scan3A_124 : i32 to index
        %swap3A_169 = arith.constant 32 : index
        %swap3A_170 = tpu.vector_load %arg16[%swap3A_168, %swap3A_169] {strides = array<i32>} : memref<64x128xf32, #tpu.memory_space<vmem>>, vector<1x16xf32>,
        %swap3A_171 = vector.shape_cast %swap3A_170 : vector<1x16xf32> to vector<16xf32>
        %swap3A_172 = vector.shape_cast %mul3A_167 : vector<16xf32> to vector<1x16xf32>
        tpu.vector_store %arg16[%swap3A_168, %swap3A_169], %swap3A_172 {strides = array<i32>} : memref<64x128xf32, #tpu.memory_space<vmem>>, vector<1x16xf32>,
        %get3A_173 = arith.index_cast %scan3A_124 : i32 to index
        %get3A_174 = arith.constant 48 : index
        %get3A_175 = tpu.vector_load %arg12[%get3A_173, %get3A_174] {strides = array<i32>} : memref<64x128xf32, #tpu.memory_space<vmem>>, vector<1x16xf32>,
        %get3A_176 = vector.shape_cast %get3A_175 : vector<1x16xf32> to vector<16xf32>
        %mul3A_177 = arith.mulf %get3A_176, %exp3A : vector<16xf32>
        %swap3A_178 = arith.index_cast %scan3A_124 : i32 to index
        %swap3A_179 = arith.constant 48 : index
        %swap3A_180 = tpu.vector_load %arg16[%swap3A_178, %swap3A_179] {strides = array<i32>} : memref<64x128xf32, #tpu.memory_space<vmem>>, vector<1x16xf32>,
        %swap3A_181 = vector.shape_cast %swap3A_180 : vector<1x16xf32> to vector<16xf32>
        %swap3A_182 = vector.shape_cast %mul3A_177 : vector<16xf32> to vector<1x16xf32>
        tpu.vector_store %arg16[%swap3A_178, %swap3A_179], %swap3A_182 {strides = array<i32>} : memref<64x128xf32, #tpu.memory_space<vmem>>, vector<1x16xf32>,
        %scan3A_183 = arith.constant 0 : i32
        scf.yield %scan3A_183 : i32
      }
      %scan3A_86 = arith.constant 64 : i32
      "tpu.region"() ({
        %run_scoped3A = tpu.sem_alloc : memref<!tpu.dma_semaphore, #tpu.memory_space<semaphore_mem>>
        %dma_start3A_124 = arith.constant 0 : i32
        %dma_start3A_125 = arith.constant 0 : i32
        %dma_start3A_126 = tpu.memref_slice %arg17[%dma_start3A_124, %dma_start3A_125] : memref<10112x128xf32, #tpu.memory_space<vmem_shared>> -> memref<10112x128xf32, #tpu.memory_space<vmem_shared>>
        tpu.enqueue_indirect_dma source(%arg16 : memref<64x128xf32, #tpu.memory_space<vmem>>) target(%dma_start3A_126 : memref<10112x128xf32, #tpu.memory_space<vmem_shared>>) offsets(%arg10 : memref<64xi32, #tpu.memory_space<vmem>>) semaphore(%run_scoped3A : memref<!tpu.dma_semaphore, #tpu.memory_space<semaphore_mem>>) {add = true}
        %dma_wait3A_127 = arith.constant 0 : i32
        %dma_wait3A_128 = arith.constant 0 : i32
        %dma_wait3A_129 = tpu.memref_slice %arg17[%dma_wait3A_127, %dma_wait3A_128] : memref<10112x128xf32, #tpu.memory_space<vmem_shared>> -> memref<10112x128xf32, #tpu.memory_space<vmem_shared>>
        tpu.wait_indirect_dma semaphore(%run_scoped3A : memref<!tpu.dma_semaphore, #tpu.memory_space<semaphore_mem>>) src(%arg16 : memref<64x128xf32, #tpu.memory_space<vmem>>) dst(%dma_wait3A_129 : memref<10112x128xf32, #tpu.memory_space<vmem_shared>>)
        tpu.yield
      }) : () -> ()
      %mul3A_87 = arith.constant 2 : i32
      %mul3A_88 = arith.muli %mul3A_87, %scan3A_49 : i32
      %add3A_89 = arith.constant 1 : i32
      %add3A_90 = arith.addi %mul3A_88, %add3A_89 : i32
      %add3A_91 = arith.constant 1 : i32
      %add3A_92 = arith.addi %add3A_90, %add3A_91 : i32
      %mul3A_93 = arith.constant 32 : i32
      %mul3A_94 = arith.muli %mul3A_93, %add3A_92 : i32
      %add3A_95 = arith.addi %add3A, %mul3A_94 : i32
      %mul3A_96 = arith.constant 64 : i32
      %mul3A_97 = arith.muli %add3A_95, %mul3A_96 : i32
      "tpu.region"() ({
        %run_scoped3A = tpu.sem_alloc : memref<!tpu.dma_semaphore, #tpu.memory_space<semaphore_mem>>
        %dma_start3A_124 = tpu.memref_slice %arg2[%mul3A_97] : memref<325632xi32, #tpu.memory_space<hbm>> -> memref<64xi32, #tpu.memory_space<hbm>>
        %dma_start3A_125 = tpu.memref_slice %arg2[%mul3A_97] : memref<325632xi32, #tpu.memory_space<hbm>> -> memref<64xi32, #tpu.memory_space<hbm>>
        tpu.enqueue_dma source(%dma_start3A_125 : memref<64xi32, #tpu.memory_space<hbm>>) target(%arg8 : memref<64xi32, #tpu.memory_space<vmem>>) target_semaphore(%run_scoped3A : memref<!tpu.dma_semaphore, #tpu.memory_space<semaphore_mem>>)
        %dma_wait3A_126 = tpu.memref_slice %arg2[%mul3A_97] : memref<325632xi32, #tpu.memory_space<hbm>> -> memref<64xi32, #tpu.memory_space<hbm>>
        %dma_wait3A_127 = tpu.memref_slice %arg2[%mul3A_97] : memref<325632xi32, #tpu.memory_space<hbm>> -> memref<64xi32, #tpu.memory_space<hbm>>
        tpu.wait_dma2 semaphore(%run_scoped3A : memref<!tpu.dma_semaphore, #tpu.memory_space<semaphore_mem>>) src(%dma_wait3A_127 : memref<64xi32, #tpu.memory_space<hbm>>) dst(%arg8 : memref<64xi32, #tpu.memory_space<vmem>>)
        tpu.yield
      }) : () -> ()
      "tpu.region"() ({
        %run_scoped3A = tpu.sem_alloc : memref<!tpu.dma_semaphore, #tpu.memory_space<semaphore_mem>>
        %dma_start3A_124 = tpu.memref_slice %arg3[%mul3A_97] : memref<325632xi32, #tpu.memory_space<hbm>> -> memref<64xi32, #tpu.memory_space<hbm>>
        %dma_start3A_125 = tpu.memref_slice %arg3[%mul3A_97] : memref<325632xi32, #tpu.memory_space<hbm>> -> memref<64xi32, #tpu.memory_space<hbm>>
        tpu.enqueue_dma source(%dma_start3A_125 : memref<64xi32, #tpu.memory_space<hbm>>) target(%arg10 : memref<64xi32, #tpu.memory_space<vmem>>) target_semaphore(%run_scoped3A : memref<!tpu.dma_semaphore, #tpu.memory_space<semaphore_mem>>)
        %dma_wait3A_126 = tpu.memref_slice %arg3[%mul3A_97] : memref<325632xi32, #tpu.memory_space<hbm>> -> memref<64xi32, #tpu.memory_space<hbm>>
        %dma_wait3A_127 = tpu.memref_slice %arg3[%mul3A_97] : memref<325632xi32, #tpu.memory_space<hbm>> -> memref<64xi32, #tpu.memory_space<hbm>>
        tpu.wait_dma2 semaphore(%run_scoped3A : memref<!tpu.dma_semaphore, #tpu.memory_space<semaphore_mem>>) src(%dma_wait3A_127 : memref<64xi32, #tpu.memory_space<hbm>>) dst(%arg10 : memref<64xi32, #tpu.memory_space<vmem>>)
        tpu.yield
      }) : () -> ()
      %dma_start3A_98 = arith.constant 0 : i32
      %dma_start3A_99 = arith.constant 0 : i32
      %dma_start3A_100 = tpu.memref_slice %arg5[%dma_start3A_98, %dma_start3A_99] : memref<10112x128xf32, #tpu.memory_space<hbm>> -> memref<10112x128xf32, #tpu.memory_space<hbm>>
      tpu.enqueue_indirect_dma source(%dma_start3A_100 : memref<10112x128xf32, #tpu.memory_space<hbm>>) target(%arg12 : memref<64x128xf32, #tpu.memory_space<vmem>>) offsets(%arg8 : memref<64xi32, #tpu.memory_space<vmem>>) semaphore(%arg18 : memref<!tpu.dma_semaphore, #tpu.memory_space<semaphore_mem>>)
      %dma_start3A_101 = arith.constant 0 : i32
      %dma_start3A_102 = arith.constant 0 : i32
      %dma_start3A_103 = tpu.memref_slice %arg6[%dma_start3A_101, %dma_start3A_102] : memref<10112x128xf32, #tpu.memory_space<hbm>> -> memref<10112x128xf32, #tpu.memory_space<hbm>>
      tpu.enqueue_indirect_dma source(%dma_start3A_103 : memref<10112x128xf32, #tpu.memory_space<hbm>>) target(%arg14 : memref<64x128xf32, #tpu.memory_space<vmem>>) offsets(%arg10 : memref<64xi32, #tpu.memory_space<vmem>>) semaphore(%arg18 : memref<!tpu.dma_semaphore, #tpu.memory_space<semaphore_mem>>)
      %dma_wait3A_104 = arith.constant 0 : i32
      %dma_wait3A_105 = arith.constant 0 : i32
      %dma_wait3A_106 = tpu.memref_slice %arg5[%dma_wait3A_104, %dma_wait3A_105] : memref<10112x128xf32, #tpu.memory_space<hbm>> -> memref<64x128xf32, #tpu.memory_space<hbm>>
      %dma_wait3A_107 = arith.constant 0 : i32
      %dma_wait3A_108 = arith.constant 0 : i32
      %dma_wait3A_109 = tpu.memref_slice %arg5[%dma_wait3A_107, %dma_wait3A_108] : memref<10112x128xf32, #tpu.memory_space<hbm>> -> memref<64x128xf32, #tpu.memory_space<hbm>>
      tpu.wait_dma2 semaphore(%arg19 : memref<!tpu.dma_semaphore, #tpu.memory_space<semaphore_mem>>) src(%dma_wait3A_109 : memref<64x128xf32, #tpu.memory_space<hbm>>) dst(%arg13 : memref<64x128xf32, #tpu.memory_space<vmem>>)
      %dma_wait3A_110 = arith.constant 0 : i32
      %dma_wait3A_111 = arith.constant 0 : i32
      %dma_wait3A_112 = tpu.memref_slice %arg6[%dma_wait3A_110, %dma_wait3A_111] : memref<10112x128xf32, #tpu.memory_space<hbm>> -> memref<64x128xf32, #tpu.memory_space<hbm>>
      %dma_wait3A_113 = arith.constant 0 : i32
      %dma_wait3A_114 = arith.constant 0 : i32
      %dma_wait3A_115 = tpu.memref_slice %arg6[%dma_wait3A_113, %dma_wait3A_114] : memref<10112x128xf32, #tpu.memory_space<hbm>> -> memref<64x128xf32, #tpu.memory_space<hbm>>
      tpu.wait_dma2 semaphore(%arg19 : memref<!tpu.dma_semaphore, #tpu.memory_space<semaphore_mem>>) src(%dma_wait3A_115 : memref<64x128xf32, #tpu.memory_space<hbm>>) dst(%arg15 : memref<64x128xf32, #tpu.memory_space<vmem>>)
      %scan3A_116 = arith.constant 0 : i32
      %scan3A_117 = arith.constant 0 : i32
      %scan3A_118 = arith.constant 64 : i32
      %scan3A_119 = arith.addi %scan3A_117, %scan3A_118 : i32
      %scan3A_120 = arith.constant 1 : i32
      %scan3A_121 = scf.for %scan3A_124 = %scan3A_117 to %scan3A_119 step %scan3A_120 iter_args(%scan3A_125 = %scan3A_116) -> (i32)  : i32 {
        %get3A = arith.index_cast %scan3A_124 : i32 to index
        %get3A_126 = arith.constant 64 : index
        %get3A_127 = tpu.vector_load %arg13[%get3A, %get3A_126] {strides = array<i32>} : memref<64x128xf32, #tpu.memory_space<vmem>>, vector<1x16xf32>,
        %get3A_128 = vector.shape_cast %get3A_127 : vector<1x16xf32> to vector<16xf32>
        %get3A_129 = arith.index_cast %scan3A_124 : i32 to index
        %get3A_130 = arith.constant 0 : index
        %get3A_131 = tpu.vector_load %arg15[%get3A_129, %get3A_130] {strides = array<i32>} : memref<64x128xf32, #tpu.memory_space<vmem>>, vector<1x16xf32>,
        %get3A_132 = vector.shape_cast %get3A_131 : vector<1x16xf32> to vector<16xf32>
        %add3A_133 = arith.addf %get3A_128, %get3A_132 : vector<16xf32>
        %ge3A = arith.constant 0.000000e+00 : f32
        %ge3A_134 = vector.broadcast %ge3A : f32 to vector<16xf32>
        %ge3A_135 = arith.cmpf oge, %add3A_133, %ge3A_134 : vector<16xf32>
        %mul3A_136 = arith.constant 2.000000e-01 : f32
        %mul3A_137 = vector.broadcast %mul3A_136 : f32 to vector<16xf32>
        %mul3A_138 = arith.mulf %mul3A_137, %add3A_133 : vector<16xf32>
        %select_n3A = arith.select %ge3A_135, %add3A_133, %mul3A_138 : vector<16xi1>, vector<16xf32>
        %exp3A = math.exp %select_n3A : vector<16xf32>
        %swap3A = arith.index_cast %scan3A_124 : i32 to index
        %swap3A_139 = arith.constant 64 : index
        %swap3A_140 = tpu.vector_load %arg16[%swap3A, %swap3A_139] {strides = array<i32>} : memref<64x128xf32, #tpu.memory_space<vmem>>, vector<1x16xf32>,
        %swap3A_141 = vector.shape_cast %swap3A_140 : vector<1x16xf32> to vector<16xf32>
        %swap3A_142 = vector.shape_cast %exp3A : vector<16xf32> to vector<1x16xf32>
        tpu.vector_store %arg16[%swap3A, %swap3A_139], %swap3A_142 {strides = array<i32>} : memref<64x128xf32, #tpu.memory_space<vmem>>, vector<1x16xf32>,
        %get3A_143 = arith.index_cast %scan3A_124 : i32 to index
        %get3A_144 = arith.constant 0 : index
        %get3A_145 = tpu.vector_load %arg13[%get3A_143, %get3A_144] {strides = array<i32>} : memref<64x128xf32, #tpu.memory_space<vmem>>, vector<1x16xf32>,
        %get3A_146 = vector.shape_cast %get3A_145 : vector<1x16xf32> to vector<16xf32>
        %mul3A_147 = arith.mulf %get3A_146, %exp3A : vector<16xf32>
        %swap3A_148 = arith.index_cast %scan3A_124 : i32 to index
        %swap3A_149 = arith.constant 0 : index
        %swap3A_150 = tpu.vector_load %arg16[%swap3A_148, %swap3A_149] {strides = array<i32>} : memref<64x128xf32, #tpu.memory_space<vmem>>, vector<1x16xf32>,
        %swap3A_151 = vector.shape_cast %swap3A_150 : vector<1x16xf32> to vector<16xf32>
        %swap3A_152 = vector.shape_cast %mul3A_147 : vector<16xf32> to vector<1x16xf32>
        tpu.vector_store %arg16[%swap3A_148, %swap3A_149], %swap3A_152 {strides = array<i32>} : memref<64x128xf32, #tpu.memory_space<vmem>>, vector<1x16xf32>,
        %get3A_153 = arith.index_cast %scan3A_124 : i32 to index
        %get3A_154 = arith.constant 16 : index
        %get3A_155 = tpu.vector_load %arg13[%get3A_153, %get3A_154] {strides = array<i32>} : memref<64x128xf32, #tpu.memory_space<vmem>>, vector<1x16xf32>,
        %get3A_156 = vector.shape_cast %get3A_155 : vector<1x16xf32> to vector<16xf32>
        %mul3A_157 = arith.mulf %get3A_156, %exp3A : vector<16xf32>
        %swap3A_158 = arith.index_cast %scan3A_124 : i32 to index
        %swap3A_159 = arith.constant 16 : index
        %swap3A_160 = tpu.vector_load %arg16[%swap3A_158, %swap3A_159] {strides = array<i32>} : memref<64x128xf32, #tpu.memory_space<vmem>>, vector<1x16xf32>,
        %swap3A_161 = vector.shape_cast %swap3A_160 : vector<1x16xf32> to vector<16xf32>
        %swap3A_162 = vector.shape_cast %mul3A_157 : vector<16xf32> to vector<1x16xf32>
        tpu.vector_store %arg16[%swap3A_158, %swap3A_159], %swap3A_162 {strides = array<i32>} : memref<64x128xf32, #tpu.memory_space<vmem>>, vector<1x16xf32>,
        %get3A_163 = arith.index_cast %scan3A_124 : i32 to index
        %get3A_164 = arith.constant 32 : index
        %get3A_165 = tpu.vector_load %arg13[%get3A_163, %get3A_164] {strides = array<i32>} : memref<64x128xf32, #tpu.memory_space<vmem>>, vector<1x16xf32>,
        %get3A_166 = vector.shape_cast %get3A_165 : vector<1x16xf32> to vector<16xf32>
        %mul3A_167 = arith.mulf %get3A_166, %exp3A : vector<16xf32>
        %swap3A_168 = arith.index_cast %scan3A_124 : i32 to index
        %swap3A_169 = arith.constant 32 : index
        %swap3A_170 = tpu.vector_load %arg16[%swap3A_168, %swap3A_169] {strides = array<i32>} : memref<64x128xf32, #tpu.memory_space<vmem>>, vector<1x16xf32>,
        %swap3A_171 = vector.shape_cast %swap3A_170 : vector<1x16xf32> to vector<16xf32>
        %swap3A_172 = vector.shape_cast %mul3A_167 : vector<16xf32> to vector<1x16xf32>
        tpu.vector_store %arg16[%swap3A_168, %swap3A_169], %swap3A_172 {strides = array<i32>} : memref<64x128xf32, #tpu.memory_space<vmem>>, vector<1x16xf32>,
        %get3A_173 = arith.index_cast %scan3A_124 : i32 to index
        %get3A_174 = arith.constant 48 : index
        %get3A_175 = tpu.vector_load %arg13[%get3A_173, %get3A_174] {strides = array<i32>} : memref<64x128xf32, #tpu.memory_space<vmem>>, vector<1x16xf32>,
        %get3A_176 = vector.shape_cast %get3A_175 : vector<1x16xf32> to vector<16xf32>
        %mul3A_177 = arith.mulf %get3A_176, %exp3A : vector<16xf32>
        %swap3A_178 = arith.index_cast %scan3A_124 : i32 to index
        %swap3A_179 = arith.constant 48 : index
        %swap3A_180 = tpu.vector_load %arg16[%swap3A_178, %swap3A_179] {strides = array<i32>} : memref<64x128xf32, #tpu.memory_space<vmem>>, vector<1x16xf32>,
        %swap3A_181 = vector.shape_cast %swap3A_180 : vector<1x16xf32> to vector<16xf32>
        %swap3A_182 = vector.shape_cast %mul3A_177 : vector<16xf32> to vector<1x16xf32>
        tpu.vector_store %arg16[%swap3A_178, %swap3A_179], %swap3A_182 {strides = array<i32>} : memref<64x128xf32, #tpu.memory_space<vmem>>, vector<1x16xf32>,
        %scan3A_183 = arith.constant 0 : i32
        scf.yield %scan3A_183 : i32
      }
      %scan3A_122 = arith.constant 64 : i32
      "tpu.region"() ({
        %run_scoped3A = tpu.sem_alloc : memref<!tpu.dma_semaphore, #tpu.memory_space<semaphore_mem>>
        %dma_start3A_124 = arith.constant 0 : i32
        %dma_start3A_125 = arith.constant 0 : i32
        %dma_start3A_126 = tpu.memref_slice %arg17[%dma_start3A_124, %dma_start3A_125] : memref<10112x128xf32, #tpu.memory_space<vmem_shared>> -> memref<10112x128xf32, #tpu.memory_space<vmem_shared>>
        tpu.enqueue_indirect_dma source(%arg16 : memref<64x128xf32, #tpu.memory_space<vmem>>) target(%dma_start3A_126 : memref<10112x128xf32, #tpu.memory_space<vmem_shared>>) offsets(%arg11 : memref<64xi32, #tpu.memory_space<vmem>>) semaphore(%run_scoped3A : memref<!tpu.dma_semaphore, #tpu.memory_space<semaphore_mem>>) {add = true}
        %dma_wait3A_127 = arith.constant 0 : i32
        %dma_wait3A_128 = arith.constant 0 : i32
        %dma_wait3A_129 = tpu.memref_slice %arg17[%dma_wait3A_127, %dma_wait3A_128] : memref<10112x128xf32, #tpu.memory_space<vmem_shared>> -> memref<10112x128xf32, #tpu.memory_space<vmem_shared>>
        tpu.wait_indirect_dma semaphore(%run_scoped3A : memref<!tpu.dma_semaphore, #tpu.memory_space<semaphore_mem>>) src(%arg16 : memref<64x128xf32, #tpu.memory_space<vmem>>) dst(%dma_wait3A_129 : memref<10112x128xf32, #tpu.memory_space<vmem_shared>>)
        tpu.yield
      }) : () -> ()
      %scan3A_123 = arith.constant 0 : i32
      scf.yield %scan3A_123 : i32
    }
    %scan3A_19 = arith.constant 79 : i32
    %dma_wait3A = arith.constant 0 : i32
    %dma_wait3A_20 = arith.constant 0 : i32
    %dma_wait3A_21 = tpu.memref_slice %arg5[%dma_wait3A, %dma_wait3A_20] : memref<10112x128xf32, #tpu.memory_space<hbm>> -> memref<64x128xf32, #tpu.memory_space<hbm>>
    %dma_wait3A_22 = arith.constant 0 : i32
    %dma_wait3A_23 = arith.constant 0 : i32
    %dma_wait3A_24 = tpu.memref_slice %arg5[%dma_wait3A_22, %dma_wait3A_23] : memref<10112x128xf32, #tpu.memory_space<hbm>> -> memref<64x128xf32, #tpu.memory_space<hbm>>
    tpu.wait_dma2 semaphore(%arg18 : memref<!tpu.dma_semaphore, #tpu.memory_space<semaphore_mem>>) src(%dma_wait3A_24 : memref<64x128xf32, #tpu.memory_space<hbm>>) dst(%arg12 : memref<64x128xf32, #tpu.memory_space<vmem>>)
    %dma_wait3A_25 = arith.constant 0 : i32
    %dma_wait3A_26 = arith.constant 0 : i32
    %dma_wait3A_27 = tpu.memref_slice %arg6[%dma_wait3A_25, %dma_wait3A_26] : memref<10112x128xf32, #tpu.memory_space<hbm>> -> memref<64x128xf32, #tpu.memory_space<hbm>>
    %dma_wait3A_28 = arith.constant 0 : i32
    %dma_wait3A_29 = arith.constant 0 : i32
    %dma_wait3A_30 = tpu.memref_slice %arg6[%dma_wait3A_28, %dma_wait3A_29] : memref<10112x128xf32, #tpu.memory_space<hbm>> -> memref<64x128xf32, #tpu.memory_space<hbm>>
    tpu.wait_dma2 semaphore(%arg18 : memref<!tpu.dma_semaphore, #tpu.memory_space<semaphore_mem>>) src(%dma_wait3A_30 : memref<64x128xf32, #tpu.memory_space<hbm>>) dst(%arg14 : memref<64x128xf32, #tpu.memory_space<vmem>>)
    %scan3A_31 = arith.constant 0 : i32
    %scan3A_32 = arith.constant 0 : i32
    %scan3A_33 = arith.constant 64 : i32
    %scan3A_34 = arith.addi %scan3A_32, %scan3A_33 : i32
    %scan3A_35 = arith.constant 1 : i32
    %scan3A_36 = scf.for %scan3A_49 = %scan3A_32 to %scan3A_34 step %scan3A_35 iter_args(%scan3A_50 = %scan3A_31) -> (i32)  : i32 {
      %get3A = arith.index_cast %scan3A_49 : i32 to index
      %get3A_51 = arith.constant 64 : index
      %get3A_52 = tpu.vector_load %arg12[%get3A, %get3A_51] {strides = array<i32>} : memref<64x128xf32, #tpu.memory_space<vmem>>, vector<1x16xf32>,
      %get3A_53 = vector.shape_cast %get3A_52 : vector<1x16xf32> to vector<16xf32>
      %get3A_54 = arith.index_cast %scan3A_49 : i32 to index
      %get3A_55 = arith.constant 0 : index
      %get3A_56 = tpu.vector_load %arg14[%get3A_54, %get3A_55] {strides = array<i32>} : memref<64x128xf32, #tpu.memory_space<vmem>>, vector<1x16xf32>,
      %get3A_57 = vector.shape_cast %get3A_56 : vector<1x16xf32> to vector<16xf32>
      %add3A_58 = arith.addf %get3A_53, %get3A_57 : vector<16xf32>
      %ge3A = arith.constant 0.000000e+00 : f32
      %ge3A_59 = vector.broadcast %ge3A : f32 to vector<16xf32>
      %ge3A_60 = arith.cmpf oge, %add3A_58, %ge3A_59 : vector<16xf32>
      %mul3A_61 = arith.constant 2.000000e-01 : f32
      %mul3A_62 = vector.broadcast %mul3A_61 : f32 to vector<16xf32>
      %mul3A_63 = arith.mulf %mul3A_62, %add3A_58 : vector<16xf32>
      %select_n3A = arith.select %ge3A_60, %add3A_58, %mul3A_63 : vector<16xi1>, vector<16xf32>
      %exp3A = math.exp %select_n3A : vector<16xf32>
      %swap3A = arith.index_cast %scan3A_49 : i32 to index
      %swap3A_64 = arith.constant 64 : index
      %swap3A_65 = tpu.vector_load %arg16[%swap3A, %swap3A_64] {strides = array<i32>} : memref<64x128xf32, #tpu.memory_space<vmem>>, vector<1x16xf32>,
      %swap3A_66 = vector.shape_cast %swap3A_65 : vector<1x16xf32> to vector<16xf32>
      %swap3A_67 = vector.shape_cast %exp3A : vector<16xf32> to vector<1x16xf32>
      tpu.vector_store %arg16[%swap3A, %swap3A_64], %swap3A_67 {strides = array<i32>} : memref<64x128xf32, #tpu.memory_space<vmem>>, vector<1x16xf32>,
      %get3A_68 = arith.index_cast %scan3A_49 : i32 to index
      %get3A_69 = arith.constant 0 : index
      %get3A_70 = tpu.vector_load %arg12[%get3A_68, %get3A_69] {strides = array<i32>} : memref<64x128xf32, #tpu.memory_space<vmem>>, vector<1x16xf32>,
      %get3A_71 = vector.shape_cast %get3A_70 : vector<1x16xf32> to vector<16xf32>
      %mul3A_72 = arith.mulf %get3A_71, %exp3A : vector<16xf32>
      %swap3A_73 = arith.index_cast %scan3A_49 : i32 to index
      %swap3A_74 = arith.constant 0 : index
      %swap3A_75 = tpu.vector_load %arg16[%swap3A_73, %swap3A_74] {strides = array<i32>} : memref<64x128xf32, #tpu.memory_space<vmem>>, vector<1x16xf32>,
      %swap3A_76 = vector.shape_cast %swap3A_75 : vector<1x16xf32> to vector<16xf32>
      %swap3A_77 = vector.shape_cast %mul3A_72 : vector<16xf32> to vector<1x16xf32>
      tpu.vector_store %arg16[%swap3A_73, %swap3A_74], %swap3A_77 {strides = array<i32>} : memref<64x128xf32, #tpu.memory_space<vmem>>, vector<1x16xf32>,
      %get3A_78 = arith.index_cast %scan3A_49 : i32 to index
      %get3A_79 = arith.constant 16 : index
      %get3A_80 = tpu.vector_load %arg12[%get3A_78, %get3A_79] {strides = array<i32>} : memref<64x128xf32, #tpu.memory_space<vmem>>, vector<1x16xf32>,
      %get3A_81 = vector.shape_cast %get3A_80 : vector<1x16xf32> to vector<16xf32>
      %mul3A_82 = arith.mulf %get3A_81, %exp3A : vector<16xf32>
      %swap3A_83 = arith.index_cast %scan3A_49 : i32 to index
      %swap3A_84 = arith.constant 16 : index
      %swap3A_85 = tpu.vector_load %arg16[%swap3A_83, %swap3A_84] {strides = array<i32>} : memref<64x128xf32, #tpu.memory_space<vmem>>, vector<1x16xf32>,
      %swap3A_86 = vector.shape_cast %swap3A_85 : vector<1x16xf32> to vector<16xf32>
      %swap3A_87 = vector.shape_cast %mul3A_82 : vector<16xf32> to vector<1x16xf32>
      tpu.vector_store %arg16[%swap3A_83, %swap3A_84], %swap3A_87 {strides = array<i32>} : memref<64x128xf32, #tpu.memory_space<vmem>>, vector<1x16xf32>,
      %get3A_88 = arith.index_cast %scan3A_49 : i32 to index
      %get3A_89 = arith.constant 32 : index
      %get3A_90 = tpu.vector_load %arg12[%get3A_88, %get3A_89] {strides = array<i32>} : memref<64x128xf32, #tpu.memory_space<vmem>>, vector<1x16xf32>,
      %get3A_91 = vector.shape_cast %get3A_90 : vector<1x16xf32> to vector<16xf32>
      %mul3A_92 = arith.mulf %get3A_91, %exp3A : vector<16xf32>
      %swap3A_93 = arith.index_cast %scan3A_49 : i32 to index
      %swap3A_94 = arith.constant 32 : index
      %swap3A_95 = tpu.vector_load %arg16[%swap3A_93, %swap3A_94] {strides = array<i32>} : memref<64x128xf32, #tpu.memory_space<vmem>>, vector<1x16xf32>,
      %swap3A_96 = vector.shape_cast %swap3A_95 : vector<1x16xf32> to vector<16xf32>
      %swap3A_97 = vector.shape_cast %mul3A_92 : vector<16xf32> to vector<1x16xf32>
      tpu.vector_store %arg16[%swap3A_93, %swap3A_94], %swap3A_97 {strides = array<i32>} : memref<64x128xf32, #tpu.memory_space<vmem>>, vector<1x16xf32>,
      %get3A_98 = arith.index_cast %scan3A_49 : i32 to index
      %get3A_99 = arith.constant 48 : index
      %get3A_100 = tpu.vector_load %arg12[%get3A_98, %get3A_99] {strides = array<i32>} : memref<64x128xf32, #tpu.memory_space<vmem>>, vector<1x16xf32>,
      %get3A_101 = vector.shape_cast %get3A_100 : vector<1x16xf32> to vector<16xf32>
      %mul3A_102 = arith.mulf %get3A_101, %exp3A : vector<16xf32>
      %swap3A_103 = arith.index_cast %scan3A_49 : i32 to index
      %swap3A_104 = arith.constant 48 : index
      %swap3A_105 = tpu.vector_load %arg16[%swap3A_103, %swap3A_104] {strides = array<i32>} : memref<64x128xf32, #tpu.memory_space<vmem>>, vector<1x16xf32>,
      %swap3A_106 = vector.shape_cast %swap3A_105 : vector<1x16xf32> to vector<16xf32>
      %swap3A_107 = vector.shape_cast %mul3A_102 : vector<16xf32> to vector<1x16xf32>
      tpu.vector_store %arg16[%swap3A_103, %swap3A_104], %swap3A_107 {strides = array<i32>} : memref<64x128xf32, #tpu.memory_space<vmem>>, vector<1x16xf32>,
      %scan3A_108 = arith.constant 0 : i32
      scf.yield %scan3A_108 : i32
    }
    %scan3A_37 = arith.constant 64 : i32
    "tpu.region"() ({
      %run_scoped3A = tpu.sem_alloc : memref<!tpu.dma_semaphore, #tpu.memory_space<semaphore_mem>>
      %dma_start3A_49 = arith.constant 0 : i32
      %dma_start3A_50 = arith.constant 0 : i32
      %dma_start3A_51 = tpu.memref_slice %arg17[%dma_start3A_49, %dma_start3A_50] : memref<10112x128xf32, #tpu.memory_space<vmem_shared>> -> memref<10112x128xf32, #tpu.memory_space<vmem_shared>>
      tpu.enqueue_indirect_dma source(%arg16 : memref<64x128xf32, #tpu.memory_space<vmem>>) target(%dma_start3A_51 : memref<10112x128xf32, #tpu.memory_space<vmem_shared>>) offsets(%arg10 : memref<64xi32, #tpu.memory_space<vmem>>) semaphore(%run_scoped3A : memref<!tpu.dma_semaphore, #tpu.memory_space<semaphore_mem>>) {add = true}
      %dma_wait3A_52 = arith.constant 0 : i32
      %dma_wait3A_53 = arith.constant 0 : i32
      %dma_wait3A_54 = tpu.memref_slice %arg17[%dma_wait3A_52, %dma_wait3A_53] : memref<10112x128xf32, #tpu.memory_space<vmem_shared>> -> memref<10112x128xf32, #tpu.memory_space<vmem_shared>>
      tpu.wait_indirect_dma semaphore(%run_scoped3A : memref<!tpu.dma_semaphore, #tpu.memory_space<semaphore_mem>>) src(%arg16 : memref<64x128xf32, #tpu.memory_space<vmem>>) dst(%dma_wait3A_54 : memref<10112x128xf32, #tpu.memory_space<vmem_shared>>)
      tpu.yield
    }) : () -> ()
    %barrier3A_38 = arith.constant 0 : index
    tpu.barrier barrier_id(%barrier3A_38)
    %add3A_39 = arith.constant 0 : i32
    %add3A_40 = arith.addi %add3A_39, %arg0 : i32
    %mul3A_41 = arith.constant 10112 : i32
    %mul3A_42 = arith.muli %add3A_40, %mul3A_41 : i32
    %mul3A_43 = arith.constant 632 : i32
    %mul3A_44 = arith.muli %arg1, %mul3A_43 : i32
    %add3A_45 = arith.addi %mul3A_42, %mul3A_44 : i32
    %mul3A_46 = arith.constant 632 : i32
    %mul3A_47 = arith.muli %arg1, %mul3A_46 : i32
    "tpu.region"() ({
      %run_scoped3A = tpu.sem_alloc : memref<!tpu.dma_semaphore, #tpu.memory_space<semaphore_mem>>
      %dma_start3A_49 = arith.constant 0 : i32
      %dma_start3A_50 = tpu.memref_slice %arg7[%add3A_45, %dma_start3A_49] : memref<20224x128xf32, #tpu.memory_space<hbm>> -> memref<632x128xf32, #tpu.memory_space<hbm>>
      %dma_start3A_51 = arith.constant 0 : i32
      %dma_start3A_52 = tpu.memref_slice %arg17[%mul3A_47, %dma_start3A_51] : memref<10112x128xf32, #tpu.memory_space<vmem_shared>> -> memref<632x128xf32, #tpu.memory_space<vmem_shared>>
      tpu.enqueue_dma source(%dma_start3A_52 : memref<632x128xf32, #tpu.memory_space<vmem_shared>>) target(%dma_start3A_50 : memref<632x128xf32, #tpu.memory_space<hbm>>) target_semaphore(%run_scoped3A : memref<!tpu.dma_semaphore, #tpu.memory_space<semaphore_mem>>)
      %dma_wait3A_53 = arith.constant 0 : i32
      %dma_wait3A_54 = tpu.memref_slice %arg7[%add3A_45, %dma_wait3A_53] : memref<20224x128xf32, #tpu.memory_space<hbm>> -> memref<632x128xf32, #tpu.memory_space<hbm>>
      %dma_wait3A_55 = arith.constant 0 : i32
      %dma_wait3A_56 = tpu.memref_slice %arg17[%mul3A_47, %dma_wait3A_55] : memref<10112x128xf32, #tpu.memory_space<vmem_shared>> -> memref<632x128xf32, #tpu.memory_space<vmem_shared>>
      tpu.wait_dma2 semaphore(%run_scoped3A : memref<!tpu.dma_semaphore, #tpu.memory_space<semaphore_mem>>) src(%dma_wait3A_56 : memref<632x128xf32, #tpu.memory_space<vmem_shared>>) dst(%dma_wait3A_54 : memref<632x128xf32, #tpu.memory_space<hbm>>)
      tpu.yield
    }) : () -> ()
    %barrier3A_48 = arith.constant 0 : index
    tpu.barrier barrier_id(%barrier3A_48)
    return
  }
}

#map = affine_map<(d0, d1) -> (0)>
#map1 = affine_map<(d0, d1) -> (0, 0)>
module attributes {stable_mosaic.version = 14 : i64} {
  func.func @body(%arg0: i32, %arg1: i32, %arg2: memref<325632xi32, #tpu.memory_space<hbm>>, %arg3: memref<325632xi32, #tpu.memory_space<hbm>>, %arg4: memref<632x128xf32, #tpu.memory_space<hbm>>, %arg5: memref<10112x128xf32, #tpu.memory_space<hbm>>, %arg6: memref<10112x128xf32, #tpu.memory_space<hbm>>, %arg7: memref<10112x128xf32, #tpu.memory_space<hbm>>, %arg8: memref<10112x128xf32, #tpu.memory_space<hbm>>, %arg9: memref<10112x128xf32, #tpu.memory_space<hbm>>, %arg10: memref<10112x128xf32, #tpu.memory_space<hbm>>, %arg11: memref<10112x128xf32, #tpu.memory_space<hbm>>, %arg12: memref<10112x128xf32, #tpu.memory_space<hbm>>, %arg13: memref<80896x128xf32, #tpu.memory_space<hbm>>, %arg14: memref<64xi32, #tpu.memory_space<vmem>>, %arg15: memref<64xi32, #tpu.memory_space<vmem>>, %arg16: memref<64xi32, #tpu.memory_space<vmem>>, %arg17: memref<64xi32, #tpu.memory_space<vmem>>, %arg18: memref<64x128xf32, #tpu.memory_space<vmem>>, %arg19: memref<64x128xf32, #tpu.memory_space<vmem>>, %arg20: memref<64x128xf32, #tpu.memory_space<vmem>>, %arg21: memref<64x128xf32, #tpu.memory_space<vmem>>, %arg22: memref<64x128xf32, #tpu.memory_space<vmem>>, %arg23: memref<10112x128xf32, #tpu.memory_space<vmem_shared>>, %arg24: memref<!tpu.dma_semaphore, #tpu.memory_space<semaphore_mem>>, %arg25: memref<!tpu.dma_semaphore, #tpu.memory_space<semaphore_mem>>) attributes {dimension_semantics = [#tpu.dimension_semantics<core_parallel>, #tpu.dimension_semantics<subcore_parallel>], iteration_bounds = array<i64: 2, 16>, scalar_prefetch = 0 : i64, scratch_operands = 12 : i64, tpu.core_type = #tpu.core_type<sc_vector_subcore>, window_params = [{transform_indices = #map}, {transform_indices = #map}, {transform_indices = #map1}, {transform_indices = #map1}, {transform_indices = #map1}, {transform_indices = #map1}, {transform_indices = #map1}, {transform_indices = #map1}, {transform_indices = #map1}, {transform_indices = #map1}, {transform_indices = #map1}, {transform_indices = #map1}]} {
    %mul3A = arith.constant 2 : i32
    %mul3A_0 = arith.muli %arg1, %mul3A : i32
    %add3A = arith.addi %mul3A_0, %arg0 : i32
    %mul3A_1 = arith.constant 632 : i32
    %mul3A_2 = arith.muli %arg1, %mul3A_1 : i32
    "tpu.region"() ({
      %run_scoped3A = tpu.sem_alloc : memref<!tpu.dma_semaphore, #tpu.memory_space<semaphore_mem>>
      %dma_start3A_205 = arith.constant 0 : i32
      %dma_start3A_206 = tpu.memref_slice %arg23[%mul3A_2, %dma_start3A_205] : memref<10112x128xf32, #tpu.memory_space<vmem_shared>> -> memref<632x128xf32, #tpu.memory_space<vmem_shared>>
      tpu.enqueue_dma source(%arg4 : memref<632x128xf32, #tpu.memory_space<hbm>>) target(%dma_start3A_206 : memref<632x128xf32, #tpu.memory_space<vmem_shared>>) target_semaphore(%run_scoped3A : memref<!tpu.dma_semaphore, #tpu.memory_space<semaphore_mem>>)
      %dma_wait3A_207 = arith.constant 0 : i32
      %dma_wait3A_208 = tpu.memref_slice %arg23[%mul3A_2, %dma_wait3A_207] : memref<10112x128xf32, #tpu.memory_space<vmem_shared>> -> memref<632x128xf32, #tpu.memory_space<vmem_shared>>
      tpu.wait_dma2 semaphore(%run_scoped3A : memref<!tpu.dma_semaphore, #tpu.memory_space<semaphore_mem>>) src(%arg4 : memref<632x128xf32, #tpu.memory_space<hbm>>) dst(%dma_wait3A_208 : memref<632x128xf32, #tpu.memory_space<vmem_shared>>)
      tpu.yield
    }) : () -> ()
    "tpu.region"() ({
      %run_scoped3A = tpu.sem_alloc : memref<!tpu.dma_semaphore, #tpu.memory_space<semaphore_mem>>
      %dma_start3A_205 = arith.constant 0 : i32
      %dma_start3A_206 = arith.constant 0 : i32
      %dma_start3A_207 = tpu.memref_slice %arg4[%dma_start3A_205, %dma_start3A_206] : memref<632x128xf32, #tpu.memory_space<hbm>> -> memref<64x128xf32, #tpu.memory_space<hbm>>
      %dma_start3A_208 = arith.constant 0 : i32
      %dma_start3A_209 = arith.constant 0 : i32
      %dma_start3A_210 = tpu.memref_slice %arg4[%dma_start3A_208, %dma_start3A_209] : memref<632x128xf32, #tpu.memory_space<hbm>> -> memref<64x128xf32, #tpu.memory_space<hbm>>
      tpu.enqueue_dma source(%dma_start3A_210 : memref<64x128xf32, #tpu.memory_space<hbm>>) target(%arg22 : memref<64x128xf32, #tpu.memory_space<vmem>>) target_semaphore(%run_scoped3A : memref<!tpu.dma_semaphore, #tpu.memory_space<semaphore_mem>>)
      %dma_wait3A_211 = arith.constant 0 : i32
      %dma_wait3A_212 = arith.constant 0 : i32
      %dma_wait3A_213 = tpu.memref_slice %arg4[%dma_wait3A_211, %dma_wait3A_212] : memref<632x128xf32, #tpu.memory_space<hbm>> -> memref<64x128xf32, #tpu.memory_space<hbm>>
      %dma_wait3A_214 = arith.constant 0 : i32
      %dma_wait3A_215 = arith.constant 0 : i32
      %dma_wait3A_216 = tpu.memref_slice %arg4[%dma_wait3A_214, %dma_wait3A_215] : memref<632x128xf32, #tpu.memory_space<hbm>> -> memref<64x128xf32, #tpu.memory_space<hbm>>
      tpu.wait_dma2 semaphore(%run_scoped3A : memref<!tpu.dma_semaphore, #tpu.memory_space<semaphore_mem>>) src(%dma_wait3A_216 : memref<64x128xf32, #tpu.memory_space<hbm>>) dst(%arg22 : memref<64x128xf32, #tpu.memory_space<vmem>>)
      tpu.yield
    }) : () -> ()
    %barrier3A = arith.constant 0 : index
    tpu.barrier barrier_id(%barrier3A)
    %mul3A_3 = arith.constant 32 : i32
    %mul3A_4 = arith.constant 0 : i32
    %mul3A_5 = arith.muli %mul3A_3, %mul3A_4 : i32
    %add3A_6 = arith.addi %add3A, %mul3A_5 : i32
    %mul3A_7 = arith.constant 64 : i32
    %mul3A_8 = arith.muli %add3A_6, %mul3A_7 : i32
    "tpu.region"() ({
      %run_scoped3A = tpu.sem_alloc : memref<!tpu.dma_semaphore, #tpu.memory_space<semaphore_mem>>
      %dma_start3A_205 = tpu.memref_slice %arg2[%mul3A_8] : memref<325632xi32, #tpu.memory_space<hbm>> -> memref<64xi32, #tpu.memory_space<hbm>>
      %dma_start3A_206 = tpu.memref_slice %arg2[%mul3A_8] : memref<325632xi32, #tpu.memory_space<hbm>> -> memref<64xi32, #tpu.memory_space<hbm>>
      tpu.enqueue_dma source(%dma_start3A_206 : memref<64xi32, #tpu.memory_space<hbm>>) target(%arg14 : memref<64xi32, #tpu.memory_space<vmem>>) target_semaphore(%run_scoped3A : memref<!tpu.dma_semaphore, #tpu.memory_space<semaphore_mem>>)
      %dma_wait3A_207 = tpu.memref_slice %arg2[%mul3A_8] : memref<325632xi32, #tpu.memory_space<hbm>> -> memref<64xi32, #tpu.memory_space<hbm>>
      %dma_wait3A_208 = tpu.memref_slice %arg2[%mul3A_8] : memref<325632xi32, #tpu.memory_space<hbm>> -> memref<64xi32, #tpu.memory_space<hbm>>
      tpu.wait_dma2 semaphore(%run_scoped3A : memref<!tpu.dma_semaphore, #tpu.memory_space<semaphore_mem>>) src(%dma_wait3A_208 : memref<64xi32, #tpu.memory_space<hbm>>) dst(%arg14 : memref<64xi32, #tpu.memory_space<vmem>>)
      tpu.yield
    }) : () -> ()
    "tpu.region"() ({
      %run_scoped3A = tpu.sem_alloc : memref<!tpu.dma_semaphore, #tpu.memory_space<semaphore_mem>>
      %dma_start3A_205 = tpu.memref_slice %arg3[%mul3A_8] : memref<325632xi32, #tpu.memory_space<hbm>> -> memref<64xi32, #tpu.memory_space<hbm>>
      %dma_start3A_206 = tpu.memref_slice %arg3[%mul3A_8] : memref<325632xi32, #tpu.memory_space<hbm>> -> memref<64xi32, #tpu.memory_space<hbm>>
      tpu.enqueue_dma source(%dma_start3A_206 : memref<64xi32, #tpu.memory_space<hbm>>) target(%arg16 : memref<64xi32, #tpu.memory_space<vmem>>) target_semaphore(%run_scoped3A : memref<!tpu.dma_semaphore, #tpu.memory_space<semaphore_mem>>)
      %dma_wait3A_207 = tpu.memref_slice %arg3[%mul3A_8] : memref<325632xi32, #tpu.memory_space<hbm>> -> memref<64xi32, #tpu.memory_space<hbm>>
      %dma_wait3A_208 = tpu.memref_slice %arg3[%mul3A_8] : memref<325632xi32, #tpu.memory_space<hbm>> -> memref<64xi32, #tpu.memory_space<hbm>>
      tpu.wait_dma2 semaphore(%run_scoped3A : memref<!tpu.dma_semaphore, #tpu.memory_space<semaphore_mem>>) src(%dma_wait3A_208 : memref<64xi32, #tpu.memory_space<hbm>>) dst(%arg16 : memref<64xi32, #tpu.memory_space<vmem>>)
      tpu.yield
    }) : () -> ()
    %dma_start3A = arith.constant 0 : i32
    %dma_start3A_9 = arith.constant 0 : i32
    %dma_start3A_10 = tpu.memref_slice %arg5[%dma_start3A, %dma_start3A_9] : memref<10112x128xf32, #tpu.memory_space<hbm>> -> memref<10112x128xf32, #tpu.memory_space<hbm>>
    tpu.enqueue_indirect_dma source(%dma_start3A_10 : memref<10112x128xf32, #tpu.memory_space<hbm>>) target(%arg18 : memref<64x128xf32, #tpu.memory_space<vmem>>) offsets(%arg14 : memref<64xi32, #tpu.memory_space<vmem>>) semaphore(%arg24 : memref<!tpu.dma_semaphore, #tpu.memory_space<semaphore_mem>>)
    %dma_start3A_11 = arith.constant 0 : i32
    %dma_start3A_12 = arith.constant 0 : i32
    %dma_start3A_13 = tpu.memref_slice %arg9[%dma_start3A_11, %dma_start3A_12] : memref<10112x128xf32, #tpu.memory_space<hbm>> -> memref<10112x128xf32, #tpu.memory_space<hbm>>
    tpu.enqueue_indirect_dma source(%dma_start3A_13 : memref<10112x128xf32, #tpu.memory_space<hbm>>) target(%arg20 : memref<64x128xf32, #tpu.memory_space<vmem>>) offsets(%arg16 : memref<64xi32, #tpu.memory_space<vmem>>) semaphore(%arg24 : memref<!tpu.dma_semaphore, #tpu.memory_space<semaphore_mem>>)
    %scan3A = arith.constant 0 : i32
    %scan3A_14 = arith.constant 0 : i32
    %scan3A_15 = arith.constant 79 : i32
    %scan3A_16 = arith.addi %scan3A_14, %scan3A_15 : i32
    %scan3A_17 = arith.constant 1 : i32
    %scan3A_18 = scf.for %scan3A_205 = %scan3A_14 to %scan3A_16 step %scan3A_17 iter_args(%scan3A_206 = %scan3A) -> (i32)  : i32 {
      %mul3A_207 = arith.constant 2 : i32
      %mul3A_208 = arith.muli %mul3A_207, %scan3A_205 : i32
      %add3A_209 = arith.constant 0 : i32
      %add3A_210 = arith.addi %mul3A_208, %add3A_209 : i32
      %add3A_211 = arith.constant 1 : i32
      %add3A_212 = arith.addi %add3A_210, %add3A_211 : i32
      %mul3A_213 = arith.constant 32 : i32
      %mul3A_214 = arith.muli %mul3A_213, %add3A_212 : i32
      %add3A_215 = arith.addi %add3A, %mul3A_214 : i32
      %mul3A_216 = arith.constant 64 : i32
      %mul3A_217 = arith.muli %add3A_215, %mul3A_216 : i32
      "tpu.region"() ({
        %run_scoped3A = tpu.sem_alloc : memref<!tpu.dma_semaphore, #tpu.memory_space<semaphore_mem>>
        %dma_start3A_280 = tpu.memref_slice %arg2[%mul3A_217] : memref<325632xi32, #tpu.memory_space<hbm>> -> memref<64xi32, #tpu.memory_space<hbm>>
        %dma_start3A_281 = tpu.memref_slice %arg2[%mul3A_217] : memref<325632xi32, #tpu.memory_space<hbm>> -> memref<64xi32, #tpu.memory_space<hbm>>
        tpu.enqueue_dma source(%dma_start3A_281 : memref<64xi32, #tpu.memory_space<hbm>>) target(%arg15 : memref<64xi32, #tpu.memory_space<vmem>>) target_semaphore(%run_scoped3A : memref<!tpu.dma_semaphore, #tpu.memory_space<semaphore_mem>>)
        %dma_wait3A_282 = tpu.memref_slice %arg2[%mul3A_217] : memref<325632xi32, #tpu.memory_space<hbm>> -> memref<64xi32, #tpu.memory_space<hbm>>
        %dma_wait3A_283 = tpu.memref_slice %arg2[%mul3A_217] : memref<325632xi32, #tpu.memory_space<hbm>> -> memref<64xi32, #tpu.memory_space<hbm>>
        tpu.wait_dma2 semaphore(%run_scoped3A : memref<!tpu.dma_semaphore, #tpu.memory_space<semaphore_mem>>) src(%dma_wait3A_283 : memref<64xi32, #tpu.memory_space<hbm>>) dst(%arg15 : memref<64xi32, #tpu.memory_space<vmem>>)
        tpu.yield
      }) : () -> ()
      "tpu.region"() ({
        %run_scoped3A = tpu.sem_alloc : memref<!tpu.dma_semaphore, #tpu.memory_space<semaphore_mem>>
        %dma_start3A_280 = tpu.memref_slice %arg3[%mul3A_217] : memref<325632xi32, #tpu.memory_space<hbm>> -> memref<64xi32, #tpu.memory_space<hbm>>
        %dma_start3A_281 = tpu.memref_slice %arg3[%mul3A_217] : memref<325632xi32, #tpu.memory_space<hbm>> -> memref<64xi32, #tpu.memory_space<hbm>>
        tpu.enqueue_dma source(%dma_start3A_281 : memref<64xi32, #tpu.memory_space<hbm>>) target(%arg17 : memref<64xi32, #tpu.memory_space<vmem>>) target_semaphore(%run_scoped3A : memref<!tpu.dma_semaphore, #tpu.memory_space<semaphore_mem>>)
        %dma_wait3A_282 = tpu.memref_slice %arg3[%mul3A_217] : memref<325632xi32, #tpu.memory_space<hbm>> -> memref<64xi32, #tpu.memory_space<hbm>>
        %dma_wait3A_283 = tpu.memref_slice %arg3[%mul3A_217] : memref<325632xi32, #tpu.memory_space<hbm>> -> memref<64xi32, #tpu.memory_space<hbm>>
        tpu.wait_dma2 semaphore(%run_scoped3A : memref<!tpu.dma_semaphore, #tpu.memory_space<semaphore_mem>>) src(%dma_wait3A_283 : memref<64xi32, #tpu.memory_space<hbm>>) dst(%arg17 : memref<64xi32, #tpu.memory_space<vmem>>)
        tpu.yield
      }) : () -> ()
      %dma_start3A_218 = arith.constant 0 : i32
      %dma_start3A_219 = arith.constant 0 : i32
      %dma_start3A_220 = tpu.memref_slice %arg5[%dma_start3A_218, %dma_start3A_219] : memref<10112x128xf32, #tpu.memory_space<hbm>> -> memref<10112x128xf32, #tpu.memory_space<hbm>>
      tpu.enqueue_indirect_dma source(%dma_start3A_220 : memref<10112x128xf32, #tpu.memory_space<hbm>>) target(%arg19 : memref<64x128xf32, #tpu.memory_space<vmem>>) offsets(%arg15 : memref<64xi32, #tpu.memory_space<vmem>>) semaphore(%arg25 : memref<!tpu.dma_semaphore, #tpu.memory_space<semaphore_mem>>)
      %dma_start3A_221 = arith.constant 0 : i32
      %dma_start3A_222 = arith.constant 0 : i32
      %dma_start3A_223 = tpu.memref_slice %arg9[%dma_start3A_221, %dma_start3A_222] : memref<10112x128xf32, #tpu.memory_space<hbm>> -> memref<10112x128xf32, #tpu.memory_space<hbm>>
      tpu.enqueue_indirect_dma source(%dma_start3A_223 : memref<10112x128xf32, #tpu.memory_space<hbm>>) target(%arg21 : memref<64x128xf32, #tpu.memory_space<vmem>>) offsets(%arg17 : memref<64xi32, #tpu.memory_space<vmem>>) semaphore(%arg25 : memref<!tpu.dma_semaphore, #tpu.memory_space<semaphore_mem>>)
      %dma_wait3A_224 = arith.constant 0 : i32
      %dma_wait3A_225 = arith.constant 0 : i32
      %dma_wait3A_226 = tpu.memref_slice %arg5[%dma_wait3A_224, %dma_wait3A_225] : memref<10112x128xf32, #tpu.memory_space<hbm>> -> memref<64x128xf32, #tpu.memory_space<hbm>>
      %dma_wait3A_227 = arith.constant 0 : i32
      %dma_wait3A_228 = arith.constant 0 : i32
      %dma_wait3A_229 = tpu.memref_slice %arg5[%dma_wait3A_227, %dma_wait3A_228] : memref<10112x128xf32, #tpu.memory_space<hbm>> -> memref<64x128xf32, #tpu.memory_space<hbm>>
      tpu.wait_dma2 semaphore(%arg24 : memref<!tpu.dma_semaphore, #tpu.memory_space<semaphore_mem>>) src(%dma_wait3A_229 : memref<64x128xf32, #tpu.memory_space<hbm>>) dst(%arg18 : memref<64x128xf32, #tpu.memory_space<vmem>>)
      %dma_wait3A_230 = arith.constant 0 : i32
      %dma_wait3A_231 = arith.constant 0 : i32
      %dma_wait3A_232 = tpu.memref_slice %arg9[%dma_wait3A_230, %dma_wait3A_231] : memref<10112x128xf32, #tpu.memory_space<hbm>> -> memref<64x128xf32, #tpu.memory_space<hbm>>
      %dma_wait3A_233 = arith.constant 0 : i32
      %dma_wait3A_234 = arith.constant 0 : i32
      %dma_wait3A_235 = tpu.memref_slice %arg9[%dma_wait3A_233, %dma_wait3A_234] : memref<10112x128xf32, #tpu.memory_space<hbm>> -> memref<64x128xf32, #tpu.memory_space<hbm>>
      tpu.wait_dma2 semaphore(%arg24 : memref<!tpu.dma_semaphore, #tpu.memory_space<semaphore_mem>>) src(%dma_wait3A_235 : memref<64x128xf32, #tpu.memory_space<hbm>>) dst(%arg20 : memref<64x128xf32, #tpu.memory_space<vmem>>)
      %scan3A_236 = arith.constant 0 : i32
      %scan3A_237 = arith.constant 0 : i32
      %scan3A_238 = arith.constant 64 : i32
      %scan3A_239 = arith.addi %scan3A_237, %scan3A_238 : i32
      %scan3A_240 = arith.constant 1 : i32
      %scan3A_241 = scf.for %scan3A_280 = %scan3A_237 to %scan3A_239 step %scan3A_240 iter_args(%scan3A_281 = %scan3A_236) -> (i32)  : i32 {
        %get3A = arith.index_cast %scan3A_280 : i32 to index
        %get3A_282 = arith.constant 64 : index
        %get3A_283 = tpu.vector_load %arg18[%get3A, %get3A_282] {strides = array<i32>} : memref<64x128xf32, #tpu.memory_space<vmem>>, vector<1x16xf32>,
        %get3A_284 = vector.shape_cast %get3A_283 : vector<1x16xf32> to vector<16xf32>
        %get3A_285 = arith.index_cast %scan3A_280 : i32 to index
        %get3A_286 = arith.constant 0 : index
        %get3A_287 = tpu.vector_load %arg20[%get3A_285, %get3A_286] {strides = array<i32>} : memref<64x128xf32, #tpu.memory_space<vmem>>, vector<1x16xf32>,
        %get3A_288 = vector.shape_cast %get3A_287 : vector<1x16xf32> to vector<16xf32>
        %add3A_289 = arith.addf %get3A_284, %get3A_288 : vector<16xf32>
        %ge3A = arith.constant 0.000000e+00 : f32
        %ge3A_290 = vector.broadcast %ge3A : f32 to vector<16xf32>
        %ge3A_291 = arith.cmpf oge, %add3A_289, %ge3A_290 : vector<16xf32>
        %mul3A_292 = arith.constant 2.000000e-01 : f32
        %mul3A_293 = vector.broadcast %mul3A_292 : f32 to vector<16xf32>
        %mul3A_294 = arith.mulf %mul3A_293, %add3A_289 : vector<16xf32>
        %select_n3A = arith.select %ge3A_291, %add3A_289, %mul3A_294 : vector<16xi1>, vector<16xf32>
        %exp3A = math.exp %select_n3A : vector<16xf32>
        %swap3A = arith.index_cast %scan3A_280 : i32 to index
        %swap3A_295 = arith.constant 64 : index
        %swap3A_296 = tpu.vector_load %arg22[%swap3A, %swap3A_295] {strides = array<i32>} : memref<64x128xf32, #tpu.memory_space<vmem>>, vector<1x16xf32>,
        %swap3A_297 = vector.shape_cast %swap3A_296 : vector<1x16xf32> to vector<16xf32>
        %swap3A_298 = vector.shape_cast %exp3A : vector<16xf32> to vector<1x16xf32>
        tpu.vector_store %arg22[%swap3A, %swap3A_295], %swap3A_298 {strides = array<i32>} : memref<64x128xf32, #tpu.memory_space<vmem>>, vector<1x16xf32>,
        %get3A_299 = arith.index_cast %scan3A_280 : i32 to index
        %get3A_300 = arith.constant 0 : index
        %get3A_301 = tpu.vector_load %arg18[%get3A_299, %get3A_300] {strides = array<i32>} : memref<64x128xf32, #tpu.memory_space<vmem>>, vector<1x16xf32>,
        %get3A_302 = vector.shape_cast %get3A_301 : vector<1x16xf32> to vector<16xf32>
        %mul3A_303 = arith.mulf %get3A_302, %exp3A : vector<16xf32>
        %swap3A_304 = arith.index_cast %scan3A_280 : i32 to index
        %swap3A_305 = arith.constant 0 : index
        %swap3A_306 = tpu.vector_load %arg22[%swap3A_304, %swap3A_305] {strides = array<i32>} : memref<64x128xf32, #tpu.memory_space<vmem>>, vector<1x16xf32>,
        %swap3A_307 = vector.shape_cast %swap3A_306 : vector<1x16xf32> to vector<16xf32>
        %swap3A_308 = vector.shape_cast %mul3A_303 : vector<16xf32> to vector<1x16xf32>
        tpu.vector_store %arg22[%swap3A_304, %swap3A_305], %swap3A_308 {strides = array<i32>} : memref<64x128xf32, #tpu.memory_space<vmem>>, vector<1x16xf32>,
        %get3A_309 = arith.index_cast %scan3A_280 : i32 to index
        %get3A_310 = arith.constant 16 : index
        %get3A_311 = tpu.vector_load %arg18[%get3A_309, %get3A_310] {strides = array<i32>} : memref<64x128xf32, #tpu.memory_space<vmem>>, vector<1x16xf32>,
        %get3A_312 = vector.shape_cast %get3A_311 : vector<1x16xf32> to vector<16xf32>
        %mul3A_313 = arith.mulf %get3A_312, %exp3A : vector<16xf32>
        %swap3A_314 = arith.index_cast %scan3A_280 : i32 to index
        %swap3A_315 = arith.constant 16 : index
        %swap3A_316 = tpu.vector_load %arg22[%swap3A_314, %swap3A_315] {strides = array<i32>} : memref<64x128xf32, #tpu.memory_space<vmem>>, vector<1x16xf32>,
        %swap3A_317 = vector.shape_cast %swap3A_316 : vector<1x16xf32> to vector<16xf32>
        %swap3A_318 = vector.shape_cast %mul3A_313 : vector<16xf32> to vector<1x16xf32>
        tpu.vector_store %arg22[%swap3A_314, %swap3A_315], %swap3A_318 {strides = array<i32>} : memref<64x128xf32, #tpu.memory_space<vmem>>, vector<1x16xf32>,
        %get3A_319 = arith.index_cast %scan3A_280 : i32 to index
        %get3A_320 = arith.constant 32 : index
        %get3A_321 = tpu.vector_load %arg18[%get3A_319, %get3A_320] {strides = array<i32>} : memref<64x128xf32, #tpu.memory_space<vmem>>, vector<1x16xf32>,
        %get3A_322 = vector.shape_cast %get3A_321 : vector<1x16xf32> to vector<16xf32>
        %mul3A_323 = arith.mulf %get3A_322, %exp3A : vector<16xf32>
        %swap3A_324 = arith.index_cast %scan3A_280 : i32 to index
        %swap3A_325 = arith.constant 32 : index
        %swap3A_326 = tpu.vector_load %arg22[%swap3A_324, %swap3A_325] {strides = array<i32>} : memref<64x128xf32, #tpu.memory_space<vmem>>, vector<1x16xf32>,
        %swap3A_327 = vector.shape_cast %swap3A_326 : vector<1x16xf32> to vector<16xf32>
        %swap3A_328 = vector.shape_cast %mul3A_323 : vector<16xf32> to vector<1x16xf32>
        tpu.vector_store %arg22[%swap3A_324, %swap3A_325], %swap3A_328 {strides = array<i32>} : memref<64x128xf32, #tpu.memory_space<vmem>>, vector<1x16xf32>,
        %get3A_329 = arith.index_cast %scan3A_280 : i32 to index
        %get3A_330 = arith.constant 48 : index
        %get3A_331 = tpu.vector_load %arg18[%get3A_329, %get3A_330] {strides = array<i32>} : memref<64x128xf32, #tpu.memory_space<vmem>>, vector<1x16xf32>,
        %get3A_332 = vector.shape_cast %get3A_331 : vector<1x16xf32> to vector<16xf32>
        %mul3A_333 = arith.mulf %get3A_332, %exp3A : vector<16xf32>
        %swap3A_334 = arith.index_cast %scan3A_280 : i32 to index
        %swap3A_335 = arith.constant 48 : index
        %swap3A_336 = tpu.vector_load %arg22[%swap3A_334, %swap3A_335] {strides = array<i32>} : memref<64x128xf32, #tpu.memory_space<vmem>>, vector<1x16xf32>,
        %swap3A_337 = vector.shape_cast %swap3A_336 : vector<1x16xf32> to vector<16xf32>
        %swap3A_338 = vector.shape_cast %mul3A_333 : vector<16xf32> to vector<1x16xf32>
        tpu.vector_store %arg22[%swap3A_334, %swap3A_335], %swap3A_338 {strides = array<i32>} : memref<64x128xf32, #tpu.memory_space<vmem>>, vector<1x16xf32>,
        %scan3A_339 = arith.constant 0 : i32
        scf.yield %scan3A_339 : i32
      }
      %scan3A_242 = arith.constant 64 : i32
      "tpu.region"() ({
        %run_scoped3A = tpu.sem_alloc : memref<!tpu.dma_semaphore, #tpu.memory_space<semaphore_mem>>
        %dma_start3A_280 = arith.constant 0 : i32
        %dma_start3A_281 = arith.constant 0 : i32
        %dma_start3A_282 = tpu.memref_slice %arg23[%dma_start3A_280, %dma_start3A_281] : memref<10112x128xf32, #tpu.memory_space<vmem_shared>> -> memref<10112x128xf32, #tpu.memory_space<vmem_shared>>
        tpu.enqueue_indirect_dma source(%arg22 : memref<64x128xf32, #tpu.memory_space<vmem>>) target(%dma_start3A_282 : memref<10112x128xf32, #tpu.memory_space<vmem_shared>>) offsets(%arg16 : memref<64xi32, #tpu.memory_space<vmem>>) semaphore(%run_scoped3A : memref<!tpu.dma_semaphore, #tpu.memory_space<semaphore_mem>>) {add = true}
        %dma_wait3A_283 = arith.constant 0 : i32
        %dma_wait3A_284 = arith.constant 0 : i32
        %dma_wait3A_285 = tpu.memref_slice %arg23[%dma_wait3A_283, %dma_wait3A_284] : memref<10112x128xf32, #tpu.memory_space<vmem_shared>> -> memref<10112x128xf32, #tpu.memory_space<vmem_shared>>
        tpu.wait_indirect_dma semaphore(%run_scoped3A : memref<!tpu.dma_semaphore, #tpu.memory_space<semaphore_mem>>) src(%arg22 : memref<64x128xf32, #tpu.memory_space<vmem>>) dst(%dma_wait3A_285 : memref<10112x128xf32, #tpu.memory_space<vmem_shared>>)
        tpu.yield
      }) : () -> ()
      %mul3A_243 = arith.constant 2 : i32
      %mul3A_244 = arith.muli %mul3A_243, %scan3A_205 : i32
      %add3A_245 = arith.constant 1 : i32
      %add3A_246 = arith.addi %mul3A_244, %add3A_245 : i32
      %add3A_247 = arith.constant 1 : i32
      %add3A_248 = arith.addi %add3A_246, %add3A_247 : i32
      %mul3A_249 = arith.constant 32 : i32
      %mul3A_250 = arith.muli %mul3A_249, %add3A_248 : i32
      %add3A_251 = arith.addi %add3A, %mul3A_250 : i32
      %mul3A_252 = arith.constant 64 : i32
      %mul3A_253 = arith.muli %add3A_251, %mul3A_252 : i32
      "tpu.region"() ({
        %run_scoped3A = tpu.sem_alloc : memref<!tpu.dma_semaphore, #tpu.memory_space<semaphore_mem>>
        %dma_start3A_280 = tpu.memref_slice %arg2[%mul3A_253] : memref<325632xi32, #tpu.memory_space<hbm>> -> memref<64xi32, #tpu.memory_space<hbm>>
        %dma_start3A_281 = tpu.memref_slice %arg2[%mul3A_253] : memref<325632xi32, #tpu.memory_space<hbm>> -> memref<64xi32, #tpu.memory_space<hbm>>
        tpu.enqueue_dma source(%dma_start3A_281 : memref<64xi32, #tpu.memory_space<hbm>>) target(%arg14 : memref<64xi32, #tpu.memory_space<vmem>>) target_semaphore(%run_scoped3A : memref<!tpu.dma_semaphore, #tpu.memory_space<semaphore_mem>>)
        %dma_wait3A_282 = tpu.memref_slice %arg2[%mul3A_253] : memref<325632xi32, #tpu.memory_space<hbm>> -> memref<64xi32, #tpu.memory_space<hbm>>
        %dma_wait3A_283 = tpu.memref_slice %arg2[%mul3A_253] : memref<325632xi32, #tpu.memory_space<hbm>> -> memref<64xi32, #tpu.memory_space<hbm>>
        tpu.wait_dma2 semaphore(%run_scoped3A : memref<!tpu.dma_semaphore, #tpu.memory_space<semaphore_mem>>) src(%dma_wait3A_283 : memref<64xi32, #tpu.memory_space<hbm>>) dst(%arg14 : memref<64xi32, #tpu.memory_space<vmem>>)
        tpu.yield
      }) : () -> ()
      "tpu.region"() ({
        %run_scoped3A = tpu.sem_alloc : memref<!tpu.dma_semaphore, #tpu.memory_space<semaphore_mem>>
        %dma_start3A_280 = tpu.memref_slice %arg3[%mul3A_253] : memref<325632xi32, #tpu.memory_space<hbm>> -> memref<64xi32, #tpu.memory_space<hbm>>
        %dma_start3A_281 = tpu.memref_slice %arg3[%mul3A_253] : memref<325632xi32, #tpu.memory_space<hbm>> -> memref<64xi32, #tpu.memory_space<hbm>>
        tpu.enqueue_dma source(%dma_start3A_281 : memref<64xi32, #tpu.memory_space<hbm>>) target(%arg16 : memref<64xi32, #tpu.memory_space<vmem>>) target_semaphore(%run_scoped3A : memref<!tpu.dma_semaphore, #tpu.memory_space<semaphore_mem>>)
        %dma_wait3A_282 = tpu.memref_slice %arg3[%mul3A_253] : memref<325632xi32, #tpu.memory_space<hbm>> -> memref<64xi32, #tpu.memory_space<hbm>>
        %dma_wait3A_283 = tpu.memref_slice %arg3[%mul3A_253] : memref<325632xi32, #tpu.memory_space<hbm>> -> memref<64xi32, #tpu.memory_space<hbm>>
        tpu.wait_dma2 semaphore(%run_scoped3A : memref<!tpu.dma_semaphore, #tpu.memory_space<semaphore_mem>>) src(%dma_wait3A_283 : memref<64xi32, #tpu.memory_space<hbm>>) dst(%arg16 : memref<64xi32, #tpu.memory_space<vmem>>)
        tpu.yield
      }) : () -> ()
      %dma_start3A_254 = arith.constant 0 : i32
      %dma_start3A_255 = arith.constant 0 : i32
      %dma_start3A_256 = tpu.memref_slice %arg5[%dma_start3A_254, %dma_start3A_255] : memref<10112x128xf32, #tpu.memory_space<hbm>> -> memref<10112x128xf32, #tpu.memory_space<hbm>>
      tpu.enqueue_indirect_dma source(%dma_start3A_256 : memref<10112x128xf32, #tpu.memory_space<hbm>>) target(%arg18 : memref<64x128xf32, #tpu.memory_space<vmem>>) offsets(%arg14 : memref<64xi32, #tpu.memory_space<vmem>>) semaphore(%arg24 : memref<!tpu.dma_semaphore, #tpu.memory_space<semaphore_mem>>)
      %dma_start3A_257 = arith.constant 0 : i32
      %dma_start3A_258 = arith.constant 0 : i32
      %dma_start3A_259 = tpu.memref_slice %arg9[%dma_start3A_257, %dma_start3A_258] : memref<10112x128xf32, #tpu.memory_space<hbm>> -> memref<10112x128xf32, #tpu.memory_space<hbm>>
      tpu.enqueue_indirect_dma source(%dma_start3A_259 : memref<10112x128xf32, #tpu.memory_space<hbm>>) target(%arg20 : memref<64x128xf32, #tpu.memory_space<vmem>>) offsets(%arg16 : memref<64xi32, #tpu.memory_space<vmem>>) semaphore(%arg24 : memref<!tpu.dma_semaphore, #tpu.memory_space<semaphore_mem>>)
      %dma_wait3A_260 = arith.constant 0 : i32
      %dma_wait3A_261 = arith.constant 0 : i32
      %dma_wait3A_262 = tpu.memref_slice %arg5[%dma_wait3A_260, %dma_wait3A_261] : memref<10112x128xf32, #tpu.memory_space<hbm>> -> memref<64x128xf32, #tpu.memory_space<hbm>>
      %dma_wait3A_263 = arith.constant 0 : i32
      %dma_wait3A_264 = arith.constant 0 : i32
      %dma_wait3A_265 = tpu.memref_slice %arg5[%dma_wait3A_263, %dma_wait3A_264] : memref<10112x128xf32, #tpu.memory_space<hbm>> -> memref<64x128xf32, #tpu.memory_space<hbm>>
      tpu.wait_dma2 semaphore(%arg25 : memref<!tpu.dma_semaphore, #tpu.memory_space<semaphore_mem>>) src(%dma_wait3A_265 : memref<64x128xf32, #tpu.memory_space<hbm>>) dst(%arg19 : memref<64x128xf32, #tpu.memory_space<vmem>>)
      %dma_wait3A_266 = arith.constant 0 : i32
      %dma_wait3A_267 = arith.constant 0 : i32
      %dma_wait3A_268 = tpu.memref_slice %arg9[%dma_wait3A_266, %dma_wait3A_267] : memref<10112x128xf32, #tpu.memory_space<hbm>> -> memref<64x128xf32, #tpu.memory_space<hbm>>
      %dma_wait3A_269 = arith.constant 0 : i32
      %dma_wait3A_270 = arith.constant 0 : i32
      %dma_wait3A_271 = tpu.memref_slice %arg9[%dma_wait3A_269, %dma_wait3A_270] : memref<10112x128xf32, #tpu.memory_space<hbm>> -> memref<64x128xf32, #tpu.memory_space<hbm>>
      tpu.wait_dma2 semaphore(%arg25 : memref<!tpu.dma_semaphore, #tpu.memory_space<semaphore_mem>>) src(%dma_wait3A_271 : memref<64x128xf32, #tpu.memory_space<hbm>>) dst(%arg21 : memref<64x128xf32, #tpu.memory_space<vmem>>)
      %scan3A_272 = arith.constant 0 : i32
      %scan3A_273 = arith.constant 0 : i32
      %scan3A_274 = arith.constant 64 : i32
      %scan3A_275 = arith.addi %scan3A_273, %scan3A_274 : i32
      %scan3A_276 = arith.constant 1 : i32
      %scan3A_277 = scf.for %scan3A_280 = %scan3A_273 to %scan3A_275 step %scan3A_276 iter_args(%scan3A_281 = %scan3A_272) -> (i32)  : i32 {
        %get3A = arith.index_cast %scan3A_280 : i32 to index
        %get3A_282 = arith.constant 64 : index
        %get3A_283 = tpu.vector_load %arg19[%get3A, %get3A_282] {strides = array<i32>} : memref<64x128xf32, #tpu.memory_space<vmem>>, vector<1x16xf32>,
        %get3A_284 = vector.shape_cast %get3A_283 : vector<1x16xf32> to vector<16xf32>
        %get3A_285 = arith.index_cast %scan3A_280 : i32 to index
        %get3A_286 = arith.constant 0 : index
        %get3A_287 = tpu.vector_load %arg21[%get3A_285, %get3A_286] {strides = array<i32>} : memref<64x128xf32, #tpu.memory_space<vmem>>, vector<1x16xf32>,
        %get3A_288 = vector.shape_cast %get3A_287 : vector<1x16xf32> to vector<16xf32>
        %add3A_289 = arith.addf %get3A_284, %get3A_288 : vector<16xf32>
        %ge3A = arith.constant 0.000000e+00 : f32
        %ge3A_290 = vector.broadcast %ge3A : f32 to vector<16xf32>
        %ge3A_291 = arith.cmpf oge, %add3A_289, %ge3A_290 : vector<16xf32>
        %mul3A_292 = arith.constant 2.000000e-01 : f32
        %mul3A_293 = vector.broadcast %mul3A_292 : f32 to vector<16xf32>
        %mul3A_294 = arith.mulf %mul3A_293, %add3A_289 : vector<16xf32>
        %select_n3A = arith.select %ge3A_291, %add3A_289, %mul3A_294 : vector<16xi1>, vector<16xf32>
        %exp3A = math.exp %select_n3A : vector<16xf32>
        %swap3A = arith.index_cast %scan3A_280 : i32 to index
        %swap3A_295 = arith.constant 64 : index
        %swap3A_296 = tpu.vector_load %arg22[%swap3A, %swap3A_295] {strides = array<i32>} : memref<64x128xf32, #tpu.memory_space<vmem>>, vector<1x16xf32>,
        %swap3A_297 = vector.shape_cast %swap3A_296 : vector<1x16xf32> to vector<16xf32>
        %swap3A_298 = vector.shape_cast %exp3A : vector<16xf32> to vector<1x16xf32>
        tpu.vector_store %arg22[%swap3A, %swap3A_295], %swap3A_298 {strides = array<i32>} : memref<64x128xf32, #tpu.memory_space<vmem>>, vector<1x16xf32>,
        %get3A_299 = arith.index_cast %scan3A_280 : i32 to index
        %get3A_300 = arith.constant 0 : index
        %get3A_301 = tpu.vector_load %arg19[%get3A_299, %get3A_300] {strides = array<i32>} : memref<64x128xf32, #tpu.memory_space<vmem>>, vector<1x16xf32>,
        %get3A_302 = vector.shape_cast %get3A_301 : vector<1x16xf32> to vector<16xf32>
        %mul3A_303 = arith.mulf %get3A_302, %exp3A : vector<16xf32>
        %swap3A_304 = arith.index_cast %scan3A_280 : i32 to index
        %swap3A_305 = arith.constant 0 : index
        %swap3A_306 = tpu.vector_load %arg22[%swap3A_304, %swap3A_305] {strides = array<i32>} : memref<64x128xf32, #tpu.memory_space<vmem>>, vector<1x16xf32>,
        %swap3A_307 = vector.shape_cast %swap3A_306 : vector<1x16xf32> to vector<16xf32>
        %swap3A_308 = vector.shape_cast %mul3A_303 : vector<16xf32> to vector<1x16xf32>
        tpu.vector_store %arg22[%swap3A_304, %swap3A_305], %swap3A_308 {strides = array<i32>} : memref<64x128xf32, #tpu.memory_space<vmem>>, vector<1x16xf32>,
        %get3A_309 = arith.index_cast %scan3A_280 : i32 to index
        %get3A_310 = arith.constant 16 : index
        %get3A_311 = tpu.vector_load %arg19[%get3A_309, %get3A_310] {strides = array<i32>} : memref<64x128xf32, #tpu.memory_space<vmem>>, vector<1x16xf32>,
        %get3A_312 = vector.shape_cast %get3A_311 : vector<1x16xf32> to vector<16xf32>
        %mul3A_313 = arith.mulf %get3A_312, %exp3A : vector<16xf32>
        %swap3A_314 = arith.index_cast %scan3A_280 : i32 to index
        %swap3A_315 = arith.constant 16 : index
        %swap3A_316 = tpu.vector_load %arg22[%swap3A_314, %swap3A_315] {strides = array<i32>} : memref<64x128xf32, #tpu.memory_space<vmem>>, vector<1x16xf32>,
        %swap3A_317 = vector.shape_cast %swap3A_316 : vector<1x16xf32> to vector<16xf32>
        %swap3A_318 = vector.shape_cast %mul3A_313 : vector<16xf32> to vector<1x16xf32>
        tpu.vector_store %arg22[%swap3A_314, %swap3A_315], %swap3A_318 {strides = array<i32>} : memref<64x128xf32, #tpu.memory_space<vmem>>, vector<1x16xf32>,
        %get3A_319 = arith.index_cast %scan3A_280 : i32 to index
        %get3A_320 = arith.constant 32 : index
        %get3A_321 = tpu.vector_load %arg19[%get3A_319, %get3A_320] {strides = array<i32>} : memref<64x128xf32, #tpu.memory_space<vmem>>, vector<1x16xf32>,
        %get3A_322 = vector.shape_cast %get3A_321 : vector<1x16xf32> to vector<16xf32>
        %mul3A_323 = arith.mulf %get3A_322, %exp3A : vector<16xf32>
        %swap3A_324 = arith.index_cast %scan3A_280 : i32 to index
        %swap3A_325 = arith.constant 32 : index
        %swap3A_326 = tpu.vector_load %arg22[%swap3A_324, %swap3A_325] {strides = array<i32>} : memref<64x128xf32, #tpu.memory_space<vmem>>, vector<1x16xf32>,
        %swap3A_327 = vector.shape_cast %swap3A_326 : vector<1x16xf32> to vector<16xf32>
        %swap3A_328 = vector.shape_cast %mul3A_323 : vector<16xf32> to vector<1x16xf32>
        tpu.vector_store %arg22[%swap3A_324, %swap3A_325], %swap3A_328 {strides = array<i32>} : memref<64x128xf32, #tpu.memory_space<vmem>>, vector<1x16xf32>,
        %get3A_329 = arith.index_cast %scan3A_280 : i32 to index
        %get3A_330 = arith.constant 48 : index
        %get3A_331 = tpu.vector_load %arg19[%get3A_329, %get3A_330] {strides = array<i32>} : memref<64x128xf32, #tpu.memory_space<vmem>>, vector<1x16xf32>,
        %get3A_332 = vector.shape_cast %get3A_331 : vector<1x16xf32> to vector<16xf32>
        %mul3A_333 = arith.mulf %get3A_332, %exp3A : vector<16xf32>
        %swap3A_334 = arith.index_cast %scan3A_280 : i32 to index
        %swap3A_335 = arith.constant 48 : index
        %swap3A_336 = tpu.vector_load %arg22[%swap3A_334, %swap3A_335] {strides = array<i32>} : memref<64x128xf32, #tpu.memory_space<vmem>>, vector<1x16xf32>,
        %swap3A_337 = vector.shape_cast %swap3A_336 : vector<1x16xf32> to vector<16xf32>
        %swap3A_338 = vector.shape_cast %mul3A_333 : vector<16xf32> to vector<1x16xf32>
        tpu.vector_store %arg22[%swap3A_334, %swap3A_335], %swap3A_338 {strides = array<i32>} : memref<64x128xf32, #tpu.memory_space<vmem>>, vector<1x16xf32>,
        %scan3A_339 = arith.constant 0 : i32
        scf.yield %scan3A_339 : i32
      }
      %scan3A_278 = arith.constant 64 : i32
      "tpu.region"() ({
        %run_scoped3A = tpu.sem_alloc : memref<!tpu.dma_semaphore, #tpu.memory_space<semaphore_mem>>
        %dma_start3A_280 = arith.constant 0 : i32
        %dma_start3A_281 = arith.constant 0 : i32
        %dma_start3A_282 = tpu.memref_slice %arg23[%dma_start3A_280, %dma_start3A_281] : memref<10112x128xf32, #tpu.memory_space<vmem_shared>> -> memref<10112x128xf32, #tpu.memory_space<vmem_shared>>
        tpu.enqueue_indirect_dma source(%arg22 : memref<64x128xf32, #tpu.memory_space<vmem>>) target(%dma_start3A_282 : memref<10112x128xf32, #tpu.memory_space<vmem_shared>>) offsets(%arg17 : memref<64xi32, #tpu.memory_space<vmem>>) semaphore(%run_scoped3A : memref<!tpu.dma_semaphore, #tpu.memory_space<semaphore_mem>>) {add = true}
        %dma_wait3A_283 = arith.constant 0 : i32
        %dma_wait3A_284 = arith.constant 0 : i32
        %dma_wait3A_285 = tpu.memref_slice %arg23[%dma_wait3A_283, %dma_wait3A_284] : memref<10112x128xf32, #tpu.memory_space<vmem_shared>> -> memref<10112x128xf32, #tpu.memory_space<vmem_shared>>
        tpu.wait_indirect_dma semaphore(%run_scoped3A : memref<!tpu.dma_semaphore, #tpu.memory_space<semaphore_mem>>) src(%arg22 : memref<64x128xf32, #tpu.memory_space<vmem>>) dst(%dma_wait3A_285 : memref<10112x128xf32, #tpu.memory_space<vmem_shared>>)
        tpu.yield
      }) : () -> ()
      %scan3A_279 = arith.constant 0 : i32
      scf.yield %scan3A_279 : i32
    }
    %scan3A_19 = arith.constant 79 : i32
    %dma_wait3A = arith.constant 0 : i32
    %dma_wait3A_20 = arith.constant 0 : i32
    %dma_wait3A_21 = tpu.memref_slice %arg5[%dma_wait3A, %dma_wait3A_20] : memref<10112x128xf32, #tpu.memory_space<hbm>> -> memref<64x128xf32, #tpu.memory_space<hbm>>
    %dma_wait3A_22 = arith.constant 0 : i32
    %dma_wait3A_23 = arith.constant 0 : i32
    %dma_wait3A_24 = tpu.memref_slice %arg5[%dma_wait3A_22, %dma_wait3A_23] : memref<10112x128xf32, #tpu.memory_space<hbm>> -> memref<64x128xf32, #tpu.memory_space<hbm>>
    tpu.wait_dma2 semaphore(%arg24 : memref<!tpu.dma_semaphore, #tpu.memory_space<semaphore_mem>>) src(%dma_wait3A_24 : memref<64x128xf32, #tpu.memory_space<hbm>>) dst(%arg18 : memref<64x128xf32, #tpu.memory_space<vmem>>)
    %dma_wait3A_25 = arith.constant 0 : i32
    %dma_wait3A_26 = arith.constant 0 : i32
    %dma_wait3A_27 = tpu.memref_slice %arg9[%dma_wait3A_25, %dma_wait3A_26] : memref<10112x128xf32, #tpu.memory_space<hbm>> -> memref<64x128xf32, #tpu.memory_space<hbm>>
    %dma_wait3A_28 = arith.constant 0 : i32
    %dma_wait3A_29 = arith.constant 0 : i32
    %dma_wait3A_30 = tpu.memref_slice %arg9[%dma_wait3A_28, %dma_wait3A_29] : memref<10112x128xf32, #tpu.memory_space<hbm>> -> memref<64x128xf32, #tpu.memory_space<hbm>>
    tpu.wait_dma2 semaphore(%arg24 : memref<!tpu.dma_semaphore, #tpu.memory_space<semaphore_mem>>) src(%dma_wait3A_30 : memref<64x128xf32, #tpu.memory_space<hbm>>) dst(%arg20 : memref<64x128xf32, #tpu.memory_space<vmem>>)
    %scan3A_31 = arith.constant 0 : i32
    %scan3A_32 = arith.constant 0 : i32
    %scan3A_33 = arith.constant 64 : i32
    %scan3A_34 = arith.addi %scan3A_32, %scan3A_33 : i32
    %scan3A_35 = arith.constant 1 : i32
    %scan3A_36 = scf.for %scan3A_205 = %scan3A_32 to %scan3A_34 step %scan3A_35 iter_args(%scan3A_206 = %scan3A_31) -> (i32)  : i32 {
      %get3A = arith.index_cast %scan3A_205 : i32 to index
      %get3A_207 = arith.constant 64 : index
      %get3A_208 = tpu.vector_load %arg18[%get3A, %get3A_207] {strides = array<i32>} : memref<64x128xf32, #tpu.memory_space<vmem>>, vector<1x16xf32>,
      %get3A_209 = vector.shape_cast %get3A_208 : vector<1x16xf32> to vector<16xf32>
      %get3A_210 = arith.index_cast %scan3A_205 : i32 to index
      %get3A_211 = arith.constant 0 : index
      %get3A_212 = tpu.vector_load %arg20[%get3A_210, %get3A_211] {strides = array<i32>} : memref<64x128xf32, #tpu.memory_space<vmem>>, vector<1x16xf32>,
      %get3A_213 = vector.shape_cast %get3A_212 : vector<1x16xf32> to vector<16xf32>
      %add3A_214 = arith.addf %get3A_209, %get3A_213 : vector<16xf32>
      %ge3A = arith.constant 0.000000e+00 : f32
      %ge3A_215 = vector.broadcast %ge3A : f32 to vector<16xf32>
      %ge3A_216 = arith.cmpf oge, %add3A_214, %ge3A_215 : vector<16xf32>
      %mul3A_217 = arith.constant 2.000000e-01 : f32
      %mul3A_218 = vector.broadcast %mul3A_217 : f32 to vector<16xf32>
      %mul3A_219 = arith.mulf %mul3A_218, %add3A_214 : vector<16xf32>
      %select_n3A = arith.select %ge3A_216, %add3A_214, %mul3A_219 : vector<16xi1>, vector<16xf32>
      %exp3A = math.exp %select_n3A : vector<16xf32>
      %swap3A = arith.index_cast %scan3A_205 : i32 to index
      %swap3A_220 = arith.constant 64 : index
      %swap3A_221 = tpu.vector_load %arg22[%swap3A, %swap3A_220] {strides = array<i32>} : memref<64x128xf32, #tpu.memory_space<vmem>>, vector<1x16xf32>,
      %swap3A_222 = vector.shape_cast %swap3A_221 : vector<1x16xf32> to vector<16xf32>
      %swap3A_223 = vector.shape_cast %exp3A : vector<16xf32> to vector<1x16xf32>
      tpu.vector_store %arg22[%swap3A, %swap3A_220], %swap3A_223 {strides = array<i32>} : memref<64x128xf32, #tpu.memory_space<vmem>>, vector<1x16xf32>,
      %get3A_224 = arith.index_cast %scan3A_205 : i32 to index
      %get3A_225 = arith.constant 0 : index
      %get3A_226 = tpu.vector_load %arg18[%get3A_224, %get3A_225] {strides = array<i32>} : memref<64x128xf32, #tpu.memory_space<vmem>>, vector<1x16xf32>,
      %get3A_227 = vector.shape_cast %get3A_226 : vector<1x16xf32> to vector<16xf32>
      %mul3A_228 = arith.mulf %get3A_227, %exp3A : vector<16xf32>
      %swap3A_229 = arith.index_cast %scan3A_205 : i32 to index
      %swap3A_230 = arith.constant 0 : index
      %swap3A_231 = tpu.vector_load %arg22[%swap3A_229, %swap3A_230] {strides = array<i32>} : memref<64x128xf32, #tpu.memory_space<vmem>>, vector<1x16xf32>,
      %swap3A_232 = vector.shape_cast %swap3A_231 : vector<1x16xf32> to vector<16xf32>
      %swap3A_233 = vector.shape_cast %mul3A_228 : vector<16xf32> to vector<1x16xf32>
      tpu.vector_store %arg22[%swap3A_229, %swap3A_230], %swap3A_233 {strides = array<i32>} : memref<64x128xf32, #tpu.memory_space<vmem>>, vector<1x16xf32>,
      %get3A_234 = arith.index_cast %scan3A_205 : i32 to index
      %get3A_235 = arith.constant 16 : index
      %get3A_236 = tpu.vector_load %arg18[%get3A_234, %get3A_235] {strides = array<i32>} : memref<64x128xf32, #tpu.memory_space<vmem>>, vector<1x16xf32>,
      %get3A_237 = vector.shape_cast %get3A_236 : vector<1x16xf32> to vector<16xf32>
      %mul3A_238 = arith.mulf %get3A_237, %exp3A : vector<16xf32>
      %swap3A_239 = arith.index_cast %scan3A_205 : i32 to index
      %swap3A_240 = arith.constant 16 : index
      %swap3A_241 = tpu.vector_load %arg22[%swap3A_239, %swap3A_240] {strides = array<i32>} : memref<64x128xf32, #tpu.memory_space<vmem>>, vector<1x16xf32>,
      %swap3A_242 = vector.shape_cast %swap3A_241 : vector<1x16xf32> to vector<16xf32>
      %swap3A_243 = vector.shape_cast %mul3A_238 : vector<16xf32> to vector<1x16xf32>
      tpu.vector_store %arg22[%swap3A_239, %swap3A_240], %swap3A_243 {strides = array<i32>} : memref<64x128xf32, #tpu.memory_space<vmem>>, vector<1x16xf32>,
      %get3A_244 = arith.index_cast %scan3A_205 : i32 to index
      %get3A_245 = arith.constant 32 : index
      %get3A_246 = tpu.vector_load %arg18[%get3A_244, %get3A_245] {strides = array<i32>} : memref<64x128xf32, #tpu.memory_space<vmem>>, vector<1x16xf32>,
      %get3A_247 = vector.shape_cast %get3A_246 : vector<1x16xf32> to vector<16xf32>
      %mul3A_248 = arith.mulf %get3A_247, %exp3A : vector<16xf32>
      %swap3A_249 = arith.index_cast %scan3A_205 : i32 to index
      %swap3A_250 = arith.constant 32 : index
      %swap3A_251 = tpu.vector_load %arg22[%swap3A_249, %swap3A_250] {strides = array<i32>} : memref<64x128xf32, #tpu.memory_space<vmem>>, vector<1x16xf32>,
      %swap3A_252 = vector.shape_cast %swap3A_251 : vector<1x16xf32> to vector<16xf32>
      %swap3A_253 = vector.shape_cast %mul3A_248 : vector<16xf32> to vector<1x16xf32>
      tpu.vector_store %arg22[%swap3A_249, %swap3A_250], %swap3A_253 {strides = array<i32>} : memref<64x128xf32, #tpu.memory_space<vmem>>, vector<1x16xf32>,
      %get3A_254 = arith.index_cast %scan3A_205 : i32 to index
      %get3A_255 = arith.constant 48 : index
      %get3A_256 = tpu.vector_load %arg18[%get3A_254, %get3A_255] {strides = array<i32>} : memref<64x128xf32, #tpu.memory_space<vmem>>, vector<1x16xf32>,
      %get3A_257 = vector.shape_cast %get3A_256 : vector<1x16xf32> to vector<16xf32>
      %mul3A_258 = arith.mulf %get3A_257, %exp3A : vector<16xf32>
      %swap3A_259 = arith.index_cast %scan3A_205 : i32 to index
      %swap3A_260 = arith.constant 48 : index
      %swap3A_261 = tpu.vector_load %arg22[%swap3A_259, %swap3A_260] {strides = array<i32>} : memref<64x128xf32, #tpu.memory_space<vmem>>, vector<1x16xf32>,
      %swap3A_262 = vector.shape_cast %swap3A_261 : vector<1x16xf32> to vector<16xf32>
      %swap3A_263 = vector.shape_cast %mul3A_258 : vector<16xf32> to vector<1x16xf32>
      tpu.vector_store %arg22[%swap3A_259, %swap3A_260], %swap3A_263 {strides = array<i32>} : memref<64x128xf32, #tpu.memory_space<vmem>>, vector<1x16xf32>,
      %scan3A_264 = arith.constant 0 : i32
      scf.yield %scan3A_264 : i32
    }
    %scan3A_37 = arith.constant 64 : i32
    "tpu.region"() ({
      %run_scoped3A = tpu.sem_alloc : memref<!tpu.dma_semaphore, #tpu.memory_space<semaphore_mem>>
      %dma_start3A_205 = arith.constant 0 : i32
      %dma_start3A_206 = arith.constant 0 : i32
      %dma_start3A_207 = tpu.memref_slice %arg23[%dma_start3A_205, %dma_start3A_206] : memref<10112x128xf32, #tpu.memory_space<vmem_shared>> -> memref<10112x128xf32, #tpu.memory_space<vmem_shared>>
      tpu.enqueue_indirect_dma source(%arg22 : memref<64x128xf32, #tpu.memory_space<vmem>>) target(%dma_start3A_207 : memref<10112x128xf32, #tpu.memory_space<vmem_shared>>) offsets(%arg16 : memref<64xi32, #tpu.memory_space<vmem>>) semaphore(%run_scoped3A : memref<!tpu.dma_semaphore, #tpu.memory_space<semaphore_mem>>) {add = true}
      %dma_wait3A_208 = arith.constant 0 : i32
      %dma_wait3A_209 = arith.constant 0 : i32
      %dma_wait3A_210 = tpu.memref_slice %arg23[%dma_wait3A_208, %dma_wait3A_209] : memref<10112x128xf32, #tpu.memory_space<vmem_shared>> -> memref<10112x128xf32, #tpu.memory_space<vmem_shared>>
      tpu.wait_indirect_dma semaphore(%run_scoped3A : memref<!tpu.dma_semaphore, #tpu.memory_space<semaphore_mem>>) src(%arg22 : memref<64x128xf32, #tpu.memory_space<vmem>>) dst(%dma_wait3A_210 : memref<10112x128xf32, #tpu.memory_space<vmem_shared>>)
      tpu.yield
    }) : () -> ()
    %barrier3A_38 = arith.constant 0 : index
    tpu.barrier barrier_id(%barrier3A_38)
    %add3A_39 = arith.constant 0 : i32
    %add3A_40 = arith.addi %add3A_39, %arg0 : i32
    %mul3A_41 = arith.constant 10112 : i32
    %mul3A_42 = arith.muli %add3A_40, %mul3A_41 : i32
    %mul3A_43 = arith.constant 632 : i32
    %mul3A_44 = arith.muli %arg1, %mul3A_43 : i32
    %add3A_45 = arith.addi %mul3A_42, %mul3A_44 : i32
    %mul3A_46 = arith.constant 632 : i32
    %mul3A_47 = arith.muli %arg1, %mul3A_46 : i32
    "tpu.region"() ({
      %run_scoped3A = tpu.sem_alloc : memref<!tpu.dma_semaphore, #tpu.memory_space<semaphore_mem>>
      %dma_start3A_205 = arith.constant 0 : i32
      %dma_start3A_206 = tpu.memref_slice %arg13[%add3A_45, %dma_start3A_205] : memref<80896x128xf32, #tpu.memory_space<hbm>> -> memref<632x128xf32, #tpu.memory_space<hbm>>
      %dma_start3A_207 = arith.constant 0 : i32
      %dma_start3A_208 = tpu.memref_slice %arg23[%mul3A_47, %dma_start3A_207] : memref<10112x128xf32, #tpu.memory_space<vmem_shared>> -> memref<632x128xf32, #tpu.memory_space<vmem_shared>>
      tpu.enqueue_dma source(%dma_start3A_208 : memref<632x128xf32, #tpu.memory_space<vmem_shared>>) target(%dma_start3A_206 : memref<632x128xf32, #tpu.memory_space<hbm>>) target_semaphore(%run_scoped3A : memref<!tpu.dma_semaphore, #tpu.memory_space<semaphore_mem>>)
      %dma_wait3A_209 = arith.constant 0 : i32
      %dma_wait3A_210 = tpu.memref_slice %arg13[%add3A_45, %dma_wait3A_209] : memref<80896x128xf32, #tpu.memory_space<hbm>> -> memref<632x128xf32, #tpu.memory_space<hbm>>
      %dma_wait3A_211 = arith.constant 0 : i32
      %dma_wait3A_212 = tpu.memref_slice %arg23[%mul3A_47, %dma_wait3A_211] : memref<10112x128xf32, #tpu.memory_space<vmem_shared>> -> memref<632x128xf32, #tpu.memory_space<vmem_shared>>
      tpu.wait_dma2 semaphore(%run_scoped3A : memref<!tpu.dma_semaphore, #tpu.memory_space<semaphore_mem>>) src(%dma_wait3A_212 : memref<632x128xf32, #tpu.memory_space<vmem_shared>>) dst(%dma_wait3A_210 : memref<632x128xf32, #tpu.memory_space<hbm>>)
      tpu.yield
    }) : () -> ()
    %barrier3A_48 = arith.constant 0 : index
    tpu.barrier barrier_id(%barrier3A_48)
    %mul3A_49 = arith.constant 632 : i32
    %mul3A_50 = arith.muli %arg1, %mul3A_49 : i32
    "tpu.region"() ({
      %run_scoped3A = tpu.sem_alloc : memref<!tpu.dma_semaphore, #tpu.memory_space<semaphore_mem>>
      %dma_start3A_205 = arith.constant 0 : i32
      %dma_start3A_206 = tpu.memref_slice %arg23[%mul3A_50, %dma_start3A_205] : memref<10112x128xf32, #tpu.memory_space<vmem_shared>> -> memref<632x128xf32, #tpu.memory_space<vmem_shared>>
      tpu.enqueue_dma source(%arg4 : memref<632x128xf32, #tpu.memory_space<hbm>>) target(%dma_start3A_206 : memref<632x128xf32, #tpu.memory_space<vmem_shared>>) target_semaphore(%run_scoped3A : memref<!tpu.dma_semaphore, #tpu.memory_space<semaphore_mem>>)
      %dma_wait3A_207 = arith.constant 0 : i32
      %dma_wait3A_208 = tpu.memref_slice %arg23[%mul3A_50, %dma_wait3A_207] : memref<10112x128xf32, #tpu.memory_space<vmem_shared>> -> memref<632x128xf32, #tpu.memory_space<vmem_shared>>
      tpu.wait_dma2 semaphore(%run_scoped3A : memref<!tpu.dma_semaphore, #tpu.memory_space<semaphore_mem>>) src(%arg4 : memref<632x128xf32, #tpu.memory_space<hbm>>) dst(%dma_wait3A_208 : memref<632x128xf32, #tpu.memory_space<vmem_shared>>)
      tpu.yield
    }) : () -> ()
    "tpu.region"() ({
      %run_scoped3A = tpu.sem_alloc : memref<!tpu.dma_semaphore, #tpu.memory_space<semaphore_mem>>
      %dma_start3A_205 = arith.constant 0 : i32
      %dma_start3A_206 = arith.constant 0 : i32
      %dma_start3A_207 = tpu.memref_slice %arg4[%dma_start3A_205, %dma_start3A_206] : memref<632x128xf32, #tpu.memory_space<hbm>> -> memref<64x128xf32, #tpu.memory_space<hbm>>
      %dma_start3A_208 = arith.constant 0 : i32
      %dma_start3A_209 = arith.constant 0 : i32
      %dma_start3A_210 = tpu.memref_slice %arg4[%dma_start3A_208, %dma_start3A_209] : memref<632x128xf32, #tpu.memory_space<hbm>> -> memref<64x128xf32, #tpu.memory_space<hbm>>
      tpu.enqueue_dma source(%dma_start3A_210 : memref<64x128xf32, #tpu.memory_space<hbm>>) target(%arg22 : memref<64x128xf32, #tpu.memory_space<vmem>>) target_semaphore(%run_scoped3A : memref<!tpu.dma_semaphore, #tpu.memory_space<semaphore_mem>>)
      %dma_wait3A_211 = arith.constant 0 : i32
      %dma_wait3A_212 = arith.constant 0 : i32
      %dma_wait3A_213 = tpu.memref_slice %arg4[%dma_wait3A_211, %dma_wait3A_212] : memref<632x128xf32, #tpu.memory_space<hbm>> -> memref<64x128xf32, #tpu.memory_space<hbm>>
      %dma_wait3A_214 = arith.constant 0 : i32
      %dma_wait3A_215 = arith.constant 0 : i32
      %dma_wait3A_216 = tpu.memref_slice %arg4[%dma_wait3A_214, %dma_wait3A_215] : memref<632x128xf32, #tpu.memory_space<hbm>> -> memref<64x128xf32, #tpu.memory_space<hbm>>
      tpu.wait_dma2 semaphore(%run_scoped3A : memref<!tpu.dma_semaphore, #tpu.memory_space<semaphore_mem>>) src(%dma_wait3A_216 : memref<64x128xf32, #tpu.memory_space<hbm>>) dst(%arg22 : memref<64x128xf32, #tpu.memory_space<vmem>>)
      tpu.yield
    }) : () -> ()
    %barrier3A_51 = arith.constant 0 : index
    tpu.barrier barrier_id(%barrier3A_51)
    %mul3A_52 = arith.constant 32 : i32
    %mul3A_53 = arith.constant 0 : i32
    %mul3A_54 = arith.muli %mul3A_52, %mul3A_53 : i32
    %add3A_55 = arith.addi %add3A, %mul3A_54 : i32
    %mul3A_56 = arith.constant 64 : i32
    %mul3A_57 = arith.muli %add3A_55, %mul3A_56 : i32
    "tpu.region"() ({
      %run_scoped3A = tpu.sem_alloc : memref<!tpu.dma_semaphore, #tpu.memory_space<semaphore_mem>>
      %dma_start3A_205 = tpu.memref_slice %arg2[%mul3A_57] : memref<325632xi32, #tpu.memory_space<hbm>> -> memref<64xi32, #tpu.memory_space<hbm>>
      %dma_start3A_206 = tpu.memref_slice %arg2[%mul3A_57] : memref<325632xi32, #tpu.memory_space<hbm>> -> memref<64xi32, #tpu.memory_space<hbm>>
      tpu.enqueue_dma source(%dma_start3A_206 : memref<64xi32, #tpu.memory_space<hbm>>) target(%arg14 : memref<64xi32, #tpu.memory_space<vmem>>) target_semaphore(%run_scoped3A : memref<!tpu.dma_semaphore, #tpu.memory_space<semaphore_mem>>)
      %dma_wait3A_207 = tpu.memref_slice %arg2[%mul3A_57] : memref<325632xi32, #tpu.memory_space<hbm>> -> memref<64xi32, #tpu.memory_space<hbm>>
      %dma_wait3A_208 = tpu.memref_slice %arg2[%mul3A_57] : memref<325632xi32, #tpu.memory_space<hbm>> -> memref<64xi32, #tpu.memory_space<hbm>>
      tpu.wait_dma2 semaphore(%run_scoped3A : memref<!tpu.dma_semaphore, #tpu.memory_space<semaphore_mem>>) src(%dma_wait3A_208 : memref<64xi32, #tpu.memory_space<hbm>>) dst(%arg14 : memref<64xi32, #tpu.memory_space<vmem>>)
      tpu.yield
    }) : () -> ()
    "tpu.region"() ({
      %run_scoped3A = tpu.sem_alloc : memref<!tpu.dma_semaphore, #tpu.memory_space<semaphore_mem>>
      %dma_start3A_205 = tpu.memref_slice %arg3[%mul3A_57] : memref<325632xi32, #tpu.memory_space<hbm>> -> memref<64xi32, #tpu.memory_space<hbm>>
      %dma_start3A_206 = tpu.memref_slice %arg3[%mul3A_57] : memref<325632xi32, #tpu.memory_space<hbm>> -> memref<64xi32, #tpu.memory_space<hbm>>
      tpu.enqueue_dma source(%dma_start3A_206 : memref<64xi32, #tpu.memory_space<hbm>>) target(%arg16 : memref<64xi32, #tpu.memory_space<vmem>>) target_semaphore(%run_scoped3A : memref<!tpu.dma_semaphore, #tpu.memory_space<semaphore_mem>>)
      %dma_wait3A_207 = tpu.memref_slice %arg3[%mul3A_57] : memref<325632xi32, #tpu.memory_space<hbm>> -> memref<64xi32, #tpu.memory_space<hbm>>
      %dma_wait3A_208 = tpu.memref_slice %arg3[%mul3A_57] : memref<325632xi32, #tpu.memory_space<hbm>> -> memref<64xi32, #tpu.memory_space<hbm>>
      tpu.wait_dma2 semaphore(%run_scoped3A : memref<!tpu.dma_semaphore, #tpu.memory_space<semaphore_mem>>) src(%dma_wait3A_208 : memref<64xi32, #tpu.memory_space<hbm>>) dst(%arg16 : memref<64xi32, #tpu.memory_space<vmem>>)
      tpu.yield
    }) : () -> ()
    %dma_start3A_58 = arith.constant 0 : i32
    %dma_start3A_59 = arith.constant 0 : i32
    %dma_start3A_60 = tpu.memref_slice %arg6[%dma_start3A_58, %dma_start3A_59] : memref<10112x128xf32, #tpu.memory_space<hbm>> -> memref<10112x128xf32, #tpu.memory_space<hbm>>
    tpu.enqueue_indirect_dma source(%dma_start3A_60 : memref<10112x128xf32, #tpu.memory_space<hbm>>) target(%arg18 : memref<64x128xf32, #tpu.memory_space<vmem>>) offsets(%arg14 : memref<64xi32, #tpu.memory_space<vmem>>) semaphore(%arg24 : memref<!tpu.dma_semaphore, #tpu.memory_space<semaphore_mem>>)
    %dma_start3A_61 = arith.constant 0 : i32
    %dma_start3A_62 = arith.constant 0 : i32
    %dma_start3A_63 = tpu.memref_slice %arg10[%dma_start3A_61, %dma_start3A_62] : memref<10112x128xf32, #tpu.memory_space<hbm>> -> memref<10112x128xf32, #tpu.memory_space<hbm>>
    tpu.enqueue_indirect_dma source(%dma_start3A_63 : memref<10112x128xf32, #tpu.memory_space<hbm>>) target(%arg20 : memref<64x128xf32, #tpu.memory_space<vmem>>) offsets(%arg16 : memref<64xi32, #tpu.memory_space<vmem>>) semaphore(%arg24 : memref<!tpu.dma_semaphore, #tpu.memory_space<semaphore_mem>>)
    %scan3A_64 = arith.constant 0 : i32
    %scan3A_65 = arith.constant 0 : i32
    %scan3A_66 = arith.constant 79 : i32
    %scan3A_67 = arith.addi %scan3A_65, %scan3A_66 : i32
    %scan3A_68 = arith.constant 1 : i32
    %scan3A_69 = scf.for %scan3A_205 = %scan3A_65 to %scan3A_67 step %scan3A_68 iter_args(%scan3A_206 = %scan3A_64) -> (i32)  : i32 {
      %mul3A_207 = arith.constant 2 : i32
      %mul3A_208 = arith.muli %mul3A_207, %scan3A_205 : i32
      %add3A_209 = arith.constant 0 : i32
      %add3A_210 = arith.addi %mul3A_208, %add3A_209 : i32
      %add3A_211 = arith.constant 1 : i32
      %add3A_212 = arith.addi %add3A_210, %add3A_211 : i32
      %mul3A_213 = arith.constant 32 : i32
      %mul3A_214 = arith.muli %mul3A_213, %add3A_212 : i32
      %add3A_215 = arith.addi %add3A, %mul3A_214 : i32
      %mul3A_216 = arith.constant 64 : i32
      %mul3A_217 = arith.muli %add3A_215, %mul3A_216 : i32
      "tpu.region"() ({
        %run_scoped3A = tpu.sem_alloc : memref<!tpu.dma_semaphore, #tpu.memory_space<semaphore_mem>>
        %dma_start3A_280 = tpu.memref_slice %arg2[%mul3A_217] : memref<325632xi32, #tpu.memory_space<hbm>> -> memref<64xi32, #tpu.memory_space<hbm>>
        %dma_start3A_281 = tpu.memref_slice %arg2[%mul3A_217] : memref<325632xi32, #tpu.memory_space<hbm>> -> memref<64xi32, #tpu.memory_space<hbm>>
        tpu.enqueue_dma source(%dma_start3A_281 : memref<64xi32, #tpu.memory_space<hbm>>) target(%arg15 : memref<64xi32, #tpu.memory_space<vmem>>) target_semaphore(%run_scoped3A : memref<!tpu.dma_semaphore, #tpu.memory_space<semaphore_mem>>)
        %dma_wait3A_282 = tpu.memref_slice %arg2[%mul3A_217] : memref<325632xi32, #tpu.memory_space<hbm>> -> memref<64xi32, #tpu.memory_space<hbm>>
        %dma_wait3A_283 = tpu.memref_slice %arg2[%mul3A_217] : memref<325632xi32, #tpu.memory_space<hbm>> -> memref<64xi32, #tpu.memory_space<hbm>>
        tpu.wait_dma2 semaphore(%run_scoped3A : memref<!tpu.dma_semaphore, #tpu.memory_space<semaphore_mem>>) src(%dma_wait3A_283 : memref<64xi32, #tpu.memory_space<hbm>>) dst(%arg15 : memref<64xi32, #tpu.memory_space<vmem>>)
        tpu.yield
      }) : () -> ()
      "tpu.region"() ({
        %run_scoped3A = tpu.sem_alloc : memref<!tpu.dma_semaphore, #tpu.memory_space<semaphore_mem>>
        %dma_start3A_280 = tpu.memref_slice %arg3[%mul3A_217] : memref<325632xi32, #tpu.memory_space<hbm>> -> memref<64xi32, #tpu.memory_space<hbm>>
        %dma_start3A_281 = tpu.memref_slice %arg3[%mul3A_217] : memref<325632xi32, #tpu.memory_space<hbm>> -> memref<64xi32, #tpu.memory_space<hbm>>
        tpu.enqueue_dma source(%dma_start3A_281 : memref<64xi32, #tpu.memory_space<hbm>>) target(%arg17 : memref<64xi32, #tpu.memory_space<vmem>>) target_semaphore(%run_scoped3A : memref<!tpu.dma_semaphore, #tpu.memory_space<semaphore_mem>>)
        %dma_wait3A_282 = tpu.memref_slice %arg3[%mul3A_217] : memref<325632xi32, #tpu.memory_space<hbm>> -> memref<64xi32, #tpu.memory_space<hbm>>
        %dma_wait3A_283 = tpu.memref_slice %arg3[%mul3A_217] : memref<325632xi32, #tpu.memory_space<hbm>> -> memref<64xi32, #tpu.memory_space<hbm>>
        tpu.wait_dma2 semaphore(%run_scoped3A : memref<!tpu.dma_semaphore, #tpu.memory_space<semaphore_mem>>) src(%dma_wait3A_283 : memref<64xi32, #tpu.memory_space<hbm>>) dst(%arg17 : memref<64xi32, #tpu.memory_space<vmem>>)
        tpu.yield
      }) : () -> ()
      %dma_start3A_218 = arith.constant 0 : i32
      %dma_start3A_219 = arith.constant 0 : i32
      %dma_start3A_220 = tpu.memref_slice %arg6[%dma_start3A_218, %dma_start3A_219] : memref<10112x128xf32, #tpu.memory_space<hbm>> -> memref<10112x128xf32, #tpu.memory_space<hbm>>
      tpu.enqueue_indirect_dma source(%dma_start3A_220 : memref<10112x128xf32, #tpu.memory_space<hbm>>) target(%arg19 : memref<64x128xf32, #tpu.memory_space<vmem>>) offsets(%arg15 : memref<64xi32, #tpu.memory_space<vmem>>) semaphore(%arg25 : memref<!tpu.dma_semaphore, #tpu.memory_space<semaphore_mem>>)
      %dma_start3A_221 = arith.constant 0 : i32
      %dma_start3A_222 = arith.constant 0 : i32
      %dma_start3A_223 = tpu.memref_slice %arg10[%dma_start3A_221, %dma_start3A_222] : memref<10112x128xf32, #tpu.memory_space<hbm>> -> memref<10112x128xf32, #tpu.memory_space<hbm>>
      tpu.enqueue_indirect_dma source(%dma_start3A_223 : memref<10112x128xf32, #tpu.memory_space<hbm>>) target(%arg21 : memref<64x128xf32, #tpu.memory_space<vmem>>) offsets(%arg17 : memref<64xi32, #tpu.memory_space<vmem>>) semaphore(%arg25 : memref<!tpu.dma_semaphore, #tpu.memory_space<semaphore_mem>>)
      %dma_wait3A_224 = arith.constant 0 : i32
      %dma_wait3A_225 = arith.constant 0 : i32
      %dma_wait3A_226 = tpu.memref_slice %arg6[%dma_wait3A_224, %dma_wait3A_225] : memref<10112x128xf32, #tpu.memory_space<hbm>> -> memref<64x128xf32, #tpu.memory_space<hbm>>
      %dma_wait3A_227 = arith.constant 0 : i32
      %dma_wait3A_228 = arith.constant 0 : i32
      %dma_wait3A_229 = tpu.memref_slice %arg6[%dma_wait3A_227, %dma_wait3A_228] : memref<10112x128xf32, #tpu.memory_space<hbm>> -> memref<64x128xf32, #tpu.memory_space<hbm>>
      tpu.wait_dma2 semaphore(%arg24 : memref<!tpu.dma_semaphore, #tpu.memory_space<semaphore_mem>>) src(%dma_wait3A_229 : memref<64x128xf32, #tpu.memory_space<hbm>>) dst(%arg18 : memref<64x128xf32, #tpu.memory_space<vmem>>)
      %dma_wait3A_230 = arith.constant 0 : i32
      %dma_wait3A_231 = arith.constant 0 : i32
      %dma_wait3A_232 = tpu.memref_slice %arg10[%dma_wait3A_230, %dma_wait3A_231] : memref<10112x128xf32, #tpu.memory_space<hbm>> -> memref<64x128xf32, #tpu.memory_space<hbm>>
      %dma_wait3A_233 = arith.constant 0 : i32
      %dma_wait3A_234 = arith.constant 0 : i32
      %dma_wait3A_235 = tpu.memref_slice %arg10[%dma_wait3A_233, %dma_wait3A_234] : memref<10112x128xf32, #tpu.memory_space<hbm>> -> memref<64x128xf32, #tpu.memory_space<hbm>>
      tpu.wait_dma2 semaphore(%arg24 : memref<!tpu.dma_semaphore, #tpu.memory_space<semaphore_mem>>) src(%dma_wait3A_235 : memref<64x128xf32, #tpu.memory_space<hbm>>) dst(%arg20 : memref<64x128xf32, #tpu.memory_space<vmem>>)
      %scan3A_236 = arith.constant 0 : i32
      %scan3A_237 = arith.constant 0 : i32
      %scan3A_238 = arith.constant 64 : i32
      %scan3A_239 = arith.addi %scan3A_237, %scan3A_238 : i32
      %scan3A_240 = arith.constant 1 : i32
      %scan3A_241 = scf.for %scan3A_280 = %scan3A_237 to %scan3A_239 step %scan3A_240 iter_args(%scan3A_281 = %scan3A_236) -> (i32)  : i32 {
        %get3A = arith.index_cast %scan3A_280 : i32 to index
        %get3A_282 = arith.constant 64 : index
        %get3A_283 = tpu.vector_load %arg18[%get3A, %get3A_282] {strides = array<i32>} : memref<64x128xf32, #tpu.memory_space<vmem>>, vector<1x16xf32>,
        %get3A_284 = vector.shape_cast %get3A_283 : vector<1x16xf32> to vector<16xf32>
        %get3A_285 = arith.index_cast %scan3A_280 : i32 to index
        %get3A_286 = arith.constant 0 : index
        %get3A_287 = tpu.vector_load %arg20[%get3A_285, %get3A_286] {strides = array<i32>} : memref<64x128xf32, #tpu.memory_space<vmem>>, vector<1x16xf32>,
        %get3A_288 = vector.shape_cast %get3A_287 : vector<1x16xf32> to vector<16xf32>
        %add3A_289 = arith.addf %get3A_284, %get3A_288 : vector<16xf32>
        %ge3A = arith.constant 0.000000e+00 : f32
        %ge3A_290 = vector.broadcast %ge3A : f32 to vector<16xf32>
        %ge3A_291 = arith.cmpf oge, %add3A_289, %ge3A_290 : vector<16xf32>
        %mul3A_292 = arith.constant 2.000000e-01 : f32
        %mul3A_293 = vector.broadcast %mul3A_292 : f32 to vector<16xf32>
        %mul3A_294 = arith.mulf %mul3A_293, %add3A_289 : vector<16xf32>
        %select_n3A = arith.select %ge3A_291, %add3A_289, %mul3A_294 : vector<16xi1>, vector<16xf32>
        %exp3A = math.exp %select_n3A : vector<16xf32>
        %swap3A = arith.index_cast %scan3A_280 : i32 to index
        %swap3A_295 = arith.constant 64 : index
        %swap3A_296 = tpu.vector_load %arg22[%swap3A, %swap3A_295] {strides = array<i32>} : memref<64x128xf32, #tpu.memory_space<vmem>>, vector<1x16xf32>,
        %swap3A_297 = vector.shape_cast %swap3A_296 : vector<1x16xf32> to vector<16xf32>
        %swap3A_298 = vector.shape_cast %exp3A : vector<16xf32> to vector<1x16xf32>
        tpu.vector_store %arg22[%swap3A, %swap3A_295], %swap3A_298 {strides = array<i32>} : memref<64x128xf32, #tpu.memory_space<vmem>>, vector<1x16xf32>,
        %get3A_299 = arith.index_cast %scan3A_280 : i32 to index
        %get3A_300 = arith.constant 0 : index
        %get3A_301 = tpu.vector_load %arg18[%get3A_299, %get3A_300] {strides = array<i32>} : memref<64x128xf32, #tpu.memory_space<vmem>>, vector<1x16xf32>,
        %get3A_302 = vector.shape_cast %get3A_301 : vector<1x16xf32> to vector<16xf32>
        %mul3A_303 = arith.mulf %get3A_302, %exp3A : vector<16xf32>
        %swap3A_304 = arith.index_cast %scan3A_280 : i32 to index
        %swap3A_305 = arith.constant 0 : index
        %swap3A_306 = tpu.vector_load %arg22[%swap3A_304, %swap3A_305] {strides = array<i32>} : memref<64x128xf32, #tpu.memory_space<vmem>>, vector<1x16xf32>,
        %swap3A_307 = vector.shape_cast %swap3A_306 : vector<1x16xf32> to vector<16xf32>
        %swap3A_308 = vector.shape_cast %mul3A_303 : vector<16xf32> to vector<1x16xf32>
        tpu.vector_store %arg22[%swap3A_304, %swap3A_305], %swap3A_308 {strides = array<i32>} : memref<64x128xf32, #tpu.memory_space<vmem>>, vector<1x16xf32>,
        %get3A_309 = arith.index_cast %scan3A_280 : i32 to index
        %get3A_310 = arith.constant 16 : index
        %get3A_311 = tpu.vector_load %arg18[%get3A_309, %get3A_310] {strides = array<i32>} : memref<64x128xf32, #tpu.memory_space<vmem>>, vector<1x16xf32>,
        %get3A_312 = vector.shape_cast %get3A_311 : vector<1x16xf32> to vector<16xf32>
        %mul3A_313 = arith.mulf %get3A_312, %exp3A : vector<16xf32>
        %swap3A_314 = arith.index_cast %scan3A_280 : i32 to index
        %swap3A_315 = arith.constant 16 : index
        %swap3A_316 = tpu.vector_load %arg22[%swap3A_314, %swap3A_315] {strides = array<i32>} : memref<64x128xf32, #tpu.memory_space<vmem>>, vector<1x16xf32>,
        %swap3A_317 = vector.shape_cast %swap3A_316 : vector<1x16xf32> to vector<16xf32>
        %swap3A_318 = vector.shape_cast %mul3A_313 : vector<16xf32> to vector<1x16xf32>
        tpu.vector_store %arg22[%swap3A_314, %swap3A_315], %swap3A_318 {strides = array<i32>} : memref<64x128xf32, #tpu.memory_space<vmem>>, vector<1x16xf32>,
        %get3A_319 = arith.index_cast %scan3A_280 : i32 to index
        %get3A_320 = arith.constant 32 : index
        %get3A_321 = tpu.vector_load %arg18[%get3A_319, %get3A_320] {strides = array<i32>} : memref<64x128xf32, #tpu.memory_space<vmem>>, vector<1x16xf32>,
        %get3A_322 = vector.shape_cast %get3A_321 : vector<1x16xf32> to vector<16xf32>
        %mul3A_323 = arith.mulf %get3A_322, %exp3A : vector<16xf32>
        %swap3A_324 = arith.index_cast %scan3A_280 : i32 to index
        %swap3A_325 = arith.constant 32 : index
        %swap3A_326 = tpu.vector_load %arg22[%swap3A_324, %swap3A_325] {strides = array<i32>} : memref<64x128xf32, #tpu.memory_space<vmem>>, vector<1x16xf32>,
        %swap3A_327 = vector.shape_cast %swap3A_326 : vector<1x16xf32> to vector<16xf32>
        %swap3A_328 = vector.shape_cast %mul3A_323 : vector<16xf32> to vector<1x16xf32>
        tpu.vector_store %arg22[%swap3A_324, %swap3A_325], %swap3A_328 {strides = array<i32>} : memref<64x128xf32, #tpu.memory_space<vmem>>, vector<1x16xf32>,
        %get3A_329 = arith.index_cast %scan3A_280 : i32 to index
        %get3A_330 = arith.constant 48 : index
        %get3A_331 = tpu.vector_load %arg18[%get3A_329, %get3A_330] {strides = array<i32>} : memref<64x128xf32, #tpu.memory_space<vmem>>, vector<1x16xf32>,
        %get3A_332 = vector.shape_cast %get3A_331 : vector<1x16xf32> to vector<16xf32>
        %mul3A_333 = arith.mulf %get3A_332, %exp3A : vector<16xf32>
        %swap3A_334 = arith.index_cast %scan3A_280 : i32 to index
        %swap3A_335 = arith.constant 48 : index
        %swap3A_336 = tpu.vector_load %arg22[%swap3A_334, %swap3A_335] {strides = array<i32>} : memref<64x128xf32, #tpu.memory_space<vmem>>, vector<1x16xf32>,
        %swap3A_337 = vector.shape_cast %swap3A_336 : vector<1x16xf32> to vector<16xf32>
        %swap3A_338 = vector.shape_cast %mul3A_333 : vector<16xf32> to vector<1x16xf32>
        tpu.vector_store %arg22[%swap3A_334, %swap3A_335], %swap3A_338 {strides = array<i32>} : memref<64x128xf32, #tpu.memory_space<vmem>>, vector<1x16xf32>,
        %scan3A_339 = arith.constant 0 : i32
        scf.yield %scan3A_339 : i32
      }
      %scan3A_242 = arith.constant 64 : i32
      "tpu.region"() ({
        %run_scoped3A = tpu.sem_alloc : memref<!tpu.dma_semaphore, #tpu.memory_space<semaphore_mem>>
        %dma_start3A_280 = arith.constant 0 : i32
        %dma_start3A_281 = arith.constant 0 : i32
        %dma_start3A_282 = tpu.memref_slice %arg23[%dma_start3A_280, %dma_start3A_281] : memref<10112x128xf32, #tpu.memory_space<vmem_shared>> -> memref<10112x128xf32, #tpu.memory_space<vmem_shared>>
        tpu.enqueue_indirect_dma source(%arg22 : memref<64x128xf32, #tpu.memory_space<vmem>>) target(%dma_start3A_282 : memref<10112x128xf32, #tpu.memory_space<vmem_shared>>) offsets(%arg16 : memref<64xi32, #tpu.memory_space<vmem>>) semaphore(%run_scoped3A : memref<!tpu.dma_semaphore, #tpu.memory_space<semaphore_mem>>) {add = true}
        %dma_wait3A_283 = arith.constant 0 : i32
        %dma_wait3A_284 = arith.constant 0 : i32
        %dma_wait3A_285 = tpu.memref_slice %arg23[%dma_wait3A_283, %dma_wait3A_284] : memref<10112x128xf32, #tpu.memory_space<vmem_shared>> -> memref<10112x128xf32, #tpu.memory_space<vmem_shared>>
        tpu.wait_indirect_dma semaphore(%run_scoped3A : memref<!tpu.dma_semaphore, #tpu.memory_space<semaphore_mem>>) src(%arg22 : memref<64x128xf32, #tpu.memory_space<vmem>>) dst(%dma_wait3A_285 : memref<10112x128xf32, #tpu.memory_space<vmem_shared>>)
        tpu.yield
      }) : () -> ()
      %mul3A_243 = arith.constant 2 : i32
      %mul3A_244 = arith.muli %mul3A_243, %scan3A_205 : i32
      %add3A_245 = arith.constant 1 : i32
      %add3A_246 = arith.addi %mul3A_244, %add3A_245 : i32
      %add3A_247 = arith.constant 1 : i32
      %add3A_248 = arith.addi %add3A_246, %add3A_247 : i32
      %mul3A_249 = arith.constant 32 : i32
      %mul3A_250 = arith.muli %mul3A_249, %add3A_248 : i32
      %add3A_251 = arith.addi %add3A, %mul3A_250 : i32
      %mul3A_252 = arith.constant 64 : i32
      %mul3A_253 = arith.muli %add3A_251, %mul3A_252 : i32
      "tpu.region"() ({
        %run_scoped3A = tpu.sem_alloc : memref<!tpu.dma_semaphore, #tpu.memory_space<semaphore_mem>>
        %dma_start3A_280 = tpu.memref_slice %arg2[%mul3A_253] : memref<325632xi32, #tpu.memory_space<hbm>> -> memref<64xi32, #tpu.memory_space<hbm>>
        %dma_start3A_281 = tpu.memref_slice %arg2[%mul3A_253] : memref<325632xi32, #tpu.memory_space<hbm>> -> memref<64xi32, #tpu.memory_space<hbm>>
        tpu.enqueue_dma source(%dma_start3A_281 : memref<64xi32, #tpu.memory_space<hbm>>) target(%arg14 : memref<64xi32, #tpu.memory_space<vmem>>) target_semaphore(%run_scoped3A : memref<!tpu.dma_semaphore, #tpu.memory_space<semaphore_mem>>)
        %dma_wait3A_282 = tpu.memref_slice %arg2[%mul3A_253] : memref<325632xi32, #tpu.memory_space<hbm>> -> memref<64xi32, #tpu.memory_space<hbm>>
        %dma_wait3A_283 = tpu.memref_slice %arg2[%mul3A_253] : memref<325632xi32, #tpu.memory_space<hbm>> -> memref<64xi32, #tpu.memory_space<hbm>>
        tpu.wait_dma2 semaphore(%run_scoped3A : memref<!tpu.dma_semaphore, #tpu.memory_space<semaphore_mem>>) src(%dma_wait3A_283 : memref<64xi32, #tpu.memory_space<hbm>>) dst(%arg14 : memref<64xi32, #tpu.memory_space<vmem>>)
        tpu.yield
      }) : () -> ()
      "tpu.region"() ({
        %run_scoped3A = tpu.sem_alloc : memref<!tpu.dma_semaphore, #tpu.memory_space<semaphore_mem>>
        %dma_start3A_280 = tpu.memref_slice %arg3[%mul3A_253] : memref<325632xi32, #tpu.memory_space<hbm>> -> memref<64xi32, #tpu.memory_space<hbm>>
        %dma_start3A_281 = tpu.memref_slice %arg3[%mul3A_253] : memref<325632xi32, #tpu.memory_space<hbm>> -> memref<64xi32, #tpu.memory_space<hbm>>
        tpu.enqueue_dma source(%dma_start3A_281 : memref<64xi32, #tpu.memory_space<hbm>>) target(%arg16 : memref<64xi32, #tpu.memory_space<vmem>>) target_semaphore(%run_scoped3A : memref<!tpu.dma_semaphore, #tpu.memory_space<semaphore_mem>>)
        %dma_wait3A_282 = tpu.memref_slice %arg3[%mul3A_253] : memref<325632xi32, #tpu.memory_space<hbm>> -> memref<64xi32, #tpu.memory_space<hbm>>
        %dma_wait3A_283 = tpu.memref_slice %arg3[%mul3A_253] : memref<325632xi32, #tpu.memory_space<hbm>> -> memref<64xi32, #tpu.memory_space<hbm>>
        tpu.wait_dma2 semaphore(%run_scoped3A : memref<!tpu.dma_semaphore, #tpu.memory_space<semaphore_mem>>) src(%dma_wait3A_283 : memref<64xi32, #tpu.memory_space<hbm>>) dst(%arg16 : memref<64xi32, #tpu.memory_space<vmem>>)
        tpu.yield
      }) : () -> ()
      %dma_start3A_254 = arith.constant 0 : i32
      %dma_start3A_255 = arith.constant 0 : i32
      %dma_start3A_256 = tpu.memref_slice %arg6[%dma_start3A_254, %dma_start3A_255] : memref<10112x128xf32, #tpu.memory_space<hbm>> -> memref<10112x128xf32, #tpu.memory_space<hbm>>
      tpu.enqueue_indirect_dma source(%dma_start3A_256 : memref<10112x128xf32, #tpu.memory_space<hbm>>) target(%arg18 : memref<64x128xf32, #tpu.memory_space<vmem>>) offsets(%arg14 : memref<64xi32, #tpu.memory_space<vmem>>) semaphore(%arg24 : memref<!tpu.dma_semaphore, #tpu.memory_space<semaphore_mem>>)
      %dma_start3A_257 = arith.constant 0 : i32
      %dma_start3A_258 = arith.constant 0 : i32
      %dma_start3A_259 = tpu.memref_slice %arg10[%dma_start3A_257, %dma_start3A_258] : memref<10112x128xf32, #tpu.memory_space<hbm>> -> memref<10112x128xf32, #tpu.memory_space<hbm>>
      tpu.enqueue_indirect_dma source(%dma_start3A_259 : memref<10112x128xf32, #tpu.memory_space<hbm>>) target(%arg20 : memref<64x128xf32, #tpu.memory_space<vmem>>) offsets(%arg16 : memref<64xi32, #tpu.memory_space<vmem>>) semaphore(%arg24 : memref<!tpu.dma_semaphore, #tpu.memory_space<semaphore_mem>>)
      %dma_wait3A_260 = arith.constant 0 : i32
      %dma_wait3A_261 = arith.constant 0 : i32
      %dma_wait3A_262 = tpu.memref_slice %arg6[%dma_wait3A_260, %dma_wait3A_261] : memref<10112x128xf32, #tpu.memory_space<hbm>> -> memref<64x128xf32, #tpu.memory_space<hbm>>
      %dma_wait3A_263 = arith.constant 0 : i32
      %dma_wait3A_264 = arith.constant 0 : i32
      %dma_wait3A_265 = tpu.memref_slice %arg6[%dma_wait3A_263, %dma_wait3A_264] : memref<10112x128xf32, #tpu.memory_space<hbm>> -> memref<64x128xf32, #tpu.memory_space<hbm>>
      tpu.wait_dma2 semaphore(%arg25 : memref<!tpu.dma_semaphore, #tpu.memory_space<semaphore_mem>>) src(%dma_wait3A_265 : memref<64x128xf32, #tpu.memory_space<hbm>>) dst(%arg19 : memref<64x128xf32, #tpu.memory_space<vmem>>)
      %dma_wait3A_266 = arith.constant 0 : i32
      %dma_wait3A_267 = arith.constant 0 : i32
      %dma_wait3A_268 = tpu.memref_slice %arg10[%dma_wait3A_266, %dma_wait3A_267] : memref<10112x128xf32, #tpu.memory_space<hbm>> -> memref<64x128xf32, #tpu.memory_space<hbm>>
      %dma_wait3A_269 = arith.constant 0 : i32
      %dma_wait3A_270 = arith.constant 0 : i32
      %dma_wait3A_271 = tpu.memref_slice %arg10[%dma_wait3A_269, %dma_wait3A_270] : memref<10112x128xf32, #tpu.memory_space<hbm>> -> memref<64x128xf32, #tpu.memory_space<hbm>>
      tpu.wait_dma2 semaphore(%arg25 : memref<!tpu.dma_semaphore, #tpu.memory_space<semaphore_mem>>) src(%dma_wait3A_271 : memref<64x128xf32, #tpu.memory_space<hbm>>) dst(%arg21 : memref<64x128xf32, #tpu.memory_space<vmem>>)
      %scan3A_272 = arith.constant 0 : i32
      %scan3A_273 = arith.constant 0 : i32
      %scan3A_274 = arith.constant 64 : i32
      %scan3A_275 = arith.addi %scan3A_273, %scan3A_274 : i32
      %scan3A_276 = arith.constant 1 : i32
      %scan3A_277 = scf.for %scan3A_280 = %scan3A_273 to %scan3A_275 step %scan3A_276 iter_args(%scan3A_281 = %scan3A_272) -> (i32)  : i32 {
        %get3A = arith.index_cast %scan3A_280 : i32 to index
        %get3A_282 = arith.constant 64 : index
        %get3A_283 = tpu.vector_load %arg19[%get3A, %get3A_282] {strides = array<i32>} : memref<64x128xf32, #tpu.memory_space<vmem>>, vector<1x16xf32>,
        %get3A_284 = vector.shape_cast %get3A_283 : vector<1x16xf32> to vector<16xf32>
        %get3A_285 = arith.index_cast %scan3A_280 : i32 to index
        %get3A_286 = arith.constant 0 : index
        %get3A_287 = tpu.vector_load %arg21[%get3A_285, %get3A_286] {strides = array<i32>} : memref<64x128xf32, #tpu.memory_space<vmem>>, vector<1x16xf32>,
        %get3A_288 = vector.shape_cast %get3A_287 : vector<1x16xf32> to vector<16xf32>
        %add3A_289 = arith.addf %get3A_284, %get3A_288 : vector<16xf32>
        %ge3A = arith.constant 0.000000e+00 : f32
        %ge3A_290 = vector.broadcast %ge3A : f32 to vector<16xf32>
        %ge3A_291 = arith.cmpf oge, %add3A_289, %ge3A_290 : vector<16xf32>
        %mul3A_292 = arith.constant 2.000000e-01 : f32
        %mul3A_293 = vector.broadcast %mul3A_292 : f32 to vector<16xf32>
        %mul3A_294 = arith.mulf %mul3A_293, %add3A_289 : vector<16xf32>
        %select_n3A = arith.select %ge3A_291, %add3A_289, %mul3A_294 : vector<16xi1>, vector<16xf32>
        %exp3A = math.exp %select_n3A : vector<16xf32>
        %swap3A = arith.index_cast %scan3A_280 : i32 to index
        %swap3A_295 = arith.constant 64 : index
        %swap3A_296 = tpu.vector_load %arg22[%swap3A, %swap3A_295] {strides = array<i32>} : memref<64x128xf32, #tpu.memory_space<vmem>>, vector<1x16xf32>,
        %swap3A_297 = vector.shape_cast %swap3A_296 : vector<1x16xf32> to vector<16xf32>
        %swap3A_298 = vector.shape_cast %exp3A : vector<16xf32> to vector<1x16xf32>
        tpu.vector_store %arg22[%swap3A, %swap3A_295], %swap3A_298 {strides = array<i32>} : memref<64x128xf32, #tpu.memory_space<vmem>>, vector<1x16xf32>,
        %get3A_299 = arith.index_cast %scan3A_280 : i32 to index
        %get3A_300 = arith.constant 0 : index
        %get3A_301 = tpu.vector_load %arg19[%get3A_299, %get3A_300] {strides = array<i32>} : memref<64x128xf32, #tpu.memory_space<vmem>>, vector<1x16xf32>,
        %get3A_302 = vector.shape_cast %get3A_301 : vector<1x16xf32> to vector<16xf32>
        %mul3A_303 = arith.mulf %get3A_302, %exp3A : vector<16xf32>
        %swap3A_304 = arith.index_cast %scan3A_280 : i32 to index
        %swap3A_305 = arith.constant 0 : index
        %swap3A_306 = tpu.vector_load %arg22[%swap3A_304, %swap3A_305] {strides = array<i32>} : memref<64x128xf32, #tpu.memory_space<vmem>>, vector<1x16xf32>,
        %swap3A_307 = vector.shape_cast %swap3A_306 : vector<1x16xf32> to vector<16xf32>
        %swap3A_308 = vector.shape_cast %mul3A_303 : vector<16xf32> to vector<1x16xf32>
        tpu.vector_store %arg22[%swap3A_304, %swap3A_305], %swap3A_308 {strides = array<i32>} : memref<64x128xf32, #tpu.memory_space<vmem>>, vector<1x16xf32>,
        %get3A_309 = arith.index_cast %scan3A_280 : i32 to index
        %get3A_310 = arith.constant 16 : index
        %get3A_311 = tpu.vector_load %arg19[%get3A_309, %get3A_310] {strides = array<i32>} : memref<64x128xf32, #tpu.memory_space<vmem>>, vector<1x16xf32>,
        %get3A_312 = vector.shape_cast %get3A_311 : vector<1x16xf32> to vector<16xf32>
        %mul3A_313 = arith.mulf %get3A_312, %exp3A : vector<16xf32>
        %swap3A_314 = arith.index_cast %scan3A_280 : i32 to index
        %swap3A_315 = arith.constant 16 : index
        %swap3A_316 = tpu.vector_load %arg22[%swap3A_314, %swap3A_315] {strides = array<i32>} : memref<64x128xf32, #tpu.memory_space<vmem>>, vector<1x16xf32>,
        %swap3A_317 = vector.shape_cast %swap3A_316 : vector<1x16xf32> to vector<16xf32>
        %swap3A_318 = vector.shape_cast %mul3A_313 : vector<16xf32> to vector<1x16xf32>
        tpu.vector_store %arg22[%swap3A_314, %swap3A_315], %swap3A_318 {strides = array<i32>} : memref<64x128xf32, #tpu.memory_space<vmem>>, vector<1x16xf32>,
        %get3A_319 = arith.index_cast %scan3A_280 : i32 to index
        %get3A_320 = arith.constant 32 : index
        %get3A_321 = tpu.vector_load %arg19[%get3A_319, %get3A_320] {strides = array<i32>} : memref<64x128xf32, #tpu.memory_space<vmem>>, vector<1x16xf32>,
        %get3A_322 = vector.shape_cast %get3A_321 : vector<1x16xf32> to vector<16xf32>
        %mul3A_323 = arith.mulf %get3A_322, %exp3A : vector<16xf32>
        %swap3A_324 = arith.index_cast %scan3A_280 : i32 to index
        %swap3A_325 = arith.constant 32 : index
        %swap3A_326 = tpu.vector_load %arg22[%swap3A_324, %swap3A_325] {strides = array<i32>} : memref<64x128xf32, #tpu.memory_space<vmem>>, vector<1x16xf32>,
        %swap3A_327 = vector.shape_cast %swap3A_326 : vector<1x16xf32> to vector<16xf32>
        %swap3A_328 = vector.shape_cast %mul3A_323 : vector<16xf32> to vector<1x16xf32>
        tpu.vector_store %arg22[%swap3A_324, %swap3A_325], %swap3A_328 {strides = array<i32>} : memref<64x128xf32, #tpu.memory_space<vmem>>, vector<1x16xf32>,
        %get3A_329 = arith.index_cast %scan3A_280 : i32 to index
        %get3A_330 = arith.constant 48 : index
        %get3A_331 = tpu.vector_load %arg19[%get3A_329, %get3A_330] {strides = array<i32>} : memref<64x128xf32, #tpu.memory_space<vmem>>, vector<1x16xf32>,
        %get3A_332 = vector.shape_cast %get3A_331 : vector<1x16xf32> to vector<16xf32>
        %mul3A_333 = arith.mulf %get3A_332, %exp3A : vector<16xf32>
        %swap3A_334 = arith.index_cast %scan3A_280 : i32 to index
        %swap3A_335 = arith.constant 48 : index
        %swap3A_336 = tpu.vector_load %arg22[%swap3A_334, %swap3A_335] {strides = array<i32>} : memref<64x128xf32, #tpu.memory_space<vmem>>, vector<1x16xf32>,
        %swap3A_337 = vector.shape_cast %swap3A_336 : vector<1x16xf32> to vector<16xf32>
        %swap3A_338 = vector.shape_cast %mul3A_333 : vector<16xf32> to vector<1x16xf32>
        tpu.vector_store %arg22[%swap3A_334, %swap3A_335], %swap3A_338 {strides = array<i32>} : memref<64x128xf32, #tpu.memory_space<vmem>>, vector<1x16xf32>,
        %scan3A_339 = arith.constant 0 : i32
        scf.yield %scan3A_339 : i32
      }
      %scan3A_278 = arith.constant 64 : i32
      "tpu.region"() ({
        %run_scoped3A = tpu.sem_alloc : memref<!tpu.dma_semaphore, #tpu.memory_space<semaphore_mem>>
        %dma_start3A_280 = arith.constant 0 : i32
        %dma_start3A_281 = arith.constant 0 : i32
        %dma_start3A_282 = tpu.memref_slice %arg23[%dma_start3A_280, %dma_start3A_281] : memref<10112x128xf32, #tpu.memory_space<vmem_shared>> -> memref<10112x128xf32, #tpu.memory_space<vmem_shared>>
        tpu.enqueue_indirect_dma source(%arg22 : memref<64x128xf32, #tpu.memory_space<vmem>>) target(%dma_start3A_282 : memref<10112x128xf32, #tpu.memory_space<vmem_shared>>) offsets(%arg17 : memref<64xi32, #tpu.memory_space<vmem>>) semaphore(%run_scoped3A : memref<!tpu.dma_semaphore, #tpu.memory_space<semaphore_mem>>) {add = true}
        %dma_wait3A_283 = arith.constant 0 : i32
        %dma_wait3A_284 = arith.constant 0 : i32
        %dma_wait3A_285 = tpu.memref_slice %arg23[%dma_wait3A_283, %dma_wait3A_284] : memref<10112x128xf32, #tpu.memory_space<vmem_shared>> -> memref<10112x128xf32, #tpu.memory_space<vmem_shared>>
        tpu.wait_indirect_dma semaphore(%run_scoped3A : memref<!tpu.dma_semaphore, #tpu.memory_space<semaphore_mem>>) src(%arg22 : memref<64x128xf32, #tpu.memory_space<vmem>>) dst(%dma_wait3A_285 : memref<10112x128xf32, #tpu.memory_space<vmem_shared>>)
        tpu.yield
      }) : () -> ()
      %scan3A_279 = arith.constant 0 : i32
      scf.yield %scan3A_279 : i32
    }
    %scan3A_70 = arith.constant 79 : i32
    %dma_wait3A_71 = arith.constant 0 : i32
    %dma_wait3A_72 = arith.constant 0 : i32
    %dma_wait3A_73 = tpu.memref_slice %arg6[%dma_wait3A_71, %dma_wait3A_72] : memref<10112x128xf32, #tpu.memory_space<hbm>> -> memref<64x128xf32, #tpu.memory_space<hbm>>
    %dma_wait3A_74 = arith.constant 0 : i32
    %dma_wait3A_75 = arith.constant 0 : i32
    %dma_wait3A_76 = tpu.memref_slice %arg6[%dma_wait3A_74, %dma_wait3A_75] : memref<10112x128xf32, #tpu.memory_space<hbm>> -> memref<64x128xf32, #tpu.memory_space<hbm>>
    tpu.wait_dma2 semaphore(%arg24 : memref<!tpu.dma_semaphore, #tpu.memory_space<semaphore_mem>>) src(%dma_wait3A_76 : memref<64x128xf32, #tpu.memory_space<hbm>>) dst(%arg18 : memref<64x128xf32, #tpu.memory_space<vmem>>)
    %dma_wait3A_77 = arith.constant 0 : i32
    %dma_wait3A_78 = arith.constant 0 : i32
    %dma_wait3A_79 = tpu.memref_slice %arg10[%dma_wait3A_77, %dma_wait3A_78] : memref<10112x128xf32, #tpu.memory_space<hbm>> -> memref<64x128xf32, #tpu.memory_space<hbm>>
    %dma_wait3A_80 = arith.constant 0 : i32
    %dma_wait3A_81 = arith.constant 0 : i32
    %dma_wait3A_82 = tpu.memref_slice %arg10[%dma_wait3A_80, %dma_wait3A_81] : memref<10112x128xf32, #tpu.memory_space<hbm>> -> memref<64x128xf32, #tpu.memory_space<hbm>>
    tpu.wait_dma2 semaphore(%arg24 : memref<!tpu.dma_semaphore, #tpu.memory_space<semaphore_mem>>) src(%dma_wait3A_82 : memref<64x128xf32, #tpu.memory_space<hbm>>) dst(%arg20 : memref<64x128xf32, #tpu.memory_space<vmem>>)
    %scan3A_83 = arith.constant 0 : i32
    %scan3A_84 = arith.constant 0 : i32
    %scan3A_85 = arith.constant 64 : i32
    %scan3A_86 = arith.addi %scan3A_84, %scan3A_85 : i32
    %scan3A_87 = arith.constant 1 : i32
    %scan3A_88 = scf.for %scan3A_205 = %scan3A_84 to %scan3A_86 step %scan3A_87 iter_args(%scan3A_206 = %scan3A_83) -> (i32)  : i32 {
      %get3A = arith.index_cast %scan3A_205 : i32 to index
      %get3A_207 = arith.constant 64 : index
      %get3A_208 = tpu.vector_load %arg18[%get3A, %get3A_207] {strides = array<i32>} : memref<64x128xf32, #tpu.memory_space<vmem>>, vector<1x16xf32>,
      %get3A_209 = vector.shape_cast %get3A_208 : vector<1x16xf32> to vector<16xf32>
      %get3A_210 = arith.index_cast %scan3A_205 : i32 to index
      %get3A_211 = arith.constant 0 : index
      %get3A_212 = tpu.vector_load %arg20[%get3A_210, %get3A_211] {strides = array<i32>} : memref<64x128xf32, #tpu.memory_space<vmem>>, vector<1x16xf32>,
      %get3A_213 = vector.shape_cast %get3A_212 : vector<1x16xf32> to vector<16xf32>
      %add3A_214 = arith.addf %get3A_209, %get3A_213 : vector<16xf32>
      %ge3A = arith.constant 0.000000e+00 : f32
      %ge3A_215 = vector.broadcast %ge3A : f32 to vector<16xf32>
      %ge3A_216 = arith.cmpf oge, %add3A_214, %ge3A_215 : vector<16xf32>
      %mul3A_217 = arith.constant 2.000000e-01 : f32
      %mul3A_218 = vector.broadcast %mul3A_217 : f32 to vector<16xf32>
      %mul3A_219 = arith.mulf %mul3A_218, %add3A_214 : vector<16xf32>
      %select_n3A = arith.select %ge3A_216, %add3A_214, %mul3A_219 : vector<16xi1>, vector<16xf32>
      %exp3A = math.exp %select_n3A : vector<16xf32>
      %swap3A = arith.index_cast %scan3A_205 : i32 to index
      %swap3A_220 = arith.constant 64 : index
      %swap3A_221 = tpu.vector_load %arg22[%swap3A, %swap3A_220] {strides = array<i32>} : memref<64x128xf32, #tpu.memory_space<vmem>>, vector<1x16xf32>,
      %swap3A_222 = vector.shape_cast %swap3A_221 : vector<1x16xf32> to vector<16xf32>
      %swap3A_223 = vector.shape_cast %exp3A : vector<16xf32> to vector<1x16xf32>
      tpu.vector_store %arg22[%swap3A, %swap3A_220], %swap3A_223 {strides = array<i32>} : memref<64x128xf32, #tpu.memory_space<vmem>>, vector<1x16xf32>,
      %get3A_224 = arith.index_cast %scan3A_205 : i32 to index
      %get3A_225 = arith.constant 0 : index
      %get3A_226 = tpu.vector_load %arg18[%get3A_224, %get3A_225] {strides = array<i32>} : memref<64x128xf32, #tpu.memory_space<vmem>>, vector<1x16xf32>,
      %get3A_227 = vector.shape_cast %get3A_226 : vector<1x16xf32> to vector<16xf32>
      %mul3A_228 = arith.mulf %get3A_227, %exp3A : vector<16xf32>
      %swap3A_229 = arith.index_cast %scan3A_205 : i32 to index
      %swap3A_230 = arith.constant 0 : index
      %swap3A_231 = tpu.vector_load %arg22[%swap3A_229, %swap3A_230] {strides = array<i32>} : memref<64x128xf32, #tpu.memory_space<vmem>>, vector<1x16xf32>,
      %swap3A_232 = vector.shape_cast %swap3A_231 : vector<1x16xf32> to vector<16xf32>
      %swap3A_233 = vector.shape_cast %mul3A_228 : vector<16xf32> to vector<1x16xf32>
      tpu.vector_store %arg22[%swap3A_229, %swap3A_230], %swap3A_233 {strides = array<i32>} : memref<64x128xf32, #tpu.memory_space<vmem>>, vector<1x16xf32>,
      %get3A_234 = arith.index_cast %scan3A_205 : i32 to index
      %get3A_235 = arith.constant 16 : index
      %get3A_236 = tpu.vector_load %arg18[%get3A_234, %get3A_235] {strides = array<i32>} : memref<64x128xf32, #tpu.memory_space<vmem>>, vector<1x16xf32>,
      %get3A_237 = vector.shape_cast %get3A_236 : vector<1x16xf32> to vector<16xf32>
      %mul3A_238 = arith.mulf %get3A_237, %exp3A : vector<16xf32>
      %swap3A_239 = arith.index_cast %scan3A_205 : i32 to index
      %swap3A_240 = arith.constant 16 : index
      %swap3A_241 = tpu.vector_load %arg22[%swap3A_239, %swap3A_240] {strides = array<i32>} : memref<64x128xf32, #tpu.memory_space<vmem>>, vector<1x16xf32>,
      %swap3A_242 = vector.shape_cast %swap3A_241 : vector<1x16xf32> to vector<16xf32>
      %swap3A_243 = vector.shape_cast %mul3A_238 : vector<16xf32> to vector<1x16xf32>
      tpu.vector_store %arg22[%swap3A_239, %swap3A_240], %swap3A_243 {strides = array<i32>} : memref<64x128xf32, #tpu.memory_space<vmem>>, vector<1x16xf32>,
      %get3A_244 = arith.index_cast %scan3A_205 : i32 to index
      %get3A_245 = arith.constant 32 : index
      %get3A_246 = tpu.vector_load %arg18[%get3A_244, %get3A_245] {strides = array<i32>} : memref<64x128xf32, #tpu.memory_space<vmem>>, vector<1x16xf32>,
      %get3A_247 = vector.shape_cast %get3A_246 : vector<1x16xf32> to vector<16xf32>
      %mul3A_248 = arith.mulf %get3A_247, %exp3A : vector<16xf32>
      %swap3A_249 = arith.index_cast %scan3A_205 : i32 to index
      %swap3A_250 = arith.constant 32 : index
      %swap3A_251 = tpu.vector_load %arg22[%swap3A_249, %swap3A_250] {strides = array<i32>} : memref<64x128xf32, #tpu.memory_space<vmem>>, vector<1x16xf32>,
      %swap3A_252 = vector.shape_cast %swap3A_251 : vector<1x16xf32> to vector<16xf32>
      %swap3A_253 = vector.shape_cast %mul3A_248 : vector<16xf32> to vector<1x16xf32>
      tpu.vector_store %arg22[%swap3A_249, %swap3A_250], %swap3A_253 {strides = array<i32>} : memref<64x128xf32, #tpu.memory_space<vmem>>, vector<1x16xf32>,
      %get3A_254 = arith.index_cast %scan3A_205 : i32 to index
      %get3A_255 = arith.constant 48 : index
      %get3A_256 = tpu.vector_load %arg18[%get3A_254, %get3A_255] {strides = array<i32>} : memref<64x128xf32, #tpu.memory_space<vmem>>, vector<1x16xf32>,
      %get3A_257 = vector.shape_cast %get3A_256 : vector<1x16xf32> to vector<16xf32>
      %mul3A_258 = arith.mulf %get3A_257, %exp3A : vector<16xf32>
      %swap3A_259 = arith.index_cast %scan3A_205 : i32 to index
      %swap3A_260 = arith.constant 48 : index
      %swap3A_261 = tpu.vector_load %arg22[%swap3A_259, %swap3A_260] {strides = array<i32>} : memref<64x128xf32, #tpu.memory_space<vmem>>, vector<1x16xf32>,
      %swap3A_262 = vector.shape_cast %swap3A_261 : vector<1x16xf32> to vector<16xf32>
      %swap3A_263 = vector.shape_cast %mul3A_258 : vector<16xf32> to vector<1x16xf32>
      tpu.vector_store %arg22[%swap3A_259, %swap3A_260], %swap3A_263 {strides = array<i32>} : memref<64x128xf32, #tpu.memory_space<vmem>>, vector<1x16xf32>,
      %scan3A_264 = arith.constant 0 : i32
      scf.yield %scan3A_264 : i32
    }
    %scan3A_89 = arith.constant 64 : i32
    "tpu.region"() ({
      %run_scoped3A = tpu.sem_alloc : memref<!tpu.dma_semaphore, #tpu.memory_space<semaphore_mem>>
      %dma_start3A_205 = arith.constant 0 : i32
      %dma_start3A_206 = arith.constant 0 : i32
      %dma_start3A_207 = tpu.memref_slice %arg23[%dma_start3A_205, %dma_start3A_206] : memref<10112x128xf32, #tpu.memory_space<vmem_shared>> -> memref<10112x128xf32, #tpu.memory_space<vmem_shared>>
      tpu.enqueue_indirect_dma source(%arg22 : memref<64x128xf32, #tpu.memory_space<vmem>>) target(%dma_start3A_207 : memref<10112x128xf32, #tpu.memory_space<vmem_shared>>) offsets(%arg16 : memref<64xi32, #tpu.memory_space<vmem>>) semaphore(%run_scoped3A : memref<!tpu.dma_semaphore, #tpu.memory_space<semaphore_mem>>) {add = true}
      %dma_wait3A_208 = arith.constant 0 : i32
      %dma_wait3A_209 = arith.constant 0 : i32
      %dma_wait3A_210 = tpu.memref_slice %arg23[%dma_wait3A_208, %dma_wait3A_209] : memref<10112x128xf32, #tpu.memory_space<vmem_shared>> -> memref<10112x128xf32, #tpu.memory_space<vmem_shared>>
      tpu.wait_indirect_dma semaphore(%run_scoped3A : memref<!tpu.dma_semaphore, #tpu.memory_space<semaphore_mem>>) src(%arg22 : memref<64x128xf32, #tpu.memory_space<vmem>>) dst(%dma_wait3A_210 : memref<10112x128xf32, #tpu.memory_space<vmem_shared>>)
      tpu.yield
    }) : () -> ()
    %barrier3A_90 = arith.constant 0 : index
    tpu.barrier barrier_id(%barrier3A_90)
    %add3A_91 = arith.constant 2 : i32
    %add3A_92 = arith.addi %add3A_91, %arg0 : i32
    %mul3A_93 = arith.constant 10112 : i32
    %mul3A_94 = arith.muli %add3A_92, %mul3A_93 : i32
    %mul3A_95 = arith.constant 632 : i32
    %mul3A_96 = arith.muli %arg1, %mul3A_95 : i32
    %add3A_97 = arith.addi %mul3A_94, %mul3A_96 : i32
    %mul3A_98 = arith.constant 632 : i32
    %mul3A_99 = arith.muli %arg1, %mul3A_98 : i32
    "tpu.region"() ({
      %run_scoped3A = tpu.sem_alloc : memref<!tpu.dma_semaphore, #tpu.memory_space<semaphore_mem>>
      %dma_start3A_205 = arith.constant 0 : i32
      %dma_start3A_206 = tpu.memref_slice %arg13[%add3A_97, %dma_start3A_205] : memref<80896x128xf32, #tpu.memory_space<hbm>> -> memref<632x128xf32, #tpu.memory_space<hbm>>
      %dma_start3A_207 = arith.constant 0 : i32
      %dma_start3A_208 = tpu.memref_slice %arg23[%mul3A_99, %dma_start3A_207] : memref<10112x128xf32, #tpu.memory_space<vmem_shared>> -> memref<632x128xf32, #tpu.memory_space<vmem_shared>>
      tpu.enqueue_dma source(%dma_start3A_208 : memref<632x128xf32, #tpu.memory_space<vmem_shared>>) target(%dma_start3A_206 : memref<632x128xf32, #tpu.memory_space<hbm>>) target_semaphore(%run_scoped3A : memref<!tpu.dma_semaphore, #tpu.memory_space<semaphore_mem>>)
      %dma_wait3A_209 = arith.constant 0 : i32
      %dma_wait3A_210 = tpu.memref_slice %arg13[%add3A_97, %dma_wait3A_209] : memref<80896x128xf32, #tpu.memory_space<hbm>> -> memref<632x128xf32, #tpu.memory_space<hbm>>
      %dma_wait3A_211 = arith.constant 0 : i32
      %dma_wait3A_212 = tpu.memref_slice %arg23[%mul3A_99, %dma_wait3A_211] : memref<10112x128xf32, #tpu.memory_space<vmem_shared>> -> memref<632x128xf32, #tpu.memory_space<vmem_shared>>
      tpu.wait_dma2 semaphore(%run_scoped3A : memref<!tpu.dma_semaphore, #tpu.memory_space<semaphore_mem>>) src(%dma_wait3A_212 : memref<632x128xf32, #tpu.memory_space<vmem_shared>>) dst(%dma_wait3A_210 : memref<632x128xf32, #tpu.memory_space<hbm>>)
      tpu.yield
    }) : () -> ()
    %barrier3A_100 = arith.constant 0 : index
    tpu.barrier barrier_id(%barrier3A_100)
    %mul3A_101 = arith.constant 632 : i32
    %mul3A_102 = arith.muli %arg1, %mul3A_101 : i32
    "tpu.region"() ({
      %run_scoped3A = tpu.sem_alloc : memref<!tpu.dma_semaphore, #tpu.memory_space<semaphore_mem>>
      %dma_start3A_205 = arith.constant 0 : i32
      %dma_start3A_206 = tpu.memref_slice %arg23[%mul3A_102, %dma_start3A_205] : memref<10112x128xf32, #tpu.memory_space<vmem_shared>> -> memref<632x128xf32, #tpu.memory_space<vmem_shared>>
      tpu.enqueue_dma source(%arg4 : memref<632x128xf32, #tpu.memory_space<hbm>>) target(%dma_start3A_206 : memref<632x128xf32, #tpu.memory_space<vmem_shared>>) target_semaphore(%run_scoped3A : memref<!tpu.dma_semaphore, #tpu.memory_space<semaphore_mem>>)
      %dma_wait3A_207 = arith.constant 0 : i32
      %dma_wait3A_208 = tpu.memref_slice %arg23[%mul3A_102, %dma_wait3A_207] : memref<10112x128xf32, #tpu.memory_space<vmem_shared>> -> memref<632x128xf32, #tpu.memory_space<vmem_shared>>
      tpu.wait_dma2 semaphore(%run_scoped3A : memref<!tpu.dma_semaphore, #tpu.memory_space<semaphore_mem>>) src(%arg4 : memref<632x128xf32, #tpu.memory_space<hbm>>) dst(%dma_wait3A_208 : memref<632x128xf32, #tpu.memory_space<vmem_shared>>)
      tpu.yield
    }) : () -> ()
    "tpu.region"() ({
      %run_scoped3A = tpu.sem_alloc : memref<!tpu.dma_semaphore, #tpu.memory_space<semaphore_mem>>
      %dma_start3A_205 = arith.constant 0 : i32
      %dma_start3A_206 = arith.constant 0 : i32
      %dma_start3A_207 = tpu.memref_slice %arg4[%dma_start3A_205, %dma_start3A_206] : memref<632x128xf32, #tpu.memory_space<hbm>> -> memref<64x128xf32, #tpu.memory_space<hbm>>
      %dma_start3A_208 = arith.constant 0 : i32
      %dma_start3A_209 = arith.constant 0 : i32
      %dma_start3A_210 = tpu.memref_slice %arg4[%dma_start3A_208, %dma_start3A_209] : memref<632x128xf32, #tpu.memory_space<hbm>> -> memref<64x128xf32, #tpu.memory_space<hbm>>
      tpu.enqueue_dma source(%dma_start3A_210 : memref<64x128xf32, #tpu.memory_space<hbm>>) target(%arg22 : memref<64x128xf32, #tpu.memory_space<vmem>>) target_semaphore(%run_scoped3A : memref<!tpu.dma_semaphore, #tpu.memory_space<semaphore_mem>>)
      %dma_wait3A_211 = arith.constant 0 : i32
      %dma_wait3A_212 = arith.constant 0 : i32
      %dma_wait3A_213 = tpu.memref_slice %arg4[%dma_wait3A_211, %dma_wait3A_212] : memref<632x128xf32, #tpu.memory_space<hbm>> -> memref<64x128xf32, #tpu.memory_space<hbm>>
      %dma_wait3A_214 = arith.constant 0 : i32
      %dma_wait3A_215 = arith.constant 0 : i32
      %dma_wait3A_216 = tpu.memref_slice %arg4[%dma_wait3A_214, %dma_wait3A_215] : memref<632x128xf32, #tpu.memory_space<hbm>> -> memref<64x128xf32, #tpu.memory_space<hbm>>
      tpu.wait_dma2 semaphore(%run_scoped3A : memref<!tpu.dma_semaphore, #tpu.memory_space<semaphore_mem>>) src(%dma_wait3A_216 : memref<64x128xf32, #tpu.memory_space<hbm>>) dst(%arg22 : memref<64x128xf32, #tpu.memory_space<vmem>>)
      tpu.yield
    }) : () -> ()
    %barrier3A_103 = arith.constant 0 : index
    tpu.barrier barrier_id(%barrier3A_103)
    %mul3A_104 = arith.constant 32 : i32
    %mul3A_105 = arith.constant 0 : i32
    %mul3A_106 = arith.muli %mul3A_104, %mul3A_105 : i32
    %add3A_107 = arith.addi %add3A, %mul3A_106 : i32
    %mul3A_108 = arith.constant 64 : i32
    %mul3A_109 = arith.muli %add3A_107, %mul3A_108 : i32
    "tpu.region"() ({
      %run_scoped3A = tpu.sem_alloc : memref<!tpu.dma_semaphore, #tpu.memory_space<semaphore_mem>>
      %dma_start3A_205 = tpu.memref_slice %arg2[%mul3A_109] : memref<325632xi32, #tpu.memory_space<hbm>> -> memref<64xi32, #tpu.memory_space<hbm>>
      %dma_start3A_206 = tpu.memref_slice %arg2[%mul3A_109] : memref<325632xi32, #tpu.memory_space<hbm>> -> memref<64xi32, #tpu.memory_space<hbm>>
      tpu.enqueue_dma source(%dma_start3A_206 : memref<64xi32, #tpu.memory_space<hbm>>) target(%arg14 : memref<64xi32, #tpu.memory_space<vmem>>) target_semaphore(%run_scoped3A : memref<!tpu.dma_semaphore, #tpu.memory_space<semaphore_mem>>)
      %dma_wait3A_207 = tpu.memref_slice %arg2[%mul3A_109] : memref<325632xi32, #tpu.memory_space<hbm>> -> memref<64xi32, #tpu.memory_space<hbm>>
      %dma_wait3A_208 = tpu.memref_slice %arg2[%mul3A_109] : memref<325632xi32, #tpu.memory_space<hbm>> -> memref<64xi32, #tpu.memory_space<hbm>>
      tpu.wait_dma2 semaphore(%run_scoped3A : memref<!tpu.dma_semaphore, #tpu.memory_space<semaphore_mem>>) src(%dma_wait3A_208 : memref<64xi32, #tpu.memory_space<hbm>>) dst(%arg14 : memref<64xi32, #tpu.memory_space<vmem>>)
      tpu.yield
    }) : () -> ()
    "tpu.region"() ({
      %run_scoped3A = tpu.sem_alloc : memref<!tpu.dma_semaphore, #tpu.memory_space<semaphore_mem>>
      %dma_start3A_205 = tpu.memref_slice %arg3[%mul3A_109] : memref<325632xi32, #tpu.memory_space<hbm>> -> memref<64xi32, #tpu.memory_space<hbm>>
      %dma_start3A_206 = tpu.memref_slice %arg3[%mul3A_109] : memref<325632xi32, #tpu.memory_space<hbm>> -> memref<64xi32, #tpu.memory_space<hbm>>
      tpu.enqueue_dma source(%dma_start3A_206 : memref<64xi32, #tpu.memory_space<hbm>>) target(%arg16 : memref<64xi32, #tpu.memory_space<vmem>>) target_semaphore(%run_scoped3A : memref<!tpu.dma_semaphore, #tpu.memory_space<semaphore_mem>>)
      %dma_wait3A_207 = tpu.memref_slice %arg3[%mul3A_109] : memref<325632xi32, #tpu.memory_space<hbm>> -> memref<64xi32, #tpu.memory_space<hbm>>
      %dma_wait3A_208 = tpu.memref_slice %arg3[%mul3A_109] : memref<325632xi32, #tpu.memory_space<hbm>> -> memref<64xi32, #tpu.memory_space<hbm>>
      tpu.wait_dma2 semaphore(%run_scoped3A : memref<!tpu.dma_semaphore, #tpu.memory_space<semaphore_mem>>) src(%dma_wait3A_208 : memref<64xi32, #tpu.memory_space<hbm>>) dst(%arg16 : memref<64xi32, #tpu.memory_space<vmem>>)
      tpu.yield
    }) : () -> ()
    %dma_start3A_110 = arith.constant 0 : i32
    %dma_start3A_111 = arith.constant 0 : i32
    %dma_start3A_112 = tpu.memref_slice %arg7[%dma_start3A_110, %dma_start3A_111] : memref<10112x128xf32, #tpu.memory_space<hbm>> -> memref<10112x128xf32, #tpu.memory_space<hbm>>
    tpu.enqueue_indirect_dma source(%dma_start3A_112 : memref<10112x128xf32, #tpu.memory_space<hbm>>) target(%arg18 : memref<64x128xf32, #tpu.memory_space<vmem>>) offsets(%arg14 : memref<64xi32, #tpu.memory_space<vmem>>) semaphore(%arg24 : memref<!tpu.dma_semaphore, #tpu.memory_space<semaphore_mem>>)
    %dma_start3A_113 = arith.constant 0 : i32
    %dma_start3A_114 = arith.constant 0 : i32
    %dma_start3A_115 = tpu.memref_slice %arg11[%dma_start3A_113, %dma_start3A_114] : memref<10112x128xf32, #tpu.memory_space<hbm>> -> memref<10112x128xf32, #tpu.memory_space<hbm>>
    tpu.enqueue_indirect_dma source(%dma_start3A_115 : memref<10112x128xf32, #tpu.memory_space<hbm>>) target(%arg20 : memref<64x128xf32, #tpu.memory_space<vmem>>) offsets(%arg16 : memref<64xi32, #tpu.memory_space<vmem>>) semaphore(%arg24 : memref<!tpu.dma_semaphore, #tpu.memory_space<semaphore_mem>>)
    %scan3A_116 = arith.constant 0 : i32
    %scan3A_117 = arith.constant 0 : i32
    %scan3A_118 = arith.constant 79 : i32
    %scan3A_119 = arith.addi %scan3A_117, %scan3A_118 : i32
    %scan3A_120 = arith.constant 1 : i32
    %scan3A_121 = scf.for %scan3A_205 = %scan3A_117 to %scan3A_119 step %scan3A_120 iter_args(%scan3A_206 = %scan3A_116) -> (i32)  : i32 {
      %mul3A_207 = arith.constant 2 : i32
      %mul3A_208 = arith.muli %mul3A_207, %scan3A_205 : i32
      %add3A_209 = arith.constant 0 : i32
      %add3A_210 = arith.addi %mul3A_208, %add3A_209 : i32
      %add3A_211 = arith.constant 1 : i32
      %add3A_212 = arith.addi %add3A_210, %add3A_211 : i32
      %mul3A_213 = arith.constant 32 : i32
      %mul3A_214 = arith.muli %mul3A_213, %add3A_212 : i32
      %add3A_215 = arith.addi %add3A, %mul3A_214 : i32
      %mul3A_216 = arith.constant 64 : i32
      %mul3A_217 = arith.muli %add3A_215, %mul3A_216 : i32
      "tpu.region"() ({
        %run_scoped3A = tpu.sem_alloc : memref<!tpu.dma_semaphore, #tpu.memory_space<semaphore_mem>>
        %dma_start3A_280 = tpu.memref_slice %arg2[%mul3A_217] : memref<325632xi32, #tpu.memory_space<hbm>> -> memref<64xi32, #tpu.memory_space<hbm>>
        %dma_start3A_281 = tpu.memref_slice %arg2[%mul3A_217] : memref<325632xi32, #tpu.memory_space<hbm>> -> memref<64xi32, #tpu.memory_space<hbm>>
        tpu.enqueue_dma source(%dma_start3A_281 : memref<64xi32, #tpu.memory_space<hbm>>) target(%arg15 : memref<64xi32, #tpu.memory_space<vmem>>) target_semaphore(%run_scoped3A : memref<!tpu.dma_semaphore, #tpu.memory_space<semaphore_mem>>)
        %dma_wait3A_282 = tpu.memref_slice %arg2[%mul3A_217] : memref<325632xi32, #tpu.memory_space<hbm>> -> memref<64xi32, #tpu.memory_space<hbm>>
        %dma_wait3A_283 = tpu.memref_slice %arg2[%mul3A_217] : memref<325632xi32, #tpu.memory_space<hbm>> -> memref<64xi32, #tpu.memory_space<hbm>>
        tpu.wait_dma2 semaphore(%run_scoped3A : memref<!tpu.dma_semaphore, #tpu.memory_space<semaphore_mem>>) src(%dma_wait3A_283 : memref<64xi32, #tpu.memory_space<hbm>>) dst(%arg15 : memref<64xi32, #tpu.memory_space<vmem>>)
        tpu.yield
      }) : () -> ()
      "tpu.region"() ({
        %run_scoped3A = tpu.sem_alloc : memref<!tpu.dma_semaphore, #tpu.memory_space<semaphore_mem>>
        %dma_start3A_280 = tpu.memref_slice %arg3[%mul3A_217] : memref<325632xi32, #tpu.memory_space<hbm>> -> memref<64xi32, #tpu.memory_space<hbm>>
        %dma_start3A_281 = tpu.memref_slice %arg3[%mul3A_217] : memref<325632xi32, #tpu.memory_space<hbm>> -> memref<64xi32, #tpu.memory_space<hbm>>
        tpu.enqueue_dma source(%dma_start3A_281 : memref<64xi32, #tpu.memory_space<hbm>>) target(%arg17 : memref<64xi32, #tpu.memory_space<vmem>>) target_semaphore(%run_scoped3A : memref<!tpu.dma_semaphore, #tpu.memory_space<semaphore_mem>>)
        %dma_wait3A_282 = tpu.memref_slice %arg3[%mul3A_217] : memref<325632xi32, #tpu.memory_space<hbm>> -> memref<64xi32, #tpu.memory_space<hbm>>
        %dma_wait3A_283 = tpu.memref_slice %arg3[%mul3A_217] : memref<325632xi32, #tpu.memory_space<hbm>> -> memref<64xi32, #tpu.memory_space<hbm>>
        tpu.wait_dma2 semaphore(%run_scoped3A : memref<!tpu.dma_semaphore, #tpu.memory_space<semaphore_mem>>) src(%dma_wait3A_283 : memref<64xi32, #tpu.memory_space<hbm>>) dst(%arg17 : memref<64xi32, #tpu.memory_space<vmem>>)
        tpu.yield
      }) : () -> ()
      %dma_start3A_218 = arith.constant 0 : i32
      %dma_start3A_219 = arith.constant 0 : i32
      %dma_start3A_220 = tpu.memref_slice %arg7[%dma_start3A_218, %dma_start3A_219] : memref<10112x128xf32, #tpu.memory_space<hbm>> -> memref<10112x128xf32, #tpu.memory_space<hbm>>
      tpu.enqueue_indirect_dma source(%dma_start3A_220 : memref<10112x128xf32, #tpu.memory_space<hbm>>) target(%arg19 : memref<64x128xf32, #tpu.memory_space<vmem>>) offsets(%arg15 : memref<64xi32, #tpu.memory_space<vmem>>) semaphore(%arg25 : memref<!tpu.dma_semaphore, #tpu.memory_space<semaphore_mem>>)
      %dma_start3A_221 = arith.constant 0 : i32
      %dma_start3A_222 = arith.constant 0 : i32
      %dma_start3A_223 = tpu.memref_slice %arg11[%dma_start3A_221, %dma_start3A_222] : memref<10112x128xf32, #tpu.memory_space<hbm>> -> memref<10112x128xf32, #tpu.memory_space<hbm>>
      tpu.enqueue_indirect_dma source(%dma_start3A_223 : memref<10112x128xf32, #tpu.memory_space<hbm>>) target(%arg21 : memref<64x128xf32, #tpu.memory_space<vmem>>) offsets(%arg17 : memref<64xi32, #tpu.memory_space<vmem>>) semaphore(%arg25 : memref<!tpu.dma_semaphore, #tpu.memory_space<semaphore_mem>>)
      %dma_wait3A_224 = arith.constant 0 : i32
      %dma_wait3A_225 = arith.constant 0 : i32
      %dma_wait3A_226 = tpu.memref_slice %arg7[%dma_wait3A_224, %dma_wait3A_225] : memref<10112x128xf32, #tpu.memory_space<hbm>> -> memref<64x128xf32, #tpu.memory_space<hbm>>
      %dma_wait3A_227 = arith.constant 0 : i32
      %dma_wait3A_228 = arith.constant 0 : i32
      %dma_wait3A_229 = tpu.memref_slice %arg7[%dma_wait3A_227, %dma_wait3A_228] : memref<10112x128xf32, #tpu.memory_space<hbm>> -> memref<64x128xf32, #tpu.memory_space<hbm>>
      tpu.wait_dma2 semaphore(%arg24 : memref<!tpu.dma_semaphore, #tpu.memory_space<semaphore_mem>>) src(%dma_wait3A_229 : memref<64x128xf32, #tpu.memory_space<hbm>>) dst(%arg18 : memref<64x128xf32, #tpu.memory_space<vmem>>)
      %dma_wait3A_230 = arith.constant 0 : i32
      %dma_wait3A_231 = arith.constant 0 : i32
      %dma_wait3A_232 = tpu.memref_slice %arg11[%dma_wait3A_230, %dma_wait3A_231] : memref<10112x128xf32, #tpu.memory_space<hbm>> -> memref<64x128xf32, #tpu.memory_space<hbm>>
      %dma_wait3A_233 = arith.constant 0 : i32
      %dma_wait3A_234 = arith.constant 0 : i32
      %dma_wait3A_235 = tpu.memref_slice %arg11[%dma_wait3A_233, %dma_wait3A_234] : memref<10112x128xf32, #tpu.memory_space<hbm>> -> memref<64x128xf32, #tpu.memory_space<hbm>>
      tpu.wait_dma2 semaphore(%arg24 : memref<!tpu.dma_semaphore, #tpu.memory_space<semaphore_mem>>) src(%dma_wait3A_235 : memref<64x128xf32, #tpu.memory_space<hbm>>) dst(%arg20 : memref<64x128xf32, #tpu.memory_space<vmem>>)
      %scan3A_236 = arith.constant 0 : i32
      %scan3A_237 = arith.constant 0 : i32
      %scan3A_238 = arith.constant 64 : i32
      %scan3A_239 = arith.addi %scan3A_237, %scan3A_238 : i32
      %scan3A_240 = arith.constant 1 : i32
      %scan3A_241 = scf.for %scan3A_280 = %scan3A_237 to %scan3A_239 step %scan3A_240 iter_args(%scan3A_281 = %scan3A_236) -> (i32)  : i32 {
        %get3A = arith.index_cast %scan3A_280 : i32 to index
        %get3A_282 = arith.constant 64 : index
        %get3A_283 = tpu.vector_load %arg18[%get3A, %get3A_282] {strides = array<i32>} : memref<64x128xf32, #tpu.memory_space<vmem>>, vector<1x16xf32>,
        %get3A_284 = vector.shape_cast %get3A_283 : vector<1x16xf32> to vector<16xf32>
        %get3A_285 = arith.index_cast %scan3A_280 : i32 to index
        %get3A_286 = arith.constant 0 : index
        %get3A_287 = tpu.vector_load %arg20[%get3A_285, %get3A_286] {strides = array<i32>} : memref<64x128xf32, #tpu.memory_space<vmem>>, vector<1x16xf32>,
        %get3A_288 = vector.shape_cast %get3A_287 : vector<1x16xf32> to vector<16xf32>
        %add3A_289 = arith.addf %get3A_284, %get3A_288 : vector<16xf32>
        %ge3A = arith.constant 0.000000e+00 : f32
        %ge3A_290 = vector.broadcast %ge3A : f32 to vector<16xf32>
        %ge3A_291 = arith.cmpf oge, %add3A_289, %ge3A_290 : vector<16xf32>
        %mul3A_292 = arith.constant 2.000000e-01 : f32
        %mul3A_293 = vector.broadcast %mul3A_292 : f32 to vector<16xf32>
        %mul3A_294 = arith.mulf %mul3A_293, %add3A_289 : vector<16xf32>
        %select_n3A = arith.select %ge3A_291, %add3A_289, %mul3A_294 : vector<16xi1>, vector<16xf32>
        %exp3A = math.exp %select_n3A : vector<16xf32>
        %swap3A = arith.index_cast %scan3A_280 : i32 to index
        %swap3A_295 = arith.constant 64 : index
        %swap3A_296 = tpu.vector_load %arg22[%swap3A, %swap3A_295] {strides = array<i32>} : memref<64x128xf32, #tpu.memory_space<vmem>>, vector<1x16xf32>,
        %swap3A_297 = vector.shape_cast %swap3A_296 : vector<1x16xf32> to vector<16xf32>
        %swap3A_298 = vector.shape_cast %exp3A : vector<16xf32> to vector<1x16xf32>
        tpu.vector_store %arg22[%swap3A, %swap3A_295], %swap3A_298 {strides = array<i32>} : memref<64x128xf32, #tpu.memory_space<vmem>>, vector<1x16xf32>,
        %get3A_299 = arith.index_cast %scan3A_280 : i32 to index
        %get3A_300 = arith.constant 0 : index
        %get3A_301 = tpu.vector_load %arg18[%get3A_299, %get3A_300] {strides = array<i32>} : memref<64x128xf32, #tpu.memory_space<vmem>>, vector<1x16xf32>,
        %get3A_302 = vector.shape_cast %get3A_301 : vector<1x16xf32> to vector<16xf32>
        %mul3A_303 = arith.mulf %get3A_302, %exp3A : vector<16xf32>
        %swap3A_304 = arith.index_cast %scan3A_280 : i32 to index
        %swap3A_305 = arith.constant 0 : index
        %swap3A_306 = tpu.vector_load %arg22[%swap3A_304, %swap3A_305] {strides = array<i32>} : memref<64x128xf32, #tpu.memory_space<vmem>>, vector<1x16xf32>,
        %swap3A_307 = vector.shape_cast %swap3A_306 : vector<1x16xf32> to vector<16xf32>
        %swap3A_308 = vector.shape_cast %mul3A_303 : vector<16xf32> to vector<1x16xf32>
        tpu.vector_store %arg22[%swap3A_304, %swap3A_305], %swap3A_308 {strides = array<i32>} : memref<64x128xf32, #tpu.memory_space<vmem>>, vector<1x16xf32>,
        %get3A_309 = arith.index_cast %scan3A_280 : i32 to index
        %get3A_310 = arith.constant 16 : index
        %get3A_311 = tpu.vector_load %arg18[%get3A_309, %get3A_310] {strides = array<i32>} : memref<64x128xf32, #tpu.memory_space<vmem>>, vector<1x16xf32>,
        %get3A_312 = vector.shape_cast %get3A_311 : vector<1x16xf32> to vector<16xf32>
        %mul3A_313 = arith.mulf %get3A_312, %exp3A : vector<16xf32>
        %swap3A_314 = arith.index_cast %scan3A_280 : i32 to index
        %swap3A_315 = arith.constant 16 : index
        %swap3A_316 = tpu.vector_load %arg22[%swap3A_314, %swap3A_315] {strides = array<i32>} : memref<64x128xf32, #tpu.memory_space<vmem>>, vector<1x16xf32>,
        %swap3A_317 = vector.shape_cast %swap3A_316 : vector<1x16xf32> to vector<16xf32>
        %swap3A_318 = vector.shape_cast %mul3A_313 : vector<16xf32> to vector<1x16xf32>
        tpu.vector_store %arg22[%swap3A_314, %swap3A_315], %swap3A_318 {strides = array<i32>} : memref<64x128xf32, #tpu.memory_space<vmem>>, vector<1x16xf32>,
        %get3A_319 = arith.index_cast %scan3A_280 : i32 to index
        %get3A_320 = arith.constant 32 : index
        %get3A_321 = tpu.vector_load %arg18[%get3A_319, %get3A_320] {strides = array<i32>} : memref<64x128xf32, #tpu.memory_space<vmem>>, vector<1x16xf32>,
        %get3A_322 = vector.shape_cast %get3A_321 : vector<1x16xf32> to vector<16xf32>
        %mul3A_323 = arith.mulf %get3A_322, %exp3A : vector<16xf32>
        %swap3A_324 = arith.index_cast %scan3A_280 : i32 to index
        %swap3A_325 = arith.constant 32 : index
        %swap3A_326 = tpu.vector_load %arg22[%swap3A_324, %swap3A_325] {strides = array<i32>} : memref<64x128xf32, #tpu.memory_space<vmem>>, vector<1x16xf32>,
        %swap3A_327 = vector.shape_cast %swap3A_326 : vector<1x16xf32> to vector<16xf32>
        %swap3A_328 = vector.shape_cast %mul3A_323 : vector<16xf32> to vector<1x16xf32>
        tpu.vector_store %arg22[%swap3A_324, %swap3A_325], %swap3A_328 {strides = array<i32>} : memref<64x128xf32, #tpu.memory_space<vmem>>, vector<1x16xf32>,
        %get3A_329 = arith.index_cast %scan3A_280 : i32 to index
        %get3A_330 = arith.constant 48 : index
        %get3A_331 = tpu.vector_load %arg18[%get3A_329, %get3A_330] {strides = array<i32>} : memref<64x128xf32, #tpu.memory_space<vmem>>, vector<1x16xf32>,
        %get3A_332 = vector.shape_cast %get3A_331 : vector<1x16xf32> to vector<16xf32>
        %mul3A_333 = arith.mulf %get3A_332, %exp3A : vector<16xf32>
        %swap3A_334 = arith.index_cast %scan3A_280 : i32 to index
        %swap3A_335 = arith.constant 48 : index
        %swap3A_336 = tpu.vector_load %arg22[%swap3A_334, %swap3A_335] {strides = array<i32>} : memref<64x128xf32, #tpu.memory_space<vmem>>, vector<1x16xf32>,
        %swap3A_337 = vector.shape_cast %swap3A_336 : vector<1x16xf32> to vector<16xf32>
        %swap3A_338 = vector.shape_cast %mul3A_333 : vector<16xf32> to vector<1x16xf32>
        tpu.vector_store %arg22[%swap3A_334, %swap3A_335], %swap3A_338 {strides = array<i32>} : memref<64x128xf32, #tpu.memory_space<vmem>>, vector<1x16xf32>,
        %scan3A_339 = arith.constant 0 : i32
        scf.yield %scan3A_339 : i32
      }
      %scan3A_242 = arith.constant 64 : i32
      "tpu.region"() ({
        %run_scoped3A = tpu.sem_alloc : memref<!tpu.dma_semaphore, #tpu.memory_space<semaphore_mem>>
        %dma_start3A_280 = arith.constant 0 : i32
        %dma_start3A_281 = arith.constant 0 : i32
        %dma_start3A_282 = tpu.memref_slice %arg23[%dma_start3A_280, %dma_start3A_281] : memref<10112x128xf32, #tpu.memory_space<vmem_shared>> -> memref<10112x128xf32, #tpu.memory_space<vmem_shared>>
        tpu.enqueue_indirect_dma source(%arg22 : memref<64x128xf32, #tpu.memory_space<vmem>>) target(%dma_start3A_282 : memref<10112x128xf32, #tpu.memory_space<vmem_shared>>) offsets(%arg16 : memref<64xi32, #tpu.memory_space<vmem>>) semaphore(%run_scoped3A : memref<!tpu.dma_semaphore, #tpu.memory_space<semaphore_mem>>) {add = true}
        %dma_wait3A_283 = arith.constant 0 : i32
        %dma_wait3A_284 = arith.constant 0 : i32
        %dma_wait3A_285 = tpu.memref_slice %arg23[%dma_wait3A_283, %dma_wait3A_284] : memref<10112x128xf32, #tpu.memory_space<vmem_shared>> -> memref<10112x128xf32, #tpu.memory_space<vmem_shared>>
        tpu.wait_indirect_dma semaphore(%run_scoped3A : memref<!tpu.dma_semaphore, #tpu.memory_space<semaphore_mem>>) src(%arg22 : memref<64x128xf32, #tpu.memory_space<vmem>>) dst(%dma_wait3A_285 : memref<10112x128xf32, #tpu.memory_space<vmem_shared>>)
        tpu.yield
      }) : () -> ()
      %mul3A_243 = arith.constant 2 : i32
      %mul3A_244 = arith.muli %mul3A_243, %scan3A_205 : i32
      %add3A_245 = arith.constant 1 : i32
      %add3A_246 = arith.addi %mul3A_244, %add3A_245 : i32
      %add3A_247 = arith.constant 1 : i32
      %add3A_248 = arith.addi %add3A_246, %add3A_247 : i32
      %mul3A_249 = arith.constant 32 : i32
      %mul3A_250 = arith.muli %mul3A_249, %add3A_248 : i32
      %add3A_251 = arith.addi %add3A, %mul3A_250 : i32
      %mul3A_252 = arith.constant 64 : i32
      %mul3A_253 = arith.muli %add3A_251, %mul3A_252 : i32
      "tpu.region"() ({
        %run_scoped3A = tpu.sem_alloc : memref<!tpu.dma_semaphore, #tpu.memory_space<semaphore_mem>>
        %dma_start3A_280 = tpu.memref_slice %arg2[%mul3A_253] : memref<325632xi32, #tpu.memory_space<hbm>> -> memref<64xi32, #tpu.memory_space<hbm>>
        %dma_start3A_281 = tpu.memref_slice %arg2[%mul3A_253] : memref<325632xi32, #tpu.memory_space<hbm>> -> memref<64xi32, #tpu.memory_space<hbm>>
        tpu.enqueue_dma source(%dma_start3A_281 : memref<64xi32, #tpu.memory_space<hbm>>) target(%arg14 : memref<64xi32, #tpu.memory_space<vmem>>) target_semaphore(%run_scoped3A : memref<!tpu.dma_semaphore, #tpu.memory_space<semaphore_mem>>)
        %dma_wait3A_282 = tpu.memref_slice %arg2[%mul3A_253] : memref<325632xi32, #tpu.memory_space<hbm>> -> memref<64xi32, #tpu.memory_space<hbm>>
        %dma_wait3A_283 = tpu.memref_slice %arg2[%mul3A_253] : memref<325632xi32, #tpu.memory_space<hbm>> -> memref<64xi32, #tpu.memory_space<hbm>>
        tpu.wait_dma2 semaphore(%run_scoped3A : memref<!tpu.dma_semaphore, #tpu.memory_space<semaphore_mem>>) src(%dma_wait3A_283 : memref<64xi32, #tpu.memory_space<hbm>>) dst(%arg14 : memref<64xi32, #tpu.memory_space<vmem>>)
        tpu.yield
      }) : () -> ()
      "tpu.region"() ({
        %run_scoped3A = tpu.sem_alloc : memref<!tpu.dma_semaphore, #tpu.memory_space<semaphore_mem>>
        %dma_start3A_280 = tpu.memref_slice %arg3[%mul3A_253] : memref<325632xi32, #tpu.memory_space<hbm>> -> memref<64xi32, #tpu.memory_space<hbm>>
        %dma_start3A_281 = tpu.memref_slice %arg3[%mul3A_253] : memref<325632xi32, #tpu.memory_space<hbm>> -> memref<64xi32, #tpu.memory_space<hbm>>
        tpu.enqueue_dma source(%dma_start3A_281 : memref<64xi32, #tpu.memory_space<hbm>>) target(%arg16 : memref<64xi32, #tpu.memory_space<vmem>>) target_semaphore(%run_scoped3A : memref<!tpu.dma_semaphore, #tpu.memory_space<semaphore_mem>>)
        %dma_wait3A_282 = tpu.memref_slice %arg3[%mul3A_253] : memref<325632xi32, #tpu.memory_space<hbm>> -> memref<64xi32, #tpu.memory_space<hbm>>
        %dma_wait3A_283 = tpu.memref_slice %arg3[%mul3A_253] : memref<325632xi32, #tpu.memory_space<hbm>> -> memref<64xi32, #tpu.memory_space<hbm>>
        tpu.wait_dma2 semaphore(%run_scoped3A : memref<!tpu.dma_semaphore, #tpu.memory_space<semaphore_mem>>) src(%dma_wait3A_283 : memref<64xi32, #tpu.memory_space<hbm>>) dst(%arg16 : memref<64xi32, #tpu.memory_space<vmem>>)
        tpu.yield
      }) : () -> ()
      %dma_start3A_254 = arith.constant 0 : i32
      %dma_start3A_255 = arith.constant 0 : i32
      %dma_start3A_256 = tpu.memref_slice %arg7[%dma_start3A_254, %dma_start3A_255] : memref<10112x128xf32, #tpu.memory_space<hbm>> -> memref<10112x128xf32, #tpu.memory_space<hbm>>
      tpu.enqueue_indirect_dma source(%dma_start3A_256 : memref<10112x128xf32, #tpu.memory_space<hbm>>) target(%arg18 : memref<64x128xf32, #tpu.memory_space<vmem>>) offsets(%arg14 : memref<64xi32, #tpu.memory_space<vmem>>) semaphore(%arg24 : memref<!tpu.dma_semaphore, #tpu.memory_space<semaphore_mem>>)
      %dma_start3A_257 = arith.constant 0 : i32
      %dma_start3A_258 = arith.constant 0 : i32
      %dma_start3A_259 = tpu.memref_slice %arg11[%dma_start3A_257, %dma_start3A_258] : memref<10112x128xf32, #tpu.memory_space<hbm>> -> memref<10112x128xf32, #tpu.memory_space<hbm>>
      tpu.enqueue_indirect_dma source(%dma_start3A_259 : memref<10112x128xf32, #tpu.memory_space<hbm>>) target(%arg20 : memref<64x128xf32, #tpu.memory_space<vmem>>) offsets(%arg16 : memref<64xi32, #tpu.memory_space<vmem>>) semaphore(%arg24 : memref<!tpu.dma_semaphore, #tpu.memory_space<semaphore_mem>>)
      %dma_wait3A_260 = arith.constant 0 : i32
      %dma_wait3A_261 = arith.constant 0 : i32
      %dma_wait3A_262 = tpu.memref_slice %arg7[%dma_wait3A_260, %dma_wait3A_261] : memref<10112x128xf32, #tpu.memory_space<hbm>> -> memref<64x128xf32, #tpu.memory_space<hbm>>
      %dma_wait3A_263 = arith.constant 0 : i32
      %dma_wait3A_264 = arith.constant 0 : i32
      %dma_wait3A_265 = tpu.memref_slice %arg7[%dma_wait3A_263, %dma_wait3A_264] : memref<10112x128xf32, #tpu.memory_space<hbm>> -> memref<64x128xf32, #tpu.memory_space<hbm>>
      tpu.wait_dma2 semaphore(%arg25 : memref<!tpu.dma_semaphore, #tpu.memory_space<semaphore_mem>>) src(%dma_wait3A_265 : memref<64x128xf32, #tpu.memory_space<hbm>>) dst(%arg19 : memref<64x128xf32, #tpu.memory_space<vmem>>)
      %dma_wait3A_266 = arith.constant 0 : i32
      %dma_wait3A_267 = arith.constant 0 : i32
      %dma_wait3A_268 = tpu.memref_slice %arg11[%dma_wait3A_266, %dma_wait3A_267] : memref<10112x128xf32, #tpu.memory_space<hbm>> -> memref<64x128xf32, #tpu.memory_space<hbm>>
      %dma_wait3A_269 = arith.constant 0 : i32
      %dma_wait3A_270 = arith.constant 0 : i32
      %dma_wait3A_271 = tpu.memref_slice %arg11[%dma_wait3A_269, %dma_wait3A_270] : memref<10112x128xf32, #tpu.memory_space<hbm>> -> memref<64x128xf32, #tpu.memory_space<hbm>>
      tpu.wait_dma2 semaphore(%arg25 : memref<!tpu.dma_semaphore, #tpu.memory_space<semaphore_mem>>) src(%dma_wait3A_271 : memref<64x128xf32, #tpu.memory_space<hbm>>) dst(%arg21 : memref<64x128xf32, #tpu.memory_space<vmem>>)
      %scan3A_272 = arith.constant 0 : i32
      %scan3A_273 = arith.constant 0 : i32
      %scan3A_274 = arith.constant 64 : i32
      %scan3A_275 = arith.addi %scan3A_273, %scan3A_274 : i32
      %scan3A_276 = arith.constant 1 : i32
      %scan3A_277 = scf.for %scan3A_280 = %scan3A_273 to %scan3A_275 step %scan3A_276 iter_args(%scan3A_281 = %scan3A_272) -> (i32)  : i32 {
        %get3A = arith.index_cast %scan3A_280 : i32 to index
        %get3A_282 = arith.constant 64 : index
        %get3A_283 = tpu.vector_load %arg19[%get3A, %get3A_282] {strides = array<i32>} : memref<64x128xf32, #tpu.memory_space<vmem>>, vector<1x16xf32>,
        %get3A_284 = vector.shape_cast %get3A_283 : vector<1x16xf32> to vector<16xf32>
        %get3A_285 = arith.index_cast %scan3A_280 : i32 to index
        %get3A_286 = arith.constant 0 : index
        %get3A_287 = tpu.vector_load %arg21[%get3A_285, %get3A_286] {strides = array<i32>} : memref<64x128xf32, #tpu.memory_space<vmem>>, vector<1x16xf32>,
        %get3A_288 = vector.shape_cast %get3A_287 : vector<1x16xf32> to vector<16xf32>
        %add3A_289 = arith.addf %get3A_284, %get3A_288 : vector<16xf32>
        %ge3A = arith.constant 0.000000e+00 : f32
        %ge3A_290 = vector.broadcast %ge3A : f32 to vector<16xf32>
        %ge3A_291 = arith.cmpf oge, %add3A_289, %ge3A_290 : vector<16xf32>
        %mul3A_292 = arith.constant 2.000000e-01 : f32
        %mul3A_293 = vector.broadcast %mul3A_292 : f32 to vector<16xf32>
        %mul3A_294 = arith.mulf %mul3A_293, %add3A_289 : vector<16xf32>
        %select_n3A = arith.select %ge3A_291, %add3A_289, %mul3A_294 : vector<16xi1>, vector<16xf32>
        %exp3A = math.exp %select_n3A : vector<16xf32>
        %swap3A = arith.index_cast %scan3A_280 : i32 to index
        %swap3A_295 = arith.constant 64 : index
        %swap3A_296 = tpu.vector_load %arg22[%swap3A, %swap3A_295] {strides = array<i32>} : memref<64x128xf32, #tpu.memory_space<vmem>>, vector<1x16xf32>,
        %swap3A_297 = vector.shape_cast %swap3A_296 : vector<1x16xf32> to vector<16xf32>
        %swap3A_298 = vector.shape_cast %exp3A : vector<16xf32> to vector<1x16xf32>
        tpu.vector_store %arg22[%swap3A, %swap3A_295], %swap3A_298 {strides = array<i32>} : memref<64x128xf32, #tpu.memory_space<vmem>>, vector<1x16xf32>,
        %get3A_299 = arith.index_cast %scan3A_280 : i32 to index
        %get3A_300 = arith.constant 0 : index
        %get3A_301 = tpu.vector_load %arg19[%get3A_299, %get3A_300] {strides = array<i32>} : memref<64x128xf32, #tpu.memory_space<vmem>>, vector<1x16xf32>,
        %get3A_302 = vector.shape_cast %get3A_301 : vector<1x16xf32> to vector<16xf32>
        %mul3A_303 = arith.mulf %get3A_302, %exp3A : vector<16xf32>
        %swap3A_304 = arith.index_cast %scan3A_280 : i32 to index
        %swap3A_305 = arith.constant 0 : index
        %swap3A_306 = tpu.vector_load %arg22[%swap3A_304, %swap3A_305] {strides = array<i32>} : memref<64x128xf32, #tpu.memory_space<vmem>>, vector<1x16xf32>,
        %swap3A_307 = vector.shape_cast %swap3A_306 : vector<1x16xf32> to vector<16xf32>
        %swap3A_308 = vector.shape_cast %mul3A_303 : vector<16xf32> to vector<1x16xf32>
        tpu.vector_store %arg22[%swap3A_304, %swap3A_305], %swap3A_308 {strides = array<i32>} : memref<64x128xf32, #tpu.memory_space<vmem>>, vector<1x16xf32>,
        %get3A_309 = arith.index_cast %scan3A_280 : i32 to index
        %get3A_310 = arith.constant 16 : index
        %get3A_311 = tpu.vector_load %arg19[%get3A_309, %get3A_310] {strides = array<i32>} : memref<64x128xf32, #tpu.memory_space<vmem>>, vector<1x16xf32>,
        %get3A_312 = vector.shape_cast %get3A_311 : vector<1x16xf32> to vector<16xf32>
        %mul3A_313 = arith.mulf %get3A_312, %exp3A : vector<16xf32>
        %swap3A_314 = arith.index_cast %scan3A_280 : i32 to index
        %swap3A_315 = arith.constant 16 : index
        %swap3A_316 = tpu.vector_load %arg22[%swap3A_314, %swap3A_315] {strides = array<i32>} : memref<64x128xf32, #tpu.memory_space<vmem>>, vector<1x16xf32>,
        %swap3A_317 = vector.shape_cast %swap3A_316 : vector<1x16xf32> to vector<16xf32>
        %swap3A_318 = vector.shape_cast %mul3A_313 : vector<16xf32> to vector<1x16xf32>
        tpu.vector_store %arg22[%swap3A_314, %swap3A_315], %swap3A_318 {strides = array<i32>} : memref<64x128xf32, #tpu.memory_space<vmem>>, vector<1x16xf32>,
        %get3A_319 = arith.index_cast %scan3A_280 : i32 to index
        %get3A_320 = arith.constant 32 : index
        %get3A_321 = tpu.vector_load %arg19[%get3A_319, %get3A_320] {strides = array<i32>} : memref<64x128xf32, #tpu.memory_space<vmem>>, vector<1x16xf32>,
        %get3A_322 = vector.shape_cast %get3A_321 : vector<1x16xf32> to vector<16xf32>
        %mul3A_323 = arith.mulf %get3A_322, %exp3A : vector<16xf32>
        %swap3A_324 = arith.index_cast %scan3A_280 : i32 to index
        %swap3A_325 = arith.constant 32 : index
        %swap3A_326 = tpu.vector_load %arg22[%swap3A_324, %swap3A_325] {strides = array<i32>} : memref<64x128xf32, #tpu.memory_space<vmem>>, vector<1x16xf32>,
        %swap3A_327 = vector.shape_cast %swap3A_326 : vector<1x16xf32> to vector<16xf32>
        %swap3A_328 = vector.shape_cast %mul3A_323 : vector<16xf32> to vector<1x16xf32>
        tpu.vector_store %arg22[%swap3A_324, %swap3A_325], %swap3A_328 {strides = array<i32>} : memref<64x128xf32, #tpu.memory_space<vmem>>, vector<1x16xf32>,
        %get3A_329 = arith.index_cast %scan3A_280 : i32 to index
        %get3A_330 = arith.constant 48 : index
        %get3A_331 = tpu.vector_load %arg19[%get3A_329, %get3A_330] {strides = array<i32>} : memref<64x128xf32, #tpu.memory_space<vmem>>, vector<1x16xf32>,
        %get3A_332 = vector.shape_cast %get3A_331 : vector<1x16xf32> to vector<16xf32>
        %mul3A_333 = arith.mulf %get3A_332, %exp3A : vector<16xf32>
        %swap3A_334 = arith.index_cast %scan3A_280 : i32 to index
        %swap3A_335 = arith.constant 48 : index
        %swap3A_336 = tpu.vector_load %arg22[%swap3A_334, %swap3A_335] {strides = array<i32>} : memref<64x128xf32, #tpu.memory_space<vmem>>, vector<1x16xf32>,
        %swap3A_337 = vector.shape_cast %swap3A_336 : vector<1x16xf32> to vector<16xf32>
        %swap3A_338 = vector.shape_cast %mul3A_333 : vector<16xf32> to vector<1x16xf32>
        tpu.vector_store %arg22[%swap3A_334, %swap3A_335], %swap3A_338 {strides = array<i32>} : memref<64x128xf32, #tpu.memory_space<vmem>>, vector<1x16xf32>,
        %scan3A_339 = arith.constant 0 : i32
        scf.yield %scan3A_339 : i32
      }
      %scan3A_278 = arith.constant 64 : i32
      "tpu.region"() ({
        %run_scoped3A = tpu.sem_alloc : memref<!tpu.dma_semaphore, #tpu.memory_space<semaphore_mem>>
        %dma_start3A_280 = arith.constant 0 : i32
        %dma_start3A_281 = arith.constant 0 : i32
        %dma_start3A_282 = tpu.memref_slice %arg23[%dma_start3A_280, %dma_start3A_281] : memref<10112x128xf32, #tpu.memory_space<vmem_shared>> -> memref<10112x128xf32, #tpu.memory_space<vmem_shared>>
        tpu.enqueue_indirect_dma source(%arg22 : memref<64x128xf32, #tpu.memory_space<vmem>>) target(%dma_start3A_282 : memref<10112x128xf32, #tpu.memory_space<vmem_shared>>) offsets(%arg17 : memref<64xi32, #tpu.memory_space<vmem>>) semaphore(%run_scoped3A : memref<!tpu.dma_semaphore, #tpu.memory_space<semaphore_mem>>) {add = true}
        %dma_wait3A_283 = arith.constant 0 : i32
        %dma_wait3A_284 = arith.constant 0 : i32
        %dma_wait3A_285 = tpu.memref_slice %arg23[%dma_wait3A_283, %dma_wait3A_284] : memref<10112x128xf32, #tpu.memory_space<vmem_shared>> -> memref<10112x128xf32, #tpu.memory_space<vmem_shared>>
        tpu.wait_indirect_dma semaphore(%run_scoped3A : memref<!tpu.dma_semaphore, #tpu.memory_space<semaphore_mem>>) src(%arg22 : memref<64x128xf32, #tpu.memory_space<vmem>>) dst(%dma_wait3A_285 : memref<10112x128xf32, #tpu.memory_space<vmem_shared>>)
        tpu.yield
      }) : () -> ()
      %scan3A_279 = arith.constant 0 : i32
      scf.yield %scan3A_279 : i32
    }
    %scan3A_122 = arith.constant 79 : i32
    %dma_wait3A_123 = arith.constant 0 : i32
    %dma_wait3A_124 = arith.constant 0 : i32
    %dma_wait3A_125 = tpu.memref_slice %arg7[%dma_wait3A_123, %dma_wait3A_124] : memref<10112x128xf32, #tpu.memory_space<hbm>> -> memref<64x128xf32, #tpu.memory_space<hbm>>
    %dma_wait3A_126 = arith.constant 0 : i32
    %dma_wait3A_127 = arith.constant 0 : i32
    %dma_wait3A_128 = tpu.memref_slice %arg7[%dma_wait3A_126, %dma_wait3A_127] : memref<10112x128xf32, #tpu.memory_space<hbm>> -> memref<64x128xf32, #tpu.memory_space<hbm>>
    tpu.wait_dma2 semaphore(%arg24 : memref<!tpu.dma_semaphore, #tpu.memory_space<semaphore_mem>>) src(%dma_wait3A_128 : memref<64x128xf32, #tpu.memory_space<hbm>>) dst(%arg18 : memref<64x128xf32, #tpu.memory_space<vmem>>)
    %dma_wait3A_129 = arith.constant 0 : i32
    %dma_wait3A_130 = arith.constant 0 : i32
    %dma_wait3A_131 = tpu.memref_slice %arg11[%dma_wait3A_129, %dma_wait3A_130] : memref<10112x128xf32, #tpu.memory_space<hbm>> -> memref<64x128xf32, #tpu.memory_space<hbm>>
    %dma_wait3A_132 = arith.constant 0 : i32
    %dma_wait3A_133 = arith.constant 0 : i32
    %dma_wait3A_134 = tpu.memref_slice %arg11[%dma_wait3A_132, %dma_wait3A_133] : memref<10112x128xf32, #tpu.memory_space<hbm>> -> memref<64x128xf32, #tpu.memory_space<hbm>>
    tpu.wait_dma2 semaphore(%arg24 : memref<!tpu.dma_semaphore, #tpu.memory_space<semaphore_mem>>) src(%dma_wait3A_134 : memref<64x128xf32, #tpu.memory_space<hbm>>) dst(%arg20 : memref<64x128xf32, #tpu.memory_space<vmem>>)
    %scan3A_135 = arith.constant 0 : i32
    %scan3A_136 = arith.constant 0 : i32
    %scan3A_137 = arith.constant 64 : i32
    %scan3A_138 = arith.addi %scan3A_136, %scan3A_137 : i32
    %scan3A_139 = arith.constant 1 : i32
    %scan3A_140 = scf.for %scan3A_205 = %scan3A_136 to %scan3A_138 step %scan3A_139 iter_args(%scan3A_206 = %scan3A_135) -> (i32)  : i32 {
      %get3A = arith.index_cast %scan3A_205 : i32 to index
      %get3A_207 = arith.constant 64 : index
      %get3A_208 = tpu.vector_load %arg18[%get3A, %get3A_207] {strides = array<i32>} : memref<64x128xf32, #tpu.memory_space<vmem>>, vector<1x16xf32>,
      %get3A_209 = vector.shape_cast %get3A_208 : vector<1x16xf32> to vector<16xf32>
      %get3A_210 = arith.index_cast %scan3A_205 : i32 to index
      %get3A_211 = arith.constant 0 : index
      %get3A_212 = tpu.vector_load %arg20[%get3A_210, %get3A_211] {strides = array<i32>} : memref<64x128xf32, #tpu.memory_space<vmem>>, vector<1x16xf32>,
      %get3A_213 = vector.shape_cast %get3A_212 : vector<1x16xf32> to vector<16xf32>
      %add3A_214 = arith.addf %get3A_209, %get3A_213 : vector<16xf32>
      %ge3A = arith.constant 0.000000e+00 : f32
      %ge3A_215 = vector.broadcast %ge3A : f32 to vector<16xf32>
      %ge3A_216 = arith.cmpf oge, %add3A_214, %ge3A_215 : vector<16xf32>
      %mul3A_217 = arith.constant 2.000000e-01 : f32
      %mul3A_218 = vector.broadcast %mul3A_217 : f32 to vector<16xf32>
      %mul3A_219 = arith.mulf %mul3A_218, %add3A_214 : vector<16xf32>
      %select_n3A = arith.select %ge3A_216, %add3A_214, %mul3A_219 : vector<16xi1>, vector<16xf32>
      %exp3A = math.exp %select_n3A : vector<16xf32>
      %swap3A = arith.index_cast %scan3A_205 : i32 to index
      %swap3A_220 = arith.constant 64 : index
      %swap3A_221 = tpu.vector_load %arg22[%swap3A, %swap3A_220] {strides = array<i32>} : memref<64x128xf32, #tpu.memory_space<vmem>>, vector<1x16xf32>,
      %swap3A_222 = vector.shape_cast %swap3A_221 : vector<1x16xf32> to vector<16xf32>
      %swap3A_223 = vector.shape_cast %exp3A : vector<16xf32> to vector<1x16xf32>
      tpu.vector_store %arg22[%swap3A, %swap3A_220], %swap3A_223 {strides = array<i32>} : memref<64x128xf32, #tpu.memory_space<vmem>>, vector<1x16xf32>,
      %get3A_224 = arith.index_cast %scan3A_205 : i32 to index
      %get3A_225 = arith.constant 0 : index
      %get3A_226 = tpu.vector_load %arg18[%get3A_224, %get3A_225] {strides = array<i32>} : memref<64x128xf32, #tpu.memory_space<vmem>>, vector<1x16xf32>,
      %get3A_227 = vector.shape_cast %get3A_226 : vector<1x16xf32> to vector<16xf32>
      %mul3A_228 = arith.mulf %get3A_227, %exp3A : vector<16xf32>
      %swap3A_229 = arith.index_cast %scan3A_205 : i32 to index
      %swap3A_230 = arith.constant 0 : index
      %swap3A_231 = tpu.vector_load %arg22[%swap3A_229, %swap3A_230] {strides = array<i32>} : memref<64x128xf32, #tpu.memory_space<vmem>>, vector<1x16xf32>,
      %swap3A_232 = vector.shape_cast %swap3A_231 : vector<1x16xf32> to vector<16xf32>
      %swap3A_233 = vector.shape_cast %mul3A_228 : vector<16xf32> to vector<1x16xf32>
      tpu.vector_store %arg22[%swap3A_229, %swap3A_230], %swap3A_233 {strides = array<i32>} : memref<64x128xf32, #tpu.memory_space<vmem>>, vector<1x16xf32>,
      %get3A_234 = arith.index_cast %scan3A_205 : i32 to index
      %get3A_235 = arith.constant 16 : index
      %get3A_236 = tpu.vector_load %arg18[%get3A_234, %get3A_235] {strides = array<i32>} : memref<64x128xf32, #tpu.memory_space<vmem>>, vector<1x16xf32>,
      %get3A_237 = vector.shape_cast %get3A_236 : vector<1x16xf32> to vector<16xf32>
      %mul3A_238 = arith.mulf %get3A_237, %exp3A : vector<16xf32>
      %swap3A_239 = arith.index_cast %scan3A_205 : i32 to index
      %swap3A_240 = arith.constant 16 : index
      %swap3A_241 = tpu.vector_load %arg22[%swap3A_239, %swap3A_240] {strides = array<i32>} : memref<64x128xf32, #tpu.memory_space<vmem>>, vector<1x16xf32>,
      %swap3A_242 = vector.shape_cast %swap3A_241 : vector<1x16xf32> to vector<16xf32>
      %swap3A_243 = vector.shape_cast %mul3A_238 : vector<16xf32> to vector<1x16xf32>
      tpu.vector_store %arg22[%swap3A_239, %swap3A_240], %swap3A_243 {strides = array<i32>} : memref<64x128xf32, #tpu.memory_space<vmem>>, vector<1x16xf32>,
      %get3A_244 = arith.index_cast %scan3A_205 : i32 to index
      %get3A_245 = arith.constant 32 : index
      %get3A_246 = tpu.vector_load %arg18[%get3A_244, %get3A_245] {strides = array<i32>} : memref<64x128xf32, #tpu.memory_space<vmem>>, vector<1x16xf32>,
      %get3A_247 = vector.shape_cast %get3A_246 : vector<1x16xf32> to vector<16xf32>
      %mul3A_248 = arith.mulf %get3A_247, %exp3A : vector<16xf32>
      %swap3A_249 = arith.index_cast %scan3A_205 : i32 to index
      %swap3A_250 = arith.constant 32 : index
      %swap3A_251 = tpu.vector_load %arg22[%swap3A_249, %swap3A_250] {strides = array<i32>} : memref<64x128xf32, #tpu.memory_space<vmem>>, vector<1x16xf32>,
      %swap3A_252 = vector.shape_cast %swap3A_251 : vector<1x16xf32> to vector<16xf32>
      %swap3A_253 = vector.shape_cast %mul3A_248 : vector<16xf32> to vector<1x16xf32>
      tpu.vector_store %arg22[%swap3A_249, %swap3A_250], %swap3A_253 {strides = array<i32>} : memref<64x128xf32, #tpu.memory_space<vmem>>, vector<1x16xf32>,
      %get3A_254 = arith.index_cast %scan3A_205 : i32 to index
      %get3A_255 = arith.constant 48 : index
      %get3A_256 = tpu.vector_load %arg18[%get3A_254, %get3A_255] {strides = array<i32>} : memref<64x128xf32, #tpu.memory_space<vmem>>, vector<1x16xf32>,
      %get3A_257 = vector.shape_cast %get3A_256 : vector<1x16xf32> to vector<16xf32>
      %mul3A_258 = arith.mulf %get3A_257, %exp3A : vector<16xf32>
      %swap3A_259 = arith.index_cast %scan3A_205 : i32 to index
      %swap3A_260 = arith.constant 48 : index
      %swap3A_261 = tpu.vector_load %arg22[%swap3A_259, %swap3A_260] {strides = array<i32>} : memref<64x128xf32, #tpu.memory_space<vmem>>, vector<1x16xf32>,
      %swap3A_262 = vector.shape_cast %swap3A_261 : vector<1x16xf32> to vector<16xf32>
      %swap3A_263 = vector.shape_cast %mul3A_258 : vector<16xf32> to vector<1x16xf32>
      tpu.vector_store %arg22[%swap3A_259, %swap3A_260], %swap3A_263 {strides = array<i32>} : memref<64x128xf32, #tpu.memory_space<vmem>>, vector<1x16xf32>,
      %scan3A_264 = arith.constant 0 : i32
      scf.yield %scan3A_264 : i32
    }
    %scan3A_141 = arith.constant 64 : i32
    "tpu.region"() ({
      %run_scoped3A = tpu.sem_alloc : memref<!tpu.dma_semaphore, #tpu.memory_space<semaphore_mem>>
      %dma_start3A_205 = arith.constant 0 : i32
      %dma_start3A_206 = arith.constant 0 : i32
      %dma_start3A_207 = tpu.memref_slice %arg23[%dma_start3A_205, %dma_start3A_206] : memref<10112x128xf32, #tpu.memory_space<vmem_shared>> -> memref<10112x128xf32, #tpu.memory_space<vmem_shared>>
      tpu.enqueue_indirect_dma source(%arg22 : memref<64x128xf32, #tpu.memory_space<vmem>>) target(%dma_start3A_207 : memref<10112x128xf32, #tpu.memory_space<vmem_shared>>) offsets(%arg16 : memref<64xi32, #tpu.memory_space<vmem>>) semaphore(%run_scoped3A : memref<!tpu.dma_semaphore, #tpu.memory_space<semaphore_mem>>) {add = true}
      %dma_wait3A_208 = arith.constant 0 : i32
      %dma_wait3A_209 = arith.constant 0 : i32
      %dma_wait3A_210 = tpu.memref_slice %arg23[%dma_wait3A_208, %dma_wait3A_209] : memref<10112x128xf32, #tpu.memory_space<vmem_shared>> -> memref<10112x128xf32, #tpu.memory_space<vmem_shared>>
      tpu.wait_indirect_dma semaphore(%run_scoped3A : memref<!tpu.dma_semaphore, #tpu.memory_space<semaphore_mem>>) src(%arg22 : memref<64x128xf32, #tpu.memory_space<vmem>>) dst(%dma_wait3A_210 : memref<10112x128xf32, #tpu.memory_space<vmem_shared>>)
      tpu.yield
    }) : () -> ()
    %barrier3A_142 = arith.constant 0 : index
    tpu.barrier barrier_id(%barrier3A_142)
    %add3A_143 = arith.constant 4 : i32
    %add3A_144 = arith.addi %add3A_143, %arg0 : i32
    %mul3A_145 = arith.constant 10112 : i32
    %mul3A_146 = arith.muli %add3A_144, %mul3A_145 : i32
    %mul3A_147 = arith.constant 632 : i32
    %mul3A_148 = arith.muli %arg1, %mul3A_147 : i32
    %add3A_149 = arith.addi %mul3A_146, %mul3A_148 : i32
    %mul3A_150 = arith.constant 632 : i32
    %mul3A_151 = arith.muli %arg1, %mul3A_150 : i32
    "tpu.region"() ({
      %run_scoped3A = tpu.sem_alloc : memref<!tpu.dma_semaphore, #tpu.memory_space<semaphore_mem>>
      %dma_start3A_205 = arith.constant 0 : i32
      %dma_start3A_206 = tpu.memref_slice %arg13[%add3A_149, %dma_start3A_205] : memref<80896x128xf32, #tpu.memory_space<hbm>> -> memref<632x128xf32, #tpu.memory_space<hbm>>
      %dma_start3A_207 = arith.constant 0 : i32
      %dma_start3A_208 = tpu.memref_slice %arg23[%mul3A_151, %dma_start3A_207] : memref<10112x128xf32, #tpu.memory_space<vmem_shared>> -> memref<632x128xf32, #tpu.memory_space<vmem_shared>>
      tpu.enqueue_dma source(%dma_start3A_208 : memref<632x128xf32, #tpu.memory_space<vmem_shared>>) target(%dma_start3A_206 : memref<632x128xf32, #tpu.memory_space<hbm>>) target_semaphore(%run_scoped3A : memref<!tpu.dma_semaphore, #tpu.memory_space<semaphore_mem>>)
      %dma_wait3A_209 = arith.constant 0 : i32
      %dma_wait3A_210 = tpu.memref_slice %arg13[%add3A_149, %dma_wait3A_209] : memref<80896x128xf32, #tpu.memory_space<hbm>> -> memref<632x128xf32, #tpu.memory_space<hbm>>
      %dma_wait3A_211 = arith.constant 0 : i32
      %dma_wait3A_212 = tpu.memref_slice %arg23[%mul3A_151, %dma_wait3A_211] : memref<10112x128xf32, #tpu.memory_space<vmem_shared>> -> memref<632x128xf32, #tpu.memory_space<vmem_shared>>
      tpu.wait_dma2 semaphore(%run_scoped3A : memref<!tpu.dma_semaphore, #tpu.memory_space<semaphore_mem>>) src(%dma_wait3A_212 : memref<632x128xf32, #tpu.memory_space<vmem_shared>>) dst(%dma_wait3A_210 : memref<632x128xf32, #tpu.memory_space<hbm>>)
      tpu.yield
    }) : () -> ()
    %barrier3A_152 = arith.constant 0 : index
    tpu.barrier barrier_id(%barrier3A_152)
    %mul3A_153 = arith.constant 632 : i32
    %mul3A_154 = arith.muli %arg1, %mul3A_153 : i32
    "tpu.region"() ({
      %run_scoped3A = tpu.sem_alloc : memref<!tpu.dma_semaphore, #tpu.memory_space<semaphore_mem>>
      %dma_start3A_205 = arith.constant 0 : i32
      %dma_start3A_206 = tpu.memref_slice %arg23[%mul3A_154, %dma_start3A_205] : memref<10112x128xf32, #tpu.memory_space<vmem_shared>> -> memref<632x128xf32, #tpu.memory_space<vmem_shared>>
      tpu.enqueue_dma source(%arg4 : memref<632x128xf32, #tpu.memory_space<hbm>>) target(%dma_start3A_206 : memref<632x128xf32, #tpu.memory_space<vmem_shared>>) target_semaphore(%run_scoped3A : memref<!tpu.dma_semaphore, #tpu.memory_space<semaphore_mem>>)
      %dma_wait3A_207 = arith.constant 0 : i32
      %dma_wait3A_208 = tpu.memref_slice %arg23[%mul3A_154, %dma_wait3A_207] : memref<10112x128xf32, #tpu.memory_space<vmem_shared>> -> memref<632x128xf32, #tpu.memory_space<vmem_shared>>
      tpu.wait_dma2 semaphore(%run_scoped3A : memref<!tpu.dma_semaphore, #tpu.memory_space<semaphore_mem>>) src(%arg4 : memref<632x128xf32, #tpu.memory_space<hbm>>) dst(%dma_wait3A_208 : memref<632x128xf32, #tpu.memory_space<vmem_shared>>)
      tpu.yield
    }) : () -> ()
    "tpu.region"() ({
      %run_scoped3A = tpu.sem_alloc : memref<!tpu.dma_semaphore, #tpu.memory_space<semaphore_mem>>
      %dma_start3A_205 = arith.constant 0 : i32
      %dma_start3A_206 = arith.constant 0 : i32
      %dma_start3A_207 = tpu.memref_slice %arg4[%dma_start3A_205, %dma_start3A_206] : memref<632x128xf32, #tpu.memory_space<hbm>> -> memref<64x128xf32, #tpu.memory_space<hbm>>
      %dma_start3A_208 = arith.constant 0 : i32
      %dma_start3A_209 = arith.constant 0 : i32
      %dma_start3A_210 = tpu.memref_slice %arg4[%dma_start3A_208, %dma_start3A_209] : memref<632x128xf32, #tpu.memory_space<hbm>> -> memref<64x128xf32, #tpu.memory_space<hbm>>
      tpu.enqueue_dma source(%dma_start3A_210 : memref<64x128xf32, #tpu.memory_space<hbm>>) target(%arg22 : memref<64x128xf32, #tpu.memory_space<vmem>>) target_semaphore(%run_scoped3A : memref<!tpu.dma_semaphore, #tpu.memory_space<semaphore_mem>>)
      %dma_wait3A_211 = arith.constant 0 : i32
      %dma_wait3A_212 = arith.constant 0 : i32
      %dma_wait3A_213 = tpu.memref_slice %arg4[%dma_wait3A_211, %dma_wait3A_212] : memref<632x128xf32, #tpu.memory_space<hbm>> -> memref<64x128xf32, #tpu.memory_space<hbm>>
      %dma_wait3A_214 = arith.constant 0 : i32
      %dma_wait3A_215 = arith.constant 0 : i32
      %dma_wait3A_216 = tpu.memref_slice %arg4[%dma_wait3A_214, %dma_wait3A_215] : memref<632x128xf32, #tpu.memory_space<hbm>> -> memref<64x128xf32, #tpu.memory_space<hbm>>
      tpu.wait_dma2 semaphore(%run_scoped3A : memref<!tpu.dma_semaphore, #tpu.memory_space<semaphore_mem>>) src(%dma_wait3A_216 : memref<64x128xf32, #tpu.memory_space<hbm>>) dst(%arg22 : memref<64x128xf32, #tpu.memory_space<vmem>>)
      tpu.yield
    }) : () -> ()
    %barrier3A_155 = arith.constant 0 : index
    tpu.barrier barrier_id(%barrier3A_155)
    %mul3A_156 = arith.constant 32 : i32
    %mul3A_157 = arith.constant 0 : i32
    %mul3A_158 = arith.muli %mul3A_156, %mul3A_157 : i32
    %add3A_159 = arith.addi %add3A, %mul3A_158 : i32
    %mul3A_160 = arith.constant 64 : i32
    %mul3A_161 = arith.muli %add3A_159, %mul3A_160 : i32
    "tpu.region"() ({
      %run_scoped3A = tpu.sem_alloc : memref<!tpu.dma_semaphore, #tpu.memory_space<semaphore_mem>>
      %dma_start3A_205 = tpu.memref_slice %arg2[%mul3A_161] : memref<325632xi32, #tpu.memory_space<hbm>> -> memref<64xi32, #tpu.memory_space<hbm>>
      %dma_start3A_206 = tpu.memref_slice %arg2[%mul3A_161] : memref<325632xi32, #tpu.memory_space<hbm>> -> memref<64xi32, #tpu.memory_space<hbm>>
      tpu.enqueue_dma source(%dma_start3A_206 : memref<64xi32, #tpu.memory_space<hbm>>) target(%arg14 : memref<64xi32, #tpu.memory_space<vmem>>) target_semaphore(%run_scoped3A : memref<!tpu.dma_semaphore, #tpu.memory_space<semaphore_mem>>)
      %dma_wait3A_207 = tpu.memref_slice %arg2[%mul3A_161] : memref<325632xi32, #tpu.memory_space<hbm>> -> memref<64xi32, #tpu.memory_space<hbm>>
      %dma_wait3A_208 = tpu.memref_slice %arg2[%mul3A_161] : memref<325632xi32, #tpu.memory_space<hbm>> -> memref<64xi32, #tpu.memory_space<hbm>>
      tpu.wait_dma2 semaphore(%run_scoped3A : memref<!tpu.dma_semaphore, #tpu.memory_space<semaphore_mem>>) src(%dma_wait3A_208 : memref<64xi32, #tpu.memory_space<hbm>>) dst(%arg14 : memref<64xi32, #tpu.memory_space<vmem>>)
      tpu.yield
    }) : () -> ()
    "tpu.region"() ({
      %run_scoped3A = tpu.sem_alloc : memref<!tpu.dma_semaphore, #tpu.memory_space<semaphore_mem>>
      %dma_start3A_205 = tpu.memref_slice %arg3[%mul3A_161] : memref<325632xi32, #tpu.memory_space<hbm>> -> memref<64xi32, #tpu.memory_space<hbm>>
      %dma_start3A_206 = tpu.memref_slice %arg3[%mul3A_161] : memref<325632xi32, #tpu.memory_space<hbm>> -> memref<64xi32, #tpu.memory_space<hbm>>
      tpu.enqueue_dma source(%dma_start3A_206 : memref<64xi32, #tpu.memory_space<hbm>>) target(%arg16 : memref<64xi32, #tpu.memory_space<vmem>>) target_semaphore(%run_scoped3A : memref<!tpu.dma_semaphore, #tpu.memory_space<semaphore_mem>>)
      %dma_wait3A_207 = tpu.memref_slice %arg3[%mul3A_161] : memref<325632xi32, #tpu.memory_space<hbm>> -> memref<64xi32, #tpu.memory_space<hbm>>
      %dma_wait3A_208 = tpu.memref_slice %arg3[%mul3A_161] : memref<325632xi32, #tpu.memory_space<hbm>> -> memref<64xi32, #tpu.memory_space<hbm>>
      tpu.wait_dma2 semaphore(%run_scoped3A : memref<!tpu.dma_semaphore, #tpu.memory_space<semaphore_mem>>) src(%dma_wait3A_208 : memref<64xi32, #tpu.memory_space<hbm>>) dst(%arg16 : memref<64xi32, #tpu.memory_space<vmem>>)
      tpu.yield
    }) : () -> ()
    %dma_start3A_162 = arith.constant 0 : i32
    %dma_start3A_163 = arith.constant 0 : i32
    %dma_start3A_164 = tpu.memref_slice %arg8[%dma_start3A_162, %dma_start3A_163] : memref<10112x128xf32, #tpu.memory_space<hbm>> -> memref<10112x128xf32, #tpu.memory_space<hbm>>
    tpu.enqueue_indirect_dma source(%dma_start3A_164 : memref<10112x128xf32, #tpu.memory_space<hbm>>) target(%arg18 : memref<64x128xf32, #tpu.memory_space<vmem>>) offsets(%arg14 : memref<64xi32, #tpu.memory_space<vmem>>) semaphore(%arg24 : memref<!tpu.dma_semaphore, #tpu.memory_space<semaphore_mem>>)
    %dma_start3A_165 = arith.constant 0 : i32
    %dma_start3A_166 = arith.constant 0 : i32
    %dma_start3A_167 = tpu.memref_slice %arg12[%dma_start3A_165, %dma_start3A_166] : memref<10112x128xf32, #tpu.memory_space<hbm>> -> memref<10112x128xf32, #tpu.memory_space<hbm>>
    tpu.enqueue_indirect_dma source(%dma_start3A_167 : memref<10112x128xf32, #tpu.memory_space<hbm>>) target(%arg20 : memref<64x128xf32, #tpu.memory_space<vmem>>) offsets(%arg16 : memref<64xi32, #tpu.memory_space<vmem>>) semaphore(%arg24 : memref<!tpu.dma_semaphore, #tpu.memory_space<semaphore_mem>>)
    %scan3A_168 = arith.constant 0 : i32
    %scan3A_169 = arith.constant 0 : i32
    %scan3A_170 = arith.constant 79 : i32
    %scan3A_171 = arith.addi %scan3A_169, %scan3A_170 : i32
    %scan3A_172 = arith.constant 1 : i32
    %scan3A_173 = scf.for %scan3A_205 = %scan3A_169 to %scan3A_171 step %scan3A_172 iter_args(%scan3A_206 = %scan3A_168) -> (i32)  : i32 {
      %mul3A_207 = arith.constant 2 : i32
      %mul3A_208 = arith.muli %mul3A_207, %scan3A_205 : i32
      %add3A_209 = arith.constant 0 : i32
      %add3A_210 = arith.addi %mul3A_208, %add3A_209 : i32
      %add3A_211 = arith.constant 1 : i32
      %add3A_212 = arith.addi %add3A_210, %add3A_211 : i32
      %mul3A_213 = arith.constant 32 : i32
      %mul3A_214 = arith.muli %mul3A_213, %add3A_212 : i32
      %add3A_215 = arith.addi %add3A, %mul3A_214 : i32
      %mul3A_216 = arith.constant 64 : i32
      %mul3A_217 = arith.muli %add3A_215, %mul3A_216 : i32
      "tpu.region"() ({
        %run_scoped3A = tpu.sem_alloc : memref<!tpu.dma_semaphore, #tpu.memory_space<semaphore_mem>>
        %dma_start3A_280 = tpu.memref_slice %arg2[%mul3A_217] : memref<325632xi32, #tpu.memory_space<hbm>> -> memref<64xi32, #tpu.memory_space<hbm>>
        %dma_start3A_281 = tpu.memref_slice %arg2[%mul3A_217] : memref<325632xi32, #tpu.memory_space<hbm>> -> memref<64xi32, #tpu.memory_space<hbm>>
        tpu.enqueue_dma source(%dma_start3A_281 : memref<64xi32, #tpu.memory_space<hbm>>) target(%arg15 : memref<64xi32, #tpu.memory_space<vmem>>) target_semaphore(%run_scoped3A : memref<!tpu.dma_semaphore, #tpu.memory_space<semaphore_mem>>)
        %dma_wait3A_282 = tpu.memref_slice %arg2[%mul3A_217] : memref<325632xi32, #tpu.memory_space<hbm>> -> memref<64xi32, #tpu.memory_space<hbm>>
        %dma_wait3A_283 = tpu.memref_slice %arg2[%mul3A_217] : memref<325632xi32, #tpu.memory_space<hbm>> -> memref<64xi32, #tpu.memory_space<hbm>>
        tpu.wait_dma2 semaphore(%run_scoped3A : memref<!tpu.dma_semaphore, #tpu.memory_space<semaphore_mem>>) src(%dma_wait3A_283 : memref<64xi32, #tpu.memory_space<hbm>>) dst(%arg15 : memref<64xi32, #tpu.memory_space<vmem>>)
        tpu.yield
      }) : () -> ()
      "tpu.region"() ({
        %run_scoped3A = tpu.sem_alloc : memref<!tpu.dma_semaphore, #tpu.memory_space<semaphore_mem>>
        %dma_start3A_280 = tpu.memref_slice %arg3[%mul3A_217] : memref<325632xi32, #tpu.memory_space<hbm>> -> memref<64xi32, #tpu.memory_space<hbm>>
        %dma_start3A_281 = tpu.memref_slice %arg3[%mul3A_217] : memref<325632xi32, #tpu.memory_space<hbm>> -> memref<64xi32, #tpu.memory_space<hbm>>
        tpu.enqueue_dma source(%dma_start3A_281 : memref<64xi32, #tpu.memory_space<hbm>>) target(%arg17 : memref<64xi32, #tpu.memory_space<vmem>>) target_semaphore(%run_scoped3A : memref<!tpu.dma_semaphore, #tpu.memory_space<semaphore_mem>>)
        %dma_wait3A_282 = tpu.memref_slice %arg3[%mul3A_217] : memref<325632xi32, #tpu.memory_space<hbm>> -> memref<64xi32, #tpu.memory_space<hbm>>
        %dma_wait3A_283 = tpu.memref_slice %arg3[%mul3A_217] : memref<325632xi32, #tpu.memory_space<hbm>> -> memref<64xi32, #tpu.memory_space<hbm>>
        tpu.wait_dma2 semaphore(%run_scoped3A : memref<!tpu.dma_semaphore, #tpu.memory_space<semaphore_mem>>) src(%dma_wait3A_283 : memref<64xi32, #tpu.memory_space<hbm>>) dst(%arg17 : memref<64xi32, #tpu.memory_space<vmem>>)
        tpu.yield
      }) : () -> ()
      %dma_start3A_218 = arith.constant 0 : i32
      %dma_start3A_219 = arith.constant 0 : i32
      %dma_start3A_220 = tpu.memref_slice %arg8[%dma_start3A_218, %dma_start3A_219] : memref<10112x128xf32, #tpu.memory_space<hbm>> -> memref<10112x128xf32, #tpu.memory_space<hbm>>
      tpu.enqueue_indirect_dma source(%dma_start3A_220 : memref<10112x128xf32, #tpu.memory_space<hbm>>) target(%arg19 : memref<64x128xf32, #tpu.memory_space<vmem>>) offsets(%arg15 : memref<64xi32, #tpu.memory_space<vmem>>) semaphore(%arg25 : memref<!tpu.dma_semaphore, #tpu.memory_space<semaphore_mem>>)
      %dma_start3A_221 = arith.constant 0 : i32
      %dma_start3A_222 = arith.constant 0 : i32
      %dma_start3A_223 = tpu.memref_slice %arg12[%dma_start3A_221, %dma_start3A_222] : memref<10112x128xf32, #tpu.memory_space<hbm>> -> memref<10112x128xf32, #tpu.memory_space<hbm>>
      tpu.enqueue_indirect_dma source(%dma_start3A_223 : memref<10112x128xf32, #tpu.memory_space<hbm>>) target(%arg21 : memref<64x128xf32, #tpu.memory_space<vmem>>) offsets(%arg17 : memref<64xi32, #tpu.memory_space<vmem>>) semaphore(%arg25 : memref<!tpu.dma_semaphore, #tpu.memory_space<semaphore_mem>>)
      %dma_wait3A_224 = arith.constant 0 : i32
      %dma_wait3A_225 = arith.constant 0 : i32
      %dma_wait3A_226 = tpu.memref_slice %arg8[%dma_wait3A_224, %dma_wait3A_225] : memref<10112x128xf32, #tpu.memory_space<hbm>> -> memref<64x128xf32, #tpu.memory_space<hbm>>
      %dma_wait3A_227 = arith.constant 0 : i32
      %dma_wait3A_228 = arith.constant 0 : i32
      %dma_wait3A_229 = tpu.memref_slice %arg8[%dma_wait3A_227, %dma_wait3A_228] : memref<10112x128xf32, #tpu.memory_space<hbm>> -> memref<64x128xf32, #tpu.memory_space<hbm>>
      tpu.wait_dma2 semaphore(%arg24 : memref<!tpu.dma_semaphore, #tpu.memory_space<semaphore_mem>>) src(%dma_wait3A_229 : memref<64x128xf32, #tpu.memory_space<hbm>>) dst(%arg18 : memref<64x128xf32, #tpu.memory_space<vmem>>)
      %dma_wait3A_230 = arith.constant 0 : i32
      %dma_wait3A_231 = arith.constant 0 : i32
      %dma_wait3A_232 = tpu.memref_slice %arg12[%dma_wait3A_230, %dma_wait3A_231] : memref<10112x128xf32, #tpu.memory_space<hbm>> -> memref<64x128xf32, #tpu.memory_space<hbm>>
      %dma_wait3A_233 = arith.constant 0 : i32
      %dma_wait3A_234 = arith.constant 0 : i32
      %dma_wait3A_235 = tpu.memref_slice %arg12[%dma_wait3A_233, %dma_wait3A_234] : memref<10112x128xf32, #tpu.memory_space<hbm>> -> memref<64x128xf32, #tpu.memory_space<hbm>>
      tpu.wait_dma2 semaphore(%arg24 : memref<!tpu.dma_semaphore, #tpu.memory_space<semaphore_mem>>) src(%dma_wait3A_235 : memref<64x128xf32, #tpu.memory_space<hbm>>) dst(%arg20 : memref<64x128xf32, #tpu.memory_space<vmem>>)
      %scan3A_236 = arith.constant 0 : i32
      %scan3A_237 = arith.constant 0 : i32
      %scan3A_238 = arith.constant 64 : i32
      %scan3A_239 = arith.addi %scan3A_237, %scan3A_238 : i32
      %scan3A_240 = arith.constant 1 : i32
      %scan3A_241 = scf.for %scan3A_280 = %scan3A_237 to %scan3A_239 step %scan3A_240 iter_args(%scan3A_281 = %scan3A_236) -> (i32)  : i32 {
        %get3A = arith.index_cast %scan3A_280 : i32 to index
        %get3A_282 = arith.constant 64 : index
        %get3A_283 = tpu.vector_load %arg18[%get3A, %get3A_282] {strides = array<i32>} : memref<64x128xf32, #tpu.memory_space<vmem>>, vector<1x16xf32>,
        %get3A_284 = vector.shape_cast %get3A_283 : vector<1x16xf32> to vector<16xf32>
        %get3A_285 = arith.index_cast %scan3A_280 : i32 to index
        %get3A_286 = arith.constant 0 : index
        %get3A_287 = tpu.vector_load %arg20[%get3A_285, %get3A_286] {strides = array<i32>} : memref<64x128xf32, #tpu.memory_space<vmem>>, vector<1x16xf32>,
        %get3A_288 = vector.shape_cast %get3A_287 : vector<1x16xf32> to vector<16xf32>
        %add3A_289 = arith.addf %get3A_284, %get3A_288 : vector<16xf32>
        %ge3A = arith.constant 0.000000e+00 : f32
        %ge3A_290 = vector.broadcast %ge3A : f32 to vector<16xf32>
        %ge3A_291 = arith.cmpf oge, %add3A_289, %ge3A_290 : vector<16xf32>
        %mul3A_292 = arith.constant 2.000000e-01 : f32
        %mul3A_293 = vector.broadcast %mul3A_292 : f32 to vector<16xf32>
        %mul3A_294 = arith.mulf %mul3A_293, %add3A_289 : vector<16xf32>
        %select_n3A = arith.select %ge3A_291, %add3A_289, %mul3A_294 : vector<16xi1>, vector<16xf32>
        %exp3A = math.exp %select_n3A : vector<16xf32>
        %swap3A = arith.index_cast %scan3A_280 : i32 to index
        %swap3A_295 = arith.constant 64 : index
        %swap3A_296 = tpu.vector_load %arg22[%swap3A, %swap3A_295] {strides = array<i32>} : memref<64x128xf32, #tpu.memory_space<vmem>>, vector<1x16xf32>,
        %swap3A_297 = vector.shape_cast %swap3A_296 : vector<1x16xf32> to vector<16xf32>
        %swap3A_298 = vector.shape_cast %exp3A : vector<16xf32> to vector<1x16xf32>
        tpu.vector_store %arg22[%swap3A, %swap3A_295], %swap3A_298 {strides = array<i32>} : memref<64x128xf32, #tpu.memory_space<vmem>>, vector<1x16xf32>,
        %get3A_299 = arith.index_cast %scan3A_280 : i32 to index
        %get3A_300 = arith.constant 0 : index
        %get3A_301 = tpu.vector_load %arg18[%get3A_299, %get3A_300] {strides = array<i32>} : memref<64x128xf32, #tpu.memory_space<vmem>>, vector<1x16xf32>,
        %get3A_302 = vector.shape_cast %get3A_301 : vector<1x16xf32> to vector<16xf32>
        %mul3A_303 = arith.mulf %get3A_302, %exp3A : vector<16xf32>
        %swap3A_304 = arith.index_cast %scan3A_280 : i32 to index
        %swap3A_305 = arith.constant 0 : index
        %swap3A_306 = tpu.vector_load %arg22[%swap3A_304, %swap3A_305] {strides = array<i32>} : memref<64x128xf32, #tpu.memory_space<vmem>>, vector<1x16xf32>,
        %swap3A_307 = vector.shape_cast %swap3A_306 : vector<1x16xf32> to vector<16xf32>
        %swap3A_308 = vector.shape_cast %mul3A_303 : vector<16xf32> to vector<1x16xf32>
        tpu.vector_store %arg22[%swap3A_304, %swap3A_305], %swap3A_308 {strides = array<i32>} : memref<64x128xf32, #tpu.memory_space<vmem>>, vector<1x16xf32>,
        %get3A_309 = arith.index_cast %scan3A_280 : i32 to index
        %get3A_310 = arith.constant 16 : index
        %get3A_311 = tpu.vector_load %arg18[%get3A_309, %get3A_310] {strides = array<i32>} : memref<64x128xf32, #tpu.memory_space<vmem>>, vector<1x16xf32>,
        %get3A_312 = vector.shape_cast %get3A_311 : vector<1x16xf32> to vector<16xf32>
        %mul3A_313 = arith.mulf %get3A_312, %exp3A : vector<16xf32>
        %swap3A_314 = arith.index_cast %scan3A_280 : i32 to index
        %swap3A_315 = arith.constant 16 : index
        %swap3A_316 = tpu.vector_load %arg22[%swap3A_314, %swap3A_315] {strides = array<i32>} : memref<64x128xf32, #tpu.memory_space<vmem>>, vector<1x16xf32>,
        %swap3A_317 = vector.shape_cast %swap3A_316 : vector<1x16xf32> to vector<16xf32>
        %swap3A_318 = vector.shape_cast %mul3A_313 : vector<16xf32> to vector<1x16xf32>
        tpu.vector_store %arg22[%swap3A_314, %swap3A_315], %swap3A_318 {strides = array<i32>} : memref<64x128xf32, #tpu.memory_space<vmem>>, vector<1x16xf32>,
        %get3A_319 = arith.index_cast %scan3A_280 : i32 to index
        %get3A_320 = arith.constant 32 : index
        %get3A_321 = tpu.vector_load %arg18[%get3A_319, %get3A_320] {strides = array<i32>} : memref<64x128xf32, #tpu.memory_space<vmem>>, vector<1x16xf32>,
        %get3A_322 = vector.shape_cast %get3A_321 : vector<1x16xf32> to vector<16xf32>
        %mul3A_323 = arith.mulf %get3A_322, %exp3A : vector<16xf32>
        %swap3A_324 = arith.index_cast %scan3A_280 : i32 to index
        %swap3A_325 = arith.constant 32 : index
        %swap3A_326 = tpu.vector_load %arg22[%swap3A_324, %swap3A_325] {strides = array<i32>} : memref<64x128xf32, #tpu.memory_space<vmem>>, vector<1x16xf32>,
        %swap3A_327 = vector.shape_cast %swap3A_326 : vector<1x16xf32> to vector<16xf32>
        %swap3A_328 = vector.shape_cast %mul3A_323 : vector<16xf32> to vector<1x16xf32>
        tpu.vector_store %arg22[%swap3A_324, %swap3A_325], %swap3A_328 {strides = array<i32>} : memref<64x128xf32, #tpu.memory_space<vmem>>, vector<1x16xf32>,
        %get3A_329 = arith.index_cast %scan3A_280 : i32 to index
        %get3A_330 = arith.constant 48 : index
        %get3A_331 = tpu.vector_load %arg18[%get3A_329, %get3A_330] {strides = array<i32>} : memref<64x128xf32, #tpu.memory_space<vmem>>, vector<1x16xf32>,
        %get3A_332 = vector.shape_cast %get3A_331 : vector<1x16xf32> to vector<16xf32>
        %mul3A_333 = arith.mulf %get3A_332, %exp3A : vector<16xf32>
        %swap3A_334 = arith.index_cast %scan3A_280 : i32 to index
        %swap3A_335 = arith.constant 48 : index
        %swap3A_336 = tpu.vector_load %arg22[%swap3A_334, %swap3A_335] {strides = array<i32>} : memref<64x128xf32, #tpu.memory_space<vmem>>, vector<1x16xf32>,
        %swap3A_337 = vector.shape_cast %swap3A_336 : vector<1x16xf32> to vector<16xf32>
        %swap3A_338 = vector.shape_cast %mul3A_333 : vector<16xf32> to vector<1x16xf32>
        tpu.vector_store %arg22[%swap3A_334, %swap3A_335], %swap3A_338 {strides = array<i32>} : memref<64x128xf32, #tpu.memory_space<vmem>>, vector<1x16xf32>,
        %scan3A_339 = arith.constant 0 : i32
        scf.yield %scan3A_339 : i32
      }
      %scan3A_242 = arith.constant 64 : i32
      "tpu.region"() ({
        %run_scoped3A = tpu.sem_alloc : memref<!tpu.dma_semaphore, #tpu.memory_space<semaphore_mem>>
        %dma_start3A_280 = arith.constant 0 : i32
        %dma_start3A_281 = arith.constant 0 : i32
        %dma_start3A_282 = tpu.memref_slice %arg23[%dma_start3A_280, %dma_start3A_281] : memref<10112x128xf32, #tpu.memory_space<vmem_shared>> -> memref<10112x128xf32, #tpu.memory_space<vmem_shared>>
        tpu.enqueue_indirect_dma source(%arg22 : memref<64x128xf32, #tpu.memory_space<vmem>>) target(%dma_start3A_282 : memref<10112x128xf32, #tpu.memory_space<vmem_shared>>) offsets(%arg16 : memref<64xi32, #tpu.memory_space<vmem>>) semaphore(%run_scoped3A : memref<!tpu.dma_semaphore, #tpu.memory_space<semaphore_mem>>) {add = true}
        %dma_wait3A_283 = arith.constant 0 : i32
        %dma_wait3A_284 = arith.constant 0 : i32
        %dma_wait3A_285 = tpu.memref_slice %arg23[%dma_wait3A_283, %dma_wait3A_284] : memref<10112x128xf32, #tpu.memory_space<vmem_shared>> -> memref<10112x128xf32, #tpu.memory_space<vmem_shared>>
        tpu.wait_indirect_dma semaphore(%run_scoped3A : memref<!tpu.dma_semaphore, #tpu.memory_space<semaphore_mem>>) src(%arg22 : memref<64x128xf32, #tpu.memory_space<vmem>>) dst(%dma_wait3A_285 : memref<10112x128xf32, #tpu.memory_space<vmem_shared>>)
        tpu.yield
      }) : () -> ()
      %mul3A_243 = arith.constant 2 : i32
      %mul3A_244 = arith.muli %mul3A_243, %scan3A_205 : i32
      %add3A_245 = arith.constant 1 : i32
      %add3A_246 = arith.addi %mul3A_244, %add3A_245 : i32
      %add3A_247 = arith.constant 1 : i32
      %add3A_248 = arith.addi %add3A_246, %add3A_247 : i32
      %mul3A_249 = arith.constant 32 : i32
      %mul3A_250 = arith.muli %mul3A_249, %add3A_248 : i32
      %add3A_251 = arith.addi %add3A, %mul3A_250 : i32
      %mul3A_252 = arith.constant 64 : i32
      %mul3A_253 = arith.muli %add3A_251, %mul3A_252 : i32
      "tpu.region"() ({
        %run_scoped3A = tpu.sem_alloc : memref<!tpu.dma_semaphore, #tpu.memory_space<semaphore_mem>>
        %dma_start3A_280 = tpu.memref_slice %arg2[%mul3A_253] : memref<325632xi32, #tpu.memory_space<hbm>> -> memref<64xi32, #tpu.memory_space<hbm>>
        %dma_start3A_281 = tpu.memref_slice %arg2[%mul3A_253] : memref<325632xi32, #tpu.memory_space<hbm>> -> memref<64xi32, #tpu.memory_space<hbm>>
        tpu.enqueue_dma source(%dma_start3A_281 : memref<64xi32, #tpu.memory_space<hbm>>) target(%arg14 : memref<64xi32, #tpu.memory_space<vmem>>) target_semaphore(%run_scoped3A : memref<!tpu.dma_semaphore, #tpu.memory_space<semaphore_mem>>)
        %dma_wait3A_282 = tpu.memref_slice %arg2[%mul3A_253] : memref<325632xi32, #tpu.memory_space<hbm>> -> memref<64xi32, #tpu.memory_space<hbm>>
        %dma_wait3A_283 = tpu.memref_slice %arg2[%mul3A_253] : memref<325632xi32, #tpu.memory_space<hbm>> -> memref<64xi32, #tpu.memory_space<hbm>>
        tpu.wait_dma2 semaphore(%run_scoped3A : memref<!tpu.dma_semaphore, #tpu.memory_space<semaphore_mem>>) src(%dma_wait3A_283 : memref<64xi32, #tpu.memory_space<hbm>>) dst(%arg14 : memref<64xi32, #tpu.memory_space<vmem>>)
        tpu.yield
      }) : () -> ()
      "tpu.region"() ({
        %run_scoped3A = tpu.sem_alloc : memref<!tpu.dma_semaphore, #tpu.memory_space<semaphore_mem>>
        %dma_start3A_280 = tpu.memref_slice %arg3[%mul3A_253] : memref<325632xi32, #tpu.memory_space<hbm>> -> memref<64xi32, #tpu.memory_space<hbm>>
        %dma_start3A_281 = tpu.memref_slice %arg3[%mul3A_253] : memref<325632xi32, #tpu.memory_space<hbm>> -> memref<64xi32, #tpu.memory_space<hbm>>
        tpu.enqueue_dma source(%dma_start3A_281 : memref<64xi32, #tpu.memory_space<hbm>>) target(%arg16 : memref<64xi32, #tpu.memory_space<vmem>>) target_semaphore(%run_scoped3A : memref<!tpu.dma_semaphore, #tpu.memory_space<semaphore_mem>>)
        %dma_wait3A_282 = tpu.memref_slice %arg3[%mul3A_253] : memref<325632xi32, #tpu.memory_space<hbm>> -> memref<64xi32, #tpu.memory_space<hbm>>
        %dma_wait3A_283 = tpu.memref_slice %arg3[%mul3A_253] : memref<325632xi32, #tpu.memory_space<hbm>> -> memref<64xi32, #tpu.memory_space<hbm>>
        tpu.wait_dma2 semaphore(%run_scoped3A : memref<!tpu.dma_semaphore, #tpu.memory_space<semaphore_mem>>) src(%dma_wait3A_283 : memref<64xi32, #tpu.memory_space<hbm>>) dst(%arg16 : memref<64xi32, #tpu.memory_space<vmem>>)
        tpu.yield
      }) : () -> ()
      %dma_start3A_254 = arith.constant 0 : i32
      %dma_start3A_255 = arith.constant 0 : i32
      %dma_start3A_256 = tpu.memref_slice %arg8[%dma_start3A_254, %dma_start3A_255] : memref<10112x128xf32, #tpu.memory_space<hbm>> -> memref<10112x128xf32, #tpu.memory_space<hbm>>
      tpu.enqueue_indirect_dma source(%dma_start3A_256 : memref<10112x128xf32, #tpu.memory_space<hbm>>) target(%arg18 : memref<64x128xf32, #tpu.memory_space<vmem>>) offsets(%arg14 : memref<64xi32, #tpu.memory_space<vmem>>) semaphore(%arg24 : memref<!tpu.dma_semaphore, #tpu.memory_space<semaphore_mem>>)
      %dma_start3A_257 = arith.constant 0 : i32
      %dma_start3A_258 = arith.constant 0 : i32
      %dma_start3A_259 = tpu.memref_slice %arg12[%dma_start3A_257, %dma_start3A_258] : memref<10112x128xf32, #tpu.memory_space<hbm>> -> memref<10112x128xf32, #tpu.memory_space<hbm>>
      tpu.enqueue_indirect_dma source(%dma_start3A_259 : memref<10112x128xf32, #tpu.memory_space<hbm>>) target(%arg20 : memref<64x128xf32, #tpu.memory_space<vmem>>) offsets(%arg16 : memref<64xi32, #tpu.memory_space<vmem>>) semaphore(%arg24 : memref<!tpu.dma_semaphore, #tpu.memory_space<semaphore_mem>>)
      %dma_wait3A_260 = arith.constant 0 : i32
      %dma_wait3A_261 = arith.constant 0 : i32
      %dma_wait3A_262 = tpu.memref_slice %arg8[%dma_wait3A_260, %dma_wait3A_261] : memref<10112x128xf32, #tpu.memory_space<hbm>> -> memref<64x128xf32, #tpu.memory_space<hbm>>
      %dma_wait3A_263 = arith.constant 0 : i32
      %dma_wait3A_264 = arith.constant 0 : i32
      %dma_wait3A_265 = tpu.memref_slice %arg8[%dma_wait3A_263, %dma_wait3A_264] : memref<10112x128xf32, #tpu.memory_space<hbm>> -> memref<64x128xf32, #tpu.memory_space<hbm>>
      tpu.wait_dma2 semaphore(%arg25 : memref<!tpu.dma_semaphore, #tpu.memory_space<semaphore_mem>>) src(%dma_wait3A_265 : memref<64x128xf32, #tpu.memory_space<hbm>>) dst(%arg19 : memref<64x128xf32, #tpu.memory_space<vmem>>)
      %dma_wait3A_266 = arith.constant 0 : i32
      %dma_wait3A_267 = arith.constant 0 : i32
      %dma_wait3A_268 = tpu.memref_slice %arg12[%dma_wait3A_266, %dma_wait3A_267] : memref<10112x128xf32, #tpu.memory_space<hbm>> -> memref<64x128xf32, #tpu.memory_space<hbm>>
      %dma_wait3A_269 = arith.constant 0 : i32
      %dma_wait3A_270 = arith.constant 0 : i32
      %dma_wait3A_271 = tpu.memref_slice %arg12[%dma_wait3A_269, %dma_wait3A_270] : memref<10112x128xf32, #tpu.memory_space<hbm>> -> memref<64x128xf32, #tpu.memory_space<hbm>>
      tpu.wait_dma2 semaphore(%arg25 : memref<!tpu.dma_semaphore, #tpu.memory_space<semaphore_mem>>) src(%dma_wait3A_271 : memref<64x128xf32, #tpu.memory_space<hbm>>) dst(%arg21 : memref<64x128xf32, #tpu.memory_space<vmem>>)
      %scan3A_272 = arith.constant 0 : i32
      %scan3A_273 = arith.constant 0 : i32
      %scan3A_274 = arith.constant 64 : i32
      %scan3A_275 = arith.addi %scan3A_273, %scan3A_274 : i32
      %scan3A_276 = arith.constant 1 : i32
      %scan3A_277 = scf.for %scan3A_280 = %scan3A_273 to %scan3A_275 step %scan3A_276 iter_args(%scan3A_281 = %scan3A_272) -> (i32)  : i32 {
        %get3A = arith.index_cast %scan3A_280 : i32 to index
        %get3A_282 = arith.constant 64 : index
        %get3A_283 = tpu.vector_load %arg19[%get3A, %get3A_282] {strides = array<i32>} : memref<64x128xf32, #tpu.memory_space<vmem>>, vector<1x16xf32>,
        %get3A_284 = vector.shape_cast %get3A_283 : vector<1x16xf32> to vector<16xf32>
        %get3A_285 = arith.index_cast %scan3A_280 : i32 to index
        %get3A_286 = arith.constant 0 : index
        %get3A_287 = tpu.vector_load %arg21[%get3A_285, %get3A_286] {strides = array<i32>} : memref<64x128xf32, #tpu.memory_space<vmem>>, vector<1x16xf32>,
        %get3A_288 = vector.shape_cast %get3A_287 : vector<1x16xf32> to vector<16xf32>
        %add3A_289 = arith.addf %get3A_284, %get3A_288 : vector<16xf32>
        %ge3A = arith.constant 0.000000e+00 : f32
        %ge3A_290 = vector.broadcast %ge3A : f32 to vector<16xf32>
        %ge3A_291 = arith.cmpf oge, %add3A_289, %ge3A_290 : vector<16xf32>
        %mul3A_292 = arith.constant 2.000000e-01 : f32
        %mul3A_293 = vector.broadcast %mul3A_292 : f32 to vector<16xf32>
        %mul3A_294 = arith.mulf %mul3A_293, %add3A_289 : vector<16xf32>
        %select_n3A = arith.select %ge3A_291, %add3A_289, %mul3A_294 : vector<16xi1>, vector<16xf32>
        %exp3A = math.exp %select_n3A : vector<16xf32>
        %swap3A = arith.index_cast %scan3A_280 : i32 to index
        %swap3A_295 = arith.constant 64 : index
        %swap3A_296 = tpu.vector_load %arg22[%swap3A, %swap3A_295] {strides = array<i32>} : memref<64x128xf32, #tpu.memory_space<vmem>>, vector<1x16xf32>,
        %swap3A_297 = vector.shape_cast %swap3A_296 : vector<1x16xf32> to vector<16xf32>
        %swap3A_298 = vector.shape_cast %exp3A : vector<16xf32> to vector<1x16xf32>
        tpu.vector_store %arg22[%swap3A, %swap3A_295], %swap3A_298 {strides = array<i32>} : memref<64x128xf32, #tpu.memory_space<vmem>>, vector<1x16xf32>,
        %get3A_299 = arith.index_cast %scan3A_280 : i32 to index
        %get3A_300 = arith.constant 0 : index
        %get3A_301 = tpu.vector_load %arg19[%get3A_299, %get3A_300] {strides = array<i32>} : memref<64x128xf32, #tpu.memory_space<vmem>>, vector<1x16xf32>,
        %get3A_302 = vector.shape_cast %get3A_301 : vector<1x16xf32> to vector<16xf32>
        %mul3A_303 = arith.mulf %get3A_302, %exp3A : vector<16xf32>
        %swap3A_304 = arith.index_cast %scan3A_280 : i32 to index
        %swap3A_305 = arith.constant 0 : index
        %swap3A_306 = tpu.vector_load %arg22[%swap3A_304, %swap3A_305] {strides = array<i32>} : memref<64x128xf32, #tpu.memory_space<vmem>>, vector<1x16xf32>,
        %swap3A_307 = vector.shape_cast %swap3A_306 : vector<1x16xf32> to vector<16xf32>
        %swap3A_308 = vector.shape_cast %mul3A_303 : vector<16xf32> to vector<1x16xf32>
        tpu.vector_store %arg22[%swap3A_304, %swap3A_305], %swap3A_308 {strides = array<i32>} : memref<64x128xf32, #tpu.memory_space<vmem>>, vector<1x16xf32>,
        %get3A_309 = arith.index_cast %scan3A_280 : i32 to index
        %get3A_310 = arith.constant 16 : index
        %get3A_311 = tpu.vector_load %arg19[%get3A_309, %get3A_310] {strides = array<i32>} : memref<64x128xf32, #tpu.memory_space<vmem>>, vector<1x16xf32>,
        %get3A_312 = vector.shape_cast %get3A_311 : vector<1x16xf32> to vector<16xf32>
        %mul3A_313 = arith.mulf %get3A_312, %exp3A : vector<16xf32>
        %swap3A_314 = arith.index_cast %scan3A_280 : i32 to index
        %swap3A_315 = arith.constant 16 : index
        %swap3A_316 = tpu.vector_load %arg22[%swap3A_314, %swap3A_315] {strides = array<i32>} : memref<64x128xf32, #tpu.memory_space<vmem>>, vector<1x16xf32>,
        %swap3A_317 = vector.shape_cast %swap3A_316 : vector<1x16xf32> to vector<16xf32>
        %swap3A_318 = vector.shape_cast %mul3A_313 : vector<16xf32> to vector<1x16xf32>
        tpu.vector_store %arg22[%swap3A_314, %swap3A_315], %swap3A_318 {strides = array<i32>} : memref<64x128xf32, #tpu.memory_space<vmem>>, vector<1x16xf32>,
        %get3A_319 = arith.index_cast %scan3A_280 : i32 to index
        %get3A_320 = arith.constant 32 : index
        %get3A_321 = tpu.vector_load %arg19[%get3A_319, %get3A_320] {strides = array<i32>} : memref<64x128xf32, #tpu.memory_space<vmem>>, vector<1x16xf32>,
        %get3A_322 = vector.shape_cast %get3A_321 : vector<1x16xf32> to vector<16xf32>
        %mul3A_323 = arith.mulf %get3A_322, %exp3A : vector<16xf32>
        %swap3A_324 = arith.index_cast %scan3A_280 : i32 to index
        %swap3A_325 = arith.constant 32 : index
        %swap3A_326 = tpu.vector_load %arg22[%swap3A_324, %swap3A_325] {strides = array<i32>} : memref<64x128xf32, #tpu.memory_space<vmem>>, vector<1x16xf32>,
        %swap3A_327 = vector.shape_cast %swap3A_326 : vector<1x16xf32> to vector<16xf32>
        %swap3A_328 = vector.shape_cast %mul3A_323 : vector<16xf32> to vector<1x16xf32>
        tpu.vector_store %arg22[%swap3A_324, %swap3A_325], %swap3A_328 {strides = array<i32>} : memref<64x128xf32, #tpu.memory_space<vmem>>, vector<1x16xf32>,
        %get3A_329 = arith.index_cast %scan3A_280 : i32 to index
        %get3A_330 = arith.constant 48 : index
        %get3A_331 = tpu.vector_load %arg19[%get3A_329, %get3A_330] {strides = array<i32>} : memref<64x128xf32, #tpu.memory_space<vmem>>, vector<1x16xf32>,
        %get3A_332 = vector.shape_cast %get3A_331 : vector<1x16xf32> to vector<16xf32>
        %mul3A_333 = arith.mulf %get3A_332, %exp3A : vector<16xf32>
        %swap3A_334 = arith.index_cast %scan3A_280 : i32 to index
        %swap3A_335 = arith.constant 48 : index
        %swap3A_336 = tpu.vector_load %arg22[%swap3A_334, %swap3A_335] {strides = array<i32>} : memref<64x128xf32, #tpu.memory_space<vmem>>, vector<1x16xf32>,
        %swap3A_337 = vector.shape_cast %swap3A_336 : vector<1x16xf32> to vector<16xf32>
        %swap3A_338 = vector.shape_cast %mul3A_333 : vector<16xf32> to vector<1x16xf32>
        tpu.vector_store %arg22[%swap3A_334, %swap3A_335], %swap3A_338 {strides = array<i32>} : memref<64x128xf32, #tpu.memory_space<vmem>>, vector<1x16xf32>,
        %scan3A_339 = arith.constant 0 : i32
        scf.yield %scan3A_339 : i32
      }
      %scan3A_278 = arith.constant 64 : i32
      "tpu.region"() ({
        %run_scoped3A = tpu.sem_alloc : memref<!tpu.dma_semaphore, #tpu.memory_space<semaphore_mem>>
        %dma_start3A_280 = arith.constant 0 : i32
        %dma_start3A_281 = arith.constant 0 : i32
        %dma_start3A_282 = tpu.memref_slice %arg23[%dma_start3A_280, %dma_start3A_281] : memref<10112x128xf32, #tpu.memory_space<vmem_shared>> -> memref<10112x128xf32, #tpu.memory_space<vmem_shared>>
        tpu.enqueue_indirect_dma source(%arg22 : memref<64x128xf32, #tpu.memory_space<vmem>>) target(%dma_start3A_282 : memref<10112x128xf32, #tpu.memory_space<vmem_shared>>) offsets(%arg17 : memref<64xi32, #tpu.memory_space<vmem>>) semaphore(%run_scoped3A : memref<!tpu.dma_semaphore, #tpu.memory_space<semaphore_mem>>) {add = true}
        %dma_wait3A_283 = arith.constant 0 : i32
        %dma_wait3A_284 = arith.constant 0 : i32
        %dma_wait3A_285 = tpu.memref_slice %arg23[%dma_wait3A_283, %dma_wait3A_284] : memref<10112x128xf32, #tpu.memory_space<vmem_shared>> -> memref<10112x128xf32, #tpu.memory_space<vmem_shared>>
        tpu.wait_indirect_dma semaphore(%run_scoped3A : memref<!tpu.dma_semaphore, #tpu.memory_space<semaphore_mem>>) src(%arg22 : memref<64x128xf32, #tpu.memory_space<vmem>>) dst(%dma_wait3A_285 : memref<10112x128xf32, #tpu.memory_space<vmem_shared>>)
        tpu.yield
      }) : () -> ()
      %scan3A_279 = arith.constant 0 : i32
      scf.yield %scan3A_279 : i32
    }
    %scan3A_174 = arith.constant 79 : i32
    %dma_wait3A_175 = arith.constant 0 : i32
    %dma_wait3A_176 = arith.constant 0 : i32
    %dma_wait3A_177 = tpu.memref_slice %arg8[%dma_wait3A_175, %dma_wait3A_176] : memref<10112x128xf32, #tpu.memory_space<hbm>> -> memref<64x128xf32, #tpu.memory_space<hbm>>
    %dma_wait3A_178 = arith.constant 0 : i32
    %dma_wait3A_179 = arith.constant 0 : i32
    %dma_wait3A_180 = tpu.memref_slice %arg8[%dma_wait3A_178, %dma_wait3A_179] : memref<10112x128xf32, #tpu.memory_space<hbm>> -> memref<64x128xf32, #tpu.memory_space<hbm>>
    tpu.wait_dma2 semaphore(%arg24 : memref<!tpu.dma_semaphore, #tpu.memory_space<semaphore_mem>>) src(%dma_wait3A_180 : memref<64x128xf32, #tpu.memory_space<hbm>>) dst(%arg18 : memref<64x128xf32, #tpu.memory_space<vmem>>)
    %dma_wait3A_181 = arith.constant 0 : i32
    %dma_wait3A_182 = arith.constant 0 : i32
    %dma_wait3A_183 = tpu.memref_slice %arg12[%dma_wait3A_181, %dma_wait3A_182] : memref<10112x128xf32, #tpu.memory_space<hbm>> -> memref<64x128xf32, #tpu.memory_space<hbm>>
    %dma_wait3A_184 = arith.constant 0 : i32
    %dma_wait3A_185 = arith.constant 0 : i32
    %dma_wait3A_186 = tpu.memref_slice %arg12[%dma_wait3A_184, %dma_wait3A_185] : memref<10112x128xf32, #tpu.memory_space<hbm>> -> memref<64x128xf32, #tpu.memory_space<hbm>>
    tpu.wait_dma2 semaphore(%arg24 : memref<!tpu.dma_semaphore, #tpu.memory_space<semaphore_mem>>) src(%dma_wait3A_186 : memref<64x128xf32, #tpu.memory_space<hbm>>) dst(%arg20 : memref<64x128xf32, #tpu.memory_space<vmem>>)
    %scan3A_187 = arith.constant 0 : i32
    %scan3A_188 = arith.constant 0 : i32
    %scan3A_189 = arith.constant 64 : i32
    %scan3A_190 = arith.addi %scan3A_188, %scan3A_189 : i32
    %scan3A_191 = arith.constant 1 : i32
    %scan3A_192 = scf.for %scan3A_205 = %scan3A_188 to %scan3A_190 step %scan3A_191 iter_args(%scan3A_206 = %scan3A_187) -> (i32)  : i32 {
      %get3A = arith.index_cast %scan3A_205 : i32 to index
      %get3A_207 = arith.constant 64 : index
      %get3A_208 = tpu.vector_load %arg18[%get3A, %get3A_207] {strides = array<i32>} : memref<64x128xf32, #tpu.memory_space<vmem>>, vector<1x16xf32>,
      %get3A_209 = vector.shape_cast %get3A_208 : vector<1x16xf32> to vector<16xf32>
      %get3A_210 = arith.index_cast %scan3A_205 : i32 to index
      %get3A_211 = arith.constant 0 : index
      %get3A_212 = tpu.vector_load %arg20[%get3A_210, %get3A_211] {strides = array<i32>} : memref<64x128xf32, #tpu.memory_space<vmem>>, vector<1x16xf32>,
      %get3A_213 = vector.shape_cast %get3A_212 : vector<1x16xf32> to vector<16xf32>
      %add3A_214 = arith.addf %get3A_209, %get3A_213 : vector<16xf32>
      %ge3A = arith.constant 0.000000e+00 : f32
      %ge3A_215 = vector.broadcast %ge3A : f32 to vector<16xf32>
      %ge3A_216 = arith.cmpf oge, %add3A_214, %ge3A_215 : vector<16xf32>
      %mul3A_217 = arith.constant 2.000000e-01 : f32
      %mul3A_218 = vector.broadcast %mul3A_217 : f32 to vector<16xf32>
      %mul3A_219 = arith.mulf %mul3A_218, %add3A_214 : vector<16xf32>
      %select_n3A = arith.select %ge3A_216, %add3A_214, %mul3A_219 : vector<16xi1>, vector<16xf32>
      %exp3A = math.exp %select_n3A : vector<16xf32>
      %swap3A = arith.index_cast %scan3A_205 : i32 to index
      %swap3A_220 = arith.constant 64 : index
      %swap3A_221 = tpu.vector_load %arg22[%swap3A, %swap3A_220] {strides = array<i32>} : memref<64x128xf32, #tpu.memory_space<vmem>>, vector<1x16xf32>,
      %swap3A_222 = vector.shape_cast %swap3A_221 : vector<1x16xf32> to vector<16xf32>
      %swap3A_223 = vector.shape_cast %exp3A : vector<16xf32> to vector<1x16xf32>
      tpu.vector_store %arg22[%swap3A, %swap3A_220], %swap3A_223 {strides = array<i32>} : memref<64x128xf32, #tpu.memory_space<vmem>>, vector<1x16xf32>,
      %get3A_224 = arith.index_cast %scan3A_205 : i32 to index
      %get3A_225 = arith.constant 0 : index
      %get3A_226 = tpu.vector_load %arg18[%get3A_224, %get3A_225] {strides = array<i32>} : memref<64x128xf32, #tpu.memory_space<vmem>>, vector<1x16xf32>,
      %get3A_227 = vector.shape_cast %get3A_226 : vector<1x16xf32> to vector<16xf32>
      %mul3A_228 = arith.mulf %get3A_227, %exp3A : vector<16xf32>
      %swap3A_229 = arith.index_cast %scan3A_205 : i32 to index
      %swap3A_230 = arith.constant 0 : index
      %swap3A_231 = tpu.vector_load %arg22[%swap3A_229, %swap3A_230] {strides = array<i32>} : memref<64x128xf32, #tpu.memory_space<vmem>>, vector<1x16xf32>,
      %swap3A_232 = vector.shape_cast %swap3A_231 : vector<1x16xf32> to vector<16xf32>
      %swap3A_233 = vector.shape_cast %mul3A_228 : vector<16xf32> to vector<1x16xf32>
      tpu.vector_store %arg22[%swap3A_229, %swap3A_230], %swap3A_233 {strides = array<i32>} : memref<64x128xf32, #tpu.memory_space<vmem>>, vector<1x16xf32>,
      %get3A_234 = arith.index_cast %scan3A_205 : i32 to index
      %get3A_235 = arith.constant 16 : index
      %get3A_236 = tpu.vector_load %arg18[%get3A_234, %get3A_235] {strides = array<i32>} : memref<64x128xf32, #tpu.memory_space<vmem>>, vector<1x16xf32>,
      %get3A_237 = vector.shape_cast %get3A_236 : vector<1x16xf32> to vector<16xf32>
      %mul3A_238 = arith.mulf %get3A_237, %exp3A : vector<16xf32>
      %swap3A_239 = arith.index_cast %scan3A_205 : i32 to index
      %swap3A_240 = arith.constant 16 : index
      %swap3A_241 = tpu.vector_load %arg22[%swap3A_239, %swap3A_240] {strides = array<i32>} : memref<64x128xf32, #tpu.memory_space<vmem>>, vector<1x16xf32>,
      %swap3A_242 = vector.shape_cast %swap3A_241 : vector<1x16xf32> to vector<16xf32>
      %swap3A_243 = vector.shape_cast %mul3A_238 : vector<16xf32> to vector<1x16xf32>
      tpu.vector_store %arg22[%swap3A_239, %swap3A_240], %swap3A_243 {strides = array<i32>} : memref<64x128xf32, #tpu.memory_space<vmem>>, vector<1x16xf32>,
      %get3A_244 = arith.index_cast %scan3A_205 : i32 to index
      %get3A_245 = arith.constant 32 : index
      %get3A_246 = tpu.vector_load %arg18[%get3A_244, %get3A_245] {strides = array<i32>} : memref<64x128xf32, #tpu.memory_space<vmem>>, vector<1x16xf32>,
      %get3A_247 = vector.shape_cast %get3A_246 : vector<1x16xf32> to vector<16xf32>
      %mul3A_248 = arith.mulf %get3A_247, %exp3A : vector<16xf32>
      %swap3A_249 = arith.index_cast %scan3A_205 : i32 to index
      %swap3A_250 = arith.constant 32 : index
      %swap3A_251 = tpu.vector_load %arg22[%swap3A_249, %swap3A_250] {strides = array<i32>} : memref<64x128xf32, #tpu.memory_space<vmem>>, vector<1x16xf32>,
      %swap3A_252 = vector.shape_cast %swap3A_251 : vector<1x16xf32> to vector<16xf32>
      %swap3A_253 = vector.shape_cast %mul3A_248 : vector<16xf32> to vector<1x16xf32>
      tpu.vector_store %arg22[%swap3A_249, %swap3A_250], %swap3A_253 {strides = array<i32>} : memref<64x128xf32, #tpu.memory_space<vmem>>, vector<1x16xf32>,
      %get3A_254 = arith.index_cast %scan3A_205 : i32 to index
      %get3A_255 = arith.constant 48 : index
      %get3A_256 = tpu.vector_load %arg18[%get3A_254, %get3A_255] {strides = array<i32>} : memref<64x128xf32, #tpu.memory_space<vmem>>, vector<1x16xf32>,
      %get3A_257 = vector.shape_cast %get3A_256 : vector<1x16xf32> to vector<16xf32>
      %mul3A_258 = arith.mulf %get3A_257, %exp3A : vector<16xf32>
      %swap3A_259 = arith.index_cast %scan3A_205 : i32 to index
      %swap3A_260 = arith.constant 48 : index
      %swap3A_261 = tpu.vector_load %arg22[%swap3A_259, %swap3A_260] {strides = array<i32>} : memref<64x128xf32, #tpu.memory_space<vmem>>, vector<1x16xf32>,
      %swap3A_262 = vector.shape_cast %swap3A_261 : vector<1x16xf32> to vector<16xf32>
      %swap3A_263 = vector.shape_cast %mul3A_258 : vector<16xf32> to vector<1x16xf32>
      tpu.vector_store %arg22[%swap3A_259, %swap3A_260], %swap3A_263 {strides = array<i32>} : memref<64x128xf32, #tpu.memory_space<vmem>>, vector<1x16xf32>,
      %scan3A_264 = arith.constant 0 : i32
      scf.yield %scan3A_264 : i32
    }
    %scan3A_193 = arith.constant 64 : i32
    "tpu.region"() ({
      %run_scoped3A = tpu.sem_alloc : memref<!tpu.dma_semaphore, #tpu.memory_space<semaphore_mem>>
      %dma_start3A_205 = arith.constant 0 : i32
      %dma_start3A_206 = arith.constant 0 : i32
      %dma_start3A_207 = tpu.memref_slice %arg23[%dma_start3A_205, %dma_start3A_206] : memref<10112x128xf32, #tpu.memory_space<vmem_shared>> -> memref<10112x128xf32, #tpu.memory_space<vmem_shared>>
      tpu.enqueue_indirect_dma source(%arg22 : memref<64x128xf32, #tpu.memory_space<vmem>>) target(%dma_start3A_207 : memref<10112x128xf32, #tpu.memory_space<vmem_shared>>) offsets(%arg16 : memref<64xi32, #tpu.memory_space<vmem>>) semaphore(%run_scoped3A : memref<!tpu.dma_semaphore, #tpu.memory_space<semaphore_mem>>) {add = true}
      %dma_wait3A_208 = arith.constant 0 : i32
      %dma_wait3A_209 = arith.constant 0 : i32
      %dma_wait3A_210 = tpu.memref_slice %arg23[%dma_wait3A_208, %dma_wait3A_209] : memref<10112x128xf32, #tpu.memory_space<vmem_shared>> -> memref<10112x128xf32, #tpu.memory_space<vmem_shared>>
      tpu.wait_indirect_dma semaphore(%run_scoped3A : memref<!tpu.dma_semaphore, #tpu.memory_space<semaphore_mem>>) src(%arg22 : memref<64x128xf32, #tpu.memory_space<vmem>>) dst(%dma_wait3A_210 : memref<10112x128xf32, #tpu.memory_space<vmem_shared>>)
      tpu.yield
    }) : () -> ()
    %barrier3A_194 = arith.constant 0 : index
    tpu.barrier barrier_id(%barrier3A_194)
    %add3A_195 = arith.constant 6 : i32
    %add3A_196 = arith.addi %add3A_195, %arg0 : i32
    %mul3A_197 = arith.constant 10112 : i32
    %mul3A_198 = arith.muli %add3A_196, %mul3A_197 : i32
    %mul3A_199 = arith.constant 632 : i32
    %mul3A_200 = arith.muli %arg1, %mul3A_199 : i32
    %add3A_201 = arith.addi %mul3A_198, %mul3A_200 : i32
    %mul3A_202 = arith.constant 632 : i32
    %mul3A_203 = arith.muli %arg1, %mul3A_202 : i32
    "tpu.region"() ({
      %run_scoped3A = tpu.sem_alloc : memref<!tpu.dma_semaphore, #tpu.memory_space<semaphore_mem>>
      %dma_start3A_205 = arith.constant 0 : i32
      %dma_start3A_206 = tpu.memref_slice %arg13[%add3A_201, %dma_start3A_205] : memref<80896x128xf32, #tpu.memory_space<hbm>> -> memref<632x128xf32, #tpu.memory_space<hbm>>
      %dma_start3A_207 = arith.constant 0 : i32
      %dma_start3A_208 = tpu.memref_slice %arg23[%mul3A_203, %dma_start3A_207] : memref<10112x128xf32, #tpu.memory_space<vmem_shared>> -> memref<632x128xf32, #tpu.memory_space<vmem_shared>>
      tpu.enqueue_dma source(%dma_start3A_208 : memref<632x128xf32, #tpu.memory_space<vmem_shared>>) target(%dma_start3A_206 : memref<632x128xf32, #tpu.memory_space<hbm>>) target_semaphore(%run_scoped3A : memref<!tpu.dma_semaphore, #tpu.memory_space<semaphore_mem>>)
      %dma_wait3A_209 = arith.constant 0 : i32
      %dma_wait3A_210 = tpu.memref_slice %arg13[%add3A_201, %dma_wait3A_209] : memref<80896x128xf32, #tpu.memory_space<hbm>> -> memref<632x128xf32, #tpu.memory_space<hbm>>
      %dma_wait3A_211 = arith.constant 0 : i32
      %dma_wait3A_212 = tpu.memref_slice %arg23[%mul3A_203, %dma_wait3A_211] : memref<10112x128xf32, #tpu.memory_space<vmem_shared>> -> memref<632x128xf32, #tpu.memory_space<vmem_shared>>
      tpu.wait_dma2 semaphore(%run_scoped3A : memref<!tpu.dma_semaphore, #tpu.memory_space<semaphore_mem>>) src(%dma_wait3A_212 : memref<632x128xf32, #tpu.memory_space<vmem_shared>>) dst(%dma_wait3A_210 : memref<632x128xf32, #tpu.memory_space<hbm>>)
      tpu.yield
    }) : () -> ()
    %barrier3A_204 = arith.constant 0 : index
    tpu.barrier barrier_id(%barrier3A_204)
    return
  }
}

module attributes {stable_mosaic.version = 14 : i64} {
  func.func @_proj1_body(%arg0: i32, %arg1: memref<1000x128xf32, #tpu.memory_space<vmem>>, %arg2: memref<128x256xf32, #tpu.memory_space<vmem>>, %arg3: memref<256x128xf32, #tpu.memory_space<vmem>>, %arg4: memref<1000x256xf32, #tpu.memory_space<vmem>>, %arg5: memref<1000x128xf32, #tpu.memory_space<vmem>>) attributes {dimension_semantics = [#tpu.dimension_semantics<arbitrary>], iteration_bounds = array<i64: 10>, scalar_prefetch = 0 : i64, scratch_operands = 0 : i64, tpu.core_type = #tpu.core_type<tc>, window_params = [{transform_indices = @transform_0, window_bounds = array<i64: 1000, 128>}, {pipeline_mode = #tpu.pipeline_mode<synchronous>, transform_indices = @transform_1, window_bounds = array<i64: 128, 256>}, {pipeline_mode = #tpu.pipeline_mode<synchronous>, transform_indices = @transform_2, window_bounds = array<i64: 256, 128>}, {transform_indices = @transform_3, window_bounds = array<i64: 1000, 256>}, {transform_indices = @transform_4, window_bounds = array<i64: 1000, 128>}]} {
    %get3A = arith.constant 0 : index
    %get3A_0 = arith.constant 0 : index
    %get3A_1 = vector.load %arg1[%get3A, %get3A_0] : memref<1000x128xf32, #tpu.memory_space<vmem>>, vector<1000x128xf32>
    %get3A_2 = arith.constant 0 : index
    %get3A_3 = arith.constant 0 : index
    %get3A_4 = vector.load %arg2[%get3A_2, %get3A_3] : memref<128x256xf32, #tpu.memory_space<vmem>>, vector<128x256xf32>
    %dot_general3A = arith.constant dense<0.000000e+00> : vector<1000x256xf32>
    %dot_general3A_5 = tpu.matmul %get3A_1, %get3A_4, %dot_general3A {dimension_numbers = #tpu.dot_dimension_numbers<[1], [0], [0], [1], [0, 0, 1, 1], [], []>, transpose_lhs_hint = false} : vector<1000x128xf32>, vector<128x256xf32>, vector<1000x256xf32> -> vector<1000x256xf32>
    %swap3A = arith.constant 0 : index
    %swap3A_6 = arith.constant 0 : index
    %swap3A_7 = vector.load %arg4[%swap3A, %swap3A_6] : memref<1000x256xf32, #tpu.memory_space<vmem>>, vector<1000x256xf32>
    tpu.vector_store %arg4[%swap3A, %swap3A_6], %dot_general3A_5 {strides = array<i32>} : memref<1000x256xf32, #tpu.memory_space<vmem>>, vector<1000x256xf32>,
    %get3A_8 = arith.constant 0 : index
    %get3A_9 = arith.constant 0 : index
    %get3A_10 = vector.load %arg3[%get3A_8, %get3A_9] : memref<256x128xf32, #tpu.memory_space<vmem>>, vector<256x128xf32>
    %dot_general3A_11 = arith.constant dense<0.000000e+00> : vector<1000x128xf32>
    %dot_general3A_12 = tpu.matmul %dot_general3A_5, %get3A_10, %dot_general3A_11 {dimension_numbers = #tpu.dot_dimension_numbers<[1], [0], [0], [1], [0, 0, 1, 1], [], []>, transpose_lhs_hint = false} : vector<1000x256xf32>, vector<256x128xf32>, vector<1000x128xf32> -> vector<1000x128xf32>
    %swap3A_13 = arith.constant 0 : index
    %swap3A_14 = arith.constant 0 : index
    %swap3A_15 = vector.load %arg5[%swap3A_13, %swap3A_14] : memref<1000x128xf32, #tpu.memory_space<vmem>>, vector<1000x128xf32>
    tpu.vector_store %arg5[%swap3A_13, %swap3A_14], %dot_general3A_12 {strides = array<i32>} : memref<1000x128xf32, #tpu.memory_space<vmem>>, vector<1000x128xf32>,
    return
  }
  func.func @transform_0(%arg0: i32) -> (i32, i32) {
    %c0_i32 = arith.constant 0 : i32
    %c0_i32_0 = arith.constant 0 : i32
    return %arg0, %c0_i32 : i32, i32
  }
  func.func @transform_1(%arg0: i32) -> (i32, i32) {
    %c0_i32 = arith.constant 0 : i32
    %c0_i32_0 = arith.constant 0 : i32
    %c0_i32_1 = arith.constant 0 : i32
    return %c0_i32, %c0_i32_0 : i32, i32
  }
  func.func @transform_2(%arg0: i32) -> (i32, i32) {
    %c0_i32 = arith.constant 0 : i32
    %c0_i32_0 = arith.constant 0 : i32
    %c0_i32_1 = arith.constant 0 : i32
    return %c0_i32, %c0_i32_0 : i32, i32
  }
  func.func @transform_3(%arg0: i32) -> (i32, i32) {
    %c0_i32 = arith.constant 0 : i32
    %c0_i32_0 = arith.constant 0 : i32
    return %arg0, %c0_i32 : i32, i32
  }
  func.func @transform_4(%arg0: i32) -> (i32, i32) {
    %c0_i32 = arith.constant 0 : i32
    %c0_i32_0 = arith.constant 0 : i32
    return %arg0, %c0_i32 : i32, i32
  }
}

module attributes {stable_mosaic.version = 14 : i64} {
  func.func @_comb1_body(%arg0: i32, %arg1: memref<8x632x128xf32, #tpu.memory_space<vmem>>, %arg2: memref<256x64xf32, #tpu.memory_space<vmem>>, %arg3: memref<64x128xf32, #tpu.memory_space<vmem>>, %arg4: memref<632x64xf32, #tpu.memory_space<vmem>>, %arg5: memref<632x128xf32, #tpu.memory_space<vmem>>) attributes {dimension_semantics = [#tpu.dimension_semantics<arbitrary>], iteration_bounds = array<i64: 16>, scalar_prefetch = 0 : i64, scratch_operands = 0 : i64, tpu.core_type = #tpu.core_type<tc>, window_params = [{transform_indices = @transform_0, window_bounds = array<i64: 8, 632, 128>}, {pipeline_mode = #tpu.pipeline_mode<synchronous>, transform_indices = @transform_1, window_bounds = array<i64: 256, 64>}, {pipeline_mode = #tpu.pipeline_mode<synchronous>, transform_indices = @transform_2, window_bounds = array<i64: 64, 128>}, {transform_indices = @transform_3, window_bounds = array<i64: 632, 64>}, {transform_indices = @transform_4, window_bounds = array<i64: 632, 128>}]} {
    %get3A = arith.constant 0 : index
    %get3A_0 = arith.constant 0 : index
    %get3A_1 = arith.constant 0 : index
    %get3A_2 = vector.load %arg1[%get3A, %get3A_0, %get3A_1] : memref<8x632x128xf32, #tpu.memory_space<vmem>>, vector<1x632x128xf32>
    %get3A_3 = vector.shape_cast %get3A_2 : vector<1x632x128xf32> to vector<632x128xf32>
    %get3A_4 = arith.constant 1 : index
    %get3A_5 = arith.constant 0 : index
    %get3A_6 = arith.constant 0 : index
    %get3A_7 = vector.load %arg1[%get3A_4, %get3A_5, %get3A_6] : memref<8x632x128xf32, #tpu.memory_space<vmem>>, vector<1x632x128xf32>
    %get3A_8 = vector.shape_cast %get3A_7 : vector<1x632x128xf32> to vector<632x128xf32>
    %add3A = arith.addf %get3A_3, %get3A_8 : vector<632x128xf32>
    %slice3A = vector.extract_strided_slice %add3A {offsets = [0, 0], sizes = [632, 64], strides = [1, 1]} : vector<632x128xf32> to vector<632x64xf32>
    %slice3A_9 = vector.extract_strided_slice %add3A {offsets = [0, 64], sizes = [632, 1], strides = [1, 1]} : vector<632x128xf32> to vector<632x1xf32>
    %add3A_10 = arith.constant 1.000000e-16 : f32
    %add3A_11 = vector.broadcast %add3A_10 : f32 to vector<632x1xf32>
    %add3A_12 = arith.addf %slice3A_9, %add3A_11 : vector<632x1xf32>
    %div3A = vector.broadcast %add3A_12 : vector<632x1xf32> to vector<632x64xf32>
    %div3A_13 = arith.divf %slice3A, %div3A : vector<632x64xf32>
    %gt3A = arith.constant 0.000000e+00 : f32
    %gt3A_14 = vector.broadcast %gt3A : f32 to vector<632x64xf32>
    %gt3A_15 = arith.cmpf ogt, %div3A_13, %gt3A_14 : vector<632x64xf32>
    %min3A = arith.constant 0.000000e+00 : f32
    %min3A_16 = vector.broadcast %min3A : f32 to vector<632x64xf32>
    %min3A_17 = arith.minimumf %div3A_13, %min3A_16 : vector<632x64xf32>
    %exp3A = math.exp %min3A_17 : vector<632x64xf32>
    %sub3A = arith.constant 1.000000e+00 : f32
    %sub3A_18 = vector.broadcast %sub3A : f32 to vector<632x64xf32>
    %sub3A_19 = arith.subf %exp3A, %sub3A_18 : vector<632x64xf32>
    %select_n3A = arith.select %gt3A_15, %div3A_13, %sub3A_19 : vector<632x64xi1>, vector<632x64xf32>
    %get3A_20 = arith.constant 2 : index
    %get3A_21 = arith.constant 0 : index
    %get3A_22 = arith.constant 0 : index
    %get3A_23 = vector.load %arg1[%get3A_20, %get3A_21, %get3A_22] : memref<8x632x128xf32, #tpu.memory_space<vmem>>, vector<1x632x128xf32>
    %get3A_24 = vector.shape_cast %get3A_23 : vector<1x632x128xf32> to vector<632x128xf32>
    %get3A_25 = arith.constant 3 : index
    %get3A_26 = arith.constant 0 : index
    %get3A_27 = arith.constant 0 : index
    %get3A_28 = vector.load %arg1[%get3A_25, %get3A_26, %get3A_27] : memref<8x632x128xf32, #tpu.memory_space<vmem>>, vector<1x632x128xf32>
    %get3A_29 = vector.shape_cast %get3A_28 : vector<1x632x128xf32> to vector<632x128xf32>
    %add3A_30 = arith.addf %get3A_24, %get3A_29 : vector<632x128xf32>
    %slice3A_31 = vector.extract_strided_slice %add3A_30 {offsets = [0, 0], sizes = [632, 64], strides = [1, 1]} : vector<632x128xf32> to vector<632x64xf32>
    %slice3A_32 = vector.extract_strided_slice %add3A_30 {offsets = [0, 64], sizes = [632, 1], strides = [1, 1]} : vector<632x128xf32> to vector<632x1xf32>
    %add3A_33 = arith.constant 1.000000e-16 : f32
    %add3A_34 = vector.broadcast %add3A_33 : f32 to vector<632x1xf32>
    %add3A_35 = arith.addf %slice3A_32, %add3A_34 : vector<632x1xf32>
    %div3A_36 = vector.broadcast %add3A_35 : vector<632x1xf32> to vector<632x64xf32>
    %div3A_37 = arith.divf %slice3A_31, %div3A_36 : vector<632x64xf32>
    %gt3A_38 = arith.constant 0.000000e+00 : f32
    %gt3A_39 = vector.broadcast %gt3A_38 : f32 to vector<632x64xf32>
    %gt3A_40 = arith.cmpf ogt, %div3A_37, %gt3A_39 : vector<632x64xf32>
    %min3A_41 = arith.constant 0.000000e+00 : f32
    %min3A_42 = vector.broadcast %min3A_41 : f32 to vector<632x64xf32>
    %min3A_43 = arith.minimumf %div3A_37, %min3A_42 : vector<632x64xf32>
    %exp3A_44 = math.exp %min3A_43 : vector<632x64xf32>
    %sub3A_45 = arith.constant 1.000000e+00 : f32
    %sub3A_46 = vector.broadcast %sub3A_45 : f32 to vector<632x64xf32>
    %sub3A_47 = arith.subf %exp3A_44, %sub3A_46 : vector<632x64xf32>
    %select_n3A_48 = arith.select %gt3A_40, %div3A_37, %sub3A_47 : vector<632x64xi1>, vector<632x64xf32>
    %get3A_49 = arith.constant 4 : index
    %get3A_50 = arith.constant 0 : index
    %get3A_51 = arith.constant 0 : index
    %get3A_52 = vector.load %arg1[%get3A_49, %get3A_50, %get3A_51] : memref<8x632x128xf32, #tpu.memory_space<vmem>>, vector<1x632x128xf32>
    %get3A_53 = vector.shape_cast %get3A_52 : vector<1x632x128xf32> to vector<632x128xf32>
    %get3A_54 = arith.constant 5 : index
    %get3A_55 = arith.constant 0 : index
    %get3A_56 = arith.constant 0 : index
    %get3A_57 = vector.load %arg1[%get3A_54, %get3A_55, %get3A_56] : memref<8x632x128xf32, #tpu.memory_space<vmem>>, vector<1x632x128xf32>
    %get3A_58 = vector.shape_cast %get3A_57 : vector<1x632x128xf32> to vector<632x128xf32>
    %add3A_59 = arith.addf %get3A_53, %get3A_58 : vector<632x128xf32>
    %slice3A_60 = vector.extract_strided_slice %add3A_59 {offsets = [0, 0], sizes = [632, 64], strides = [1, 1]} : vector<632x128xf32> to vector<632x64xf32>
    %slice3A_61 = vector.extract_strided_slice %add3A_59 {offsets = [0, 64], sizes = [632, 1], strides = [1, 1]} : vector<632x128xf32> to vector<632x1xf32>
    %add3A_62 = arith.constant 1.000000e-16 : f32
    %add3A_63 = vector.broadcast %add3A_62 : f32 to vector<632x1xf32>
    %add3A_64 = arith.addf %slice3A_61, %add3A_63 : vector<632x1xf32>
    %div3A_65 = vector.broadcast %add3A_64 : vector<632x1xf32> to vector<632x64xf32>
    %div3A_66 = arith.divf %slice3A_60, %div3A_65 : vector<632x64xf32>
    %gt3A_67 = arith.constant 0.000000e+00 : f32
    %gt3A_68 = vector.broadcast %gt3A_67 : f32 to vector<632x64xf32>
    %gt3A_69 = arith.cmpf ogt, %div3A_66, %gt3A_68 : vector<632x64xf32>
    %min3A_70 = arith.constant 0.000000e+00 : f32
    %min3A_71 = vector.broadcast %min3A_70 : f32 to vector<632x64xf32>
    %min3A_72 = arith.minimumf %div3A_66, %min3A_71 : vector<632x64xf32>
    %exp3A_73 = math.exp %min3A_72 : vector<632x64xf32>
    %sub3A_74 = arith.constant 1.000000e+00 : f32
    %sub3A_75 = vector.broadcast %sub3A_74 : f32 to vector<632x64xf32>
    %sub3A_76 = arith.subf %exp3A_73, %sub3A_75 : vector<632x64xf32>
    %select_n3A_77 = arith.select %gt3A_69, %div3A_66, %sub3A_76 : vector<632x64xi1>, vector<632x64xf32>
    %get3A_78 = arith.constant 6 : index
    %get3A_79 = arith.constant 0 : index
    %get3A_80 = arith.constant 0 : index
    %get3A_81 = vector.load %arg1[%get3A_78, %get3A_79, %get3A_80] : memref<8x632x128xf32, #tpu.memory_space<vmem>>, vector<1x632x128xf32>
    %get3A_82 = vector.shape_cast %get3A_81 : vector<1x632x128xf32> to vector<632x128xf32>
    %get3A_83 = arith.constant 7 : index
    %get3A_84 = arith.constant 0 : index
    %get3A_85 = arith.constant 0 : index
    %get3A_86 = vector.load %arg1[%get3A_83, %get3A_84, %get3A_85] : memref<8x632x128xf32, #tpu.memory_space<vmem>>, vector<1x632x128xf32>
    %get3A_87 = vector.shape_cast %get3A_86 : vector<1x632x128xf32> to vector<632x128xf32>
    %add3A_88 = arith.addf %get3A_82, %get3A_87 : vector<632x128xf32>
    %slice3A_89 = vector.extract_strided_slice %add3A_88 {offsets = [0, 0], sizes = [632, 64], strides = [1, 1]} : vector<632x128xf32> to vector<632x64xf32>
    %slice3A_90 = vector.extract_strided_slice %add3A_88 {offsets = [0, 64], sizes = [632, 1], strides = [1, 1]} : vector<632x128xf32> to vector<632x1xf32>
    %add3A_91 = arith.constant 1.000000e-16 : f32
    %add3A_92 = vector.broadcast %add3A_91 : f32 to vector<632x1xf32>
    %add3A_93 = arith.addf %slice3A_90, %add3A_92 : vector<632x1xf32>
    %div3A_94 = vector.broadcast %add3A_93 : vector<632x1xf32> to vector<632x64xf32>
    %div3A_95 = arith.divf %slice3A_89, %div3A_94 : vector<632x64xf32>
    %gt3A_96 = arith.constant 0.000000e+00 : f32
    %gt3A_97 = vector.broadcast %gt3A_96 : f32 to vector<632x64xf32>
    %gt3A_98 = arith.cmpf ogt, %div3A_95, %gt3A_97 : vector<632x64xf32>
    %min3A_99 = arith.constant 0.000000e+00 : f32
    %min3A_100 = vector.broadcast %min3A_99 : f32 to vector<632x64xf32>
    %min3A_101 = arith.minimumf %div3A_95, %min3A_100 : vector<632x64xf32>
    %exp3A_102 = math.exp %min3A_101 : vector<632x64xf32>
    %sub3A_103 = arith.constant 1.000000e+00 : f32
    %sub3A_104 = vector.broadcast %sub3A_103 : f32 to vector<632x64xf32>
    %sub3A_105 = arith.subf %exp3A_102, %sub3A_104 : vector<632x64xf32>
    %select_n3A_106 = arith.select %gt3A_98, %div3A_95, %sub3A_105 : vector<632x64xi1>, vector<632x64xf32>
    %concatenate3A = tpu.concatenate %select_n3A, %select_n3A_48, %select_n3A_77, %select_n3A_106 in 1 : vector<632x64xf32>, vector<632x64xf32>, vector<632x64xf32>, vector<632x64xf32> -> vector<632x256xf32>
    %get3A_107 = arith.constant 0 : index
    %get3A_108 = arith.constant 0 : index
    %get3A_109 = vector.load %arg2[%get3A_107, %get3A_108] : memref<256x64xf32, #tpu.memory_space<vmem>>, vector<256x64xf32>
    %dot_general3A = arith.constant dense<0.000000e+00> : vector<632x64xf32>
    %dot_general3A_110 = tpu.matmul %concatenate3A, %get3A_109, %dot_general3A {dimension_numbers = #tpu.dot_dimension_numbers<[1], [0], [0], [1], [0, 0, 1, 1], [], []>, transpose_lhs_hint = false} : vector<632x256xf32>, vector<256x64xf32>, vector<632x64xf32> -> vector<632x64xf32>
    %swap3A = arith.constant 0 : index
    %swap3A_111 = arith.constant 0 : index
    %swap3A_112 = vector.load %arg4[%swap3A, %swap3A_111] : memref<632x64xf32, #tpu.memory_space<vmem>>, vector<632x64xf32>
    tpu.vector_store %arg4[%swap3A, %swap3A_111], %dot_general3A_110 {strides = array<i32>} : memref<632x64xf32, #tpu.memory_space<vmem>>, vector<632x64xf32>,
    %get3A_113 = arith.constant 0 : index
    %get3A_114 = arith.constant 0 : index
    %get3A_115 = vector.load %arg3[%get3A_113, %get3A_114] : memref<64x128xf32, #tpu.memory_space<vmem>>, vector<64x128xf32>
    %dot_general3A_116 = arith.constant dense<0.000000e+00> : vector<632x128xf32>
    %dot_general3A_117 = tpu.matmul %dot_general3A_110, %get3A_115, %dot_general3A_116 {dimension_numbers = #tpu.dot_dimension_numbers<[1], [0], [0], [1], [0, 0, 1, 1], [], []>, transpose_lhs_hint = false} : vector<632x64xf32>, vector<64x128xf32>, vector<632x128xf32> -> vector<632x128xf32>
    %swap3A_118 = arith.constant 0 : index
    %swap3A_119 = arith.constant 0 : index
    %swap3A_120 = vector.load %arg5[%swap3A_118, %swap3A_119] : memref<632x128xf32, #tpu.memory_space<vmem>>, vector<632x128xf32>
    tpu.vector_store %arg5[%swap3A_118, %swap3A_119], %dot_general3A_117 {strides = array<i32>} : memref<632x128xf32, #tpu.memory_space<vmem>>, vector<632x128xf32>,
    return
  }
  func.func @transform_0(%arg0: i32) -> (i32, i32, i32) {
    %c0_i32 = arith.constant 0 : i32
    %c0_i32_0 = arith.constant 0 : i32
    %c0_i32_1 = arith.constant 0 : i32
    return %c0_i32, %arg0, %c0_i32_0 : i32, i32, i32
  }
  func.func @transform_1(%arg0: i32) -> (i32, i32) {
    %c0_i32 = arith.constant 0 : i32
    %c0_i32_0 = arith.constant 0 : i32
    %c0_i32_1 = arith.constant 0 : i32
    return %c0_i32, %c0_i32_0 : i32, i32
  }
  func.func @transform_2(%arg0: i32) -> (i32, i32) {
    %c0_i32 = arith.constant 0 : i32
    %c0_i32_0 = arith.constant 0 : i32
    %c0_i32_1 = arith.constant 0 : i32
    return %c0_i32, %c0_i32_0 : i32, i32
  }
  func.func @transform_3(%arg0: i32) -> (i32, i32) {
    %c0_i32 = arith.constant 0 : i32
    %c0_i32_0 = arith.constant 0 : i32
    return %arg0, %c0_i32 : i32, i32
  }
  func.func @transform_4(%arg0: i32) -> (i32, i32) {
    %c0_i32 = arith.constant 0 : i32
    %c0_i32_0 = arith.constant 0 : i32
    return %arg0, %c0_i32 : i32, i32
  }
}

module attributes {stable_mosaic.version = 14 : i64} {
  func.func @_lstm_body(%arg0: memref<2x10112x128xf32, #tpu.memory_space<vmem>>, %arg1: memref<64x256xf32, #tpu.memory_space<vmem>>, %arg2: memref<64x256xf32, #tpu.memory_space<vmem>>, %arg3: memref<1x256xf32, #tpu.memory_space<vmem>>, %arg4: memref<64x2xf32, #tpu.memory_space<vmem>>, %arg5: memref<1x2xf32, #tpu.memory_space<vmem>>, %arg6: memref<1x2xf32, #tpu.memory_space<vmem>>, %arg7: memref<10112x256xf32, #tpu.memory_space<vmem>>) attributes {dimension_semantics = [], scalar_prefetch = 0 : i64, scratch_operands = 1 : i64, tpu.core_type = #tpu.core_type<tc>} {
    %get3A = arith.constant 0 : index
    %get3A_0 = arith.constant 0 : index
    %get3A_1 = arith.constant 0 : index
    %get3A_2 = vector.load %arg0[%get3A, %get3A_0, %get3A_1] : memref<2x10112x128xf32, #tpu.memory_space<vmem>>, vector<1x10112x128xf32>
    %get3A_3 = vector.shape_cast %get3A_2 : vector<1x10112x128xf32> to vector<10112x128xf32>
    %get3A_4 = arith.constant 1 : index
    %get3A_5 = arith.constant 0 : index
    %get3A_6 = arith.constant 0 : index
    %get3A_7 = vector.load %arg0[%get3A_4, %get3A_5, %get3A_6] : memref<2x10112x128xf32, #tpu.memory_space<vmem>>, vector<1x10112x128xf32>
    %get3A_8 = vector.shape_cast %get3A_7 : vector<1x10112x128xf32> to vector<10112x128xf32>
    %add3A = arith.addf %get3A_3, %get3A_8 : vector<10112x128xf32>
    %slice3A = vector.extract_strided_slice %add3A {offsets = [0, 0], sizes = [10112, 64], strides = [1, 1]} : vector<10112x128xf32> to vector<10112x64xf32>
    %slice3A_9 = vector.extract_strided_slice %add3A {offsets = [0, 64], sizes = [10112, 1], strides = [1, 1]} : vector<10112x128xf32> to vector<10112x1xf32>
    %add3A_10 = arith.constant 1.000000e-16 : f32
    %add3A_11 = vector.broadcast %add3A_10 : f32 to vector<10112x1xf32>
    %add3A_12 = arith.addf %slice3A_9, %add3A_11 : vector<10112x1xf32>
    %div3A = vector.broadcast %add3A_12 : vector<10112x1xf32> to vector<10112x64xf32>
    %div3A_13 = arith.divf %slice3A, %div3A : vector<10112x64xf32>
    %gt3A = arith.constant 0.000000e+00 : f32
    %gt3A_14 = vector.broadcast %gt3A : f32 to vector<10112x64xf32>
    %gt3A_15 = arith.cmpf ogt, %div3A_13, %gt3A_14 : vector<10112x64xf32>
    %min3A = arith.constant 0.000000e+00 : f32
    %min3A_16 = vector.broadcast %min3A : f32 to vector<10112x64xf32>
    %min3A_17 = arith.minimumf %div3A_13, %min3A_16 : vector<10112x64xf32>
    %exp3A = math.exp %min3A_17 : vector<10112x64xf32>
    %sub3A = arith.constant 1.000000e+00 : f32
    %sub3A_18 = vector.broadcast %sub3A : f32 to vector<10112x64xf32>
    %sub3A_19 = arith.subf %exp3A, %sub3A_18 : vector<10112x64xf32>
    %select_n3A = arith.select %gt3A_15, %div3A_13, %sub3A_19 : vector<10112x64xi1>, vector<10112x64xf32>
    %get3A_20 = arith.constant 0 : index
    %get3A_21 = arith.constant 0 : index
    %get3A_22 = vector.load %arg1[%get3A_20, %get3A_21] : memref<64x256xf32, #tpu.memory_space<vmem>>, vector<64x256xf32>
    %dot_general3A = arith.constant dense<0.000000e+00> : vector<10112x256xf32>
    %dot_general3A_23 = tpu.matmul %select_n3A, %get3A_22, %dot_general3A {dimension_numbers = #tpu.dot_dimension_numbers<[1], [0], [0], [1], [0, 0, 1, 1], [], []>, transpose_lhs_hint = false} : vector<10112x64xf32>, vector<64x256xf32>, vector<10112x256xf32> -> vector<10112x256xf32>
    %get3A_24 = arith.constant 0 : index
    %get3A_25 = arith.constant 0 : index
    %get3A_26 = vector.load %arg3[%get3A_24, %get3A_25] : memref<1x256xf32, #tpu.memory_space<vmem>>, vector<1x256xf32>
    %add3A_27 = vector.broadcast %get3A_26 : vector<1x256xf32> to vector<10112x256xf32>
    %add3A_28 = arith.addf %dot_general3A_23, %add3A_27 : vector<10112x256xf32>
    %swap3A = arith.constant 0 : index
    %swap3A_29 = arith.constant 0 : index
    %swap3A_30 = vector.load %arg7[%swap3A, %swap3A_29] : memref<10112x256xf32, #tpu.memory_space<vmem>>, vector<10112x256xf32>
    tpu.vector_store %arg7[%swap3A, %swap3A_29], %add3A_28 {strides = array<i32>} : memref<10112x256xf32, #tpu.memory_space<vmem>>, vector<10112x256xf32>,
    %get3A_31 = arith.constant 0 : index
    %get3A_32 = arith.constant 0 : index
    %get3A_33 = vector.load %arg2[%get3A_31, %get3A_32] : memref<64x256xf32, #tpu.memory_space<vmem>>, vector<64x256xf32>
    %broadcast_in_dim3A = arith.constant 0.000000e+00 : f32
    %broadcast_in_dim3A_34 = vector.broadcast %broadcast_in_dim3A : f32 to vector<1x64xf32>
    %broadcast_in_dim3A_35 = arith.constant 0.000000e+00 : f32
    %broadcast_in_dim3A_36 = vector.broadcast %broadcast_in_dim3A_35 : f32 to vector<1x64xf32>
    %scan3A = arith.constant 0 : i32
    %scan3A_37 = arith.constant 10000 : i32
    %scan3A_38 = arith.addi %scan3A, %scan3A_37 : i32
    %scan3A_39 = arith.constant 1 : i32
    %scan3A_40:2 = scf.for %scan3A_64 = %scan3A to %scan3A_38 step %scan3A_39 iter_args(%scan3A_65 = %broadcast_in_dim3A_34, %scan3A_66 = %broadcast_in_dim3A_36) -> (vector<1x64xf32>, vector<1x64xf32>)  : i32 {
      %get3A_67 = arith.index_cast %scan3A_64 : i32 to index
      %get3A_68 = arith.constant 0 : index
      %get3A_69 = vector.load %arg7[%get3A_67, %get3A_68] : memref<10112x256xf32, #tpu.memory_space<vmem>>, vector<1x256xf32>
      %dot_general3A_70 = arith.constant dense<0.000000e+00> : vector<1x256xf32>
      %dot_general3A_71 = tpu.matmul %scan3A_65, %get3A_33, %dot_general3A_70 {dimension_numbers = #tpu.dot_dimension_numbers<[1], [0], [0], [1], [0, 0, 1, 1], [], []>, transpose_lhs_hint = false} : vector<1x64xf32>, vector<64x256xf32>, vector<1x256xf32> -> vector<1x256xf32>
      %add3A_72 = arith.addf %get3A_69, %dot_general3A_71 : vector<1x256xf32>
      %slice3A_73 = vector.extract_strided_slice %add3A_72 {offsets = [0, 0], sizes = [1, 64], strides = [1, 1]} : vector<1x256xf32> to vector<1x64xf32>
      %slice3A_74 = vector.extract_strided_slice %add3A_72 {offsets = [0, 64], sizes = [1, 64], strides = [1, 1]} : vector<1x256xf32> to vector<1x64xf32>
      %slice3A_75 = vector.extract_strided_slice %add3A_72 {offsets = [0, 128], sizes = [1, 64], strides = [1, 1]} : vector<1x256xf32> to vector<1x64xf32>
      %slice3A_76 = vector.extract_strided_slice %add3A_72 {offsets = [0, 192], sizes = [1, 64], strides = [1, 1]} : vector<1x256xf32> to vector<1x64xf32>
      %neg3A = arith.constant 0.000000e+00 : f32
      %neg3A_77 = vector.broadcast %neg3A : f32 to vector<1x64xf32>
      %neg3A_78 = arith.subf %neg3A_77, %slice3A_74 : vector<1x64xf32>
      %exp3A_79 = math.exp %neg3A_78 : vector<1x64xf32>
      %add3A_80 = arith.constant 1.000000e+00 : f32
      %add3A_81 = vector.broadcast %add3A_80 : f32 to vector<1x64xf32>
      %add3A_82 = arith.addf %add3A_81, %exp3A_79 : vector<1x64xf32>
      %div3A_83 = arith.constant 1.000000e+00 : f32
      %div3A_84 = vector.broadcast %div3A_83 : f32 to vector<1x64xf32>
      %div3A_85 = arith.divf %div3A_84, %add3A_82 : vector<1x64xf32>
      %mul3A = arith.mulf %div3A_85, %scan3A_66 : vector<1x64xf32>
      %neg3A_86 = arith.constant 0.000000e+00 : f32
      %neg3A_87 = vector.broadcast %neg3A_86 : f32 to vector<1x64xf32>
      %neg3A_88 = arith.subf %neg3A_87, %slice3A_73 : vector<1x64xf32>
      %exp3A_89 = math.exp %neg3A_88 : vector<1x64xf32>
      %add3A_90 = arith.constant 1.000000e+00 : f32
      %add3A_91 = vector.broadcast %add3A_90 : f32 to vector<1x64xf32>
      %add3A_92 = arith.addf %add3A_91, %exp3A_89 : vector<1x64xf32>
      %div3A_93 = arith.constant 1.000000e+00 : f32
      %div3A_94 = vector.broadcast %div3A_93 : f32 to vector<1x64xf32>
      %div3A_95 = arith.divf %div3A_94, %add3A_92 : vector<1x64xf32>
      %tanh3A = math.tanh %slice3A_75 : vector<1x64xf32>
      %mul3A_96 = arith.mulf %div3A_95, %tanh3A : vector<1x64xf32>
      %add3A_97 = arith.addf %mul3A, %mul3A_96 : vector<1x64xf32>
      %neg3A_98 = arith.constant 0.000000e+00 : f32
      %neg3A_99 = vector.broadcast %neg3A_98 : f32 to vector<1x64xf32>
      %neg3A_100 = arith.subf %neg3A_99, %slice3A_76 : vector<1x64xf32>
      %exp3A_101 = math.exp %neg3A_100 : vector<1x64xf32>
      %add3A_102 = arith.constant 1.000000e+00 : f32
      %add3A_103 = vector.broadcast %add3A_102 : f32 to vector<1x64xf32>
      %add3A_104 = arith.addf %add3A_103, %exp3A_101 : vector<1x64xf32>
      %div3A_105 = arith.constant 1.000000e+00 : f32
      %div3A_106 = vector.broadcast %div3A_105 : f32 to vector<1x64xf32>
      %div3A_107 = arith.divf %div3A_106, %add3A_104 : vector<1x64xf32>
      %tanh3A_108 = math.tanh %add3A_97 : vector<1x64xf32>
      %mul3A_109 = arith.mulf %div3A_107, %tanh3A_108 : vector<1x64xf32>
      scf.yield %mul3A_109, %add3A_97 : vector<1x64xf32>, vector<1x64xf32>
    }
    %scan3A_41 = arith.constant 10000 : i32
    %get3A_42 = arith.constant 0 : index
    %get3A_43 = arith.constant 0 : index
    %get3A_44 = vector.load %arg4[%get3A_42, %get3A_43] : memref<64x2xf32, #tpu.memory_space<vmem>>, vector<64x2xf32>
    %dot_general3A_45 = arith.constant dense<0.000000e+00> : vector<1x2xf32>
    %dot_general3A_46 = tpu.matmul %scan3A_40#0, %get3A_44, %dot_general3A_45 {dimension_numbers = #tpu.dot_dimension_numbers<[1], [0], [0], [1], [0, 0, 1, 1], [], []>, transpose_lhs_hint = false} : vector<1x64xf32>, vector<64x2xf32>, vector<1x2xf32> -> vector<1x2xf32>
    %get3A_47 = arith.constant 0 : index
    %get3A_48 = arith.constant 0 : index
    %get3A_49 = vector.load %arg5[%get3A_47, %get3A_48] : memref<1x2xf32, #tpu.memory_space<vmem>>, vector<1x2xf32>
    %add3A_50 = arith.addf %dot_general3A_46, %get3A_49 : vector<1x2xf32>
    %reduce_max3A = arith.constant dense<0xFF800000> : vector<1xf32>
    %reduce_max3A_51 = vector.multi_reduction <maximumf>, %add3A_50, %reduce_max3A [1] : vector<1x2xf32> to vector<1xf32>
    %broadcast_in_dim3A_52 = vector.shape_cast %reduce_max3A_51 : vector<1xf32> to vector<1x1xf32>
    %sub3A_53 = vector.broadcast %broadcast_in_dim3A_52 : vector<1x1xf32> to vector<1x2xf32>
    %sub3A_54 = arith.subf %add3A_50, %sub3A_53 : vector<1x2xf32>
    %exp3A_55 = math.exp %sub3A_54 : vector<1x2xf32>
    %reduce_sum3A = arith.constant dense<0.000000e+00> : vector<1xf32>
    %reduce_sum3A_56 = vector.multi_reduction <add>, %exp3A_55, %reduce_sum3A [1] : vector<1x2xf32> to vector<1xf32>
    %broadcast_in_dim3A_57 = vector.shape_cast %reduce_sum3A_56 : vector<1xf32> to vector<1x1xf32>
    %log3A = math.log %broadcast_in_dim3A_57 : vector<1x1xf32>
    %add3A_58 = arith.addf %log3A, %broadcast_in_dim3A_52 : vector<1x1xf32>
    %sub3A_59 = vector.broadcast %add3A_58 : vector<1x1xf32> to vector<1x2xf32>
    %sub3A_60 = arith.subf %add3A_50, %sub3A_59 : vector<1x2xf32>
    %swap3A_61 = arith.constant 0 : index
    %swap3A_62 = arith.constant 0 : index
    %swap3A_63 = vector.load %arg6[%swap3A_61, %swap3A_62] : memref<1x2xf32, #tpu.memory_space<vmem>>, vector<1x2xf32>
    tpu.vector_store %arg6[%swap3A_61, %swap3A_62], %sub3A_60 {strides = array<i32>} : memref<1x2xf32, #tpu.memory_space<vmem>>, vector<1x2xf32>,
    return
  }
}

</mosaic_0001>

<sc_bundles>
// kernel: kernel.10.cloned.1.call-start
scs
__scs_entry_jumppad:
0x0: {  	(pc) =	sbr.rel $0x88, $3  }
0x1: {  	(tag) =	ssettag $0x0;
	lr =	simm.s32 $0x1  }
0x2: {  	[smem:$0x3F94] =	sst lr;
	_ =	strace $0xD0000000  }
0x3: {  	_ = 	snop  }
0x4: {  	_ = 	snop  }
0x5: {  	_ = 	snop  }
0x6: {  	_ = 	snop  }
0x7: {  	_ = 	snop  }
__scs_overlays_trampoline_lowered:
0x8: {  	[smem:$0x3FA3] =	sst s0  }
0x9: {  	[smem:$0x3FA4] =	sst s1  }
0xa: {  	[smem:$0x3FA5] =	sst s2  }
0xb: {  	[smem:$0x3FA6] =	sst s3  }
0xc: {  	[smem:$0x3FA7] =	sst s4  }
0xd: {  	[smem:$0x3FA8] =	sst s5  }
0xe: {  	[smem:$0x3FA9] =	sst s6  }
0xf: {  	[smem:$0x3FAA] =	sst s7  }
0x10: {  	[smem:$0x3FAB] =	sst s8  }
0x11: {  	[smem:$0x3FAC] =	sst s9;
	s0 =	simm.s32 @!p0 $0x0  }
0x12: {  	s1 =	sld [smem:$0x3F92];
	s0 =	simm.s32 @p0 $0x1  }
0x13: {  	[smem:$0x3FAD] =	sst s0;
	s0 =	simm.s32 @!p1 $0x0  }
0x14: {  	s2 =	sld [smem:$0x3F91];
	s0 =	simm.s32 @p1 $0x1  }
0x15: {  	[smem:$0x3FAE] =	sst s0;
	s0 =	simm.s32 @!p2 $0x0  }
0x16: {  	s3 =	sld [smem:$0x3FDB];
	s0 =	simm.s32 @p2 $0x1  }
0x17: {  	s4 =	simm.s32 $0x1BF5;
	[smem:$0x3FB0] =	sst s0  }
0x18: {  	s0 =	sld [smem:$0x3F93];
	_ =	swait.ge [sflag:s4], $0x0  }
0x19: {  	s7 =	sld [smem:$0x3F94]  }
0x1a: {  	s8 =	sadd.s32 $0xFFFFE003, lr  }
0x1b: {  	s9 =	sadd.s32 $0xFFFFFEF7, lr;
	s5 =	simm.s32 $0xFFFFFFFF;
	p2 =	slt.u32 s8, $0xFFFFF086  }
0x1c: {  	p1 =	slt.u32 s9, $0xF7A;
	s5 =	simm.s32 @!p2 $0x0  }
0x1d: {  	s5 =	simm.s32 @p1 $0x1;
	p0 =	seq.s32 s7, s2  }
0x1e: {  	s7 =	smul.u32 @!p0 $0xF7A, s2;
	p2 =	seq.s32 @!p0 s5, $0x0  }
0x1f: {  	s9 =	smul.u32 $0xF7A, s1;
	s8 =	simm.s32 @!p0 $0x1BF5;
	p2 =	por !p2, p0  }
0x20: {  	[sflag:s8] =	ssyncset.s32 @!p0 $0xFFFFF086;
	s6 =	sadd.s32 @!p0 s3, s7;
	s7 =	simm.s32 @!p0 $0x108  }
0x21: {  	s3 =	sadd.s32 s3, s9;
	s6 =	sadd.s32 @!p0 $0x88, s6;
	s7 =	simm.s32 @p2 $0x1082  }
0x22: {  	[simem:s7], [sflag:s8] =	dma.local @!p0 [hbm:s6], $0xF7A  }
0x23: {  	s9 =	sor.u32 $0xD0000000, s2;
	s6 =	simm.s32 $0x108;
	_ =	swait.ge @!p0 [sflag:s8], $0x0  }
0x24: {  	s3 =	sadd.s32 $0x88, s3;
	s6 =	simm.s32 @!p1 $0x1082;
	[sflag:s4] =	ssyncset.s32 $0xFFFFF086  }
0x25: {  	[simem:s6], [sflag:s4] =	dma.local [hbm:s3], $0xF7A  }
0x26: {  	[smem:$0x3F94] =	sst s1;
	(tag) =	ssettag s2;
	_ =	strace s9  }
0x27: {  	s1 =	sld [smem:$0x3FA4]  }
0x28: {  	s2 =	sld [smem:$0x3FA5]  }
0x29: {  	s4 =	sld [smem:$0x3FA7]  }
0x2a: {  	p0 =	seq.s32 s5, $0x0;
	s5 =	sld [smem:$0x3FA8]  }
0x2b: {  	s6 =	sld [smem:$0x3FA9]  }
0x2c: {  	s7 =	sld [smem:$0x3FAA]  }
0x2d: {  	s3 =	simm.s32 $0x108;
	s8 =	sld [smem:$0x3FAB]  }
0x2e: {  	s3 =	simm.s32 @!p0 $0x1082;
	s9 =	sld [smem:$0x3FAC]  }
0x2f: {  	lr =	sadd.s32 s0, s3;
	s0 =	sld [smem:$0x3FA3]  }
0x30: {  	s3 =	sld [smem:$0x3FA6]  }
0x31: {  	[smem:$0x3FAF] =	sst s10  }
0x32: {  	s10 =	sld [smem:$0x3FAD];
	_ =	sdelay $0x3  }
0x33: {  	p0 =	seq.s32 s10, $0x1;
	s10 =	sld [smem:$0x3FAF];
	_ =	sdelay $0x3  }
0x34: {  	[smem:$0x3FAF] =	sst s10  }
0x35: {  	s10 =	sld [smem:$0x3FAE];
	_ =	sdelay $0x3  }
0x36: {  	p1 =	seq.s32 s10, $0x1;
	s10 =	sld [smem:$0x3FAF];
	_ =	sdelay $0x3  }
0x37: {  	[smem:$0x3FAF] =	sst s10  }
0x38: {  	s10 =	sld [smem:$0x3FB0]  }
0x39: {  	_ = 	snop;
	(pc) =	sbr.ind lr, $3  }
0x3a: {  	_ = 	snop  }
0x3b: {  	_ = 	snop  }
0x3c: {  	p2 =	seq.s32 s10, $0x1;
	s10 =	sld [smem:$0x3FAF]  }
0x3d: {  	_ =	shalt  }
0x3e: {  	_ =	shalt  }
0x3f: {  	_ =	shalt  }
0x40: {  	_ =	shalt  }
0x41: {  	_ =	shalt  }
0x42: {  	_ =	shalt  }
0x43: {  	_ =	shalt  }
0x44: {  	_ =	shalt  }
0x45: {  	_ =	shalt  }
0x46: {  	_ =	shalt  }
0x47: {  	_ =	shalt  }
0x48: {  	_ =	shalt  }
0x49: {  	_ =	shalt  }
0x4a: {  	_ =	shalt  }
0x4b: {  	_ =	shalt  }
0x4c: {  	_ =	shalt  }
0x4d: {  	_ =	shalt  }
0x4e: {  	_ =	shalt  }
0x4f: {  	_ =	shalt  }
0x50: {  	_ =	shalt  }
0x51: {  	_ =	shalt  }
0x52: {  	_ =	shalt  }
0x53: {  	_ =	shalt  }
0x54: {  	_ =	shalt  }
0x55: {  	_ =	shalt  }
0x56: {  	_ =	shalt  }
0x57: {  	_ =	shalt  }
0x58: {  	_ =	shalt  }
0x59: {  	_ =	shalt  }
0x5a: {  	_ =	shalt  }
0x5b: {  	_ =	shalt  }
0x5c: {  	_ =	shalt  }
0x5d: {  	_ =	shalt  }
0x5e: {  	_ =	shalt  }
0x5f: {  	_ =	shalt  }
0x60: {  	_ =	shalt  }
0x61: {  	_ =	shalt  }
0x62: {  	_ =	shalt  }
0x63: {  	_ =	shalt  }
0x64: {  	_ =	shalt  }
0x65: {  	_ =	shalt  }
0x66: {  	_ =	shalt  }
0x67: {  	_ =	shalt  }
0x68: {  	_ =	shalt  }
0x69: {  	_ =	shalt  }
0x6a: {  	_ =	shalt  }
0x6b: {  	_ =	shalt  }
0x6c: {  	_ =	shalt  }
0x6d: {  	_ =	shalt  }
0x6e: {  	_ =	shalt  }
0x6f: {  	_ =	shalt  }
0x70: {  	_ =	shalt  }
0x71: {  	_ =	shalt  }
0x72: {  	_ =	shalt  }
0x73: {  	_ =	shalt  }
0x74: {  	_ =	shalt  }
0x75: {  	_ =	shalt  }
0x76: {  	_ =	shalt  }
0x77: {  	_ =	shalt  }
0x78: {  	_ =	shalt  }
0x79: {  	_ =	shalt  }
0x7a: {  	_ =	shalt  }
0x7b: {  	_ =	shalt  }
0x7c: {  	_ =	shalt  }
0x7d: {  	_ =	shalt  }
0x7e: {  	_ =	shalt  }
0x7f: {  	_ =	shalt  }
0x80: {  	_ =	shalt  }
0x81: {  	_ =	shalt  }
0x82: {  	_ =	shalt  }
0x83: {  	_ =	shalt  }
0x84: {  	_ =	shalt  }
0x85: {  	_ =	shalt  }
0x86: {  	_ =	shalt  }
0x87: {  	_ =	shalt  }
.Lfunc_end0:
.L_simem_size_0:
called_computation.1_lowered:
.L_overlay_start_0:
0x88: {  	s2 =	sld [smem:$0x3FD9]  }
0x89: {  	s3 =	sld [smem:$0x3FFE];
	_ =	sdelay $0x1  }
0x8a: {  	s1 =	srdreg.scid  }
0x8b: {  	s0 =	sand.u32 $0x1, s1  }
0x8c: {  	s16 =	sshll.u32 s0, $0xA;
	s2 =	sadd.s32 s3, s2  }
0x8d: {  	s2 =	sadd.s32 s2, s16  }
0x8e: {  	[smem:$0x3FBB] =	sst s2  }
0x8f: {  	_ = 	snop  }
0x90: {  	(tm) =	ssettm $0x1  }
0x91: {  	s17 =	sld [smem:$0x3FFB];
	_ =	sdelay $0x3  }
0x92: {  	_ =	strace s17  }
0x93: {  	s2 =	sld [smem:$0x3FFC];
	_ =	sdelay $0x3  }
0x94: {  	_ =	strace s2  }
0x95: {  	s2 =	sld [smem:$0x3FFD];
	_ =	sdelay $0x3  }
0x96: {  	_ =	strace s2  }
0x97: {  	_ =	strace $0x8FFFFFFF  }
0x98: {  	s18 =	sld [smem:$0x3FDB];
	_ =	sdelay $0x1  }
0x99: {  	s19 =	simm.s32 $_scs_section_size  }
0x9a: {  	s4 =	simm.s32 $_size__tile_overlayer_lowered;
	s5 =	simm.s32 $_tile_overlayer_lowered  }
0x9b: {  	s22 =	simm.s32 $0x1BFF;
	s21 =	sshll.u32 s5, $0x1;
	s2 =	sadd.s32 s19, s18  }
0x9c: {  	s6 =	simm.s32 $0x0;
	s20 =	sshll.u32 s4, $0x1;
	s4 =	sadd.s32 s21, s2  }
0x9d: {  	[timem:s6], [sflag:s22] =	dma.local [hbm:s4], s20  }
0x9e: {  	_ =	swait.ge [sflag:s22], s20  }
0x9f: {  	s3 =	ssub.s32 $0x0, s20;
	[sflag:s22] =	ssyncset.done $0x0  }
0xa0: {  	[sflag:s22] =	ssyncadd.s32 s3;
	_ =	sdelay $0x1  }
0xa1: {  	s23 =	simm.s32 $0x1B8B  }
0xa2: {  	_ =	swait.ge [sflag:s23], $0x1  }
0xa3: {  	[sflag:s23] =	ssyncset.done $0x0  }
0xa4: {  	s25 =	simm.s32 $0x1B8E;
	s24 =	sld [smem:$0x3FFE];
	[sflag:s23] =	ssyncadd.s32 $0xFFFFFFFF  }
0xa5: {  	s26 =	simm.s32 $execute0_lowered;
	[smem:$0x3FD2] =	sst s25  }
0xa6: {  	s4 =	sshll.u32 s26, $0x1;
	_ =	strace $0x80000049;
	[dreg:$0x1] =	wrdreg $0xFFFFFFFF  }
0xa7: {  	s28 =	simm.s32 $_size_execute0_lowered;
	s2 =	sadd.s32 s2, s4;
	[dreg:$0x0] =	wrdreg $0x0  }
0xa8: {  	s4 =	sshll.u32 s28, $0x1;
	[dreg:$0x2] =	wrdreg s2  }
0xa9: {  	[dreg:$0x3] =	wrdreg s4  }
0xaa: {  	[dreg:$0x4] =	wrdreg $0xC0  }
0xab: {  	_ =	task [dreg:s6], $0x5FFFF  }
0xac: {  	[dreg:$0x1] =	wrdreg $0xFFFFFFFF  }
0xad: {  	[dreg:$0x0] =	wrdreg $0x60  }
0xae: {  	[dreg:$0x2] =	wrdreg s24  }
0xaf: {  	[dreg:$0x3] =	wrdreg $0xA2000  }
0xb0: {  	[dreg:$0x4] =	wrdreg $0x9  }
0xb1: {  	_ =	task.clear_ibuf [dreg:s6], $0x5FFFF;
	_ =	strace $0x90000049  }
0xb2: {  	s29 =	simm.s32 $0x9;
	_ =	strace $0x8000004B  }
0xb3: {  	_ =	swait.ge [sflag:s29], $0x1  }
0xb4: {  	[sflag:s29] =	ssyncadd.s32 $0xFFFFFFFF  }
0xb5: {  	_ =	strace $0x9000004B  }
0xb6: {  	_ =	sfence  }
0xb7: {  	s30 =	sld [smem:$0x0];
	_ =	sdelay $0x2  }
0xb8: {  	s31 =	sshll.u32 s1, $0xD;
	s1 =	sshrl.u32 s1, $0x2  }
0xb9: {  	s3 =	sand.u32 $0x4000, s31;
	s1 =	sadd.s32 s1, s30  }
0xba: {  	s0 =	sor.u32 s3, s0;
	s1 =	sshll.u32 s1, $0x11  }
0xbb: {  	s0 =	sor.u32 s1, s0  }
0xbc: {  	s0 =	sadd.s32 $0x8F2B, s0  }
0xbd: {  	[sflag:s0] =	ssyncadd.remote.s32 $0x1  }
0xbe: {  	_ =	sfence.sel $0xFFFF  }
0xbf: {  	[dreg:$0x0] =	wrdreg $0xFFFFFFFF;
	(pc) =	sbr.abs _section_cstart, $3  }
0xc0: {  	[dreg:$0x1] =	wrdreg $0xFFFFFFFF  }
0xc1: {  	_ =	task.clear_ibuf [dreg:s6], $0x2FFFF;
	_ =	strace $0x9FFFFFFF  }
0xc2: {  	(tm) =	ssettm $0x7FFFFFFF  }
0xc3: {  	_ =	shalt  }
tec
execute0_lowered:
.L_overlay_start_1:
0x0: {  	(tag) =	ssettag $0x1  }
0x1: {  	s1 =	rddreg [dreg:$0x0]  }
0x2: {  	s3 =	rddreg [dreg:$0x1]  }
0x3: {  	s4 =	simm.s32 $0x0;
	s0 =	srdreg.scid;
	s13 =	stileid.u32  }
0x4: {  	s17 =	simm.s32 $0x3;
	s18 =	simm.s32 $0x8200;
	s19 =	simm.s32 $0x100  }
0x5: {  	s20 =	simm.s32 $0x40;
	s28 =	simm.s32 $0x1;
	s29 =	simm.s32 $0x2  }
0x6: {  	s30 =	simm.s32 $0x0;
	[smem:$0x7FF] =	sst s4;
	s0 =	sand.u32 $0x1, s0  }
0x7: {  	s2 =	smul.u32 $0x2780, s13;
	s5 =	sadd.s32 $0x27200, s1;
	s6 =	sadd.s32 $0x31200, s1  }
0x8: {  	s7 =	sadd.s32 $0x3B200, s1;
	s8 =	sadd.s32 $0x62A00, s1;
	s12 =	smul.u32 $0x4F000, s13  }
0x9: {  	s11 =	sshll.u32 s13, $0x1;
	s9 =	smul.u32 $0x27800, s0;
	s21 =	ssub.s32 $0x2, s0  }
0xa: {  	s23 =	sshll.u32 s13, $0x6;
	_ =	strace $0x8000004A;
	s10 =	sshrl.u32 s21, $0x1  }
0xb: {  	s22 =	sshrl.u32 s12, $0x2;
	s2 =	sadd.s32 s2, s9;
	s14 =	ssub.s32 s21, s10  }
0xc: {  	s9 =	sor.u32 s0, s11;
	s0 =	sadd.s32 s22, s3;
	s10 =	sor.u32 $0x1C03, s23  }
0xd: {  	s21 =	simm.s32 $0x200;
	s11 =	sshll.u32 s9, $0x3;
	s31 =	smax.u32 s14, $0x1  }
0xe: {  	s22 =	simm.s32 $0x4200;
	s24 =	sadd.s32 s5, s11;
	[dreg:$0x6] =	wrdreg s31  }
0xf: {  	s2 =	sadd.s32 s2, s1;
	s25 =	sadd.s32 s6, s11;
	[dreg:$0x3] =	wrdreg s24  }
0x10: {  	s23 =	simm.s32 $0x80;
	s26 =	sadd.s32 $0x8A200, s2;
	[dreg:$0x4] =	wrdreg s25  }
0x11: {  	s13 =	sor.u32 $0x40, s9;
	s16 =	sshrl.u32 s0, $0x3;
	[dreg:$0x5] =	wrdreg s26  }
0x12: {  	s24 =	simm.s32 $0x180;
	s25 =	simm.s32 $0x2200;
	s26 =	simm.s32 $0x6200  }
.LBB2_1:
0x13: {  	s0 =	rddreg [dreg:$0x0]  }
0x14: {  	[spmem:s16], [sflag:s10] =	dma.local [hbm:s0], $0x2780  }
0x15: {  	_ =	swait.ge [sflag:s17], $0x2780  }
0x16: {  	[sflag:s17] =	ssyncset.done $0x0  }
0x17: {  	[sflag:s17] =	ssyncadd.s32 $0xFFFFD880  }
0x18: {  	[tilespmem:s18], [sflag:$0x3] =	stream.linear.gather [hbm4b:s0+s4], $0x2000, $0x38;
	[tilespmem:$0x1DE00] =	vst v63  }
0x19: {  	_ =	swait.ge [sflag:s17], $0x2000  }
0x1a: {  	[sflag:s17] =	ssyncset.done $0x0  }
0x1b: {  	[sflag:s17] =	ssyncadd.s32 $0xFFFFE000  }
0x1c: {  	[bflag:$0x0] =	sbarrier.arrive $0xFFFF  }
0x1d: {  	s14 =	rddreg [dreg:$0x3]  }
0x1e: {  	[tilespmem:s4], [sflag:$0x3] =	stream.linear.gather [hbm4b:s14+s4], $0x40, $0x38;
	[tilespmem:$0x1DE00] =	vst v63  }
0x1f: {  	_ =	swait.ge [sflag:s17], $0x40  }
0x20: {  	[sflag:s17] =	ssyncset.done $0x0  }
0x21: {  	s15 =	rddreg [dreg:$0x4];
	[sflag:s17] =	ssyncadd.s32 $0xFFFFFFC0  }
0x22: {  	[tilespmem:s19], [sflag:$0x3] =	stream.linear.gather [hbm4b:s15+s4], $0x40, $0x38;
	[tilespmem:$0x1DE00] =	vst v63  }
0x23: {  	_ =	swait.ge [sflag:s17], $0x40  }
0x24: {  	[sflag:s17] =	ssyncset.done $0x0  }
0x25: {  	[sflag:s17] =	ssyncadd.s32 $0xFFFFFFC0  }
0x26: {  	[tilespmem:s21], [sflag:$0x1] =	stream.indirect.gather [hbm4b:s7+s20], $0x80, s4, s20, $0xb8;
	[tilespmem:$0x1DE00] =	vst v63  }
0x27: {  	s31 =	simm.s32 $0x0  }
0x28: {  	[tilespmem:s22], [sflag:$0x1] =	stream.indirect.gather [hbm4b:s8+s20], $0x80, s19, s20, $0xb8;
	[tilespmem:$0x1DE00] =	vst v63  }
.LBB2_2:
0x29: {  	s0 =	sshll.u32 s31, $0x6  }
0x2a: {  	s2 =	sor.u32 s0, s9  }
0x2b: {  	s2 =	sshll.u32 s2, $0x3  }
0x2c: {  	s2 =	sor.u32 $0x100, s2  }
0x2d: {  	s12 =	simm.s32 $0x0;
	s11 =	sadd.s32 s5, s2  }
0x2e: {  	[tilespmem:s23], [sflag:$0x3] =	stream.linear.gather [hbm4b:s11+s12], $0x40, $0x38;
	[tilespmem:$0x1DE00] =	vst v63  }
0x2f: {  	_ =	swait.ge [sflag:s17], $0x40  }
0x30: {  	[sflag:s17] =	ssyncset.done $0x0  }
0x31: {  	s2 =	sadd.s32 s6, s2;
	[sflag:s17] =	ssyncadd.s32 $0xFFFFFFC0  }
0x32: {  	[tilespmem:s24], [sflag:$0x3] =	stream.linear.gather [hbm4b:s2+s12], $0x40, $0x38;
	[tilespmem:$0x1DE00] =	vst v63  }
0x33: {  	_ =	swait.ge [sflag:s17], $0x40  }
0x34: {  	[sflag:s17] =	ssyncset.done $0x0  }
0x35: {  	[sflag:s17] =	ssyncadd.s32 $0xFFFFFFC0  }
0x36: {  	[tilespmem:s25], [sflag:$0x2] =	stream.indirect.gather [hbm4b:s7+s20], $0x80, s23, s20, $0xb8;
	[tilespmem:$0x1DE00] =	vst v63  }
0x37: {  	_ = 	snop  }
0x38: {  	[tilespmem:s26], [sflag:$0x2] =	stream.indirect.gather [hbm4b:s8+s20], $0x80, s24, s20, $0xb8;
	[tilespmem:$0x1DE00] =	vst v63  }
0x39: {  	_ =	swait.ge [sflag:s28], $0x2000  }
0x3a: {  	[sflag:s28] =	ssyncset.done $0x0  }
0x3b: {  	[sflag:s28] =	ssyncadd.s32 $0xFFFFE000  }
0x3c: {  	_ =	swait.ge [sflag:s28], $0x2000  }
0x3d: {  	[sflag:s28] =	ssyncset.done $0x0  }
0x3e: {  	s14 =	simm.s32 $0x0;
	[sflag:s28] =	ssyncadd.s32 $0xFFFFE000  }
0x3f: {  	v0 =	vld [tilespmem:s14+$0x240]  }
0x40: {  	v1 =	vld [tilespmem:s14+$0x4200];
	_ =	sdelay $0x2  }
0x41: {  	v9 =	vld [tilespmem:s14+$0x200]  }
0x42: {  	s11 =	simm.s32 $0x80;
	v11 =	vld [tilespmem:s14+$0x210]  }
0x43: {  	v3 =	vld [tilespmem:s11+$0x4200];
	v0 =	vadd.f32 v1, v0  }
0x44: {  	v1 =	vld [tilespmem:s11+$0x240]  }
0x45: {  	s2 =	simm.s32 $0x100;
	v10 =	vld [tilespmem:s14+$0x220];
	v2 =	vmul.f32 $2.000000030e-01, v0  }
0x46: {  	v4 =	vld [tilespmem:s2+$0x240];
	vm0 =	vge.f32 v0, $0.0e+00  }
0x47: {  	v7 =	vld [tilespmem:s2+$0x4200];
	v0 =	vsel vm0, v0, v2  }
0x48: {  	v6 =	vld [tilespmem:s11+$0x200];
	v0 =	vmul.f32 $1.442695020e+00, v0  }
0x49: {  	v5 =	vld [tilespmem:s11+$0x210];
	v8 =	vadd.f32 v3, v1  }
0x4a: {  	s12 =	simm.s32 $0x180;
	v12 =	vld [tilespmem:s14+$0x230];
	(erf) = vpow2.f32 v0  }
0x4b: {  	v13 =	vld [tilespmem:s12+$0x240];
	v14 =	vmul.f32 $2.000000030e-01, v8  }
0x4c: {  	v15 =	vadd.f32 v7, v4;
	v7 =	vld [tilespmem:s12+$0x210];
	vm14 =	vge.f32 v8, $0.0e+00  }
0x4d: {  	v2 =	vld [tilespmem:s11+$0x220];
	v4 =	vsel vm14, v8, v14  }
0x4e: {  	v1 =	vld [tilespmem:s2+$0x210];
	v8 =	vmul.f32 $1.442695020e+00, v4  }
0x4f: {  	v0 =	vld [tilespmem:s2+$0x200]  }
0x50: {  	v14 =	vld [tilespmem:s12+$0x4200];
	(erf) = vpow2.f32 v8  }
0x51: {  	v16 =	vmul.f32 $2.000000030e-01, v15;
	v4 =	vld [tilespmem:s12+$0x200]  }
0x52: {  	vm15 =	vge.f32 v15, $0.0e+00;
	v3 =	vld [tilespmem:s2+$0x220]  }
0x53: {  	s15 =	simm.s32 $0x800;
	v16 =	vsel vm15, v15, v16;
	v8 =	vld [tilespmem:s12+$0x220];
	v15 =	vpop (erf)  }
.LBB2_3:
0x54: {  	v16 =	vmul.f32 $1.442695020e+00, v16;
	[tilespmem:s14+$0x8240] =	vst v15;
	v17 =	vmul.f32 v12, v15;
	v12 =	vld [tilespmem:s11+$0x230];
	s1 =	smov.u32 s12;
	s12 =	sshra.s32 s15, $0x2;
	p0 =	sne.s32 s15, $0x7E00  }
.Ltmp0:
0x55: {  	s15 =	sadd.s32 $0x200, s15;
	v19 =	vmul.f32 v15, v9;
	v20 =	vmul.f32 v15, v11;
	v9 =	vmovc v6;
	v18 =	vadd.f32 v14, v13;
	v13 =	vld [tilespmem:s12+$0x240];
	(pc) =	sbr.rel @p0 .LBB2_3-.Ltmp0, $4  }
0x56: {  	v21 =	vmul.f32 v10, v15;
	v6 =	vmovc v0;
	v11 =	vmovc v5;
	v14 =	vld [tilespmem:s12+$0x4200];
	(erf) = vpow2.f32 v16;
	[tilespmem:s14+$0x8230] =	vst v17;
	v0 =	vmov v4  }
0x57: {  	v5 =	vmovc v1;
	v10 =	vmovc v2;
	v2 =	vmov v3;
	v4 =	vld [tilespmem:s12+$0x200];
	v17 =	vmul.f32 $2.000000030e-01, v18;
	[tilespmem:s14+$0x8200] =	vst v19;
	v1 =	vmov v7  }
0x58: {  	vm0 =	vge.f32 v18, $0.0e+00;
	v7 =	vld [tilespmem:s12+$0x210];
	[tilespmem:s14+$0x8210] =	vst v20;
	v3 =	vmov v8  }
0x59: {  	v8 =	vld [tilespmem:s12+$0x220];
	v16 =	vsel vm0, v18, v17;
	v15 =	vpop (erf);
	[tilespmem:s14+$0x8220] =	vst v21;
	s14 =	smov.u32 s11;
	s11 =	smov.u32 s2;
	s2 =	smov.u32 s1  }
0x5a: {  	_ = 	snop  }
0x5b: {  	v16 =	vmul.f32 $1.442695020e+00, v16;
	v12 =	vmul.f32 v12, v15;
	v13 =	vadd.f32 v14, v13  }
0x5c: {  	v17 =	vld [tilespmem:s11+$0x230];
	v9 =	vmul.f32 v15, v9;
	v11 =	vmul.f32 v15, v11  }
0x5d: {  	(erf) = vpow2.f32 v16;
	[tilespmem:s14+$0x8230] =	vst v12;
	v12 =	vmul.f32 $2.000000030e-01, v13  }
0x5e: {  	[tilespmem:s14+$0x8240] =	vst v15;
	vm0 =	vge.f32 v13, $0.0e+00  }
0x5f: {  	v10 =	vmul.f32 v10, v15;
	[tilespmem:s14+$0x8200] =	vst v9;
	v9 =	vsel vm0, v13, v12  }
0x60: {  	[tilespmem:s14+$0x8210] =	vst v11;
	v11 =	vpop (erf);
	v9 =	vmul.f32 $1.442695020e+00, v9  }
0x61: {  	[tilespmem:s14+$0x8220] =	vst v10;
	v12 =	vmul.f32 v17, v11;
	v6 =	vmul.f32 v11, v6  }
0x62: {  	v10 =	vld [tilespmem:s2+$0x230];
	[tilespmem:s11+$0x8240] =	vst v11;
	v5 =	vmul.f32 v11, v5;
	(erf) = vpow2.f32 v9  }
0x63: {  	[tilespmem:s11+$0x8230] =	vst v12  }
0x64: {  	v2 =	vmul.f32 v2, v11;
	[tilespmem:s11+$0x8200] =	vst v6  }
0x65: {  	[tilespmem:s11+$0x8210] =	vst v5  }
0x66: {  	[tilespmem:s11+$0x8220] =	vst v2;
	v5 =	vpop (erf)  }
0x67: {  	v2 =	vld [tilespmem:s12+$0x230];
	v6 =	vmul.f32 v10, v5;
	v0 =	vmul.f32 v5, v0  }
0x68: {  	[tilespmem:s2+$0x8240] =	vst v5  }
0x69: {  	v1 =	vmul.f32 v5, v1;
	[tilespmem:s2+$0x8230] =	vst v6  }
0x6a: {  	v3 =	vmul.f32 v3, v5;
	[tilespmem:s2+$0x8200] =	vst v0  }
0x6b: {  	[tilespmem:s2+$0x8210] =	vst v1;
	v0 =	vpop (erf)  }
0x6c: {  	[tilespmem:s2+$0x8220] =	vst v3;
	v1 =	vmul.f32 v2, v0  }
0x6d: {  	[tilespmem:s12+$0x8240] =	vst v0;
	v2 =	vmul.f32 v0, v4  }
0x6e: {  	v3 =	vmul.f32 v0, v7;
	[tilespmem:s12+$0x8230] =	vst v1  }
0x6f: {  	v0 =	vmul.f32 v8, v0;
	[tilespmem:s12+$0x8200] =	vst v2  }
0x70: {  	[tilespmem:s12+$0x8210] =	vst v3  }
0x71: {  	[tilespmem:s12+$0x8220] =	vst v0  }
0x72: {  	[spmem:s3] =	stream.indirect.scatter.add.f32 [tilespmem:s18], [sflag:$0x3], $0x80, s19, s20, $0xb8;
	[tilespmem:$0x1DE00] =	vst v63  }
0x73: {  	s0 =	sadd.s32 s13, s0;
	_ =	swait.ge [sflag:s17], $0x2000  }
0x74: {  	s0 =	sshll.u32 s0, $0x3;
	[sflag:s17] =	ssyncset.done $0x0  }
0x75: {  	s15 =	simm.s32 $0x0;
	s1 =	sadd.s32 s5, s0;
	[sflag:s17] =	ssyncadd.s32 $0xFFFFE000  }
0x76: {  	[tilespmem:s15], [sflag:$0x3] =	stream.linear.gather [hbm4b:s1+s15], $0x40, $0x38;
	[tilespmem:$0x1DE00] =	vst v63  }
0x77: {  	_ =	swait.ge [sflag:s17], $0x40  }
0x78: {  	[sflag:s17] =	ssyncset.done $0x0  }
0x79: {  	s0 =	sadd.s32 s6, s0;
	[sflag:s17] =	ssyncadd.s32 $0xFFFFFFC0  }
0x7a: {  	[tilespmem:s19], [sflag:$0x3] =	stream.linear.gather [hbm4b:s0+s15], $0x40, $0x38;
	[tilespmem:$0x1DE00] =	vst v63  }
0x7b: {  	_ =	swait.ge [sflag:s17], $0x40  }
0x7c: {  	[sflag:s17] =	ssyncset.done $0x0  }
0x7d: {  	[sflag:s17] =	ssyncadd.s32 $0xFFFFFFC0  }
0x7e: {  	[tilespmem:s21], [sflag:$0x1] =	stream.indirect.gather [hbm4b:s7+s20], $0x80, s15, s20, $0xb8;
	[tilespmem:$0x1DE00] =	vst v63  }
0x7f: {  	_ = 	snop  }
0x80: {  	[tilespmem:s22], [sflag:$0x1] =	stream.indirect.gather [hbm4b:s8+s20], $0x80, s19, s20, $0xb8;
	[tilespmem:$0x1DE00] =	vst v63  }
0x81: {  	_ =	swait.ge [sflag:s29], $0x2000  }
0x82: {  	[sflag:s29] =	ssyncset.done $0x0  }
0x83: {  	[sflag:s29] =	ssyncadd.s32 $0xFFFFE000  }
0x84: {  	_ =	swait.ge [sflag:s29], $0x2000  }
0x85: {  	[sflag:s29] =	ssyncset.done $0x0  }
0x86: {  	s12 =	simm.s32 $0x0;
	[sflag:s29] =	ssyncadd.s32 $0xFFFFE000  }
0x87: {  	v0 =	vld [tilespmem:s12+$0x2240]  }
0x88: {  	v1 =	vld [tilespmem:s12+$0x6200];
	_ =	sdelay $0x2  }
0x89: {  	v9 =	vld [tilespmem:s12+$0x2200]  }
0x8a: {  	s2 =	simm.s32 $0x80;
	v11 =	vld [tilespmem:s12+$0x2210]  }
0x8b: {  	v3 =	vld [tilespmem:s2+$0x6200];
	v0 =	vadd.f32 v1, v0  }
0x8c: {  	v1 =	vld [tilespmem:s2+$0x2240]  }
0x8d: {  	s0 =	simm.s32 $0x100;
	v10 =	vld [tilespmem:s12+$0x2220];
	v2 =	vmul.f32 $2.000000030e-01, v0  }
0x8e: {  	v4 =	vld [tilespmem:s0+$0x2240];
	vm13 =	vge.f32 v0, $0.0e+00  }
0x8f: {  	v7 =	vld [tilespmem:s0+$0x6200];
	v0 =	vsel vm13, v0, v2  }
0x90: {  	v6 =	vld [tilespmem:s2+$0x2200];
	v0 =	vmul.f32 $1.442695020e+00, v0  }
0x91: {  	v5 =	vld [tilespmem:s2+$0x2210];
	v8 =	vadd.f32 v3, v1  }
0x92: {  	s11 =	simm.s32 $0x180;
	v12 =	vld [tilespmem:s12+$0x2230];
	(erf) = vpow2.f32 v0  }
0x93: {  	v13 =	vld [tilespmem:s11+$0x2240];
	v14 =	vmul.f32 $2.000000030e-01, v8  }
0x94: {  	v15 =	vadd.f32 v7, v4;
	v7 =	vld [tilespmem:s11+$0x2210];
	vm14 =	vge.f32 v8, $0.0e+00  }
0x95: {  	v2 =	vld [tilespmem:s2+$0x2220];
	v4 =	vsel vm14, v8, v14  }
0x96: {  	v1 =	vld [tilespmem:s0+$0x2210];
	v8 =	vmul.f32 $1.442695020e+00, v4  }
0x97: {  	v0 =	vld [tilespmem:s0+$0x2200]  }
0x98: {  	v14 =	vld [tilespmem:s11+$0x6200];
	(erf) = vpow2.f32 v8  }
0x99: {  	v16 =	vmul.f32 $2.000000030e-01, v15;
	v4 =	vld [tilespmem:s11+$0x2200]  }
0x9a: {  	vm15 =	vge.f32 v15, $0.0e+00;
	v3 =	vld [tilespmem:s0+$0x2220]  }
0x9b: {  	s14 =	simm.s32 $0x800;
	v16 =	vsel vm15, v15, v16;
	v8 =	vld [tilespmem:s11+$0x2220];
	v15 =	vpop (erf)  }
.LBB2_5:
0x9c: {  	v16 =	vmul.f32 $1.442695020e+00, v16;
	[tilespmem:s12+$0x8240] =	vst v15;
	v17 =	vmul.f32 v12, v15;
	v12 =	vld [tilespmem:s2+$0x2230];
	s1 =	smov.u32 s11;
	s11 =	sshra.s32 s14, $0x2;
	p0 =	sne.s32 s14, $0x7E00  }
.Ltmp1:
0x9d: {  	s14 =	sadd.s32 $0x200, s14;
	v19 =	vmul.f32 v15, v9;
	v20 =	vmul.f32 v15, v11;
	v9 =	vmovc v6;
	v18 =	vadd.f32 v14, v13;
	v13 =	vld [tilespmem:s11+$0x2240];
	(pc) =	sbr.rel @p0 .LBB2_5-.Ltmp1, $4  }
0x9e: {  	v21 =	vmul.f32 v10, v15;
	v6 =	vmovc v0;
	v11 =	vmovc v5;
	v14 =	vld [tilespmem:s11+$0x6200];
	(erf) = vpow2.f32 v16;
	[tilespmem:s12+$0x8230] =	vst v17;
	v0 =	vmov v4  }
0x9f: {  	v5 =	vmovc v1;
	v10 =	vmovc v2;
	v2 =	vmov v3;
	v4 =	vld [tilespmem:s11+$0x2200];
	v17 =	vmul.f32 $2.000000030e-01, v18;
	[tilespmem:s12+$0x8200] =	vst v19;
	v1 =	vmov v7  }
0xa0: {  	vm0 =	vge.f32 v18, $0.0e+00;
	v7 =	vld [tilespmem:s11+$0x2210];
	[tilespmem:s12+$0x8210] =	vst v20;
	v3 =	vmov v8  }
0xa1: {  	v8 =	vld [tilespmem:s11+$0x2220];
	v16 =	vsel vm0, v18, v17;
	v15 =	vpop (erf);
	[tilespmem:s12+$0x8220] =	vst v21;
	s12 =	smov.u32 s2;
	s2 =	smov.u32 s0;
	s0 =	smov.u32 s1  }
0xa2: {  	_ = 	snop  }
0xa3: {  	v16 =	vmul.f32 $1.442695020e+00, v16;
	v13 =	vadd.f32 v14, v13  }
0xa4: {  	v17 =	vld [tilespmem:s2+$0x2230];
	v12 =	vmul.f32 v12, v15;
	v9 =	vmul.f32 v15, v9  }
0xa5: {  	[tilespmem:s12+$0x8240] =	vst v15;
	(erf) = vpow2.f32 v16;
	v54 =	vmul.f32 $2.000000030e-01, v13  }
0xa6: {  	v11 =	vmul.f32 v15, v11;
	[tilespmem:s12+$0x8230] =	vst v12;
	vm0 =	vge.f32 v13, $0.0e+00  }
0xa7: {  	v10 =	vmul.f32 v10, v15;
	[tilespmem:s12+$0x8200] =	vst v9;
	v55 =	vsel vm0, v13, v54  }
0xa8: {  	[tilespmem:s12+$0x8210] =	vst v11;
	v56 =	vpop (erf);
	v9 =	vmul.f32 $1.442695020e+00, v55  }
0xa9: {  	[tilespmem:s12+$0x8220] =	vst v10;
	v57 =	vmul.f32 v17, v56  }
0xaa: {  	v10 =	vld [tilespmem:s0+$0x2230];
	[tilespmem:s2+$0x8240] =	vst v56;
	v6 =	vmul.f32 v56, v6;
	(erf) = vpow2.f32 v9  }
0xab: {  	v5 =	vmul.f32 v56, v5;
	[tilespmem:s2+$0x8230] =	vst v57  }
0xac: {  	v2 =	vmul.f32 v2, v56;
	[tilespmem:s2+$0x8200] =	vst v6  }
0xad: {  	[tilespmem:s2+$0x8210] =	vst v5  }
0xae: {  	[tilespmem:s2+$0x8220] =	vst v2;
	v58 =	vpop (erf)  }
0xaf: {  	v2 =	vld [tilespmem:s11+$0x2230];
	v59 =	vmul.f32 v10, v58  }
0xb0: {  	[tilespmem:s0+$0x8240] =	vst v58;
	v0 =	vmul.f32 v58, v0  }
0xb1: {  	v1 =	vmul.f32 v58, v1;
	[tilespmem:s0+$0x8230] =	vst v59  }
0xb2: {  	v3 =	vmul.f32 v3, v58;
	[tilespmem:s0+$0x8200] =	vst v0  }
0xb3: {  	[tilespmem:s0+$0x8210] =	vst v1;
	v60 =	vpop (erf)  }
0xb4: {  	[tilespmem:s0+$0x8220] =	vst v3;
	v61 =	vmul.f32 v2, v60  }
0xb5: {  	[tilespmem:s11+$0x8240] =	vst v60;
	v62 =	vmul.f32 v60, v4  }
0xb6: {  	v63 =	vmul.f32 v60, v7;
	[tilespmem:s11+$0x8230] =	vst v61  }
0xb7: {  	s31 =	sadd.s32 $0x1, s31;
	v0 =	vmul.f32 v8, v60;
	[tilespmem:s11+$0x8200] =	vst v62  }
0xb8: {  	p0 =	sne.s32 s31, $0x4F;
	[tilespmem:s11+$0x8210] =	vst v63  }
.Ltmp2:
0xb9: {  	[tilespmem:s11+$0x8220] =	vst v0;
	(pc) =	sbr.rel @p0 .LBB2_2-.Ltmp2, $4  }
0xba: {  	[spmem:s3] =	stream.indirect.scatter.add.f32 [tilespmem:s18], [sflag:$0x3], $0x80, s24, s20, $0xb8;
	[tilespmem:$0x1DE00] =	vst v63  }
0xbb: {  	_ =	swait.ge [sflag:s17], $0x2000  }
0xbc: {  	[sflag:s17] =	ssyncset.done $0x0  }
0xbd: {  	[sflag:s17] =	ssyncadd.s32 $0xFFFFE000  }
0xbe: {  	_ =	swait.ge [sflag:s28], $0x2000  }
0xbf: {  	[sflag:s28] =	ssyncset.done $0x0  }
0xc0: {  	[sflag:s28] =	ssyncadd.s32 $0xFFFFE000  }
0xc1: {  	_ =	swait.ge [sflag:s28], $0x2000  }
0xc2: {  	[sflag:s28] =	ssyncset.done $0x0  }
0xc3: {  	s12 =	simm.s32 $0x0;
	[sflag:s28] =	ssyncadd.s32 $0xFFFFE000  }
0xc4: {  	v0 =	vld [tilespmem:s12+$0x240]  }
0xc5: {  	v1 =	vld [tilespmem:s12+$0x4200];
	_ =	sdelay $0x2  }
0xc6: {  	v9 =	vld [tilespmem:s12+$0x200]  }
0xc7: {  	s2 =	simm.s32 $0x80;
	v11 =	vld [tilespmem:s12+$0x210]  }
0xc8: {  	v3 =	vld [tilespmem:s2+$0x4200];
	v0 =	vadd.f32 v1, v0  }
0xc9: {  	v1 =	vld [tilespmem:s2+$0x240]  }
0xca: {  	s0 =	simm.s32 $0x100;
	v10 =	vld [tilespmem:s12+$0x220];
	v2 =	vmul.f32 $2.000000030e-01, v0  }
0xcb: {  	v4 =	vld [tilespmem:s0+$0x240];
	vm0 =	vge.f32 v0, $0.0e+00  }
0xcc: {  	v7 =	vld [tilespmem:s0+$0x4200];
	v0 =	vsel vm0, v0, v2  }
0xcd: {  	v6 =	vld [tilespmem:s2+$0x200];
	v0 =	vmul.f32 $1.442695020e+00, v0  }
0xce: {  	v5 =	vld [tilespmem:s2+$0x210];
	v8 =	vadd.f32 v3, v1  }
0xcf: {  	s11 =	simm.s32 $0x180;
	v12 =	vld [tilespmem:s12+$0x230];
	(erf) = vpow2.f32 v0  }
0xd0: {  	v13 =	vld [tilespmem:s11+$0x240];
	v14 =	vmul.f32 $2.000000030e-01, v8  }
0xd1: {  	v15 =	vadd.f32 v7, v4;
	v7 =	vld [tilespmem:s11+$0x210];
	vm14 =	vge.f32 v8, $0.0e+00  }
0xd2: {  	v2 =	vld [tilespmem:s2+$0x220];
	v4 =	vsel vm14, v8, v14  }
0xd3: {  	v1 =	vld [tilespmem:s0+$0x210];
	v8 =	vmul.f32 $1.442695020e+00, v4  }
0xd4: {  	v0 =	vld [tilespmem:s0+$0x200]  }
0xd5: {  	v14 =	vld [tilespmem:s11+$0x4200];
	(erf) = vpow2.f32 v8  }
0xd6: {  	v16 =	vmul.f32 $2.000000030e-01, v15;
	v4 =	vld [tilespmem:s11+$0x200]  }
0xd7: {  	vm15 =	vge.f32 v15, $0.0e+00;
	v3 =	vld [tilespmem:s0+$0x220]  }
0xd8: {  	s14 =	simm.s32 $0x800;
	v16 =	vsel vm15, v15, v16;
	v8 =	vld [tilespmem:s11+$0x220];
	v15 =	vpop (erf)  }
.LBB2_8:
0xd9: {  	v16 =	vmul.f32 $1.442695020e+00, v16;
	[tilespmem:s12+$0x8240] =	vst v15;
	v17 =	vmul.f32 v12, v15;
	v12 =	vld [tilespmem:s2+$0x230];
	s1 =	smov.u32 s11;
	s11 =	sshra.s32 s14, $0x2;
	p0 =	sne.s32 s14, $0x7E00  }
.Ltmp3:
0xda: {  	s14 =	sadd.s32 $0x200, s14;
	v19 =	vmul.f32 v15, v9;
	v20 =	vmul.f32 v15, v11;
	v9 =	vmovc v6;
	v18 =	vadd.f32 v14, v13;
	v13 =	vld [tilespmem:s11+$0x240];
	(pc) =	sbr.rel @p0 .LBB2_8-.Ltmp3, $4  }
0xdb: {  	v21 =	vmul.f32 v10, v15;
	v6 =	vmovc v0;
	v11 =	vmovc v5;
	v14 =	vld [tilespmem:s11+$0x4200];
	(erf) = vpow2.f32 v16;
	[tilespmem:s12+$0x8230] =	vst v17;
	v0 =	vmov v4  }
0xdc: {  	v5 =	vmovc v1;
	v10 =	vmovc v2;
	v2 =	vmov v3;
	v4 =	vld [tilespmem:s11+$0x200];
	v17 =	vmul.f32 $2.000000030e-01, v18;
	[tilespmem:s12+$0x8200] =	vst v19;
	v1 =	vmov v7  }
0xdd: {  	vm0 =	vge.f32 v18, $0.0e+00;
	v7 =	vld [tilespmem:s11+$0x210];
	[tilespmem:s12+$0x8210] =	vst v20;
	v3 =	vmov v8  }
0xde: {  	v8 =	vld [tilespmem:s11+$0x220];
	v16 =	vsel vm0, v18, v17;
	v15 =	vpop (erf);
	[tilespmem:s12+$0x8220] =	vst v21;
	s12 =	smov.u32 s2;
	s2 =	smov.u32 s0;
	s0 =	smov.u32 s1  }
0xdf: {  	_ = 	snop  }
0xe0: {  	v16 =	vmul.f32 $1.442695020e+00, v16;
	v13 =	vadd.f32 v14, v13  }
0xe1: {  	v17 =	vld [tilespmem:s2+$0x230];
	v12 =	vmul.f32 v12, v15;
	v9 =	vmul.f32 v15, v9  }
0xe2: {  	[tilespmem:s12+$0x8240] =	vst v15;
	(erf) = vpow2.f32 v16;
	v54 =	vmul.f32 $2.000000030e-01, v13  }
0xe3: {  	v11 =	vmul.f32 v15, v11;
	[tilespmem:s12+$0x8230] =	vst v12;
	vm0 =	vge.f32 v13, $0.0e+00  }
0xe4: {  	v10 =	vmul.f32 v10, v15;
	[tilespmem:s12+$0x8200] =	vst v9;
	v55 =	vsel vm0, v13, v54  }
0xe5: {  	[tilespmem:s12+$0x8210] =	vst v11;
	v56 =	vpop (erf);
	v9 =	vmul.f32 $1.442695020e+00, v55  }
0xe6: {  	[tilespmem:s12+$0x8220] =	vst v10;
	v57 =	vmul.f32 v17, v56  }
0xe7: {  	v10 =	vld [tilespmem:s0+$0x230];
	[tilespmem:s2+$0x8240] =	vst v56;
	v6 =	vmul.f32 v56, v6;
	(erf) = vpow2.f32 v9  }
0xe8: {  	v5 =	vmul.f32 v56, v5;
	[tilespmem:s2+$0x8230] =	vst v57  }
0xe9: {  	v2 =	vmul.f32 v2, v56;
	[tilespmem:s2+$0x8200] =	vst v6  }
0xea: {  	[tilespmem:s2+$0x8210] =	vst v5  }
0xeb: {  	[tilespmem:s2+$0x8220] =	vst v2;
	v58 =	vpop (erf)  }
0xec: {  	v2 =	vld [tilespmem:s11+$0x230];
	v59 =	vmul.f32 v10, v58  }
0xed: {  	[tilespmem:s0+$0x8240] =	vst v58;
	v0 =	vmul.f32 v58, v0  }
0xee: {  	v1 =	vmul.f32 v58, v1;
	[tilespmem:s0+$0x8230] =	vst v59  }
0xef: {  	v3 =	vmul.f32 v3, v58;
	[tilespmem:s0+$0x8200] =	vst v0  }
0xf0: {  	[tilespmem:s0+$0x8210] =	vst v1;
	v60 =	vpop (erf)  }
0xf1: {  	[tilespmem:s0+$0x8220] =	vst v3;
	v61 =	vmul.f32 v2, v60  }
0xf2: {  	[tilespmem:s11+$0x8240] =	vst v60;
	v62 =	vmul.f32 v60, v4  }
0xf3: {  	v63 =	vmul.f32 v60, v7;
	[tilespmem:s11+$0x8230] =	vst v61  }
0xf4: {  	v0 =	vmul.f32 v8, v60;
	[tilespmem:s11+$0x8200] =	vst v62  }
0xf5: {  	[tilespmem:s11+$0x8210] =	vst v63  }
0xf6: {  	[tilespmem:s11+$0x8220] =	vst v0  }
0xf7: {  	[spmem:s3] =	stream.indirect.scatter.add.f32 [tilespmem:s18], [sflag:$0x3], $0x80, s19, s20, $0xb8;
	[tilespmem:$0x1DE00] =	vst v63  }
0xf8: {  	_ =	swait.ge [sflag:s17], $0x2000  }
0xf9: {  	[sflag:s17] =	ssyncset.done $0x0  }
0xfa: {  	[sflag:s17] =	ssyncadd.s32 $0xFFFFE000  }
0xfb: {  	[bflag:$0x0] =	sbarrier.arrive $0xFFFF  }
0xfc: {  	s15 =	rddreg [dreg:$0x5]  }
0xfd: {  	[hbm:s15], [sflag:s10] =	dma.local [spmem:s16], $0x2780  }
0xfe: {  	_ =	swait.ge [sflag:s17], $0x2780  }
0xff: {  	s30 =	sadd.s32 $0x1, s30;
	s31 =	rddreg [dreg:$0x6]  }
0x100: {  	p0 =	sne.s32 s30, s31  }
.Ltmp4:
0x101: {  	_ = 	snop;
	(pc) =	sbr.rel @p0 .LBB2_1-.Ltmp4, $3  }
0x102: {  	[sflag:s17] =	ssyncset.done $0x0  }
0x103: {  	[sflag:s17] =	ssyncadd.s32 $0xFFFFD880  }
0x104: {  	[bflag:$0x0] =	sbarrier.arrive $0xFFFF;
	_ =	sdelay $0x1  }
0x105: {  	_ =	sfence.sel $0x180000  }
0x106: {  	[bflag:$0x0] =	sbarrier.arrive $0xFFFF  }
0x107: {  	_ =	strace $0x9000004A  }
0x108: {  	s0 =	stileid.u32;
	[bflag:$0x2] =	sbarrier.arrive $0xFFFF  }
0x109: {  	p0 =	sne.s32 s0, $0x0;
	s0 =	rddreg [dreg:$0x2]  }
0x10a: {  	s0 =	sadd.s32 @!p0 $0x100000, s0  }
0x10b: {  	[sflag:s0] =	ssyncadd.tile.s32 @!p0 $0x1;
	_ =	shalt  }
.Lfunc_end2:
_tile_overlayer_lowered:
.L_overlay_start_2:
0x10c: {  	(tag) =	ssettag $0x2  }
0x10d: {  	s0 =	rddreg [dreg:$0x0];
	s2 =	stileid.u32  }
0x10e: {  	s1 =	rddreg [dreg:$0x1];
	p0 =	sne.s32 s2, $0x0  }
0x10f: {  	s3 =	rddreg [dreg:$0x2];
	[bflag:$0x3] =	sbarrier.arrive $0xFFFF;
	s2 =	simm.s32 @!p0 $0x1C03  }
0x110: {  	[timem:s3], [sflag:s2] =	dma.local @!p0 [hbm:s0], s1  }
0x111: {  	s0 =	simm.s32 @!p0 $0x3  }
0x112: {  	_ =	swait.ge @!p0 [sflag:s0], s1  }
0x113: {  	s1 =	ssub.s32 @!p0 $0x0, s1;
	[sflag:s0] =	ssyncset.done @!p0 $0x0  }
0x114: {  	[sflag:s0] =	ssyncadd.s32 @!p0 s1  }
0x115: {  	[bflag:$0x3] =	sbarrier.arrive $0xFFFF  }
0x116: {  	_ =	shalt  }

// kernel: kernel.7.cloned.1.call-start
scs
__scs_entry_jumppad:
0x0: {  	(pc) =	sbr.rel $0x88, $3  }
0x1: {  	(tag) =	ssettag $0x0;
	lr =	simm.s32 $0x1  }
0x2: {  	[smem:$0x3F94] =	sst lr;
	_ =	strace $0xD0000000  }
0x3: {  	_ = 	snop  }
0x4: {  	_ = 	snop  }
0x5: {  	_ = 	snop  }
0x6: {  	_ = 	snop  }
0x7: {  	_ = 	snop  }
__scs_overlays_trampoline_lowered:
0x8: {  	[smem:$0x3FA3] =	sst s0  }
0x9: {  	[smem:$0x3FA4] =	sst s1  }
0xa: {  	[smem:$0x3FA5] =	sst s2  }
0xb: {  	[smem:$0x3FA6] =	sst s3  }
0xc: {  	[smem:$0x3FA7] =	sst s4  }
0xd: {  	[smem:$0x3FA8] =	sst s5  }
0xe: {  	[smem:$0x3FA9] =	sst s6  }
0xf: {  	[smem:$0x3FAA] =	sst s7  }
0x10: {  	[smem:$0x3FAB] =	sst s8  }
0x11: {  	[smem:$0x3FAC] =	sst s9;
	s0 =	simm.s32 @!p0 $0x0  }
0x12: {  	s1 =	sld [smem:$0x3F92];
	s0 =	simm.s32 @p0 $0x1  }
0x13: {  	[smem:$0x3FAD] =	sst s0;
	s0 =	simm.s32 @!p1 $0x0  }
0x14: {  	s2 =	sld [smem:$0x3F91];
	s0 =	simm.s32 @p1 $0x1  }
0x15: {  	[smem:$0x3FAE] =	sst s0;
	s0 =	simm.s32 @!p2 $0x0  }
0x16: {  	s3 =	sld [smem:$0x3FDB];
	s0 =	simm.s32 @p2 $0x1  }
0x17: {  	s4 =	simm.s32 $0x1BF5;
	[smem:$0x3FB0] =	sst s0  }
0x18: {  	s0 =	sld [smem:$0x3F93];
	_ =	swait.ge [sflag:s4], $0x0  }
0x19: {  	s7 =	sld [smem:$0x3F94]  }
0x1a: {  	s8 =	sadd.s32 $0xFFFFE003, lr  }
0x1b: {  	s9 =	sadd.s32 $0xFFFFFEF7, lr;
	s5 =	simm.s32 $0xFFFFFFFF;
	p2 =	slt.u32 s8, $0xFFFFF086  }
0x1c: {  	p1 =	slt.u32 s9, $0xF7A;
	s5 =	simm.s32 @!p2 $0x0  }
0x1d: {  	s5 =	simm.s32 @p1 $0x1;
	p0 =	seq.s32 s7, s2  }
0x1e: {  	s7 =	smul.u32 @!p0 $0xF7A, s2;
	p2 =	seq.s32 @!p0 s5, $0x0  }
0x1f: {  	s9 =	smul.u32 $0xF7A, s1;
	s8 =	simm.s32 @!p0 $0x1BF5;
	p2 =	por !p2, p0  }
0x20: {  	[sflag:s8] =	ssyncset.s32 @!p0 $0xFFFFF086;
	s6 =	sadd.s32 @!p0 s3, s7;
	s7 =	simm.s32 @!p0 $0x108  }
0x21: {  	s3 =	sadd.s32 s3, s9;
	s6 =	sadd.s32 @!p0 $0x88, s6;
	s7 =	simm.s32 @p2 $0x1082  }
0x22: {  	[simem:s7], [sflag:s8] =	dma.local @!p0 [hbm:s6], $0xF7A  }
0x23: {  	s9 =	sor.u32 $0xD0000000, s2;
	s6 =	simm.s32 $0x108;
	_ =	swait.ge @!p0 [sflag:s8], $0x0  }
0x24: {  	s3 =	sadd.s32 $0x88, s3;
	s6 =	simm.s32 @!p1 $0x1082;
	[sflag:s4] =	ssyncset.s32 $0xFFFFF086  }
0x25: {  	[simem:s6], [sflag:s4] =	dma.local [hbm:s3], $0xF7A  }
0x26: {  	[smem:$0x3F94] =	sst s1;
	(tag) =	ssettag s2;
	_ =	strace s9  }
0x27: {  	s1 =	sld [smem:$0x3FA4]  }
0x28: {  	s2 =	sld [smem:$0x3FA5]  }
0x29: {  	s4 =	sld [smem:$0x3FA7]  }
0x2a: {  	p0 =	seq.s32 s5, $0x0;
	s5 =	sld [smem:$0x3FA8]  }
0x2b: {  	s6 =	sld [smem:$0x3FA9]  }
0x2c: {  	s7 =	sld [smem:$0x3FAA]  }
0x2d: {  	s3 =	simm.s32 $0x108;
	s8 =	sld [smem:$0x3FAB]  }
0x2e: {  	s3 =	simm.s32 @!p0 $0x1082;
	s9 =	sld [smem:$0x3FAC]  }
0x2f: {  	lr =	sadd.s32 s0, s3;
	s0 =	sld [smem:$0x3FA3]  }
0x30: {  	s3 =	sld [smem:$0x3FA6]  }
0x31: {  	[smem:$0x3FAF] =	sst s10  }
0x32: {  	s10 =	sld [smem:$0x3FAD];
	_ =	sdelay $0x3  }
0x33: {  	p0 =	seq.s32 s10, $0x1;
	s10 =	sld [smem:$0x3FAF];
	_ =	sdelay $0x3  }
0x34: {  	[smem:$0x3FAF] =	sst s10  }
0x35: {  	s10 =	sld [smem:$0x3FAE];
	_ =	sdelay $0x3  }
0x36: {  	p1 =	seq.s32 s10, $0x1;
	s10 =	sld [smem:$0x3FAF];
	_ =	sdelay $0x3  }
0x37: {  	[smem:$0x3FAF] =	sst s10  }
0x38: {  	s10 =	sld [smem:$0x3FB0]  }
0x39: {  	_ = 	snop;
	(pc) =	sbr.ind lr, $3  }
0x3a: {  	_ = 	snop  }
0x3b: {  	_ = 	snop  }
0x3c: {  	p2 =	seq.s32 s10, $0x1;
	s10 =	sld [smem:$0x3FAF]  }
0x3d: {  	_ =	shalt  }
0x3e: {  	_ =	shalt  }
0x3f: {  	_ =	shalt  }
0x40: {  	_ =	shalt  }
0x41: {  	_ =	shalt  }
0x42: {  	_ =	shalt  }
0x43: {  	_ =	shalt  }
0x44: {  	_ =	shalt  }
0x45: {  	_ =	shalt  }
0x46: {  	_ =	shalt  }
0x47: {  	_ =	shalt  }
0x48: {  	_ =	shalt  }
0x49: {  	_ =	shalt  }
0x4a: {  	_ =	shalt  }
0x4b: {  	_ =	shalt  }
0x4c: {  	_ =	shalt  }
0x4d: {  	_ =	shalt  }
0x4e: {  	_ =	shalt  }
0x4f: {  	_ =	shalt  }
0x50: {  	_ =	shalt  }
0x51: {  	_ =	shalt  }
0x52: {  	_ =	shalt  }
0x53: {  	_ =	shalt  }
0x54: {  	_ =	shalt  }
0x55: {  	_ =	shalt  }
0x56: {  	_ =	shalt  }
0x57: {  	_ =	shalt  }
0x58: {  	_ =	shalt  }
0x59: {  	_ =	shalt  }
0x5a: {  	_ =	shalt  }
0x5b: {  	_ =	shalt  }
0x5c: {  	_ =	shalt  }
0x5d: {  	_ =	shalt  }
0x5e: {  	_ =	shalt  }
0x5f: {  	_ =	shalt  }
0x60: {  	_ =	shalt  }
0x61: {  	_ =	shalt  }
0x62: {  	_ =	shalt  }
0x63: {  	_ =	shalt  }
0x64: {  	_ =	shalt  }
0x65: {  	_ =	shalt  }
0x66: {  	_ =	shalt  }
0x67: {  	_ =	shalt  }
0x68: {  	_ =	shalt  }
0x69: {  	_ =	shalt  }
0x6a: {  	_ =	shalt  }
0x6b: {  	_ =	shalt  }
0x6c: {  	_ =	shalt  }
0x6d: {  	_ =	shalt  }
0x6e: {  	_ =	shalt  }
0x6f: {  	_ =	shalt  }
0x70: {  	_ =	shalt  }
0x71: {  	_ =	shalt  }
0x72: {  	_ =	shalt  }
0x73: {  	_ =	shalt  }
0x74: {  	_ =	shalt  }
0x75: {  	_ =	shalt  }
0x76: {  	_ =	shalt  }
0x77: {  	_ =	shalt  }
0x78: {  	_ =	shalt  }
0x79: {  	_ =	shalt  }
0x7a: {  	_ =	shalt  }
0x7b: {  	_ =	shalt  }
0x7c: {  	_ =	shalt  }
0x7d: {  	_ =	shalt  }
0x7e: {  	_ =	shalt  }
0x7f: {  	_ =	shalt  }
0x80: {  	_ =	shalt  }
0x81: {  	_ =	shalt  }
0x82: {  	_ =	shalt  }
0x83: {  	_ =	shalt  }
0x84: {  	_ =	shalt  }
0x85: {  	_ =	shalt  }
0x86: {  	_ =	shalt  }
0x87: {  	_ =	shalt  }
.Lfunc_end0:
.L_simem_size_0:
called_computation_lowered:
.L_overlay_start_0:
0x88: {  	s2 =	sld [smem:$0x3FD9]  }
0x89: {  	s3 =	sld [smem:$0x3FFE];
	_ =	sdelay $0x1  }
0x8a: {  	s1 =	srdreg.scid  }
0x8b: {  	s0 =	sand.u32 $0x1, s1  }
0x8c: {  	s16 =	sshll.u32 s0, $0xA;
	s2 =	sadd.s32 s3, s2  }
0x8d: {  	s2 =	sadd.s32 s2, s16  }
0x8e: {  	[smem:$0x3FBB] =	sst s2  }
0x8f: {  	_ = 	snop  }
0x90: {  	(tm) =	ssettm $0x1  }
0x91: {  	s17 =	sld [smem:$0x3FFB];
	_ =	sdelay $0x3  }
0x92: {  	_ =	strace s17  }
0x93: {  	s2 =	sld [smem:$0x3FFC];
	_ =	sdelay $0x3  }
0x94: {  	_ =	strace s2  }
0x95: {  	s2 =	sld [smem:$0x3FFD];
	_ =	sdelay $0x3  }
0x96: {  	_ =	strace s2  }
0x97: {  	_ =	strace $0x8FFFFFFF  }
0x98: {  	s18 =	sld [smem:$0x3FDB];
	_ =	sdelay $0x1  }
0x99: {  	s19 =	simm.s32 $_scs_section_size  }
0x9a: {  	s4 =	simm.s32 $_size__tile_overlayer_lowered;
	s5 =	simm.s32 $_tile_overlayer_lowered  }
0x9b: {  	s22 =	simm.s32 $0x1BFF;
	s21 =	sshll.u32 s5, $0x1;
	s2 =	sadd.s32 s19, s18  }
0x9c: {  	s6 =	simm.s32 $0x0;
	s20 =	sshll.u32 s4, $0x1;
	s4 =	sadd.s32 s21, s2  }
0x9d: {  	[timem:s6], [sflag:s22] =	dma.local [hbm:s4], s20  }
0x9e: {  	_ =	swait.ge [sflag:s22], s20  }
0x9f: {  	s3 =	ssub.s32 $0x0, s20;
	[sflag:s22] =	ssyncset.done $0x0  }
0xa0: {  	[sflag:s22] =	ssyncadd.s32 s3;
	_ =	sdelay $0x1  }
0xa1: {  	s23 =	simm.s32 $0x1B8B  }
0xa2: {  	_ =	swait.ge [sflag:s23], $0x1  }
0xa3: {  	[sflag:s23] =	ssyncset.done $0x0  }
0xa4: {  	s25 =	simm.s32 $0x1B8E;
	s24 =	sld [smem:$0x3FFE];
	[sflag:s23] =	ssyncadd.s32 $0xFFFFFFFF  }
0xa5: {  	s26 =	simm.s32 $execute0_lowered;
	[smem:$0x3FD2] =	sst s25  }
0xa6: {  	s4 =	sshll.u32 s26, $0x1;
	_ =	strace $0x80000046;
	[dreg:$0x1] =	wrdreg $0xFFFFFFFF  }
0xa7: {  	s28 =	simm.s32 $_size_execute0_lowered;
	s2 =	sadd.s32 s2, s4;
	[dreg:$0x0] =	wrdreg $0x0  }
0xa8: {  	s4 =	sshll.u32 s28, $0x1;
	[dreg:$0x2] =	wrdreg s2  }
0xa9: {  	[dreg:$0x3] =	wrdreg s4  }
0xaa: {  	[dreg:$0x4] =	wrdreg $0xC0  }
0xab: {  	_ =	task [dreg:s6], $0x5FFFF  }
0xac: {  	[dreg:$0x1] =	wrdreg $0xFFFFFFFF  }
0xad: {  	[dreg:$0x0] =	wrdreg $0x60  }
0xae: {  	[dreg:$0x2] =	wrdreg s24  }
0xaf: {  	[dreg:$0x3] =	wrdreg $0xA2000  }
0xb0: {  	[dreg:$0x4] =	wrdreg $0x9  }
0xb1: {  	_ =	task.clear_ibuf [dreg:s6], $0x5FFFF;
	_ =	strace $0x90000046  }
0xb2: {  	s29 =	simm.s32 $0x9;
	_ =	strace $0x80000048  }
0xb3: {  	_ =	swait.ge [sflag:s29], $0x1  }
0xb4: {  	[sflag:s29] =	ssyncadd.s32 $0xFFFFFFFF  }
0xb5: {  	_ =	strace $0x90000048  }
0xb6: {  	_ =	sfence  }
0xb7: {  	s30 =	sld [smem:$0x0];
	_ =	sdelay $0x2  }
0xb8: {  	s31 =	sshll.u32 s1, $0xD;
	s1 =	sshrl.u32 s1, $0x2  }
0xb9: {  	s3 =	sand.u32 $0x4000, s31;
	s1 =	sadd.s32 s1, s30  }
0xba: {  	s0 =	sor.u32 s3, s0;
	s1 =	sshll.u32 s1, $0x11  }
0xbb: {  	s0 =	sor.u32 s1, s0  }
0xbc: {  	s0 =	sadd.s32 $0x8F2B, s0  }
0xbd: {  	[sflag:s0] =	ssyncadd.remote.s32 $0x1  }
0xbe: {  	_ =	sfence.sel $0xFFFF  }
0xbf: {  	[dreg:$0x0] =	wrdreg $0xFFFFFFFF;
	(pc) =	sbr.abs _section_cstart, $3  }
0xc0: {  	[dreg:$0x1] =	wrdreg $0xFFFFFFFF  }
0xc1: {  	_ =	task.clear_ibuf [dreg:s6], $0x2FFFF;
	_ =	strace $0x9FFFFFFF  }
0xc2: {  	(tm) =	ssettm $0x7FFFFFFF  }
0xc3: {  	_ =	shalt  }
tec
execute0_lowered:
.L_overlay_start_1:
0x0: {  	(tag) =	ssettag $0x1  }
0x1: {  	s9 =	rddreg [dreg:$0x0]  }
0x2: {  	s2 =	rddreg [dreg:$0x1]  }
0x3: {  	s0 =	simm.s32 $0x0;
	s13 =	srdreg.scid;
	s16 =	stileid.u32  }
0x4: {  	s28 =	simm.s32 $0x8200;
	s29 =	simm.s32 $0x100;
	s30 =	simm.s32 $0x40  }
0x5: {  	s31 =	simm.s32 $0x200;
	[smem:$0x7FF] =	sst s0;
	s5 =	sadd.s32 $0x27200, s9  }
0x6: {  	s6 =	sadd.s32 $0x31200, s9;
	s0 =	sand.u32 $0x1, s13;
	s1 =	smul.u32 $0x278, s16  }
0x7: {  	s3 =	sadd.s32 $0xB1A00, s9;
	s14 =	sadd.s32 $0x8A200, s9;
	s4 =	sadd.s32 $0x62A00, s9  }
0x8: {  	s10 =	sadd.s32 $0x3B200, s9;
	s11 =	sadd.s32 $0xD9200, s9;
	s12 =	sadd.s32 $0x100A00, s9  }
0x9: {  	s13 =	sadd.s32 $0x128200, s9;
	_ =	strace $0x80000047;
	[dreg:$0x3] =	wrdreg s3  }
0xa: {  	s7 =	sshll.u32 s16, $0x1;
	s8 =	smul.u32 $0x4F000, s16;
	[dreg:$0x4] =	wrdreg s14  }
0xb: {  	s20 =	sshll.u32 s16, $0x6;
	s15 =	smul.u32 $0x2780, s0;
	[dreg:$0x5] =	wrdreg s4  }
0xc: {  	s14 =	sadd.s32 $0x14FA00, s9;
	s17 =	ssub.s32 $0x2, s0;
	s4 =	simm.s32 $0x80  }
0xd: {  	s18 =	sshrl.u32 s17, $0x1;
	s19 =	sshrl.u32 s8, $0x2;
	s8 =	sor.u32 $0x1C03, s20  }
0xe: {  	s20 =	simm.s32 $0x2200;
	s1 =	sadd.s32 s1, s15;
	s3 =	ssub.s32 s17, s18  }
0xf: {  	s15 =	sor.u32 s0, s7;
	s0 =	sadd.s32 s19, s2;
	s19 =	simm.s32 $0x180  }
0x10: {  	[dreg:$0x6] =	wrdreg s8;
	s1 =	sshll.u32 s1, $0x4;
	s26 =	smax.u32 s3, $0x1  }
0x11: {  	s7 =	sshll.u32 s15, $0x3;
	s3 =	sshrl.u32 s0, $0x3;
	[dreg:$0xd] =	wrdreg s26  }
0x12: {  	s0 =	simm.s32 $0x4200;
	s21 =	sadd.s32 s5, s7;
	[dreg:$0xe] =	wrdreg s3  }
0x13: {  	s1 =	sadd.s32 s1, s9;
	s22 =	sadd.s32 s6, s7;
	[dreg:$0x7] =	wrdreg s21  }
0x14: {  	s26 =	simm.s32 $0x3;
	[dreg:$0x8] =	wrdreg s22;
	s23 =	sadd.s32 $0x177200, s1  }
0x15: {  	s7 =	simm.s32 $0x0;
	s24 =	sadd.s32 $0x1C6200, s1;
	[dreg:$0x9] =	wrdreg s23  }
0x16: {  	s21 =	sor.u32 $0x40, s15;
	s25 =	sadd.s32 $0x215200, s1;
	[dreg:$0xa] =	wrdreg s24  }
0x17: {  	s1 =	sadd.s32 $0x264200, s1;
	s22 =	simm.s32 $0x6200;
	[dreg:$0xb] =	wrdreg s25  }
0x18: {  	[dreg:$0xc] =	wrdreg s1;
	s23 =	simm.s32 $0x1;
	s24 =	simm.s32 $0x2  }
.LBB2_1:
0x19: {  	[dreg:$0xf] =	wrdreg s7  }
0x1a: {  	s1 =	rddreg [dreg:$0x0]  }
0x1b: {  	[spmem:s3], [sflag:s8] =	dma.local [hbm:s1], $0x2780  }
0x1c: {  	_ =	swait.ge [sflag:s26], $0x2780  }
0x1d: {  	[sflag:s26] =	ssyncset.done $0x0  }
0x1e: {  	s17 =	simm.s32 $0x0;
	[sflag:s26] =	ssyncadd.s32 $0xFFFFD880  }
0x1f: {  	[tilespmem:s28], [sflag:$0x3] =	stream.linear.gather [hbm4b:s1+s17], $0x2000, $0x38;
	[tilespmem:$0x1DE00] =	vst v63  }
0x20: {  	_ =	swait.ge [sflag:s26], $0x2000  }
0x21: {  	[sflag:s26] =	ssyncset.done $0x0  }
0x22: {  	[sflag:s26] =	ssyncadd.s32 $0xFFFFE000  }
0x23: {  	[bflag:$0x0] =	sbarrier.arrive $0xFFFF  }
0x24: {  	s18 =	rddreg [dreg:$0x7]  }
0x25: {  	[tilespmem:s17], [sflag:$0x3] =	stream.linear.gather [hbm4b:s18+s17], $0x40, $0x38;
	[tilespmem:$0x1DE00] =	vst v63  }
0x26: {  	_ =	swait.ge [sflag:s26], $0x40  }
0x27: {  	[sflag:s26] =	ssyncset.done $0x0  }
0x28: {  	s25 =	rddreg [dreg:$0x8];
	[sflag:s26] =	ssyncadd.s32 $0xFFFFFFC0  }
0x29: {  	[tilespmem:s29], [sflag:$0x3] =	stream.linear.gather [hbm4b:s25+s17], $0x40, $0x38;
	[tilespmem:$0x1DE00] =	vst v63  }
0x2a: {  	_ =	swait.ge [sflag:s26], $0x40  }
0x2b: {  	[sflag:s26] =	ssyncset.done $0x0  }
0x2c: {  	s9 =	rddreg [dreg:$0x3];
	[sflag:s26] =	ssyncadd.s32 $0xFFFFFFC0  }
0x2d: {  	[tilespmem:s31], [sflag:$0x1] =	stream.indirect.gather [hbm4b:s9+s30], $0x80, s17, s30, $0xb8;
	[tilespmem:$0x1DE00] =	vst v63  }
0x2e: {  	s17 =	simm.s32 $0x0  }
0x2f: {  	[tilespmem:s0], [sflag:$0x1] =	stream.indirect.gather [hbm4b:s11+s30], $0x80, s29, s30, $0xb8;
	[tilespmem:$0x1DE00] =	vst v63  }
.LBB2_2:
0x30: {  	s18 =	sshll.u32 s17, $0x6  }
0x31: {  	s1 =	sor.u32 s18, s15  }
0x32: {  	s1 =	sshll.u32 s1, $0x3  }
0x33: {  	s1 =	sor.u32 $0x100, s1  }
0x34: {  	s7 =	simm.s32 $0x0;
	s3 =	sadd.s32 s5, s1  }
0x35: {  	[tilespmem:s4], [sflag:$0x3] =	stream.linear.gather [hbm4b:s3+s7], $0x40, $0x38;
	[tilespmem:$0x1DE00] =	vst v63  }
0x36: {  	_ =	swait.ge [sflag:s26], $0x40  }
0x37: {  	[sflag:s26] =	ssyncset.done $0x0  }
0x38: {  	s1 =	sadd.s32 s6, s1;
	[sflag:s26] =	ssyncadd.s32 $0xFFFFFFC0  }
0x39: {  	[tilespmem:s19], [sflag:$0x3] =	stream.linear.gather [hbm4b:s1+s7], $0x40, $0x38;
	[tilespmem:$0x1DE00] =	vst v63  }
0x3a: {  	_ =	swait.ge [sflag:s26], $0x40  }
0x3b: {  	[sflag:s26] =	ssyncset.done $0x0  }
0x3c: {  	[sflag:s26] =	ssyncadd.s32 $0xFFFFFFC0  }
0x3d: {  	[tilespmem:s20], [sflag:$0x2] =	stream.indirect.gather [hbm4b:s9+s30], $0x80, s4, s30, $0xb8;
	[tilespmem:$0x1DE00] =	vst v63  }
0x3e: {  	_ = 	snop  }
0x3f: {  	[tilespmem:s22], [sflag:$0x2] =	stream.indirect.gather [hbm4b:s11+s30], $0x80, s19, s30, $0xb8;
	[tilespmem:$0x1DE00] =	vst v63  }
0x40: {  	_ =	swait.ge [sflag:s23], $0x2000  }
0x41: {  	[sflag:s23] =	ssyncset.done $0x0  }
0x42: {  	[sflag:s23] =	ssyncadd.s32 $0xFFFFE000  }
0x43: {  	_ =	swait.ge [sflag:s23], $0x2000  }
0x44: {  	[sflag:s23] =	ssyncset.done $0x0  }
0x45: {  	s25 =	simm.s32 $0x0;
	[sflag:s23] =	ssyncadd.s32 $0xFFFFE000  }
0x46: {  	v0 =	vld [tilespmem:s25+$0x240]  }
0x47: {  	v1 =	vld [tilespmem:s25+$0x4200];
	_ =	sdelay $0x2  }
0x48: {  	v9 =	vld [tilespmem:s25+$0x200]  }
0x49: {  	s3 =	simm.s32 $0x80;
	v11 =	vld [tilespmem:s25+$0x210]  }
0x4a: {  	v3 =	vld [tilespmem:s3+$0x4200];
	v0 =	vadd.f32 v1, v0  }
0x4b: {  	v1 =	vld [tilespmem:s3+$0x240]  }
0x4c: {  	s1 =	simm.s32 $0x100;
	v10 =	vld [tilespmem:s25+$0x220];
	v2 =	vmul.f32 $2.000000030e-01, v0  }
0x4d: {  	v4 =	vld [tilespmem:s1+$0x240];
	vm0 =	vge.f32 v0, $0.0e+00  }
0x4e: {  	v7 =	vld [tilespmem:s1+$0x4200];
	v0 =	vsel vm0, v0, v2  }
0x4f: {  	v6 =	vld [tilespmem:s3+$0x200];
	v0 =	vmul.f32 $1.442695020e+00, v0  }
0x50: {  	v5 =	vld [tilespmem:s3+$0x210];
	v8 =	vadd.f32 v3, v1  }
0x51: {  	s16 =	simm.s32 $0x180;
	v12 =	vld [tilespmem:s25+$0x230];
	(erf) = vpow2.f32 v0  }
0x52: {  	v13 =	vld [tilespmem:s16+$0x240];
	v14 =	vmul.f32 $2.000000030e-01, v8  }
0x53: {  	v15 =	vadd.f32 v7, v4;
	v7 =	vld [tilespmem:s16+$0x210];
	vm14 =	vge.f32 v8, $0.0e+00  }
0x54: {  	v2 =	vld [tilespmem:s3+$0x220];
	v4 =	vsel vm14, v8, v14  }
0x55: {  	v1 =	vld [tilespmem:s1+$0x210];
	v8 =	vmul.f32 $1.442695020e+00, v4  }
0x56: {  	v0 =	vld [tilespmem:s1+$0x200]  }
0x57: {  	v14 =	vld [tilespmem:s16+$0x4200];
	(erf) = vpow2.f32 v8  }
0x58: {  	v16 =	vmul.f32 $2.000000030e-01, v15;
	v4 =	vld [tilespmem:s16+$0x200]  }
0x59: {  	vm15 =	vge.f32 v15, $0.0e+00;
	v3 =	vld [tilespmem:s1+$0x220]  }
0x5a: {  	s7 =	simm.s32 $0x800;
	v16 =	vsel vm15, v15, v16;
	v8 =	vld [tilespmem:s16+$0x220];
	v15 =	vpop (erf)  }
.LBB2_3:
0x5b: {  	v16 =	vmul.f32 $1.442695020e+00, v16;
	[tilespmem:s25+$0x8240] =	vst v15;
	v17 =	vmul.f32 v12, v15;
	v12 =	vld [tilespmem:s3+$0x230];
	s8 =	smov.u32 s16;
	s16 =	sshra.s32 s7, $0x2;
	p0 =	sne.s32 s7, $0x7E00  }
.Ltmp0:
0x5c: {  	s7 =	sadd.s32 $0x200, s7;
	v19 =	vmul.f32 v15, v9;
	v20 =	vmul.f32 v15, v11;
	v9 =	vmovc v6;
	v18 =	vadd.f32 v14, v13;
	v13 =	vld [tilespmem:s16+$0x240];
	(pc) =	sbr.rel @p0 .LBB2_3-.Ltmp0, $4  }
0x5d: {  	v21 =	vmul.f32 v10, v15;
	v6 =	vmovc v0;
	v11 =	vmovc v5;
	v14 =	vld [tilespmem:s16+$0x4200];
	(erf) = vpow2.f32 v16;
	[tilespmem:s25+$0x8230] =	vst v17;
	v0 =	vmov v4  }
0x5e: {  	v5 =	vmovc v1;
	v10 =	vmovc v2;
	v2 =	vmov v3;
	v4 =	vld [tilespmem:s16+$0x200];
	v17 =	vmul.f32 $2.000000030e-01, v18;
	[tilespmem:s25+$0x8200] =	vst v19;
	v1 =	vmov v7  }
0x5f: {  	vm0 =	vge.f32 v18, $0.0e+00;
	v7 =	vld [tilespmem:s16+$0x210];
	[tilespmem:s25+$0x8210] =	vst v20;
	v3 =	vmov v8  }
0x60: {  	v8 =	vld [tilespmem:s16+$0x220];
	v16 =	vsel vm0, v18, v17;
	v15 =	vpop (erf);
	[tilespmem:s25+$0x8220] =	vst v21;
	s25 =	smov.u32 s3;
	s3 =	smov.u32 s1;
	s1 =	smov.u32 s8  }
0x61: {  	_ = 	snop  }
0x62: {  	v16 =	vmul.f32 $1.442695020e+00, v16;
	v12 =	vmul.f32 v12, v15;
	v13 =	vadd.f32 v14, v13  }
0x63: {  	v17 =	vld [tilespmem:s3+$0x230];
	v9 =	vmul.f32 v15, v9;
	v11 =	vmul.f32 v15, v11  }
0x64: {  	(erf) = vpow2.f32 v16;
	[tilespmem:s25+$0x8230] =	vst v12;
	v12 =	vmul.f32 $2.000000030e-01, v13  }
0x65: {  	[tilespmem:s25+$0x8240] =	vst v15;
	vm0 =	vge.f32 v13, $0.0e+00  }
0x66: {  	v10 =	vmul.f32 v10, v15;
	[tilespmem:s25+$0x8200] =	vst v9;
	v9 =	vsel vm0, v13, v12  }
0x67: {  	[tilespmem:s25+$0x8210] =	vst v11;
	v11 =	vpop (erf);
	v9 =	vmul.f32 $1.442695020e+00, v9  }
0x68: {  	[tilespmem:s25+$0x8220] =	vst v10;
	v12 =	vmul.f32 v17, v11;
	v6 =	vmul.f32 v11, v6  }
0x69: {  	v10 =	vld [tilespmem:s1+$0x230];
	[tilespmem:s3+$0x8240] =	vst v11;
	v5 =	vmul.f32 v11, v5;
	(erf) = vpow2.f32 v9  }
0x6a: {  	[tilespmem:s3+$0x8230] =	vst v12  }
0x6b: {  	v2 =	vmul.f32 v2, v11;
	[tilespmem:s3+$0x8200] =	vst v6  }
0x6c: {  	[tilespmem:s3+$0x8210] =	vst v5  }
0x6d: {  	[tilespmem:s3+$0x8220] =	vst v2;
	v5 =	vpop (erf)  }
0x6e: {  	v2 =	vld [tilespmem:s16+$0x230];
	v6 =	vmul.f32 v10, v5;
	v0 =	vmul.f32 v5, v0  }
0x6f: {  	[tilespmem:s1+$0x8240] =	vst v5  }
0x70: {  	v1 =	vmul.f32 v5, v1;
	[tilespmem:s1+$0x8230] =	vst v6  }
0x71: {  	v3 =	vmul.f32 v3, v5;
	[tilespmem:s1+$0x8200] =	vst v0  }
0x72: {  	[tilespmem:s1+$0x8210] =	vst v1;
	v0 =	vpop (erf)  }
0x73: {  	[tilespmem:s1+$0x8220] =	vst v3;
	v1 =	vmul.f32 v2, v0  }
0x74: {  	[tilespmem:s16+$0x8240] =	vst v0;
	v2 =	vmul.f32 v0, v4  }
0x75: {  	v3 =	vmul.f32 v0, v7;
	[tilespmem:s16+$0x8230] =	vst v1  }
0x76: {  	v0 =	vmul.f32 v8, v0;
	[tilespmem:s16+$0x8200] =	vst v2  }
0x77: {  	[tilespmem:s16+$0x8210] =	vst v3  }
0x78: {  	[tilespmem:s16+$0x8220] =	vst v0  }
0x79: {  	[spmem:s2] =	stream.indirect.scatter.add.f32 [tilespmem:s28], [sflag:$0x3], $0x80, s29, s30, $0xb8;
	[tilespmem:$0x1DE00] =	vst v63  }
0x7a: {  	s18 =	sadd.s32 s21, s18;
	_ =	swait.ge [sflag:s26], $0x2000  }
0x7b: {  	s1 =	sshll.u32 s18, $0x3;
	[sflag:s26] =	ssyncset.done $0x0  }
0x7c: {  	s7 =	simm.s32 $0x0;
	s25 =	sadd.s32 s5, s1;
	[sflag:s26] =	ssyncadd.s32 $0xFFFFE000  }
0x7d: {  	[tilespmem:s7], [sflag:$0x3] =	stream.linear.gather [hbm4b:s25+s7], $0x40, $0x38;
	[tilespmem:$0x1DE00] =	vst v63  }
0x7e: {  	_ =	swait.ge [sflag:s26], $0x40  }
0x7f: {  	[sflag:s26] =	ssyncset.done $0x0  }
0x80: {  	s1 =	sadd.s32 s6, s1;
	[sflag:s26] =	ssyncadd.s32 $0xFFFFFFC0  }
0x81: {  	[tilespmem:s29], [sflag:$0x3] =	stream.linear.gather [hbm4b:s1+s7], $0x40, $0x38;
	[tilespmem:$0x1DE00] =	vst v63  }
0x82: {  	_ =	swait.ge [sflag:s26], $0x40  }
0x83: {  	[sflag:s26] =	ssyncset.done $0x0  }
0x84: {  	[sflag:s26] =	ssyncadd.s32 $0xFFFFFFC0  }
0x85: {  	[tilespmem:s31], [sflag:$0x1] =	stream.indirect.gather [hbm4b:s9+s30], $0x80, s7, s30, $0xb8;
	[tilespmem:$0x1DE00] =	vst v63  }
0x86: {  	_ = 	snop  }
0x87: {  	[tilespmem:s0], [sflag:$0x1] =	stream.indirect.gather [hbm4b:s11+s30], $0x80, s29, s30, $0xb8;
	[tilespmem:$0x1DE00] =	vst v63  }
0x88: {  	_ =	swait.ge [sflag:s24], $0x2000  }
0x89: {  	[sflag:s24] =	ssyncset.done $0x0  }
0x8a: {  	[sflag:s24] =	ssyncadd.s32 $0xFFFFE000  }
0x8b: {  	_ =	swait.ge [sflag:s24], $0x2000  }
0x8c: {  	[sflag:s24] =	ssyncset.done $0x0  }
0x8d: {  	s18 =	simm.s32 $0x0;
	[sflag:s24] =	ssyncadd.s32 $0xFFFFE000  }
0x8e: {  	v0 =	vld [tilespmem:s18+$0x2240]  }
0x8f: {  	v1 =	vld [tilespmem:s18+$0x6200];
	_ =	sdelay $0x2  }
0x90: {  	v9 =	vld [tilespmem:s18+$0x2200]  }
0x91: {  	s3 =	simm.s32 $0x80;
	v11 =	vld [tilespmem:s18+$0x2210]  }
0x92: {  	v3 =	vld [tilespmem:s3+$0x6200];
	v0 =	vadd.f32 v1, v0  }
0x93: {  	v1 =	vld [tilespmem:s3+$0x2240]  }
0x94: {  	s1 =	simm.s32 $0x100;
	v10 =	vld [tilespmem:s18+$0x2220];
	v2 =	vmul.f32 $2.000000030e-01, v0  }
0x95: {  	v4 =	vld [tilespmem:s1+$0x2240];
	vm13 =	vge.f32 v0, $0.0e+00  }
0x96: {  	v7 =	vld [tilespmem:s1+$0x6200];
	v0 =	vsel vm13, v0, v2  }
0x97: {  	v6 =	vld [tilespmem:s3+$0x2200];
	v0 =	vmul.f32 $1.442695020e+00, v0  }
0x98: {  	v5 =	vld [tilespmem:s3+$0x2210];
	v8 =	vadd.f32 v3, v1  }
0x99: {  	s16 =	simm.s32 $0x180;
	v12 =	vld [tilespmem:s18+$0x2230];
	(erf) = vpow2.f32 v0  }
0x9a: {  	v13 =	vld [tilespmem:s16+$0x2240];
	v14 =	vmul.f32 $2.000000030e-01, v8  }
0x9b: {  	v15 =	vadd.f32 v7, v4;
	v7 =	vld [tilespmem:s16+$0x2210];
	vm14 =	vge.f32 v8, $0.0e+00  }
0x9c: {  	v2 =	vld [tilespmem:s3+$0x2220];
	v4 =	vsel vm14, v8, v14  }
0x9d: {  	v1 =	vld [tilespmem:s1+$0x2210];
	v8 =	vmul.f32 $1.442695020e+00, v4  }
0x9e: {  	v0 =	vld [tilespmem:s1+$0x2200]  }
0x9f: {  	v14 =	vld [tilespmem:s16+$0x6200];
	(erf) = vpow2.f32 v8  }
0xa0: {  	v16 =	vmul.f32 $2.000000030e-01, v15;
	v4 =	vld [tilespmem:s16+$0x2200]  }
0xa1: {  	vm15 =	vge.f32 v15, $0.0e+00;
	v3 =	vld [tilespmem:s1+$0x2220]  }
0xa2: {  	s7 =	simm.s32 $0x800;
	v16 =	vsel vm15, v15, v16;
	v8 =	vld [tilespmem:s16+$0x2220];
	v15 =	vpop (erf)  }
.LBB2_5:
0xa3: {  	v16 =	vmul.f32 $1.442695020e+00, v16;
	[tilespmem:s18+$0x8240] =	vst v15;
	v17 =	vmul.f32 v12, v15;
	v12 =	vld [tilespmem:s3+$0x2230];
	s8 =	smov.u32 s16;
	s16 =	sshra.s32 s7, $0x2;
	p0 =	sne.s32 s7, $0x7E00  }
.Ltmp1:
0xa4: {  	s7 =	sadd.s32 $0x200, s7;
	v19 =	vmul.f32 v15, v9;
	v20 =	vmul.f32 v15, v11;
	v9 =	vmovc v6;
	v18 =	vadd.f32 v14, v13;
	v13 =	vld [tilespmem:s16+$0x2240];
	(pc) =	sbr.rel @p0 .LBB2_5-.Ltmp1, $4  }
0xa5: {  	v21 =	vmul.f32 v10, v15;
	v6 =	vmovc v0;
	v11 =	vmovc v5;
	v14 =	vld [tilespmem:s16+$0x6200];
	(erf) = vpow2.f32 v16;
	[tilespmem:s18+$0x8230] =	vst v17;
	v0 =	vmov v4  }
0xa6: {  	v5 =	vmovc v1;
	v10 =	vmovc v2;
	v2 =	vmov v3;
	v4 =	vld [tilespmem:s16+$0x2200];
	v17 =	vmul.f32 $2.000000030e-01, v18;
	[tilespmem:s18+$0x8200] =	vst v19;
	v1 =	vmov v7  }
0xa7: {  	vm0 =	vge.f32 v18, $0.0e+00;
	v7 =	vld [tilespmem:s16+$0x2210];
	[tilespmem:s18+$0x8210] =	vst v20;
	v3 =	vmov v8  }
0xa8: {  	v8 =	vld [tilespmem:s16+$0x2220];
	v16 =	vsel vm0, v18, v17;
	v15 =	vpop (erf);
	[tilespmem:s18+$0x8220] =	vst v21;
	s18 =	smov.u32 s3;
	s3 =	smov.u32 s1;
	s1 =	smov.u32 s8  }
0xa9: {  	_ = 	snop  }
0xaa: {  	v16 =	vmul.f32 $1.442695020e+00, v16;
	v13 =	vadd.f32 v14, v13  }
0xab: {  	v17 =	vld [tilespmem:s3+$0x2230];
	v12 =	vmul.f32 v12, v15;
	v9 =	vmul.f32 v15, v9  }
0xac: {  	[tilespmem:s18+$0x8240] =	vst v15;
	(erf) = vpow2.f32 v16;
	v54 =	vmul.f32 $2.000000030e-01, v13  }
0xad: {  	v11 =	vmul.f32 v15, v11;
	[tilespmem:s18+$0x8230] =	vst v12;
	vm0 =	vge.f32 v13, $0.0e+00  }
0xae: {  	v10 =	vmul.f32 v10, v15;
	[tilespmem:s18+$0x8200] =	vst v9;
	v55 =	vsel vm0, v13, v54  }
0xaf: {  	[tilespmem:s18+$0x8210] =	vst v11;
	v56 =	vpop (erf);
	v9 =	vmul.f32 $1.442695020e+00, v55  }
0xb0: {  	[tilespmem:s18+$0x8220] =	vst v10;
	v57 =	vmul.f32 v17, v56  }
0xb1: {  	v10 =	vld [tilespmem:s1+$0x2230];
	[tilespmem:s3+$0x8240] =	vst v56;
	v6 =	vmul.f32 v56, v6;
	(erf) = vpow2.f32 v9  }
0xb2: {  	v5 =	vmul.f32 v56, v5;
	[tilespmem:s3+$0x8230] =	vst v57  }
0xb3: {  	v2 =	vmul.f32 v2, v56;
	[tilespmem:s3+$0x8200] =	vst v6  }
0xb4: {  	[tilespmem:s3+$0x8210] =	vst v5  }
0xb5: {  	[tilespmem:s3+$0x8220] =	vst v2;
	v58 =	vpop (erf)  }
0xb6: {  	v2 =	vld [tilespmem:s16+$0x2230];
	v59 =	vmul.f32 v10, v58  }
0xb7: {  	[tilespmem:s1+$0x8240] =	vst v58;
	v0 =	vmul.f32 v58, v0  }
0xb8: {  	v1 =	vmul.f32 v58, v1;
	[tilespmem:s1+$0x8230] =	vst v59  }
0xb9: {  	v3 =	vmul.f32 v3, v58;
	[tilespmem:s1+$0x8200] =	vst v0  }
0xba: {  	[tilespmem:s1+$0x8210] =	vst v1;
	v60 =	vpop (erf)  }
0xbb: {  	[tilespmem:s1+$0x8220] =	vst v3;
	v61 =	vmul.f32 v2, v60  }
0xbc: {  	[tilespmem:s16+$0x8240] =	vst v60;
	v62 =	vmul.f32 v60, v4  }
0xbd: {  	v63 =	vmul.f32 v60, v7;
	[tilespmem:s16+$0x8230] =	vst v61  }
0xbe: {  	s17 =	sadd.s32 $0x1, s17;
	v0 =	vmul.f32 v8, v60;
	[tilespmem:s16+$0x8200] =	vst v62  }
0xbf: {  	p0 =	sne.s32 s17, $0x4F;
	[tilespmem:s16+$0x8210] =	vst v63  }
.Ltmp2:
0xc0: {  	[tilespmem:s16+$0x8220] =	vst v0;
	(pc) =	sbr.rel @p0 .LBB2_2-.Ltmp2, $4  }
0xc1: {  	[spmem:s2] =	stream.indirect.scatter.add.f32 [tilespmem:s28], [sflag:$0x3], $0x80, s19, s30, $0xb8;
	[tilespmem:$0x1DE00] =	vst v63  }
0xc2: {  	_ =	swait.ge [sflag:s26], $0x2000  }
0xc3: {  	[sflag:s26] =	ssyncset.done $0x0  }
0xc4: {  	[sflag:s26] =	ssyncadd.s32 $0xFFFFE000  }
0xc5: {  	_ =	swait.ge [sflag:s23], $0x2000  }
0xc6: {  	[sflag:s23] =	ssyncset.done $0x0  }
0xc7: {  	[sflag:s23] =	ssyncadd.s32 $0xFFFFE000  }
0xc8: {  	_ =	swait.ge [sflag:s23], $0x2000  }
0xc9: {  	[sflag:s23] =	ssyncset.done $0x0  }
0xca: {  	s17 =	simm.s32 $0x0;
	[sflag:s23] =	ssyncadd.s32 $0xFFFFE000  }
0xcb: {  	v0 =	vld [tilespmem:s17+$0x240]  }
0xcc: {  	v1 =	vld [tilespmem:s17+$0x4200];
	_ =	sdelay $0x2  }
0xcd: {  	v9 =	vld [tilespmem:s17+$0x200]  }
0xce: {  	s3 =	simm.s32 $0x80;
	v11 =	vld [tilespmem:s17+$0x210]  }
0xcf: {  	v3 =	vld [tilespmem:s3+$0x4200];
	v0 =	vadd.f32 v1, v0  }
0xd0: {  	v1 =	vld [tilespmem:s3+$0x240]  }
0xd1: {  	s1 =	simm.s32 $0x100;
	v10 =	vld [tilespmem:s17+$0x220];
	v2 =	vmul.f32 $2.000000030e-01, v0  }
0xd2: {  	v4 =	vld [tilespmem:s1+$0x240];
	vm0 =	vge.f32 v0, $0.0e+00  }
0xd3: {  	v7 =	vld [tilespmem:s1+$0x4200];
	v0 =	vsel vm0, v0, v2  }
0xd4: {  	v6 =	vld [tilespmem:s3+$0x200];
	v0 =	vmul.f32 $1.442695020e+00, v0  }
0xd5: {  	v5 =	vld [tilespmem:s3+$0x210];
	v8 =	vadd.f32 v3, v1  }
0xd6: {  	s16 =	simm.s32 $0x180;
	v12 =	vld [tilespmem:s17+$0x230];
	(erf) = vpow2.f32 v0  }
0xd7: {  	v13 =	vld [tilespmem:s16+$0x240];
	v14 =	vmul.f32 $2.000000030e-01, v8  }
0xd8: {  	v15 =	vadd.f32 v7, v4;
	v7 =	vld [tilespmem:s16+$0x210];
	vm14 =	vge.f32 v8, $0.0e+00  }
0xd9: {  	v2 =	vld [tilespmem:s3+$0x220];
	v4 =	vsel vm14, v8, v14  }
0xda: {  	v1 =	vld [tilespmem:s1+$0x210];
	v8 =	vmul.f32 $1.442695020e+00, v4  }
0xdb: {  	v0 =	vld [tilespmem:s1+$0x200]  }
0xdc: {  	v14 =	vld [tilespmem:s16+$0x4200];
	(erf) = vpow2.f32 v8  }
0xdd: {  	v16 =	vmul.f32 $2.000000030e-01, v15;
	v4 =	vld [tilespmem:s16+$0x200]  }
0xde: {  	vm15 =	vge.f32 v15, $0.0e+00;
	v3 =	vld [tilespmem:s1+$0x220]  }
0xdf: {  	s7 =	simm.s32 $0x800;
	v16 =	vsel vm15, v15, v16;
	v8 =	vld [tilespmem:s16+$0x220];
	v15 =	vpop (erf)  }
.LBB2_8:
0xe0: {  	v16 =	vmul.f32 $1.442695020e+00, v16;
	[tilespmem:s17+$0x8240] =	vst v15;
	v17 =	vmul.f32 v12, v15;
	v12 =	vld [tilespmem:s3+$0x230];
	s8 =	smov.u32 s16;
	s16 =	sshra.s32 s7, $0x2;
	p0 =	sne.s32 s7, $0x7E00  }
.Ltmp3:
0xe1: {  	s7 =	sadd.s32 $0x200, s7;
	v19 =	vmul.f32 v15, v9;
	v20 =	vmul.f32 v15, v11;
	v9 =	vmovc v6;
	v18 =	vadd.f32 v14, v13;
	v13 =	vld [tilespmem:s16+$0x240];
	(pc) =	sbr.rel @p0 .LBB2_8-.Ltmp3, $4  }
0xe2: {  	v21 =	vmul.f32 v10, v15;
	v6 =	vmovc v0;
	v11 =	vmovc v5;
	v14 =	vld [tilespmem:s16+$0x4200];
	(erf) = vpow2.f32 v16;
	[tilespmem:s17+$0x8230] =	vst v17;
	v0 =	vmov v4  }
0xe3: {  	v5 =	vmovc v1;
	v10 =	vmovc v2;
	v2 =	vmov v3;
	v4 =	vld [tilespmem:s16+$0x200];
	v17 =	vmul.f32 $2.000000030e-01, v18;
	[tilespmem:s17+$0x8200] =	vst v19;
	v1 =	vmov v7  }
0xe4: {  	vm0 =	vge.f32 v18, $0.0e+00;
	v7 =	vld [tilespmem:s16+$0x210];
	[tilespmem:s17+$0x8210] =	vst v20;
	v3 =	vmov v8  }
0xe5: {  	v8 =	vld [tilespmem:s16+$0x220];
	v16 =	vsel vm0, v18, v17;
	v15 =	vpop (erf);
	[tilespmem:s17+$0x8220] =	vst v21;
	s17 =	smov.u32 s3;
	s3 =	smov.u32 s1;
	s1 =	smov.u32 s8  }
0xe6: {  	_ = 	snop  }
0xe7: {  	v16 =	vmul.f32 $1.442695020e+00, v16;
	v13 =	vadd.f32 v14, v13  }
0xe8: {  	v17 =	vld [tilespmem:s3+$0x230];
	v12 =	vmul.f32 v12, v15;
	v9 =	vmul.f32 v15, v9  }
0xe9: {  	[tilespmem:s17+$0x8240] =	vst v15;
	(erf) = vpow2.f32 v16;
	v54 =	vmul.f32 $2.000000030e-01, v13  }
0xea: {  	v11 =	vmul.f32 v15, v11;
	[tilespmem:s17+$0x8230] =	vst v12;
	vm0 =	vge.f32 v13, $0.0e+00  }
0xeb: {  	v10 =	vmul.f32 v10, v15;
	[tilespmem:s17+$0x8200] =	vst v9;
	v55 =	vsel vm0, v13, v54  }
0xec: {  	[tilespmem:s17+$0x8210] =	vst v11;
	v56 =	vpop (erf);
	v9 =	vmul.f32 $1.442695020e+00, v55  }
0xed: {  	[tilespmem:s17+$0x8220] =	vst v10;
	v57 =	vmul.f32 v17, v56  }
0xee: {  	v10 =	vld [tilespmem:s1+$0x230];
	[tilespmem:s3+$0x8240] =	vst v56;
	v6 =	vmul.f32 v56, v6;
	(erf) = vpow2.f32 v9  }
0xef: {  	v5 =	vmul.f32 v56, v5;
	[tilespmem:s3+$0x8230] =	vst v57  }
0xf0: {  	v2 =	vmul.f32 v2, v56;
	[tilespmem:s3+$0x8200] =	vst v6  }
0xf1: {  	[tilespmem:s3+$0x8210] =	vst v5  }
0xf2: {  	[tilespmem:s3+$0x8220] =	vst v2;
	v58 =	vpop (erf)  }
0xf3: {  	v2 =	vld [tilespmem:s16+$0x230];
	v59 =	vmul.f32 v10, v58  }
0xf4: {  	[tilespmem:s1+$0x8240] =	vst v58;
	v0 =	vmul.f32 v58, v0  }
0xf5: {  	v1 =	vmul.f32 v58, v1;
	[tilespmem:s1+$0x8230] =	vst v59  }
0xf6: {  	v3 =	vmul.f32 v3, v58;
	[tilespmem:s1+$0x8200] =	vst v0  }
0xf7: {  	[tilespmem:s1+$0x8210] =	vst v1;
	v60 =	vpop (erf)  }
0xf8: {  	[tilespmem:s1+$0x8220] =	vst v3;
	v61 =	vmul.f32 v2, v60  }
0xf9: {  	[tilespmem:s16+$0x8240] =	vst v60;
	v62 =	vmul.f32 v60, v4  }
0xfa: {  	v63 =	vmul.f32 v60, v7;
	[tilespmem:s16+$0x8230] =	vst v61  }
0xfb: {  	v0 =	vmul.f32 v8, v60;
	[tilespmem:s16+$0x8200] =	vst v62  }
0xfc: {  	[tilespmem:s16+$0x8210] =	vst v63  }
0xfd: {  	[tilespmem:s16+$0x8220] =	vst v0  }
0xfe: {  	[spmem:s2] =	stream.indirect.scatter.add.f32 [tilespmem:s28], [sflag:$0x3], $0x80, s29, s30, $0xb8;
	[tilespmem:$0x1DE00] =	vst v63  }
0xff: {  	_ =	swait.ge [sflag:s26], $0x2000  }
0x100: {  	[sflag:s26] =	ssyncset.done $0x0  }
0x101: {  	[sflag:s26] =	ssyncadd.s32 $0xFFFFE000  }
0x102: {  	[bflag:$0x0] =	sbarrier.arrive $0xFFFF  }
0x103: {  	s25 =	rddreg [dreg:$0x6]  }
0x104: {  	s8 =	rddreg [dreg:$0x9]  }
0x105: {  	s7 =	rddreg [dreg:$0xe]  }
0x106: {  	[hbm:s8], [sflag:s25] =	dma.local [spmem:s7], $0x2780  }
0x107: {  	_ =	swait.ge [sflag:s26], $0x2780  }
0x108: {  	[sflag:s26] =	ssyncset.done $0x0  }
0x109: {  	[sflag:s26] =	ssyncadd.s32 $0xFFFFD880  }
0x10a: {  	[bflag:$0x0] =	sbarrier.arrive $0xFFFF  }
0x10b: {  	s9 =	rddreg [dreg:$0x0]  }
0x10c: {  	[spmem:s7], [sflag:s25] =	dma.local [hbm:s9], $0x2780  }
0x10d: {  	_ =	swait.ge [sflag:s26], $0x2780  }
0x10e: {  	[sflag:s26] =	ssyncset.done $0x0  }
0x10f: {  	s17 =	simm.s32 $0x0;
	[sflag:s26] =	ssyncadd.s32 $0xFFFFD880  }
0x110: {  	[tilespmem:s28], [sflag:$0x3] =	stream.linear.gather [hbm4b:s9+s17], $0x2000, $0x38;
	[tilespmem:$0x1DE00] =	vst v63  }
0x111: {  	_ =	swait.ge [sflag:s26], $0x2000  }
0x112: {  	[sflag:s26] =	ssyncset.done $0x0  }
0x113: {  	[sflag:s26] =	ssyncadd.s32 $0xFFFFE000  }
0x114: {  	[bflag:$0x0] =	sbarrier.arrive $0xFFFF  }
0x115: {  	s16 =	rddreg [dreg:$0x7]  }
0x116: {  	[tilespmem:s17], [sflag:$0x3] =	stream.linear.gather [hbm4b:s16+s17], $0x40, $0x38;
	[tilespmem:$0x1DE00] =	vst v63  }
0x117: {  	_ =	swait.ge [sflag:s26], $0x40  }
0x118: {  	[sflag:s26] =	ssyncset.done $0x0  }
0x119: {  	s18 =	rddreg [dreg:$0x8];
	[sflag:s26] =	ssyncadd.s32 $0xFFFFFFC0  }
0x11a: {  	[tilespmem:s29], [sflag:$0x3] =	stream.linear.gather [hbm4b:s18+s17], $0x40, $0x38;
	[tilespmem:$0x1DE00] =	vst v63  }
0x11b: {  	_ =	swait.ge [sflag:s26], $0x40  }
0x11c: {  	[sflag:s26] =	ssyncset.done $0x0  }
0x11d: {  	s25 =	rddreg [dreg:$0x4];
	[sflag:s26] =	ssyncadd.s32 $0xFFFFFFC0  }
0x11e: {  	[tilespmem:s31], [sflag:$0x1] =	stream.indirect.gather [hbm4b:s25+s30], $0x80, s17, s30, $0xb8;
	[tilespmem:$0x1DE00] =	vst v63  }
0x11f: {  	s18 =	simm.s32 $0x0  }
0x120: {  	[tilespmem:s0], [sflag:$0x1] =	stream.indirect.gather [hbm4b:s12+s30], $0x80, s29, s30, $0xb8;
	[tilespmem:$0x1DE00] =	vst v63  }
.LBB2_10:
0x121: {  	s1 =	sshll.u32 s18, $0x6  }
0x122: {  	s3 =	sor.u32 s1, s15  }
0x123: {  	s3 =	sshll.u32 s3, $0x3  }
0x124: {  	s3 =	sor.u32 $0x100, s3  }
0x125: {  	s7 =	sadd.s32 s5, s3  }
0x126: {  	[tilespmem:s4], [sflag:$0x3] =	stream.linear.gather [hbm4b:s7+s17], $0x40, $0x38;
	[tilespmem:$0x1DE00] =	vst v63  }
0x127: {  	_ =	swait.ge [sflag:s26], $0x40  }
0x128: {  	[sflag:s26] =	ssyncset.done $0x0  }
0x129: {  	s3 =	sadd.s32 s6, s3;
	[sflag:s26] =	ssyncadd.s32 $0xFFFFFFC0  }
0x12a: {  	[tilespmem:s19], [sflag:$0x3] =	stream.linear.gather [hbm4b:s3+s17], $0x40, $0x38;
	[tilespmem:$0x1DE00] =	vst v63  }
0x12b: {  	_ =	swait.ge [sflag:s26], $0x40  }
0x12c: {  	[sflag:s26] =	ssyncset.done $0x0  }
0x12d: {  	s25 =	rddreg [dreg:$0x4];
	[sflag:s26] =	ssyncadd.s32 $0xFFFFFFC0  }
0x12e: {  	[tilespmem:s20], [sflag:$0x2] =	stream.indirect.gather [hbm4b:s25+s30], $0x80, s4, s30, $0xb8;
	[tilespmem:$0x1DE00] =	vst v63  }
0x12f: {  	_ = 	snop  }
0x130: {  	[tilespmem:s22], [sflag:$0x2] =	stream.indirect.gather [hbm4b:s12+s30], $0x80, s19, s30, $0xb8;
	[tilespmem:$0x1DE00] =	vst v63  }
0x131: {  	_ =	swait.ge [sflag:s23], $0x2000  }
0x132: {  	[sflag:s23] =	ssyncset.done $0x0  }
0x133: {  	[sflag:s23] =	ssyncadd.s32 $0xFFFFE000  }
0x134: {  	_ =	swait.ge [sflag:s23], $0x2000  }
0x135: {  	[sflag:s23] =	ssyncset.done $0x0  }
0x136: {  	s7 =	simm.s32 $0x0;
	[sflag:s23] =	ssyncadd.s32 $0xFFFFE000  }
0x137: {  	v0 =	vld [tilespmem:s7+$0x240]  }
0x138: {  	v1 =	vld [tilespmem:s7+$0x4200];
	_ =	sdelay $0x2  }
0x139: {  	v9 =	vld [tilespmem:s7+$0x200]  }
0x13a: {  	s16 =	simm.s32 $0x80;
	v11 =	vld [tilespmem:s7+$0x210]  }
0x13b: {  	v3 =	vld [tilespmem:s16+$0x4200];
	v0 =	vadd.f32 v1, v0  }
0x13c: {  	v1 =	vld [tilespmem:s16+$0x240]  }
0x13d: {  	s3 =	simm.s32 $0x100;
	v10 =	vld [tilespmem:s7+$0x220];
	v2 =	vmul.f32 $2.000000030e-01, v0  }
0x13e: {  	v4 =	vld [tilespmem:s3+$0x240];
	vm0 =	vge.f32 v0, $0.0e+00  }
0x13f: {  	v7 =	vld [tilespmem:s3+$0x4200];
	v0 =	vsel vm0, v0, v2  }
0x140: {  	v6 =	vld [tilespmem:s16+$0x200];
	v0 =	vmul.f32 $1.442695020e+00, v0  }
0x141: {  	v5 =	vld [tilespmem:s16+$0x210];
	v8 =	vadd.f32 v3, v1  }
0x142: {  	s25 =	simm.s32 $0x180;
	v12 =	vld [tilespmem:s7+$0x230];
	(erf) = vpow2.f32 v0  }
0x143: {  	v13 =	vld [tilespmem:s25+$0x240];
	v14 =	vmul.f32 $2.000000030e-01, v8  }
0x144: {  	v15 =	vadd.f32 v7, v4;
	v7 =	vld [tilespmem:s25+$0x210];
	vm14 =	vge.f32 v8, $0.0e+00  }
0x145: {  	v2 =	vld [tilespmem:s16+$0x220];
	v4 =	vsel vm14, v8, v14  }
0x146: {  	v1 =	vld [tilespmem:s3+$0x210];
	v8 =	vmul.f32 $1.442695020e+00, v4  }
0x147: {  	v0 =	vld [tilespmem:s3+$0x200]  }
0x148: {  	v14 =	vld [tilespmem:s25+$0x4200];
	(erf) = vpow2.f32 v8  }
0x149: {  	v16 =	vmul.f32 $2.000000030e-01, v15;
	v4 =	vld [tilespmem:s25+$0x200]  }
0x14a: {  	vm15 =	vge.f32 v15, $0.0e+00;
	v3 =	vld [tilespmem:s3+$0x220]  }
0x14b: {  	s8 =	simm.s32 $0x800;
	v16 =	vsel vm15, v15, v16;
	v8 =	vld [tilespmem:s25+$0x220];
	v15 =	vpop (erf)  }
.LBB2_11:
0x14c: {  	v16 =	vmul.f32 $1.442695020e+00, v16;
	[tilespmem:s7+$0x8240] =	vst v15;
	v17 =	vmul.f32 v12, v15;
	v12 =	vld [tilespmem:s16+$0x230];
	s9 =	smov.u32 s25;
	s25 =	sshra.s32 s8, $0x2;
	p0 =	sne.s32 s8, $0x7E00  }
.Ltmp4:
0x14d: {  	s8 =	sadd.s32 $0x200, s8;
	v19 =	vmul.f32 v15, v9;
	v20 =	vmul.f32 v15, v11;
	v9 =	vmovc v6;
	v18 =	vadd.f32 v14, v13;
	v13 =	vld [tilespmem:s25+$0x240];
	(pc) =	sbr.rel @p0 .LBB2_11-.Ltmp4, $4  }
0x14e: {  	v21 =	vmul.f32 v10, v15;
	v6 =	vmovc v0;
	v11 =	vmovc v5;
	v14 =	vld [tilespmem:s25+$0x4200];
	(erf) = vpow2.f32 v16;
	[tilespmem:s7+$0x8230] =	vst v17;
	v0 =	vmov v4  }
0x14f: {  	v5 =	vmovc v1;
	v10 =	vmovc v2;
	v2 =	vmov v3;
	v4 =	vld [tilespmem:s25+$0x200];
	v17 =	vmul.f32 $2.000000030e-01, v18;
	[tilespmem:s7+$0x8200] =	vst v19;
	v1 =	vmov v7  }
0x150: {  	vm0 =	vge.f32 v18, $0.0e+00;
	v7 =	vld [tilespmem:s25+$0x210];
	[tilespmem:s7+$0x8210] =	vst v20;
	v3 =	vmov v8  }
0x151: {  	v8 =	vld [tilespmem:s25+$0x220];
	v16 =	vsel vm0, v18, v17;
	v15 =	vpop (erf);
	[tilespmem:s7+$0x8220] =	vst v21;
	s7 =	smov.u32 s16;
	s16 =	smov.u32 s3;
	s3 =	smov.u32 s9  }
0x152: {  	_ = 	snop  }
0x153: {  	v16 =	vmul.f32 $1.442695020e+00, v16;
	v12 =	vmul.f32 v12, v15;
	v13 =	vadd.f32 v14, v13  }
0x154: {  	v17 =	vld [tilespmem:s16+$0x230];
	v9 =	vmul.f32 v15, v9;
	v11 =	vmul.f32 v15, v11  }
0x155: {  	(erf) = vpow2.f32 v16;
	[tilespmem:s7+$0x8230] =	vst v12;
	v12 =	vmul.f32 $2.000000030e-01, v13  }
0x156: {  	[tilespmem:s7+$0x8240] =	vst v15;
	vm0 =	vge.f32 v13, $0.0e+00  }
0x157: {  	v10 =	vmul.f32 v10, v15;
	[tilespmem:s7+$0x8200] =	vst v9;
	v9 =	vsel vm0, v13, v12  }
0x158: {  	[tilespmem:s7+$0x8210] =	vst v11;
	v11 =	vpop (erf);
	v9 =	vmul.f32 $1.442695020e+00, v9  }
0x159: {  	[tilespmem:s7+$0x8220] =	vst v10;
	v12 =	vmul.f32 v17, v11;
	v6 =	vmul.f32 v11, v6  }
0x15a: {  	v10 =	vld [tilespmem:s3+$0x230];
	[tilespmem:s16+$0x8240] =	vst v11;
	v5 =	vmul.f32 v11, v5;
	(erf) = vpow2.f32 v9  }
0x15b: {  	[tilespmem:s16+$0x8230] =	vst v12  }
0x15c: {  	v2 =	vmul.f32 v2, v11;
	[tilespmem:s16+$0x8200] =	vst v6  }
0x15d: {  	[tilespmem:s16+$0x8210] =	vst v5  }
0x15e: {  	[tilespmem:s16+$0x8220] =	vst v2;
	v5 =	vpop (erf)  }
0x15f: {  	v2 =	vld [tilespmem:s25+$0x230];
	v6 =	vmul.f32 v10, v5;
	v0 =	vmul.f32 v5, v0  }
0x160: {  	[tilespmem:s3+$0x8240] =	vst v5  }
0x161: {  	v1 =	vmul.f32 v5, v1;
	[tilespmem:s3+$0x8230] =	vst v6  }
0x162: {  	v3 =	vmul.f32 v3, v5;
	[tilespmem:s3+$0x8200] =	vst v0  }
0x163: {  	[tilespmem:s3+$0x8210] =	vst v1;
	v0 =	vpop (erf)  }
0x164: {  	[tilespmem:s3+$0x8220] =	vst v3;
	v1 =	vmul.f32 v2, v0  }
0x165: {  	[tilespmem:s25+$0x8240] =	vst v0;
	v2 =	vmul.f32 v0, v4  }
0x166: {  	v3 =	vmul.f32 v0, v7;
	[tilespmem:s25+$0x8230] =	vst v1  }
0x167: {  	v0 =	vmul.f32 v8, v0;
	[tilespmem:s25+$0x8200] =	vst v2  }
0x168: {  	[tilespmem:s25+$0x8210] =	vst v3  }
0x169: {  	[tilespmem:s25+$0x8220] =	vst v0  }
0x16a: {  	[spmem:s2] =	stream.indirect.scatter.add.f32 [tilespmem:s28], [sflag:$0x3], $0x80, s29, s30, $0xb8;
	[tilespmem:$0x1DE00] =	vst v63  }
0x16b: {  	s1 =	sadd.s32 s21, s1;
	_ =	swait.ge [sflag:s26], $0x2000  }
0x16c: {  	s1 =	sshll.u32 s1, $0x3;
	[sflag:s26] =	ssyncset.done $0x0  }
0x16d: {  	s9 =	sadd.s32 s5, s1;
	s16 =	simm.s32 $0x0;
	[sflag:s26] =	ssyncadd.s32 $0xFFFFE000  }
0x16e: {  	[tilespmem:s16], [sflag:$0x3] =	stream.linear.gather [hbm4b:s9+s16], $0x40, $0x38;
	[tilespmem:$0x1DE00] =	vst v63  }
0x16f: {  	_ =	swait.ge [sflag:s26], $0x40  }
0x170: {  	[sflag:s26] =	ssyncset.done $0x0  }
0x171: {  	s1 =	sadd.s32 s6, s1;
	[sflag:s26] =	ssyncadd.s32 $0xFFFFFFC0  }
0x172: {  	[tilespmem:s29], [sflag:$0x3] =	stream.linear.gather [hbm4b:s1+s16], $0x40, $0x38;
	[tilespmem:$0x1DE00] =	vst v63  }
0x173: {  	_ =	swait.ge [sflag:s26], $0x40  }
0x174: {  	[sflag:s26] =	ssyncset.done $0x0  }
0x175: {  	s25 =	rddreg [dreg:$0x4];
	[sflag:s26] =	ssyncadd.s32 $0xFFFFFFC0  }
0x176: {  	[tilespmem:s31], [sflag:$0x1] =	stream.indirect.gather [hbm4b:s25+s30], $0x80, s16, s30, $0xb8;
	[tilespmem:$0x1DE00] =	vst v63  }
0x177: {  	_ = 	snop  }
0x178: {  	[tilespmem:s0], [sflag:$0x1] =	stream.indirect.gather [hbm4b:s12+s30], $0x80, s29, s30, $0xb8;
	[tilespmem:$0x1DE00] =	vst v63  }
0x179: {  	_ =	swait.ge [sflag:s24], $0x2000  }
0x17a: {  	[sflag:s24] =	ssyncset.done $0x0  }
0x17b: {  	[sflag:s24] =	ssyncadd.s32 $0xFFFFE000  }
0x17c: {  	_ =	swait.ge [sflag:s24], $0x2000  }
0x17d: {  	[sflag:s24] =	ssyncset.done $0x0  }
0x17e: {  	s7 =	simm.s32 $0x0;
	[sflag:s24] =	ssyncadd.s32 $0xFFFFE000  }
0x17f: {  	v0 =	vld [tilespmem:s7+$0x2240]  }
0x180: {  	v1 =	vld [tilespmem:s7+$0x6200];
	_ =	sdelay $0x2  }
0x181: {  	v9 =	vld [tilespmem:s7+$0x2200]  }
0x182: {  	s3 =	simm.s32 $0x80;
	v11 =	vld [tilespmem:s7+$0x2210]  }
0x183: {  	v3 =	vld [tilespmem:s3+$0x6200];
	v0 =	vadd.f32 v1, v0  }
0x184: {  	v1 =	vld [tilespmem:s3+$0x2240]  }
0x185: {  	s1 =	simm.s32 $0x100;
	v10 =	vld [tilespmem:s7+$0x2220];
	v2 =	vmul.f32 $2.000000030e-01, v0  }
0x186: {  	v4 =	vld [tilespmem:s1+$0x2240];
	vm13 =	vge.f32 v0, $0.0e+00  }
0x187: {  	v7 =	vld [tilespmem:s1+$0x6200];
	v0 =	vsel vm13, v0, v2  }
0x188: {  	v6 =	vld [tilespmem:s3+$0x2200];
	v0 =	vmul.f32 $1.442695020e+00, v0  }
0x189: {  	v5 =	vld [tilespmem:s3+$0x2210];
	v8 =	vadd.f32 v3, v1  }
0x18a: {  	s16 =	simm.s32 $0x180;
	v12 =	vld [tilespmem:s7+$0x2230];
	(erf) = vpow2.f32 v0  }
0x18b: {  	v13 =	vld [tilespmem:s16+$0x2240];
	v14 =	vmul.f32 $2.000000030e-01, v8  }
0x18c: {  	v15 =	vadd.f32 v7, v4;
	v7 =	vld [tilespmem:s16+$0x2210];
	vm14 =	vge.f32 v8, $0.0e+00  }
0x18d: {  	v2 =	vld [tilespmem:s3+$0x2220];
	v4 =	vsel vm14, v8, v14  }
0x18e: {  	v1 =	vld [tilespmem:s1+$0x2210];
	v8 =	vmul.f32 $1.442695020e+00, v4  }
0x18f: {  	v0 =	vld [tilespmem:s1+$0x2200]  }
0x190: {  	v14 =	vld [tilespmem:s16+$0x6200];
	(erf) = vpow2.f32 v8  }
0x191: {  	v16 =	vmul.f32 $2.000000030e-01, v15;
	v4 =	vld [tilespmem:s16+$0x2200]  }
0x192: {  	vm15 =	vge.f32 v15, $0.0e+00;
	v3 =	vld [tilespmem:s1+$0x2220]  }
0x193: {  	s8 =	simm.s32 $0x800;
	v16 =	vsel vm15, v15, v16;
	v8 =	vld [tilespmem:s16+$0x2220];
	v15 =	vpop (erf)  }
.LBB2_13:
0x194: {  	v16 =	vmul.f32 $1.442695020e+00, v16;
	[tilespmem:s7+$0x8240] =	vst v15;
	v17 =	vmul.f32 v12, v15;
	v12 =	vld [tilespmem:s3+$0x2230];
	s9 =	smov.u32 s16;
	s16 =	sshra.s32 s8, $0x2;
	p0 =	sne.s32 s8, $0x7E00  }
.Ltmp5:
0x195: {  	s8 =	sadd.s32 $0x200, s8;
	v19 =	vmul.f32 v15, v9;
	v20 =	vmul.f32 v15, v11;
	v9 =	vmovc v6;
	v18 =	vadd.f32 v14, v13;
	v13 =	vld [tilespmem:s16+$0x2240];
	(pc) =	sbr.rel @p0 .LBB2_13-.Ltmp5, $4  }
0x196: {  	v21 =	vmul.f32 v10, v15;
	v6 =	vmovc v0;
	v11 =	vmovc v5;
	v14 =	vld [tilespmem:s16+$0x6200];
	(erf) = vpow2.f32 v16;
	[tilespmem:s7+$0x8230] =	vst v17;
	v0 =	vmov v4  }
0x197: {  	v5 =	vmovc v1;
	v10 =	vmovc v2;
	v2 =	vmov v3;
	v4 =	vld [tilespmem:s16+$0x2200];
	v17 =	vmul.f32 $2.000000030e-01, v18;
	[tilespmem:s7+$0x8200] =	vst v19;
	v1 =	vmov v7  }
0x198: {  	vm0 =	vge.f32 v18, $0.0e+00;
	v7 =	vld [tilespmem:s16+$0x2210];
	[tilespmem:s7+$0x8210] =	vst v20;
	v3 =	vmov v8  }
0x199: {  	v8 =	vld [tilespmem:s16+$0x2220];
	v16 =	vsel vm0, v18, v17;
	v15 =	vpop (erf);
	[tilespmem:s7+$0x8220] =	vst v21;
	s7 =	smov.u32 s3;
	s3 =	smov.u32 s1;
	s1 =	smov.u32 s9  }
0x19a: {  	_ = 	snop  }
0x19b: {  	v16 =	vmul.f32 $1.442695020e+00, v16;
	v13 =	vadd.f32 v14, v13  }
0x19c: {  	v17 =	vld [tilespmem:s3+$0x2230];
	v12 =	vmul.f32 v12, v15;
	v9 =	vmul.f32 v15, v9  }
0x19d: {  	[tilespmem:s7+$0x8240] =	vst v15;
	(erf) = vpow2.f32 v16;
	v54 =	vmul.f32 $2.000000030e-01, v13  }
0x19e: {  	v11 =	vmul.f32 v15, v11;
	[tilespmem:s7+$0x8230] =	vst v12;
	vm0 =	vge.f32 v13, $0.0e+00  }
0x19f: {  	v10 =	vmul.f32 v10, v15;
	[tilespmem:s7+$0x8200] =	vst v9;
	v55 =	vsel vm0, v13, v54  }
0x1a0: {  	[tilespmem:s7+$0x8210] =	vst v11;
	v56 =	vpop (erf);
	v9 =	vmul.f32 $1.442695020e+00, v55  }
0x1a1: {  	[tilespmem:s7+$0x8220] =	vst v10;
	v57 =	vmul.f32 v17, v56  }
0x1a2: {  	v10 =	vld [tilespmem:s1+$0x2230];
	[tilespmem:s3+$0x8240] =	vst v56;
	v6 =	vmul.f32 v56, v6;
	(erf) = vpow2.f32 v9  }
0x1a3: {  	v5 =	vmul.f32 v56, v5;
	[tilespmem:s3+$0x8230] =	vst v57  }
0x1a4: {  	v2 =	vmul.f32 v2, v56;
	[tilespmem:s3+$0x8200] =	vst v6  }
0x1a5: {  	[tilespmem:s3+$0x8210] =	vst v5  }
0x1a6: {  	[tilespmem:s3+$0x8220] =	vst v2;
	v58 =	vpop (erf)  }
0x1a7: {  	v2 =	vld [tilespmem:s16+$0x2230];
	v59 =	vmul.f32 v10, v58  }
0x1a8: {  	[tilespmem:s1+$0x8240] =	vst v58;
	v0 =	vmul.f32 v58, v0  }
0x1a9: {  	v1 =	vmul.f32 v58, v1;
	[tilespmem:s1+$0x8230] =	vst v59  }
0x1aa: {  	v3 =	vmul.f32 v3, v58;
	[tilespmem:s1+$0x8200] =	vst v0  }
0x1ab: {  	[tilespmem:s1+$0x8210] =	vst v1;
	v60 =	vpop (erf)  }
0x1ac: {  	[tilespmem:s1+$0x8220] =	vst v3;
	v61 =	vmul.f32 v2, v60  }
0x1ad: {  	[tilespmem:s16+$0x8240] =	vst v60;
	v62 =	vmul.f32 v60, v4  }
0x1ae: {  	v63 =	vmul.f32 v60, v7;
	[tilespmem:s16+$0x8230] =	vst v61  }
0x1af: {  	s18 =	sadd.s32 $0x1, s18;
	v0 =	vmul.f32 v8, v60;
	[tilespmem:s16+$0x8200] =	vst v62  }
0x1b0: {  	p0 =	sne.s32 s18, $0x4F;
	[tilespmem:s16+$0x8210] =	vst v63  }
.Ltmp6:
0x1b1: {  	[tilespmem:s16+$0x8220] =	vst v0;
	(pc) =	sbr.rel @p0 .LBB2_10-.Ltmp6, $4  }
0x1b2: {  	[spmem:s2] =	stream.indirect.scatter.add.f32 [tilespmem:s28], [sflag:$0x3], $0x80, s19, s30, $0xb8;
	[tilespmem:$0x1DE00] =	vst v63  }
0x1b3: {  	_ =	swait.ge [sflag:s26], $0x2000  }
0x1b4: {  	[sflag:s26] =	ssyncset.done $0x0  }
0x1b5: {  	[sflag:s26] =	ssyncadd.s32 $0xFFFFE000  }
0x1b6: {  	_ =	swait.ge [sflag:s23], $0x2000  }
0x1b7: {  	[sflag:s23] =	ssyncset.done $0x0  }
0x1b8: {  	[sflag:s23] =	ssyncadd.s32 $0xFFFFE000  }
0x1b9: {  	_ =	swait.ge [sflag:s23], $0x2000  }
0x1ba: {  	[sflag:s23] =	ssyncset.done $0x0  }
0x1bb: {  	s7 =	simm.s32 $0x0;
	[sflag:s23] =	ssyncadd.s32 $0xFFFFE000  }
0x1bc: {  	v0 =	vld [tilespmem:s7+$0x240]  }
0x1bd: {  	v1 =	vld [tilespmem:s7+$0x4200];
	_ =	sdelay $0x2  }
0x1be: {  	v9 =	vld [tilespmem:s7+$0x200]  }
0x1bf: {  	s3 =	simm.s32 $0x80;
	v11 =	vld [tilespmem:s7+$0x210]  }
0x1c0: {  	v3 =	vld [tilespmem:s3+$0x4200];
	v0 =	vadd.f32 v1, v0  }
0x1c1: {  	v1 =	vld [tilespmem:s3+$0x240]  }
0x1c2: {  	s1 =	simm.s32 $0x100;
	v10 =	vld [tilespmem:s7+$0x220];
	v2 =	vmul.f32 $2.000000030e-01, v0  }
0x1c3: {  	v4 =	vld [tilespmem:s1+$0x240];
	vm0 =	vge.f32 v0, $0.0e+00  }
0x1c4: {  	v7 =	vld [tilespmem:s1+$0x4200];
	v0 =	vsel vm0, v0, v2  }
0x1c5: {  	v6 =	vld [tilespmem:s3+$0x200];
	v0 =	vmul.f32 $1.442695020e+00, v0  }
0x1c6: {  	v5 =	vld [tilespmem:s3+$0x210];
	v8 =	vadd.f32 v3, v1  }
0x1c7: {  	s16 =	simm.s32 $0x180;
	v12 =	vld [tilespmem:s7+$0x230];
	(erf) = vpow2.f32 v0  }
0x1c8: {  	v13 =	vld [tilespmem:s16+$0x240];
	v14 =	vmul.f32 $2.000000030e-01, v8  }
0x1c9: {  	v15 =	vadd.f32 v7, v4;
	v7 =	vld [tilespmem:s16+$0x210];
	vm14 =	vge.f32 v8, $0.0e+00  }
0x1ca: {  	v2 =	vld [tilespmem:s3+$0x220];
	v4 =	vsel vm14, v8, v14  }
0x1cb: {  	v1 =	vld [tilespmem:s1+$0x210];
	v8 =	vmul.f32 $1.442695020e+00, v4  }
0x1cc: {  	v0 =	vld [tilespmem:s1+$0x200]  }
0x1cd: {  	v14 =	vld [tilespmem:s16+$0x4200];
	(erf) = vpow2.f32 v8  }
0x1ce: {  	v16 =	vmul.f32 $2.000000030e-01, v15;
	v4 =	vld [tilespmem:s16+$0x200]  }
0x1cf: {  	vm15 =	vge.f32 v15, $0.0e+00;
	v3 =	vld [tilespmem:s1+$0x220]  }
0x1d0: {  	s8 =	simm.s32 $0x800;
	v16 =	vsel vm15, v15, v16;
	v8 =	vld [tilespmem:s16+$0x220];
	v15 =	vpop (erf)  }
.LBB2_16:
0x1d1: {  	v16 =	vmul.f32 $1.442695020e+00, v16;
	[tilespmem:s7+$0x8240] =	vst v15;
	v17 =	vmul.f32 v12, v15;
	v12 =	vld [tilespmem:s3+$0x230];
	s9 =	smov.u32 s16;
	s16 =	sshra.s32 s8, $0x2;
	p0 =	sne.s32 s8, $0x7E00  }
.Ltmp7:
0x1d2: {  	s8 =	sadd.s32 $0x200, s8;
	v19 =	vmul.f32 v15, v9;
	v20 =	vmul.f32 v15, v11;
	v9 =	vmovc v6;
	v18 =	vadd.f32 v14, v13;
	v13 =	vld [tilespmem:s16+$0x240];
	(pc) =	sbr.rel @p0 .LBB2_16-.Ltmp7, $4  }
0x1d3: {  	v21 =	vmul.f32 v10, v15;
	v6 =	vmovc v0;
	v11 =	vmovc v5;
	v14 =	vld [tilespmem:s16+$0x4200];
	(erf) = vpow2.f32 v16;
	[tilespmem:s7+$0x8230] =	vst v17;
	v0 =	vmov v4  }
0x1d4: {  	v5 =	vmovc v1;
	v10 =	vmovc v2;
	v2 =	vmov v3;
	v4 =	vld [tilespmem:s16+$0x200];
	v17 =	vmul.f32 $2.000000030e-01, v18;
	[tilespmem:s7+$0x8200] =	vst v19;
	v1 =	vmov v7  }
0x1d5: {  	vm0 =	vge.f32 v18, $0.0e+00;
	v7 =	vld [tilespmem:s16+$0x210];
	[tilespmem:s7+$0x8210] =	vst v20;
	v3 =	vmov v8  }
0x1d6: {  	v8 =	vld [tilespmem:s16+$0x220];
	v16 =	vsel vm0, v18, v17;
	v15 =	vpop (erf);
	[tilespmem:s7+$0x8220] =	vst v21;
	s7 =	smov.u32 s3;
	s3 =	smov.u32 s1;
	s1 =	smov.u32 s9  }
0x1d7: {  	_ = 	snop  }
0x1d8: {  	v16 =	vmul.f32 $1.442695020e+00, v16;
	v13 =	vadd.f32 v14, v13  }
0x1d9: {  	v17 =	vld [tilespmem:s3+$0x230];
	v12 =	vmul.f32 v12, v15;
	v9 =	vmul.f32 v15, v9  }
0x1da: {  	[tilespmem:s7+$0x8240] =	vst v15;
	(erf) = vpow2.f32 v16;
	v54 =	vmul.f32 $2.000000030e-01, v13  }
0x1db: {  	v11 =	vmul.f32 v15, v11;
	[tilespmem:s7+$0x8230] =	vst v12;
	vm0 =	vge.f32 v13, $0.0e+00  }
0x1dc: {  	v10 =	vmul.f32 v10, v15;
	[tilespmem:s7+$0x8200] =	vst v9;
	v55 =	vsel vm0, v13, v54  }
0x1dd: {  	[tilespmem:s7+$0x8210] =	vst v11;
	v56 =	vpop (erf);
	v9 =	vmul.f32 $1.442695020e+00, v55  }
0x1de: {  	[tilespmem:s7+$0x8220] =	vst v10;
	v57 =	vmul.f32 v17, v56  }
0x1df: {  	v10 =	vld [tilespmem:s1+$0x230];
	[tilespmem:s3+$0x8240] =	vst v56;
	v6 =	vmul.f32 v56, v6;
	(erf) = vpow2.f32 v9  }
0x1e0: {  	v5 =	vmul.f32 v56, v5;
	[tilespmem:s3+$0x8230] =	vst v57  }
0x1e1: {  	v2 =	vmul.f32 v2, v56;
	[tilespmem:s3+$0x8200] =	vst v6  }
0x1e2: {  	[tilespmem:s3+$0x8210] =	vst v5  }
0x1e3: {  	[tilespmem:s3+$0x8220] =	vst v2;
	v58 =	vpop (erf)  }
0x1e4: {  	v2 =	vld [tilespmem:s16+$0x230];
	v59 =	vmul.f32 v10, v58  }
0x1e5: {  	[tilespmem:s1+$0x8240] =	vst v58;
	v0 =	vmul.f32 v58, v0  }
0x1e6: {  	v1 =	vmul.f32 v58, v1;
	[tilespmem:s1+$0x8230] =	vst v59  }
0x1e7: {  	v3 =	vmul.f32 v3, v58;
	[tilespmem:s1+$0x8200] =	vst v0  }
0x1e8: {  	[tilespmem:s1+$0x8210] =	vst v1;
	v60 =	vpop (erf)  }
0x1e9: {  	[tilespmem:s1+$0x8220] =	vst v3;
	v61 =	vmul.f32 v2, v60  }
0x1ea: {  	[tilespmem:s16+$0x8240] =	vst v60;
	v62 =	vmul.f32 v60, v4  }
0x1eb: {  	v63 =	vmul.f32 v60, v7;
	[tilespmem:s16+$0x8230] =	vst v61  }
0x1ec: {  	v0 =	vmul.f32 v8, v60;
	[tilespmem:s16+$0x8200] =	vst v62  }
0x1ed: {  	[tilespmem:s16+$0x8210] =	vst v63  }
0x1ee: {  	[tilespmem:s16+$0x8220] =	vst v0  }
0x1ef: {  	[spmem:s2] =	stream.indirect.scatter.add.f32 [tilespmem:s28], [sflag:$0x3], $0x80, s29, s30, $0xb8;
	[tilespmem:$0x1DE00] =	vst v63  }
0x1f0: {  	_ =	swait.ge [sflag:s26], $0x2000  }
0x1f1: {  	[sflag:s26] =	ssyncset.done $0x0  }
0x1f2: {  	[sflag:s26] =	ssyncadd.s32 $0xFFFFE000  }
0x1f3: {  	[bflag:$0x0] =	sbarrier.arrive $0xFFFF  }
0x1f4: {  	s25 =	rddreg [dreg:$0x6]  }
0x1f5: {  	s7 =	rddreg [dreg:$0xa]  }
0x1f6: {  	s8 =	rddreg [dreg:$0xe]  }
0x1f7: {  	[hbm:s7], [sflag:s25] =	dma.local [spmem:s8], $0x2780  }
0x1f8: {  	_ =	swait.ge [sflag:s26], $0x2780  }
0x1f9: {  	[sflag:s26] =	ssyncset.done $0x0  }
0x1fa: {  	[sflag:s26] =	ssyncadd.s32 $0xFFFFD880  }
0x1fb: {  	[bflag:$0x0] =	sbarrier.arrive $0xFFFF  }
0x1fc: {  	s9 =	rddreg [dreg:$0x0]  }
0x1fd: {  	[spmem:s8], [sflag:s25] =	dma.local [hbm:s9], $0x2780  }
0x1fe: {  	_ =	swait.ge [sflag:s26], $0x2780  }
0x1ff: {  	[sflag:s26] =	ssyncset.done $0x0  }
0x200: {  	s17 =	simm.s32 $0x0;
	[sflag:s26] =	ssyncadd.s32 $0xFFFFD880  }
0x201: {  	[tilespmem:s28], [sflag:$0x3] =	stream.linear.gather [hbm4b:s9+s17], $0x2000, $0x38;
	[tilespmem:$0x1DE00] =	vst v63  }
0x202: {  	_ =	swait.ge [sflag:s26], $0x2000  }
0x203: {  	[sflag:s26] =	ssyncset.done $0x0  }
0x204: {  	[sflag:s26] =	ssyncadd.s32 $0xFFFFE000  }
0x205: {  	[bflag:$0x0] =	sbarrier.arrive $0xFFFF  }
0x206: {  	s16 =	rddreg [dreg:$0x7]  }
0x207: {  	[tilespmem:s17], [sflag:$0x3] =	stream.linear.gather [hbm4b:s16+s17], $0x40, $0x38;
	[tilespmem:$0x1DE00] =	vst v63  }
0x208: {  	_ =	swait.ge [sflag:s26], $0x40  }
0x209: {  	[sflag:s26] =	ssyncset.done $0x0  }
0x20a: {  	s18 =	rddreg [dreg:$0x8];
	[sflag:s26] =	ssyncadd.s32 $0xFFFFFFC0  }
0x20b: {  	[tilespmem:s29], [sflag:$0x3] =	stream.linear.gather [hbm4b:s18+s17], $0x40, $0x38;
	[tilespmem:$0x1DE00] =	vst v63  }
0x20c: {  	_ =	swait.ge [sflag:s26], $0x40  }
0x20d: {  	[sflag:s26] =	ssyncset.done $0x0  }
0x20e: {  	s25 =	rddreg [dreg:$0x5];
	[sflag:s26] =	ssyncadd.s32 $0xFFFFFFC0  }
0x20f: {  	[tilespmem:s31], [sflag:$0x1] =	stream.indirect.gather [hbm4b:s25+s30], $0x80, s17, s30, $0xb8;
	[tilespmem:$0x1DE00] =	vst v63  }
0x210: {  	s18 =	simm.s32 $0x0  }
0x211: {  	[tilespmem:s0], [sflag:$0x1] =	stream.indirect.gather [hbm4b:s13+s30], $0x80, s29, s30, $0xb8;
	[tilespmem:$0x1DE00] =	vst v63  }
.LBB2_18:
0x212: {  	s1 =	sshll.u32 s18, $0x6  }
0x213: {  	s3 =	sor.u32 s1, s15  }
0x214: {  	s3 =	sshll.u32 s3, $0x3  }
0x215: {  	s3 =	sor.u32 $0x100, s3  }
0x216: {  	s7 =	sadd.s32 s5, s3  }
0x217: {  	[tilespmem:s4], [sflag:$0x3] =	stream.linear.gather [hbm4b:s7+s17], $0x40, $0x38;
	[tilespmem:$0x1DE00] =	vst v63  }
0x218: {  	_ =	swait.ge [sflag:s26], $0x40  }
0x219: {  	[sflag:s26] =	ssyncset.done $0x0  }
0x21a: {  	s3 =	sadd.s32 s6, s3;
	[sflag:s26] =	ssyncadd.s32 $0xFFFFFFC0  }
0x21b: {  	[tilespmem:s19], [sflag:$0x3] =	stream.linear.gather [hbm4b:s3+s17], $0x40, $0x38;
	[tilespmem:$0x1DE00] =	vst v63  }
0x21c: {  	_ =	swait.ge [sflag:s26], $0x40  }
0x21d: {  	[sflag:s26] =	ssyncset.done $0x0  }
0x21e: {  	s25 =	rddreg [dreg:$0x5];
	[sflag:s26] =	ssyncadd.s32 $0xFFFFFFC0  }
0x21f: {  	[tilespmem:s20], [sflag:$0x2] =	stream.indirect.gather [hbm4b:s25+s30], $0x80, s4, s30, $0xb8;
	[tilespmem:$0x1DE00] =	vst v63  }
0x220: {  	_ = 	snop  }
0x221: {  	[tilespmem:s22], [sflag:$0x2] =	stream.indirect.gather [hbm4b:s13+s30], $0x80, s19, s30, $0xb8;
	[tilespmem:$0x1DE00] =	vst v63  }
0x222: {  	_ =	swait.ge [sflag:s23], $0x2000  }
0x223: {  	[sflag:s23] =	ssyncset.done $0x0  }
0x224: {  	[sflag:s23] =	ssyncadd.s32 $0xFFFFE000  }
0x225: {  	_ =	swait.ge [sflag:s23], $0x2000  }
0x226: {  	[sflag:s23] =	ssyncset.done $0x0  }
0x227: {  	s7 =	simm.s32 $0x0;
	[sflag:s23] =	ssyncadd.s32 $0xFFFFE000  }
0x228: {  	v0 =	vld [tilespmem:s7+$0x240]  }
0x229: {  	v1 =	vld [tilespmem:s7+$0x4200];
	_ =	sdelay $0x2  }
0x22a: {  	v9 =	vld [tilespmem:s7+$0x200]  }
0x22b: {  	s16 =	simm.s32 $0x80;
	v11 =	vld [tilespmem:s7+$0x210]  }
0x22c: {  	v3 =	vld [tilespmem:s16+$0x4200];
	v0 =	vadd.f32 v1, v0  }
0x22d: {  	v1 =	vld [tilespmem:s16+$0x240]  }
0x22e: {  	s3 =	simm.s32 $0x100;
	v10 =	vld [tilespmem:s7+$0x220];
	v2 =	vmul.f32 $2.000000030e-01, v0  }
0x22f: {  	v4 =	vld [tilespmem:s3+$0x240];
	vm0 =	vge.f32 v0, $0.0e+00  }
0x230: {  	v7 =	vld [tilespmem:s3+$0x4200];
	v0 =	vsel vm0, v0, v2  }
0x231: {  	v6 =	vld [tilespmem:s16+$0x200];
	v0 =	vmul.f32 $1.442695020e+00, v0  }
0x232: {  	v5 =	vld [tilespmem:s16+$0x210];
	v8 =	vadd.f32 v3, v1  }
0x233: {  	s25 =	simm.s32 $0x180;
	v12 =	vld [tilespmem:s7+$0x230];
	(erf) = vpow2.f32 v0  }
0x234: {  	v13 =	vld [tilespmem:s25+$0x240];
	v14 =	vmul.f32 $2.000000030e-01, v8  }
0x235: {  	v15 =	vadd.f32 v7, v4;
	v7 =	vld [tilespmem:s25+$0x210];
	vm14 =	vge.f32 v8, $0.0e+00  }
0x236: {  	v2 =	vld [tilespmem:s16+$0x220];
	v4 =	vsel vm14, v8, v14  }
0x237: {  	v1 =	vld [tilespmem:s3+$0x210];
	v8 =	vmul.f32 $1.442695020e+00, v4  }
0x238: {  	v0 =	vld [tilespmem:s3+$0x200]  }
0x239: {  	v14 =	vld [tilespmem:s25+$0x4200];
	(erf) = vpow2.f32 v8  }
0x23a: {  	v16 =	vmul.f32 $2.000000030e-01, v15;
	v4 =	vld [tilespmem:s25+$0x200]  }
0x23b: {  	vm15 =	vge.f32 v15, $0.0e+00;
	v3 =	vld [tilespmem:s3+$0x220]  }
0x23c: {  	s8 =	simm.s32 $0x800;
	v16 =	vsel vm15, v15, v16;
	v8 =	vld [tilespmem:s25+$0x220];
	v15 =	vpop (erf)  }
.LBB2_19:
0x23d: {  	v16 =	vmul.f32 $1.442695020e+00, v16;
	[tilespmem:s7+$0x8240] =	vst v15;
	v17 =	vmul.f32 v12, v15;
	v12 =	vld [tilespmem:s16+$0x230];
	s9 =	smov.u32 s25;
	s25 =	sshra.s32 s8, $0x2;
	p0 =	sne.s32 s8, $0x7E00  }
.Ltmp8:
0x23e: {  	s8 =	sadd.s32 $0x200, s8;
	v19 =	vmul.f32 v15, v9;
	v20 =	vmul.f32 v15, v11;
	v9 =	vmovc v6;
	v18 =	vadd.f32 v14, v13;
	v13 =	vld [tilespmem:s25+$0x240];
	(pc) =	sbr.rel @p0 .LBB2_19-.Ltmp8, $4  }
0x23f: {  	v21 =	vmul.f32 v10, v15;
	v6 =	vmovc v0;
	v11 =	vmovc v5;
	v14 =	vld [tilespmem:s25+$0x4200];
	(erf) = vpow2.f32 v16;
	[tilespmem:s7+$0x8230] =	vst v17;
	v0 =	vmov v4  }
0x240: {  	v5 =	vmovc v1;
	v10 =	vmovc v2;
	v2 =	vmov v3;
	v4 =	vld [tilespmem:s25+$0x200];
	v17 =	vmul.f32 $2.000000030e-01, v18;
	[tilespmem:s7+$0x8200] =	vst v19;
	v1 =	vmov v7  }
0x241: {  	vm0 =	vge.f32 v18, $0.0e+00;
	v7 =	vld [tilespmem:s25+$0x210];
	[tilespmem:s7+$0x8210] =	vst v20;
	v3 =	vmov v8  }
0x242: {  	v8 =	vld [tilespmem:s25+$0x220];
	v16 =	vsel vm0, v18, v17;
	v15 =	vpop (erf);
	[tilespmem:s7+$0x8220] =	vst v21;
	s7 =	smov.u32 s16;
	s16 =	smov.u32 s3;
	s3 =	smov.u32 s9  }
0x243: {  	_ = 	snop  }
0x244: {  	v16 =	vmul.f32 $1.442695020e+00, v16;
	v12 =	vmul.f32 v12, v15;
	v13 =	vadd.f32 v14, v13  }
0x245: {  	v17 =	vld [tilespmem:s16+$0x230];
	v9 =	vmul.f32 v15, v9;
	v11 =	vmul.f32 v15, v11  }
0x246: {  	(erf) = vpow2.f32 v16;
	[tilespmem:s7+$0x8230] =	vst v12;
	v12 =	vmul.f32 $2.000000030e-01, v13  }
0x247: {  	[tilespmem:s7+$0x8240] =	vst v15;
	vm0 =	vge.f32 v13, $0.0e+00  }
0x248: {  	v10 =	vmul.f32 v10, v15;
	[tilespmem:s7+$0x8200] =	vst v9;
	v9 =	vsel vm0, v13, v12  }
0x249: {  	[tilespmem:s7+$0x8210] =	vst v11;
	v11 =	vpop (erf);
	v9 =	vmul.f32 $1.442695020e+00, v9  }
0x24a: {  	[tilespmem:s7+$0x8220] =	vst v10;
	v12 =	vmul.f32 v17, v11;
	v6 =	vmul.f32 v11, v6  }
0x24b: {  	v10 =	vld [tilespmem:s3+$0x230];
	[tilespmem:s16+$0x8240] =	vst v11;
	v5 =	vmul.f32 v11, v5;
	(erf) = vpow2.f32 v9  }
0x24c: {  	[tilespmem:s16+$0x8230] =	vst v12  }
0x24d: {  	v2 =	vmul.f32 v2, v11;
	[tilespmem:s16+$0x8200] =	vst v6  }
0x24e: {  	[tilespmem:s16+$0x8210] =	vst v5  }
0x24f: {  	[tilespmem:s16+$0x8220] =	vst v2;
	v5 =	vpop (erf)  }
0x250: {  	v2 =	vld [tilespmem:s25+$0x230];
	v6 =	vmul.f32 v10, v5;
	v0 =	vmul.f32 v5, v0  }
0x251: {  	[tilespmem:s3+$0x8240] =	vst v5  }
0x252: {  	v1 =	vmul.f32 v5, v1;
	[tilespmem:s3+$0x8230] =	vst v6  }
0x253: {  	v3 =	vmul.f32 v3, v5;
	[tilespmem:s3+$0x8200] =	vst v0  }
0x254: {  	[tilespmem:s3+$0x8210] =	vst v1;
	v0 =	vpop (erf)  }
0x255: {  	[tilespmem:s3+$0x8220] =	vst v3;
	v1 =	vmul.f32 v2, v0  }
0x256: {  	[tilespmem:s25+$0x8240] =	vst v0;
	v2 =	vmul.f32 v0, v4  }
0x257: {  	v3 =	vmul.f32 v0, v7;
	[tilespmem:s25+$0x8230] =	vst v1  }
0x258: {  	v0 =	vmul.f32 v8, v0;
	[tilespmem:s25+$0x8200] =	vst v2  }
0x259: {  	[tilespmem:s25+$0x8210] =	vst v3  }
0x25a: {  	[tilespmem:s25+$0x8220] =	vst v0  }
0x25b: {  	[spmem:s2] =	stream.indirect.scatter.add.f32 [tilespmem:s28], [sflag:$0x3], $0x80, s29, s30, $0xb8;
	[tilespmem:$0x1DE00] =	vst v63  }
0x25c: {  	s1 =	sadd.s32 s21, s1;
	_ =	swait.ge [sflag:s26], $0x2000  }
0x25d: {  	s1 =	sshll.u32 s1, $0x3;
	[sflag:s26] =	ssyncset.done $0x0  }
0x25e: {  	s9 =	sadd.s32 s5, s1;
	s16 =	simm.s32 $0x0;
	[sflag:s26] =	ssyncadd.s32 $0xFFFFE000  }
0x25f: {  	[tilespmem:s16], [sflag:$0x3] =	stream.linear.gather [hbm4b:s9+s16], $0x40, $0x38;
	[tilespmem:$0x1DE00] =	vst v63  }
0x260: {  	_ =	swait.ge [sflag:s26], $0x40  }
0x261: {  	[sflag:s26] =	ssyncset.done $0x0  }
0x262: {  	s1 =	sadd.s32 s6, s1;
	[sflag:s26] =	ssyncadd.s32 $0xFFFFFFC0  }
0x263: {  	[tilespmem:s29], [sflag:$0x3] =	stream.linear.gather [hbm4b:s1+s16], $0x40, $0x38;
	[tilespmem:$0x1DE00] =	vst v63  }
0x264: {  	_ =	swait.ge [sflag:s26], $0x40  }
0x265: {  	[sflag:s26] =	ssyncset.done $0x0  }
0x266: {  	s25 =	rddreg [dreg:$0x5];
	[sflag:s26] =	ssyncadd.s32 $0xFFFFFFC0  }
0x267: {  	[tilespmem:s31], [sflag:$0x1] =	stream.indirect.gather [hbm4b:s25+s30], $0x80, s16, s30, $0xb8;
	[tilespmem:$0x1DE00] =	vst v63  }
0x268: {  	_ = 	snop  }
0x269: {  	[tilespmem:s0], [sflag:$0x1] =	stream.indirect.gather [hbm4b:s13+s30], $0x80, s29, s30, $0xb8;
	[tilespmem:$0x1DE00] =	vst v63  }
0x26a: {  	_ =	swait.ge [sflag:s24], $0x2000  }
0x26b: {  	[sflag:s24] =	ssyncset.done $0x0  }
0x26c: {  	[sflag:s24] =	ssyncadd.s32 $0xFFFFE000  }
0x26d: {  	_ =	swait.ge [sflag:s24], $0x2000  }
0x26e: {  	[sflag:s24] =	ssyncset.done $0x0  }
0x26f: {  	s7 =	simm.s32 $0x0;
	[sflag:s24] =	ssyncadd.s32 $0xFFFFE000  }
0x270: {  	v0 =	vld [tilespmem:s7+$0x2240]  }
0x271: {  	v1 =	vld [tilespmem:s7+$0x6200];
	_ =	sdelay $0x2  }
0x272: {  	v9 =	vld [tilespmem:s7+$0x2200]  }
0x273: {  	s3 =	simm.s32 $0x80;
	v11 =	vld [tilespmem:s7+$0x2210]  }
0x274: {  	v3 =	vld [tilespmem:s3+$0x6200];
	v0 =	vadd.f32 v1, v0  }
0x275: {  	v1 =	vld [tilespmem:s3+$0x2240]  }
0x276: {  	s1 =	simm.s32 $0x100;
	v10 =	vld [tilespmem:s7+$0x2220];
	v2 =	vmul.f32 $2.000000030e-01, v0  }
0x277: {  	v4 =	vld [tilespmem:s1+$0x2240];
	vm13 =	vge.f32 v0, $0.0e+00  }
0x278: {  	v7 =	vld [tilespmem:s1+$0x6200];
	v0 =	vsel vm13, v0, v2  }
0x279: {  	v6 =	vld [tilespmem:s3+$0x2200];
	v0 =	vmul.f32 $1.442695020e+00, v0  }
0x27a: {  	v5 =	vld [tilespmem:s3+$0x2210];
	v8 =	vadd.f32 v3, v1  }
0x27b: {  	s16 =	simm.s32 $0x180;
	v12 =	vld [tilespmem:s7+$0x2230];
	(erf) = vpow2.f32 v0  }
0x27c: {  	v13 =	vld [tilespmem:s16+$0x2240];
	v14 =	vmul.f32 $2.000000030e-01, v8  }
0x27d: {  	v15 =	vadd.f32 v7, v4;
	v7 =	vld [tilespmem:s16+$0x2210];
	vm14 =	vge.f32 v8, $0.0e+00  }
0x27e: {  	v2 =	vld [tilespmem:s3+$0x2220];
	v4 =	vsel vm14, v8, v14  }
0x27f: {  	v1 =	vld [tilespmem:s1+$0x2210];
	v8 =	vmul.f32 $1.442695020e+00, v4  }
0x280: {  	v0 =	vld [tilespmem:s1+$0x2200]  }
0x281: {  	v14 =	vld [tilespmem:s16+$0x6200];
	(erf) = vpow2.f32 v8  }
0x282: {  	v16 =	vmul.f32 $2.000000030e-01, v15;
	v4 =	vld [tilespmem:s16+$0x2200]  }
0x283: {  	vm15 =	vge.f32 v15, $0.0e+00;
	v3 =	vld [tilespmem:s1+$0x2220]  }
0x284: {  	s8 =	simm.s32 $0x800;
	v16 =	vsel vm15, v15, v16;
	v8 =	vld [tilespmem:s16+$0x2220];
	v15 =	vpop (erf)  }
.LBB2_21:
0x285: {  	v16 =	vmul.f32 $1.442695020e+00, v16;
	[tilespmem:s7+$0x8240] =	vst v15;
	v17 =	vmul.f32 v12, v15;
	v12 =	vld [tilespmem:s3+$0x2230];
	s9 =	smov.u32 s16;
	s16 =	sshra.s32 s8, $0x2;
	p0 =	sne.s32 s8, $0x7E00  }
.Ltmp9:
0x286: {  	s8 =	sadd.s32 $0x200, s8;
	v19 =	vmul.f32 v15, v9;
	v20 =	vmul.f32 v15, v11;
	v9 =	vmovc v6;
	v18 =	vadd.f32 v14, v13;
	v13 =	vld [tilespmem:s16+$0x2240];
	(pc) =	sbr.rel @p0 .LBB2_21-.Ltmp9, $4  }
0x287: {  	v21 =	vmul.f32 v10, v15;
	v6 =	vmovc v0;
	v11 =	vmovc v5;
	v14 =	vld [tilespmem:s16+$0x6200];
	(erf) = vpow2.f32 v16;
	[tilespmem:s7+$0x8230] =	vst v17;
	v0 =	vmov v4  }
0x288: {  	v5 =	vmovc v1;
	v10 =	vmovc v2;
	v2 =	vmov v3;
	v4 =	vld [tilespmem:s16+$0x2200];
	v17 =	vmul.f32 $2.000000030e-01, v18;
	[tilespmem:s7+$0x8200] =	vst v19;
	v1 =	vmov v7  }
0x289: {  	vm0 =	vge.f32 v18, $0.0e+00;
	v7 =	vld [tilespmem:s16+$0x2210];
	[tilespmem:s7+$0x8210] =	vst v20;
	v3 =	vmov v8  }
0x28a: {  	v8 =	vld [tilespmem:s16+$0x2220];
	v16 =	vsel vm0, v18, v17;
	v15 =	vpop (erf);
	[tilespmem:s7+$0x8220] =	vst v21;
	s7 =	smov.u32 s3;
	s3 =	smov.u32 s1;
	s1 =	smov.u32 s9  }
0x28b: {  	_ = 	snop  }
0x28c: {  	v16 =	vmul.f32 $1.442695020e+00, v16;
	v13 =	vadd.f32 v14, v13  }
0x28d: {  	v17 =	vld [tilespmem:s3+$0x2230];
	v12 =	vmul.f32 v12, v15;
	v9 =	vmul.f32 v15, v9  }
0x28e: {  	[tilespmem:s7+$0x8240] =	vst v15;
	(erf) = vpow2.f32 v16;
	v54 =	vmul.f32 $2.000000030e-01, v13  }
0x28f: {  	v11 =	vmul.f32 v15, v11;
	[tilespmem:s7+$0x8230] =	vst v12;
	vm0 =	vge.f32 v13, $0.0e+00  }
0x290: {  	v10 =	vmul.f32 v10, v15;
	[tilespmem:s7+$0x8200] =	vst v9;
	v55 =	vsel vm0, v13, v54  }
0x291: {  	[tilespmem:s7+$0x8210] =	vst v11;
	v56 =	vpop (erf);
	v9 =	vmul.f32 $1.442695020e+00, v55  }
0x292: {  	[tilespmem:s7+$0x8220] =	vst v10;
	v57 =	vmul.f32 v17, v56  }
0x293: {  	v10 =	vld [tilespmem:s1+$0x2230];
	[tilespmem:s3+$0x8240] =	vst v56;
	v6 =	vmul.f32 v56, v6;
	(erf) = vpow2.f32 v9  }
0x294: {  	v5 =	vmul.f32 v56, v5;
	[tilespmem:s3+$0x8230] =	vst v57  }
0x295: {  	v2 =	vmul.f32 v2, v56;
	[tilespmem:s3+$0x8200] =	vst v6  }
0x296: {  	[tilespmem:s3+$0x8210] =	vst v5  }
0x297: {  	[tilespmem:s3+$0x8220] =	vst v2;
	v58 =	vpop (erf)  }
0x298: {  	v2 =	vld [tilespmem:s16+$0x2230];
	v59 =	vmul.f32 v10, v58  }
0x299: {  	[tilespmem:s1+$0x8240] =	vst v58;
	v0 =	vmul.f32 v58, v0  }
0x29a: {  	v1 =	vmul.f32 v58, v1;
	[tilespmem:s1+$0x8230] =	vst v59  }
0x29b: {  	v3 =	vmul.f32 v3, v58;
	[tilespmem:s1+$0x8200] =	vst v0  }
0x29c: {  	[tilespmem:s1+$0x8210] =	vst v1;
	v60 =	vpop (erf)  }
0x29d: {  	[tilespmem:s1+$0x8220] =	vst v3;
	v61 =	vmul.f32 v2, v60  }
0x29e: {  	[tilespmem:s16+$0x8240] =	vst v60;
	v62 =	vmul.f32 v60, v4  }
0x29f: {  	v63 =	vmul.f32 v60, v7;
	[tilespmem:s16+$0x8230] =	vst v61  }
0x2a0: {  	s18 =	sadd.s32 $0x1, s18;
	v0 =	vmul.f32 v8, v60;
	[tilespmem:s16+$0x8200] =	vst v62  }
0x2a1: {  	p0 =	sne.s32 s18, $0x4F;
	[tilespmem:s16+$0x8210] =	vst v63  }
.Ltmp10:
0x2a2: {  	[tilespmem:s16+$0x8220] =	vst v0;
	(pc) =	sbr.rel @p0 .LBB2_18-.Ltmp10, $4  }
0x2a3: {  	[spmem:s2] =	stream.indirect.scatter.add.f32 [tilespmem:s28], [sflag:$0x3], $0x80, s19, s30, $0xb8;
	[tilespmem:$0x1DE00] =	vst v63  }
0x2a4: {  	_ =	swait.ge [sflag:s26], $0x2000  }
0x2a5: {  	[sflag:s26] =	ssyncset.done $0x0  }
0x2a6: {  	[sflag:s26] =	ssyncadd.s32 $0xFFFFE000  }
0x2a7: {  	_ =	swait.ge [sflag:s23], $0x2000  }
0x2a8: {  	[sflag:s23] =	ssyncset.done $0x0  }
0x2a9: {  	[sflag:s23] =	ssyncadd.s32 $0xFFFFE000  }
0x2aa: {  	_ =	swait.ge [sflag:s23], $0x2000  }
0x2ab: {  	[sflag:s23] =	ssyncset.done $0x0  }
0x2ac: {  	s7 =	simm.s32 $0x0;
	[sflag:s23] =	ssyncadd.s32 $0xFFFFE000  }
0x2ad: {  	v0 =	vld [tilespmem:s7+$0x240]  }
0x2ae: {  	v1 =	vld [tilespmem:s7+$0x4200];
	_ =	sdelay $0x2  }
0x2af: {  	v9 =	vld [tilespmem:s7+$0x200]  }
0x2b0: {  	s3 =	simm.s32 $0x80;
	v11 =	vld [tilespmem:s7+$0x210]  }
0x2b1: {  	v3 =	vld [tilespmem:s3+$0x4200];
	v0 =	vadd.f32 v1, v0  }
0x2b2: {  	v1 =	vld [tilespmem:s3+$0x240]  }
0x2b3: {  	s1 =	simm.s32 $0x100;
	v10 =	vld [tilespmem:s7+$0x220];
	v2 =	vmul.f32 $2.000000030e-01, v0  }
0x2b4: {  	v4 =	vld [tilespmem:s1+$0x240];
	vm0 =	vge.f32 v0, $0.0e+00  }
0x2b5: {  	v7 =	vld [tilespmem:s1+$0x4200];
	v0 =	vsel vm0, v0, v2  }
0x2b6: {  	v6 =	vld [tilespmem:s3+$0x200];
	v0 =	vmul.f32 $1.442695020e+00, v0  }
0x2b7: {  	v5 =	vld [tilespmem:s3+$0x210];
	v8 =	vadd.f32 v3, v1  }
0x2b8: {  	s16 =	simm.s32 $0x180;
	v12 =	vld [tilespmem:s7+$0x230];
	(erf) = vpow2.f32 v0  }
0x2b9: {  	v13 =	vld [tilespmem:s16+$0x240];
	v14 =	vmul.f32 $2.000000030e-01, v8  }
0x2ba: {  	v15 =	vadd.f32 v7, v4;
	v7 =	vld [tilespmem:s16+$0x210];
	vm14 =	vge.f32 v8, $0.0e+00  }
0x2bb: {  	v2 =	vld [tilespmem:s3+$0x220];
	v4 =	vsel vm14, v8, v14  }
0x2bc: {  	v1 =	vld [tilespmem:s1+$0x210];
	v8 =	vmul.f32 $1.442695020e+00, v4  }
0x2bd: {  	v0 =	vld [tilespmem:s1+$0x200]  }
0x2be: {  	v14 =	vld [tilespmem:s16+$0x4200];
	(erf) = vpow2.f32 v8  }
0x2bf: {  	v16 =	vmul.f32 $2.000000030e-01, v15;
	v4 =	vld [tilespmem:s16+$0x200]  }
0x2c0: {  	vm15 =	vge.f32 v15, $0.0e+00;
	v3 =	vld [tilespmem:s1+$0x220]  }
0x2c1: {  	s8 =	simm.s32 $0x800;
	v16 =	vsel vm15, v15, v16;
	v8 =	vld [tilespmem:s16+$0x220];
	v15 =	vpop (erf)  }
.LBB2_24:
0x2c2: {  	v16 =	vmul.f32 $1.442695020e+00, v16;
	[tilespmem:s7+$0x8240] =	vst v15;
	v17 =	vmul.f32 v12, v15;
	v12 =	vld [tilespmem:s3+$0x230];
	s9 =	smov.u32 s16;
	s16 =	sshra.s32 s8, $0x2;
	p0 =	sne.s32 s8, $0x7E00  }
.Ltmp11:
0x2c3: {  	s8 =	sadd.s32 $0x200, s8;
	v19 =	vmul.f32 v15, v9;
	v20 =	vmul.f32 v15, v11;
	v9 =	vmovc v6;
	v18 =	vadd.f32 v14, v13;
	v13 =	vld [tilespmem:s16+$0x240];
	(pc) =	sbr.rel @p0 .LBB2_24-.Ltmp11, $4  }
0x2c4: {  	v21 =	vmul.f32 v10, v15;
	v6 =	vmovc v0;
	v11 =	vmovc v5;
	v14 =	vld [tilespmem:s16+$0x4200];
	(erf) = vpow2.f32 v16;
	[tilespmem:s7+$0x8230] =	vst v17;
	v0 =	vmov v4  }
0x2c5: {  	v5 =	vmovc v1;
	v10 =	vmovc v2;
	v2 =	vmov v3;
	v4 =	vld [tilespmem:s16+$0x200];
	v17 =	vmul.f32 $2.000000030e-01, v18;
	[tilespmem:s7+$0x8200] =	vst v19;
	v1 =	vmov v7  }
0x2c6: {  	vm0 =	vge.f32 v18, $0.0e+00;
	v7 =	vld [tilespmem:s16+$0x210];
	[tilespmem:s7+$0x8210] =	vst v20;
	v3 =	vmov v8  }
0x2c7: {  	v8 =	vld [tilespmem:s16+$0x220];
	v16 =	vsel vm0, v18, v17;
	v15 =	vpop (erf);
	[tilespmem:s7+$0x8220] =	vst v21;
	s7 =	smov.u32 s3;
	s3 =	smov.u32 s1;
	s1 =	smov.u32 s9  }
0x2c8: {  	_ = 	snop  }
0x2c9: {  	v16 =	vmul.f32 $1.442695020e+00, v16;
	v13 =	vadd.f32 v14, v13  }
0x2ca: {  	v17 =	vld [tilespmem:s3+$0x230];
	v12 =	vmul.f32 v12, v15;
	v9 =	vmul.f32 v15, v9  }
0x2cb: {  	[tilespmem:s7+$0x8240] =	vst v15;
	(erf) = vpow2.f32 v16;
	v54 =	vmul.f32 $2.000000030e-01, v13  }
0x2cc: {  	v11 =	vmul.f32 v15, v11;
	[tilespmem:s7+$0x8230] =	vst v12;
	vm0 =	vge.f32 v13, $0.0e+00  }
0x2cd: {  	v10 =	vmul.f32 v10, v15;
	[tilespmem:s7+$0x8200] =	vst v9;
	v55 =	vsel vm0, v13, v54  }
0x2ce: {  	[tilespmem:s7+$0x8210] =	vst v11;
	v56 =	vpop (erf);
	v9 =	vmul.f32 $1.442695020e+00, v55  }
0x2cf: {  	[tilespmem:s7+$0x8220] =	vst v10;
	v57 =	vmul.f32 v17, v56  }
0x2d0: {  	v10 =	vld [tilespmem:s1+$0x230];
	[tilespmem:s3+$0x8240] =	vst v56;
	v6 =	vmul.f32 v56, v6;
	(erf) = vpow2.f32 v9  }
0x2d1: {  	v5 =	vmul.f32 v56, v5;
	[tilespmem:s3+$0x8230] =	vst v57  }
0x2d2: {  	v2 =	vmul.f32 v2, v56;
	[tilespmem:s3+$0x8200] =	vst v6  }
0x2d3: {  	[tilespmem:s3+$0x8210] =	vst v5  }
0x2d4: {  	[tilespmem:s3+$0x8220] =	vst v2;
	v58 =	vpop (erf)  }
0x2d5: {  	v2 =	vld [tilespmem:s16+$0x230];
	v59 =	vmul.f32 v10, v58  }
0x2d6: {  	[tilespmem:s1+$0x8240] =	vst v58;
	v0 =	vmul.f32 v58, v0  }
0x2d7: {  	v1 =	vmul.f32 v58, v1;
	[tilespmem:s1+$0x8230] =	vst v59  }
0x2d8: {  	v3 =	vmul.f32 v3, v58;
	[tilespmem:s1+$0x8200] =	vst v0  }
0x2d9: {  	[tilespmem:s1+$0x8210] =	vst v1;
	v60 =	vpop (erf)  }
0x2da: {  	[tilespmem:s1+$0x8220] =	vst v3;
	v61 =	vmul.f32 v2, v60  }
0x2db: {  	[tilespmem:s16+$0x8240] =	vst v60;
	v62 =	vmul.f32 v60, v4  }
0x2dc: {  	v63 =	vmul.f32 v60, v7;
	[tilespmem:s16+$0x8230] =	vst v61  }
0x2dd: {  	v0 =	vmul.f32 v8, v60;
	[tilespmem:s16+$0x8200] =	vst v62  }
0x2de: {  	[tilespmem:s16+$0x8210] =	vst v63  }
0x2df: {  	[tilespmem:s16+$0x8220] =	vst v0  }
0x2e0: {  	[spmem:s2] =	stream.indirect.scatter.add.f32 [tilespmem:s28], [sflag:$0x3], $0x80, s29, s30, $0xb8;
	[tilespmem:$0x1DE00] =	vst v63  }
0x2e1: {  	_ =	swait.ge [sflag:s26], $0x2000  }
0x2e2: {  	[sflag:s26] =	ssyncset.done $0x0  }
0x2e3: {  	[sflag:s26] =	ssyncadd.s32 $0xFFFFE000  }
0x2e4: {  	[bflag:$0x0] =	sbarrier.arrive $0xFFFF  }
0x2e5: {  	s7 =	rddreg [dreg:$0x6]  }
0x2e6: {  	s8 =	rddreg [dreg:$0xb]  }
0x2e7: {  	s9 =	rddreg [dreg:$0xe]  }
0x2e8: {  	[hbm:s8], [sflag:s7] =	dma.local [spmem:s9], $0x2780  }
0x2e9: {  	_ =	swait.ge [sflag:s26], $0x2780  }
0x2ea: {  	[sflag:s26] =	ssyncset.done $0x0  }
0x2eb: {  	[sflag:s26] =	ssyncadd.s32 $0xFFFFD880  }
0x2ec: {  	[bflag:$0x0] =	sbarrier.arrive $0xFFFF  }
0x2ed: {  	s16 =	rddreg [dreg:$0x0]  }
0x2ee: {  	[spmem:s9], [sflag:s7] =	dma.local [hbm:s16], $0x2780  }
0x2ef: {  	_ =	swait.ge [sflag:s26], $0x2780  }
0x2f0: {  	[sflag:s26] =	ssyncset.done $0x0  }
0x2f1: {  	s17 =	simm.s32 $0x0;
	[sflag:s26] =	ssyncadd.s32 $0xFFFFD880  }
0x2f2: {  	[tilespmem:s28], [sflag:$0x3] =	stream.linear.gather [hbm4b:s16+s17], $0x2000, $0x38;
	[tilespmem:$0x1DE00] =	vst v63  }
0x2f3: {  	_ =	swait.ge [sflag:s26], $0x2000  }
0x2f4: {  	[sflag:s26] =	ssyncset.done $0x0  }
0x2f5: {  	[sflag:s26] =	ssyncadd.s32 $0xFFFFE000  }
0x2f6: {  	[bflag:$0x0] =	sbarrier.arrive $0xFFFF  }
0x2f7: {  	s18 =	rddreg [dreg:$0x7]  }
0x2f8: {  	[tilespmem:s17], [sflag:$0x3] =	stream.linear.gather [hbm4b:s18+s17], $0x40, $0x38;
	[tilespmem:$0x1DE00] =	vst v63  }
0x2f9: {  	_ =	swait.ge [sflag:s26], $0x40  }
0x2fa: {  	[sflag:s26] =	ssyncset.done $0x0  }
0x2fb: {  	s25 =	rddreg [dreg:$0x8];
	[sflag:s26] =	ssyncadd.s32 $0xFFFFFFC0  }
0x2fc: {  	[tilespmem:s29], [sflag:$0x3] =	stream.linear.gather [hbm4b:s25+s17], $0x40, $0x38;
	[tilespmem:$0x1DE00] =	vst v63  }
0x2fd: {  	_ =	swait.ge [sflag:s26], $0x40  }
0x2fe: {  	[sflag:s26] =	ssyncset.done $0x0  }
0x2ff: {  	[sflag:s26] =	ssyncadd.s32 $0xFFFFFFC0  }
0x300: {  	[tilespmem:s31], [sflag:$0x1] =	stream.indirect.gather [hbm4b:s10+s30], $0x80, s17, s30, $0xb8;
	[tilespmem:$0x1DE00] =	vst v63  }
0x301: {  	s18 =	simm.s32 $0x0  }
0x302: {  	[tilespmem:s0], [sflag:$0x1] =	stream.indirect.gather [hbm4b:s14+s30], $0x80, s29, s30, $0xb8;
	[tilespmem:$0x1DE00] =	vst v63  }
.LBB2_26:
0x303: {  	s1 =	sshll.u32 s18, $0x6  }
0x304: {  	s3 =	sor.u32 s1, s15  }
0x305: {  	s3 =	sshll.u32 s3, $0x3  }
0x306: {  	s3 =	sor.u32 $0x100, s3  }
0x307: {  	s7 =	sadd.s32 s5, s3  }
0x308: {  	[tilespmem:s4], [sflag:$0x3] =	stream.linear.gather [hbm4b:s7+s17], $0x40, $0x38;
	[tilespmem:$0x1DE00] =	vst v63  }
0x309: {  	_ =	swait.ge [sflag:s26], $0x40  }
0x30a: {  	[sflag:s26] =	ssyncset.done $0x0  }
0x30b: {  	s3 =	sadd.s32 s6, s3;
	[sflag:s26] =	ssyncadd.s32 $0xFFFFFFC0  }
0x30c: {  	[tilespmem:s19], [sflag:$0x3] =	stream.linear.gather [hbm4b:s3+s17], $0x40, $0x38;
	[tilespmem:$0x1DE00] =	vst v63  }
0x30d: {  	_ =	swait.ge [sflag:s26], $0x40  }
0x30e: {  	[sflag:s26] =	ssyncset.done $0x0  }
0x30f: {  	[sflag:s26] =	ssyncadd.s32 $0xFFFFFFC0  }
0x310: {  	[tilespmem:s20], [sflag:$0x2] =	stream.indirect.gather [hbm4b:s10+s30], $0x80, s4, s30, $0xb8;
	[tilespmem:$0x1DE00] =	vst v63  }
0x311: {  	_ = 	snop  }
0x312: {  	[tilespmem:s22], [sflag:$0x2] =	stream.indirect.gather [hbm4b:s14+s30], $0x80, s19, s30, $0xb8;
	[tilespmem:$0x1DE00] =	vst v63  }
0x313: {  	_ =	swait.ge [sflag:s23], $0x2000  }
0x314: {  	[sflag:s23] =	ssyncset.done $0x0  }
0x315: {  	[sflag:s23] =	ssyncadd.s32 $0xFFFFE000  }
0x316: {  	_ =	swait.ge [sflag:s23], $0x2000  }
0x317: {  	[sflag:s23] =	ssyncset.done $0x0  }
0x318: {  	s7 =	simm.s32 $0x0;
	[sflag:s23] =	ssyncadd.s32 $0xFFFFE000  }
0x319: {  	v0 =	vld [tilespmem:s7+$0x240]  }
0x31a: {  	v1 =	vld [tilespmem:s7+$0x4200];
	_ =	sdelay $0x2  }
0x31b: {  	v9 =	vld [tilespmem:s7+$0x200]  }
0x31c: {  	s16 =	simm.s32 $0x80;
	v11 =	vld [tilespmem:s7+$0x210]  }
0x31d: {  	v3 =	vld [tilespmem:s16+$0x4200];
	v0 =	vadd.f32 v1, v0  }
0x31e: {  	v1 =	vld [tilespmem:s16+$0x240]  }
0x31f: {  	s3 =	simm.s32 $0x100;
	v10 =	vld [tilespmem:s7+$0x220];
	v2 =	vmul.f32 $2.000000030e-01, v0  }
0x320: {  	v4 =	vld [tilespmem:s3+$0x240];
	vm0 =	vge.f32 v0, $0.0e+00  }
0x321: {  	v7 =	vld [tilespmem:s3+$0x4200];
	v0 =	vsel vm0, v0, v2  }
0x322: {  	v6 =	vld [tilespmem:s16+$0x200];
	v0 =	vmul.f32 $1.442695020e+00, v0  }
0x323: {  	v5 =	vld [tilespmem:s16+$0x210];
	v8 =	vadd.f32 v3, v1  }
0x324: {  	s25 =	simm.s32 $0x180;
	v12 =	vld [tilespmem:s7+$0x230];
	(erf) = vpow2.f32 v0  }
0x325: {  	v13 =	vld [tilespmem:s25+$0x240];
	v14 =	vmul.f32 $2.000000030e-01, v8  }
0x326: {  	v15 =	vadd.f32 v7, v4;
	v7 =	vld [tilespmem:s25+$0x210];
	vm14 =	vge.f32 v8, $0.0e+00  }
0x327: {  	v2 =	vld [tilespmem:s16+$0x220];
	v4 =	vsel vm14, v8, v14  }
0x328: {  	v1 =	vld [tilespmem:s3+$0x210];
	v8 =	vmul.f32 $1.442695020e+00, v4  }
0x329: {  	v0 =	vld [tilespmem:s3+$0x200]  }
0x32a: {  	v14 =	vld [tilespmem:s25+$0x4200];
	(erf) = vpow2.f32 v8  }
0x32b: {  	v16 =	vmul.f32 $2.000000030e-01, v15;
	v4 =	vld [tilespmem:s25+$0x200]  }
0x32c: {  	vm15 =	vge.f32 v15, $0.0e+00;
	v3 =	vld [tilespmem:s3+$0x220]  }
0x32d: {  	s8 =	simm.s32 $0x800;
	v16 =	vsel vm15, v15, v16;
	v8 =	vld [tilespmem:s25+$0x220];
	v15 =	vpop (erf)  }
.LBB2_27:
0x32e: {  	v16 =	vmul.f32 $1.442695020e+00, v16;
	[tilespmem:s7+$0x8240] =	vst v15;
	v17 =	vmul.f32 v12, v15;
	v12 =	vld [tilespmem:s16+$0x230];
	s9 =	smov.u32 s25;
	s25 =	sshra.s32 s8, $0x2;
	p0 =	sne.s32 s8, $0x7E00  }
.Ltmp12:
0x32f: {  	s8 =	sadd.s32 $0x200, s8;
	v19 =	vmul.f32 v15, v9;
	v20 =	vmul.f32 v15, v11;
	v9 =	vmovc v6;
	v18 =	vadd.f32 v14, v13;
	v13 =	vld [tilespmem:s25+$0x240];
	(pc) =	sbr.rel @p0 .LBB2_27-.Ltmp12, $4  }
0x330: {  	v21 =	vmul.f32 v10, v15;
	v6 =	vmovc v0;
	v11 =	vmovc v5;
	v14 =	vld [tilespmem:s25+$0x4200];
	(erf) = vpow2.f32 v16;
	[tilespmem:s7+$0x8230] =	vst v17;
	v0 =	vmov v4  }
0x331: {  	v5 =	vmovc v1;
	v10 =	vmovc v2;
	v2 =	vmov v3;
	v4 =	vld [tilespmem:s25+$0x200];
	v17 =	vmul.f32 $2.000000030e-01, v18;
	[tilespmem:s7+$0x8200] =	vst v19;
	v1 =	vmov v7  }
0x332: {  	vm0 =	vge.f32 v18, $0.0e+00;
	v7 =	vld [tilespmem:s25+$0x210];
	[tilespmem:s7+$0x8210] =	vst v20;
	v3 =	vmov v8  }
0x333: {  	v8 =	vld [tilespmem:s25+$0x220];
	v16 =	vsel vm0, v18, v17;
	v15 =	vpop (erf);
	[tilespmem:s7+$0x8220] =	vst v21;
	s7 =	smov.u32 s16;
	s16 =	smov.u32 s3;
	s3 =	smov.u32 s9  }
0x334: {  	_ = 	snop  }
0x335: {  	v16 =	vmul.f32 $1.442695020e+00, v16;
	v12 =	vmul.f32 v12, v15;
	v13 =	vadd.f32 v14, v13  }
0x336: {  	v17 =	vld [tilespmem:s16+$0x230];
	v9 =	vmul.f32 v15, v9;
	v11 =	vmul.f32 v15, v11  }
0x337: {  	(erf) = vpow2.f32 v16;
	[tilespmem:s7+$0x8230] =	vst v12;
	v12 =	vmul.f32 $2.000000030e-01, v13  }
0x338: {  	[tilespmem:s7+$0x8240] =	vst v15;
	vm0 =	vge.f32 v13, $0.0e+00  }
0x339: {  	v10 =	vmul.f32 v10, v15;
	[tilespmem:s7+$0x8200] =	vst v9;
	v9 =	vsel vm0, v13, v12  }
0x33a: {  	[tilespmem:s7+$0x8210] =	vst v11;
	v11 =	vpop (erf);
	v9 =	vmul.f32 $1.442695020e+00, v9  }
0x33b: {  	[tilespmem:s7+$0x8220] =	vst v10;
	v12 =	vmul.f32 v17, v11;
	v6 =	vmul.f32 v11, v6  }
0x33c: {  	v10 =	vld [tilespmem:s3+$0x230];
	[tilespmem:s16+$0x8240] =	vst v11;
	v5 =	vmul.f32 v11, v5;
	(erf) = vpow2.f32 v9  }
0x33d: {  	[tilespmem:s16+$0x8230] =	vst v12  }
0x33e: {  	v2 =	vmul.f32 v2, v11;
	[tilespmem:s16+$0x8200] =	vst v6  }
0x33f: {  	[tilespmem:s16+$0x8210] =	vst v5  }
0x340: {  	[tilespmem:s16+$0x8220] =	vst v2;
	v5 =	vpop (erf)  }
0x341: {  	v2 =	vld [tilespmem:s25+$0x230];
	v6 =	vmul.f32 v10, v5;
	v0 =	vmul.f32 v5, v0  }
0x342: {  	[tilespmem:s3+$0x8240] =	vst v5  }
0x343: {  	v1 =	vmul.f32 v5, v1;
	[tilespmem:s3+$0x8230] =	vst v6  }
0x344: {  	v3 =	vmul.f32 v3, v5;
	[tilespmem:s3+$0x8200] =	vst v0  }
0x345: {  	[tilespmem:s3+$0x8210] =	vst v1;
	v0 =	vpop (erf)  }
0x346: {  	[tilespmem:s3+$0x8220] =	vst v3;
	v1 =	vmul.f32 v2, v0  }
0x347: {  	[tilespmem:s25+$0x8240] =	vst v0;
	v2 =	vmul.f32 v0, v4  }
0x348: {  	v3 =	vmul.f32 v0, v7;
	[tilespmem:s25+$0x8230] =	vst v1  }
0x349: {  	v0 =	vmul.f32 v8, v0;
	[tilespmem:s25+$0x8200] =	vst v2  }
0x34a: {  	[tilespmem:s25+$0x8210] =	vst v3  }
0x34b: {  	[tilespmem:s25+$0x8220] =	vst v0  }
0x34c: {  	[spmem:s2] =	stream.indirect.scatter.add.f32 [tilespmem:s28], [sflag:$0x3], $0x80, s29, s30, $0xb8;
	[tilespmem:$0x1DE00] =	vst v63  }
0x34d: {  	s1 =	sadd.s32 s21, s1;
	_ =	swait.ge [sflag:s26], $0x2000  }
0x34e: {  	s1 =	sshll.u32 s1, $0x3;
	[sflag:s26] =	ssyncset.done $0x0  }
0x34f: {  	s16 =	sadd.s32 s5, s1;
	s25 =	simm.s32 $0x0;
	[sflag:s26] =	ssyncadd.s32 $0xFFFFE000  }
0x350: {  	[tilespmem:s25], [sflag:$0x3] =	stream.linear.gather [hbm4b:s16+s25], $0x40, $0x38;
	[tilespmem:$0x1DE00] =	vst v63  }
0x351: {  	_ =	swait.ge [sflag:s26], $0x40  }
0x352: {  	[sflag:s26] =	ssyncset.done $0x0  }
0x353: {  	s1 =	sadd.s32 s6, s1;
	[sflag:s26] =	ssyncadd.s32 $0xFFFFFFC0  }
0x354: {  	[tilespmem:s29], [sflag:$0x3] =	stream.linear.gather [hbm4b:s1+s25], $0x40, $0x38;
	[tilespmem:$0x1DE00] =	vst v63  }
0x355: {  	_ =	swait.ge [sflag:s26], $0x40  }
0x356: {  	[sflag:s26] =	ssyncset.done $0x0  }
0x357: {  	[sflag:s26] =	ssyncadd.s32 $0xFFFFFFC0  }
0x358: {  	[tilespmem:s31], [sflag:$0x1] =	stream.indirect.gather [hbm4b:s10+s30], $0x80, s25, s30, $0xb8;
	[tilespmem:$0x1DE00] =	vst v63  }
0x359: {  	_ = 	snop  }
0x35a: {  	[tilespmem:s0], [sflag:$0x1] =	stream.indirect.gather [hbm4b:s14+s30], $0x80, s29, s30, $0xb8;
	[tilespmem:$0x1DE00] =	vst v63  }
0x35b: {  	_ =	swait.ge [sflag:s24], $0x2000  }
0x35c: {  	[sflag:s24] =	ssyncset.done $0x0  }
0x35d: {  	[sflag:s24] =	ssyncadd.s32 $0xFFFFE000  }
0x35e: {  	_ =	swait.ge [sflag:s24], $0x2000  }
0x35f: {  	[sflag:s24] =	ssyncset.done $0x0  }
0x360: {  	s7 =	simm.s32 $0x0;
	[sflag:s24] =	ssyncadd.s32 $0xFFFFE000  }
0x361: {  	v0 =	vld [tilespmem:s7+$0x2240]  }
0x362: {  	v1 =	vld [tilespmem:s7+$0x6200];
	_ =	sdelay $0x2  }
0x363: {  	v9 =	vld [tilespmem:s7+$0x2200]  }
0x364: {  	s3 =	simm.s32 $0x80;
	v11 =	vld [tilespmem:s7+$0x2210]  }
0x365: {  	v3 =	vld [tilespmem:s3+$0x6200];
	v0 =	vadd.f32 v1, v0  }
0x366: {  	v1 =	vld [tilespmem:s3+$0x2240]  }
0x367: {  	s1 =	simm.s32 $0x100;
	v10 =	vld [tilespmem:s7+$0x2220];
	v2 =	vmul.f32 $2.000000030e-01, v0  }
0x368: {  	v4 =	vld [tilespmem:s1+$0x2240];
	vm13 =	vge.f32 v0, $0.0e+00  }
0x369: {  	v7 =	vld [tilespmem:s1+$0x6200];
	v0 =	vsel vm13, v0, v2  }
0x36a: {  	v6 =	vld [tilespmem:s3+$0x2200];
	v0 =	vmul.f32 $1.442695020e+00, v0  }
0x36b: {  	v5 =	vld [tilespmem:s3+$0x2210];
	v8 =	vadd.f32 v3, v1  }
0x36c: {  	s16 =	simm.s32 $0x180;
	v12 =	vld [tilespmem:s7+$0x2230];
	(erf) = vpow2.f32 v0  }
0x36d: {  	v13 =	vld [tilespmem:s16+$0x2240];
	v14 =	vmul.f32 $2.000000030e-01, v8  }
0x36e: {  	v15 =	vadd.f32 v7, v4;
	v7 =	vld [tilespmem:s16+$0x2210];
	vm14 =	vge.f32 v8, $0.0e+00  }
0x36f: {  	v2 =	vld [tilespmem:s3+$0x2220];
	v4 =	vsel vm14, v8, v14  }
0x370: {  	v1 =	vld [tilespmem:s1+$0x2210];
	v8 =	vmul.f32 $1.442695020e+00, v4  }
0x371: {  	v0 =	vld [tilespmem:s1+$0x2200]  }
0x372: {  	v14 =	vld [tilespmem:s16+$0x6200];
	(erf) = vpow2.f32 v8  }
0x373: {  	v16 =	vmul.f32 $2.000000030e-01, v15;
	v4 =	vld [tilespmem:s16+$0x2200]  }
0x374: {  	vm15 =	vge.f32 v15, $0.0e+00;
	v3 =	vld [tilespmem:s1+$0x2220]  }
0x375: {  	s8 =	simm.s32 $0x800;
	v16 =	vsel vm15, v15, v16;
	v8 =	vld [tilespmem:s16+$0x2220];
	v15 =	vpop (erf)  }
.LBB2_29:
0x376: {  	v16 =	vmul.f32 $1.442695020e+00, v16;
	[tilespmem:s7+$0x8240] =	vst v15;
	v17 =	vmul.f32 v12, v15;
	v12 =	vld [tilespmem:s3+$0x2230];
	s9 =	smov.u32 s16;
	s16 =	sshra.s32 s8, $0x2;
	p0 =	sne.s32 s8, $0x7E00  }
.Ltmp13:
0x377: {  	s8 =	sadd.s32 $0x200, s8;
	v19 =	vmul.f32 v15, v9;
	v20 =	vmul.f32 v15, v11;
	v9 =	vmovc v6;
	v18 =	vadd.f32 v14, v13;
	v13 =	vld [tilespmem:s16+$0x2240];
	(pc) =	sbr.rel @p0 .LBB2_29-.Ltmp13, $4  }
0x378: {  	v21 =	vmul.f32 v10, v15;
	v6 =	vmovc v0;
	v11 =	vmovc v5;
	v14 =	vld [tilespmem:s16+$0x6200];
	(erf) = vpow2.f32 v16;
	[tilespmem:s7+$0x8230] =	vst v17;
	v0 =	vmov v4  }
0x379: {  	v5 =	vmovc v1;
	v10 =	vmovc v2;
	v2 =	vmov v3;
	v4 =	vld [tilespmem:s16+$0x2200];
	v17 =	vmul.f32 $2.000000030e-01, v18;
	[tilespmem:s7+$0x8200] =	vst v19;
	v1 =	vmov v7  }
0x37a: {  	vm0 =	vge.f32 v18, $0.0e+00;
	v7 =	vld [tilespmem:s16+$0x2210];
	[tilespmem:s7+$0x8210] =	vst v20;
	v3 =	vmov v8  }
0x37b: {  	v8 =	vld [tilespmem:s16+$0x2220];
	v16 =	vsel vm0, v18, v17;
	v15 =	vpop (erf);
	[tilespmem:s7+$0x8220] =	vst v21;
	s7 =	smov.u32 s3;
	s3 =	smov.u32 s1;
	s1 =	smov.u32 s9  }
0x37c: {  	_ = 	snop  }
0x37d: {  	v16 =	vmul.f32 $1.442695020e+00, v16;
	v13 =	vadd.f32 v14, v13  }
0x37e: {  	v17 =	vld [tilespmem:s3+$0x2230];
	v12 =	vmul.f32 v12, v15;
	v9 =	vmul.f32 v15, v9  }
0x37f: {  	[tilespmem:s7+$0x8240] =	vst v15;
	(erf) = vpow2.f32 v16;
	v54 =	vmul.f32 $2.000000030e-01, v13  }
0x380: {  	v11 =	vmul.f32 v15, v11;
	[tilespmem:s7+$0x8230] =	vst v12;
	vm0 =	vge.f32 v13, $0.0e+00  }
0x381: {  	v10 =	vmul.f32 v10, v15;
	[tilespmem:s7+$0x8200] =	vst v9;
	v55 =	vsel vm0, v13, v54  }
0x382: {  	[tilespmem:s7+$0x8210] =	vst v11;
	v56 =	vpop (erf);
	v9 =	vmul.f32 $1.442695020e+00, v55  }
0x383: {  	[tilespmem:s7+$0x8220] =	vst v10;
	v57 =	vmul.f32 v17, v56  }
0x384: {  	v10 =	vld [tilespmem:s1+$0x2230];
	[tilespmem:s3+$0x8240] =	vst v56;
	v6 =	vmul.f32 v56, v6;
	(erf) = vpow2.f32 v9  }
0x385: {  	v5 =	vmul.f32 v56, v5;
	[tilespmem:s3+$0x8230] =	vst v57  }
0x386: {  	v2 =	vmul.f32 v2, v56;
	[tilespmem:s3+$0x8200] =	vst v6  }
0x387: {  	[tilespmem:s3+$0x8210] =	vst v5  }
0x388: {  	[tilespmem:s3+$0x8220] =	vst v2;
	v58 =	vpop (erf)  }
0x389: {  	v2 =	vld [tilespmem:s16+$0x2230];
	v59 =	vmul.f32 v10, v58  }
0x38a: {  	[tilespmem:s1+$0x8240] =	vst v58;
	v0 =	vmul.f32 v58, v0  }
0x38b: {  	v1 =	vmul.f32 v58, v1;
	[tilespmem:s1+$0x8230] =	vst v59  }
0x38c: {  	v3 =	vmul.f32 v3, v58;
	[tilespmem:s1+$0x8200] =	vst v0  }
0x38d: {  	[tilespmem:s1+$0x8210] =	vst v1;
	v60 =	vpop (erf)  }
0x38e: {  	[tilespmem:s1+$0x8220] =	vst v3;
	v61 =	vmul.f32 v2, v60  }
0x38f: {  	[tilespmem:s16+$0x8240] =	vst v60;
	v62 =	vmul.f32 v60, v4  }
0x390: {  	v63 =	vmul.f32 v60, v7;
	[tilespmem:s16+$0x8230] =	vst v61  }
0x391: {  	s18 =	sadd.s32 $0x1, s18;
	v0 =	vmul.f32 v8, v60;
	[tilespmem:s16+$0x8200] =	vst v62  }
0x392: {  	p0 =	sne.s32 s18, $0x4F;
	[tilespmem:s16+$0x8210] =	vst v63  }
.Ltmp14:
0x393: {  	[tilespmem:s16+$0x8220] =	vst v0;
	(pc) =	sbr.rel @p0 .LBB2_26-.Ltmp14, $4  }
0x394: {  	[spmem:s2] =	stream.indirect.scatter.add.f32 [tilespmem:s28], [sflag:$0x3], $0x80, s19, s30, $0xb8;
	[tilespmem:$0x1DE00] =	vst v63  }
0x395: {  	_ =	swait.ge [sflag:s26], $0x2000  }
0x396: {  	[sflag:s26] =	ssyncset.done $0x0  }
0x397: {  	[sflag:s26] =	ssyncadd.s32 $0xFFFFE000  }
0x398: {  	_ =	swait.ge [sflag:s23], $0x2000  }
0x399: {  	[sflag:s23] =	ssyncset.done $0x0  }
0x39a: {  	[sflag:s23] =	ssyncadd.s32 $0xFFFFE000  }
0x39b: {  	_ =	swait.ge [sflag:s23], $0x2000  }
0x39c: {  	[sflag:s23] =	ssyncset.done $0x0  }
0x39d: {  	s7 =	simm.s32 $0x0;
	[sflag:s23] =	ssyncadd.s32 $0xFFFFE000  }
0x39e: {  	v0 =	vld [tilespmem:s7+$0x240]  }
0x39f: {  	v1 =	vld [tilespmem:s7+$0x4200];
	_ =	sdelay $0x2  }
0x3a0: {  	v9 =	vld [tilespmem:s7+$0x200]  }
0x3a1: {  	s3 =	simm.s32 $0x80;
	v11 =	vld [tilespmem:s7+$0x210]  }
0x3a2: {  	v3 =	vld [tilespmem:s3+$0x4200];
	v0 =	vadd.f32 v1, v0  }
0x3a3: {  	v1 =	vld [tilespmem:s3+$0x240]  }
0x3a4: {  	s1 =	simm.s32 $0x100;
	v10 =	vld [tilespmem:s7+$0x220];
	v2 =	vmul.f32 $2.000000030e-01, v0  }
0x3a5: {  	v4 =	vld [tilespmem:s1+$0x240];
	vm0 =	vge.f32 v0, $0.0e+00  }
0x3a6: {  	v7 =	vld [tilespmem:s1+$0x4200];
	v0 =	vsel vm0, v0, v2  }
0x3a7: {  	v6 =	vld [tilespmem:s3+$0x200];
	v0 =	vmul.f32 $1.442695020e+00, v0  }
0x3a8: {  	v5 =	vld [tilespmem:s3+$0x210];
	v8 =	vadd.f32 v3, v1  }
0x3a9: {  	s16 =	simm.s32 $0x180;
	v12 =	vld [tilespmem:s7+$0x230];
	(erf) = vpow2.f32 v0  }
0x3aa: {  	v13 =	vld [tilespmem:s16+$0x240];
	v14 =	vmul.f32 $2.000000030e-01, v8  }
0x3ab: {  	v15 =	vadd.f32 v7, v4;
	v7 =	vld [tilespmem:s16+$0x210];
	vm14 =	vge.f32 v8, $0.0e+00  }
0x3ac: {  	v2 =	vld [tilespmem:s3+$0x220];
	v4 =	vsel vm14, v8, v14  }
0x3ad: {  	v1 =	vld [tilespmem:s1+$0x210];
	v8 =	vmul.f32 $1.442695020e+00, v4  }
0x3ae: {  	v0 =	vld [tilespmem:s1+$0x200]  }
0x3af: {  	v14 =	vld [tilespmem:s16+$0x4200];
	(erf) = vpow2.f32 v8  }
0x3b0: {  	v16 =	vmul.f32 $2.000000030e-01, v15;
	v4 =	vld [tilespmem:s16+$0x200]  }
0x3b1: {  	vm15 =	vge.f32 v15, $0.0e+00;
	v3 =	vld [tilespmem:s1+$0x220]  }
0x3b2: {  	s8 =	simm.s32 $0x800;
	v16 =	vsel vm15, v15, v16;
	v8 =	vld [tilespmem:s16+$0x220];
	v15 =	vpop (erf)  }
.LBB2_32:
0x3b3: {  	v16 =	vmul.f32 $1.442695020e+00, v16;
	[tilespmem:s7+$0x8240] =	vst v15;
	v17 =	vmul.f32 v12, v15;
	v12 =	vld [tilespmem:s3+$0x230];
	s9 =	smov.u32 s16;
	s16 =	sshra.s32 s8, $0x2;
	p0 =	sne.s32 s8, $0x7E00  }
.Ltmp15:
0x3b4: {  	s8 =	sadd.s32 $0x200, s8;
	v19 =	vmul.f32 v15, v9;
	v20 =	vmul.f32 v15, v11;
	v9 =	vmovc v6;
	v18 =	vadd.f32 v14, v13;
	v13 =	vld [tilespmem:s16+$0x240];
	(pc) =	sbr.rel @p0 .LBB2_32-.Ltmp15, $4  }
0x3b5: {  	v21 =	vmul.f32 v10, v15;
	v6 =	vmovc v0;
	v11 =	vmovc v5;
	v14 =	vld [tilespmem:s16+$0x4200];
	(erf) = vpow2.f32 v16;
	[tilespmem:s7+$0x8230] =	vst v17;
	v0 =	vmov v4  }
0x3b6: {  	v5 =	vmovc v1;
	v10 =	vmovc v2;
	v2 =	vmov v3;
	v4 =	vld [tilespmem:s16+$0x200];
	v17 =	vmul.f32 $2.000000030e-01, v18;
	[tilespmem:s7+$0x8200] =	vst v19;
	v1 =	vmov v7  }
0x3b7: {  	vm0 =	vge.f32 v18, $0.0e+00;
	v7 =	vld [tilespmem:s16+$0x210];
	[tilespmem:s7+$0x8210] =	vst v20;
	v3 =	vmov v8  }
0x3b8: {  	v8 =	vld [tilespmem:s16+$0x220];
	v16 =	vsel vm0, v18, v17;
	v15 =	vpop (erf);
	[tilespmem:s7+$0x8220] =	vst v21;
	s7 =	smov.u32 s3;
	s3 =	smov.u32 s1;
	s1 =	smov.u32 s9  }
0x3b9: {  	_ = 	snop  }
0x3ba: {  	v16 =	vmul.f32 $1.442695020e+00, v16;
	v13 =	vadd.f32 v14, v13  }
0x3bb: {  	v17 =	vld [tilespmem:s3+$0x230];
	v12 =	vmul.f32 v12, v15;
	v9 =	vmul.f32 v15, v9  }
0x3bc: {  	[tilespmem:s7+$0x8240] =	vst v15;
	(erf) = vpow2.f32 v16;
	v54 =	vmul.f32 $2.000000030e-01, v13  }
0x3bd: {  	v11 =	vmul.f32 v15, v11;
	[tilespmem:s7+$0x8230] =	vst v12;
	vm0 =	vge.f32 v13, $0.0e+00  }
0x3be: {  	v10 =	vmul.f32 v10, v15;
	[tilespmem:s7+$0x8200] =	vst v9;
	v55 =	vsel vm0, v13, v54  }
0x3bf: {  	[tilespmem:s7+$0x8210] =	vst v11;
	v56 =	vpop (erf);
	v9 =	vmul.f32 $1.442695020e+00, v55  }
0x3c0: {  	[tilespmem:s7+$0x8220] =	vst v10;
	v57 =	vmul.f32 v17, v56  }
0x3c1: {  	v10 =	vld [tilespmem:s1+$0x230];
	[tilespmem:s3+$0x8240] =	vst v56;
	v6 =	vmul.f32 v56, v6;
	(erf) = vpow2.f32 v9  }
0x3c2: {  	v5 =	vmul.f32 v56, v5;
	[tilespmem:s3+$0x8230] =	vst v57  }
0x3c3: {  	v2 =	vmul.f32 v2, v56;
	[tilespmem:s3+$0x8200] =	vst v6  }
0x3c4: {  	[tilespmem:s3+$0x8210] =	vst v5  }
0x3c5: {  	[tilespmem:s3+$0x8220] =	vst v2;
	v58 =	vpop (erf)  }
0x3c6: {  	v2 =	vld [tilespmem:s16+$0x230];
	v59 =	vmul.f32 v10, v58  }
0x3c7: {  	[tilespmem:s1+$0x8240] =	vst v58;
	v0 =	vmul.f32 v58, v0  }
0x3c8: {  	v1 =	vmul.f32 v58, v1;
	[tilespmem:s1+$0x8230] =	vst v59  }
0x3c9: {  	v3 =	vmul.f32 v3, v58;
	[tilespmem:s1+$0x8200] =	vst v0  }
0x3ca: {  	[tilespmem:s1+$0x8210] =	vst v1;
	v60 =	vpop (erf)  }
0x3cb: {  	[tilespmem:s1+$0x8220] =	vst v3;
	v61 =	vmul.f32 v2, v60  }
0x3cc: {  	[tilespmem:s16+$0x8240] =	vst v60;
	v62 =	vmul.f32 v60, v4  }
0x3cd: {  	v63 =	vmul.f32 v60, v7;
	[tilespmem:s16+$0x8230] =	vst v61  }
0x3ce: {  	v0 =	vmul.f32 v8, v60;
	[tilespmem:s16+$0x8200] =	vst v62  }
0x3cf: {  	[tilespmem:s16+$0x8210] =	vst v63  }
0x3d0: {  	[tilespmem:s16+$0x8220] =	vst v0  }
0x3d1: {  	[spmem:s2] =	stream.indirect.scatter.add.f32 [tilespmem:s28], [sflag:$0x3], $0x80, s29, s30, $0xb8;
	[tilespmem:$0x1DE00] =	vst v63  }
0x3d2: {  	_ =	swait.ge [sflag:s26], $0x2000  }
0x3d3: {  	[sflag:s26] =	ssyncset.done $0x0  }
0x3d4: {  	[sflag:s26] =	ssyncadd.s32 $0xFFFFE000  }
0x3d5: {  	[bflag:$0x0] =	sbarrier.arrive $0xFFFF  }
0x3d6: {  	s8 =	rddreg [dreg:$0x6]  }
0x3d7: {  	s17 =	rddreg [dreg:$0xc]  }
0x3d8: {  	s3 =	rddreg [dreg:$0xe]  }
0x3d9: {  	[hbm:s17], [sflag:s8] =	dma.local [spmem:s3], $0x2780  }
0x3da: {  	_ =	swait.ge [sflag:s26], $0x2780  }
0x3db: {  	s18 =	rddreg [dreg:$0xf]  }
0x3dc: {  	s25 =	rddreg [dreg:$0xd];
	s7 =	sadd.s32 $0x1, s18  }
0x3dd: {  	p0 =	sne.s32 s7, s25  }
.Ltmp16:
0x3de: {  	_ = 	snop;
	(pc) =	sbr.rel @p0 .LBB2_1-.Ltmp16, $3  }
0x3df: {  	[sflag:s26] =	ssyncset.done $0x0  }
0x3e0: {  	[sflag:s26] =	ssyncadd.s32 $0xFFFFD880  }
0x3e1: {  	[bflag:$0x0] =	sbarrier.arrive $0xFFFF;
	_ =	sdelay $0x1  }
0x3e2: {  	_ =	sfence.sel $0x180000  }
0x3e3: {  	[bflag:$0x0] =	sbarrier.arrive $0xFFFF  }
0x3e4: {  	_ =	strace $0x90000047  }
0x3e5: {  	s0 =	stileid.u32;
	[bflag:$0x2] =	sbarrier.arrive $0xFFFF  }
0x3e6: {  	p0 =	sne.s32 s0, $0x0;
	s0 =	rddreg [dreg:$0x2]  }
0x3e7: {  	s0 =	sadd.s32 @!p0 $0x100000, s0  }
0x3e8: {  	[sflag:s0] =	ssyncadd.tile.s32 @!p0 $0x1;
	_ =	shalt  }
.Lfunc_end2:
_tile_overlayer_lowered:
.L_overlay_start_2:
0x3e9: {  	(tag) =	ssettag $0x2  }
0x3ea: {  	s0 =	rddreg [dreg:$0x0];
	s2 =	stileid.u32  }
0x3eb: {  	s1 =	rddreg [dreg:$0x1];
	p0 =	sne.s32 s2, $0x0  }
0x3ec: {  	s3 =	rddreg [dreg:$0x2];
	[bflag:$0x3] =	sbarrier.arrive $0xFFFF;
	s2 =	simm.s32 @!p0 $0x1C03  }
0x3ed: {  	[timem:s3], [sflag:s2] =	dma.local @!p0 [hbm:s0], s1  }
0x3ee: {  	s0 =	simm.s32 @!p0 $0x3  }
0x3ef: {  	_ =	swait.ge @!p0 [sflag:s0], s1  }
0x3f0: {  	s1 =	ssub.s32 @!p0 $0x0, s1;
	[sflag:s0] =	ssyncset.done @!p0 $0x0  }
0x3f1: {  	[sflag:s0] =	ssyncadd.s32 @!p0 s1  }
0x3f2: {  	[bflag:$0x3] =	sbarrier.arrive $0xFFFF  }
0x3f3: {  	_ =	shalt  }

</sc_bundles>
